<compile_context>
chip_gen: v7x
topology: tpu7x:2x2x1
jax: 0.10.2.dev20260603
libtpu: 0.0.44.dev20260713+nightly
codegen_flags: <defaults>
</compile_context>

<pallas_src>
import functools

import jax
import jax.numpy as jnp
from jax import lax
from jax.experimental import pallas as pl
from jax.experimental.pallas import tpu as pltpu
from jax.experimental.pallas import tpu_sc as plsc

F32 = jnp.float32

N_BASES = 6
N_POLY = 6
CUTOFF = 5.0
N_SCAL = 16
N_VEC = 8
N_SEDGE = 16
N_GRAPHS = 64

BE = 3584
BN = 2000

NW = 32
LANE = 128
KMAC = 4

D1 = 24
D2 = 40
DM = 48
DC = 8
NPAD = 50016
ZROWS = 3126


def _sigmoid(x):
    return jax.nn.sigmoid(x)


def _silu(x):
    return x * jax.nn.sigmoid(x)


def _ln16(s, g, b, eps=1e-5):
    mu = jnp.mean(s, axis=-1, keepdims=True)
    var = jnp.mean((s - mu) * (s - mu), axis=-1, keepdims=True)
    return (s - mu) * jax.lax.rsqrt(var + eps) * g + b


def _mesh():
    return plsc.VectorSubcoreMesh(core_axis_name="c", subcore_axis_name="s")


def _sc_gather2(table, src2d, dst2d):
    N, D = table.shape
    VE = src2d.shape[0]
    vpw = VE // NW
    nmac = vpw // KMAC
    E_pad = VE * LANE
    CH = KMAC * LANE

    def body(tab, s2d, d2d, outs, outd, idx_v, rows_v, sem):
        c = lax.axis_index("c")
        s = lax.axis_index("s")
        w = s * 2 + c

        def one(i2d, out, m):
            v0 = w * vpw + m * KMAC
            pltpu.sync_copy(i2d.at[pl.ds(v0, KMAC)], idx_v)
            cps = []
            for j in range(KMAC):
                cps.append(pltpu.async_copy(
                    tab.at[idx_v.at[j]], rows_v.at[pl.ds(j * LANE, LANE)], sem))
            for cp in cps:
                cp.wait()
            pltpu.sync_copy(rows_v, out.at[pl.ds(v0 * LANE, CH)])

        def mac(m, _):
            one(s2d, outs, m)
            one(d2d, outd, m)
            return 0

        lax.fori_loop(0, nmac, mac, 0)

    f = pl.kernel(
        body,
        out_type=[jax.ShapeDtypeStruct((E_pad, D), F32),
                  jax.ShapeDtypeStruct((E_pad, D), F32)],
        mesh=_mesh(),
        scratch_types=[pltpu.VMEM((KMAC, LANE), jnp.int32),
                       pltpu.VMEM((CH, D), F32),
                       pltpu.SemaphoreType.DMA],
        compiler_params=pltpu.CompilerParams(use_tc_tiling_on_sc=False),
    )
    return f(table, src2d, dst2d)


def _sc_scatter(vals, idx2d):
    E_pad, D = vals.shape
    DH = D // 2
    VE = idx2d.shape[0]
    vps = VE // 16
    nmac = vps // KMAC
    CH = KMAC * LANE
    zer = jnp.zeros((ZROWS, DH), F32)

    def body(vals_h, i2d, zer_h, out, idx_v, vals_v, acc):
        c = lax.axis_index("c")
        s = lax.axis_index("s")
        r0 = s * ZROWS
        pltpu.sync_copy(zer_h, acc.at[pl.ds(r0, ZROWS)])
        plsc.subcore_barrier()

        def run(col0):
            def mac(m, _):
                v0 = s * vps + m * KMAC
                pltpu.sync_copy(i2d.at[pl.ds(v0, KMAC)], idx_v)
                pltpu.sync_copy(
                    vals_h.at[pl.ds(v0 * LANE, CH), pl.ds(col0, DH)], vals_v)
                for j in range(KMAC):
                    pltpu.sync_copy(vals_v.at[pl.ds(j * LANE, LANE)],
                                    acc.at[idx_v.at[j]], add=True)
                return 0

            lax.fori_loop(0, nmac, mac, 0)
            plsc.subcore_barrier()
            pltpu.sync_copy(acc.at[pl.ds(r0, ZROWS)],
                            out.at[pl.ds(r0, ZROWS), pl.ds(col0, DH)])

        @pl.when(c == 0)
        def _c0():
            run(0)

        @pl.when(c == 1)
        def _c1():
            run(DH)

    f = pl.kernel(
        body,
        out_type=jax.ShapeDtypeStruct((NPAD, D), F32),
        mesh=_mesh(),
        scratch_types=[pltpu.VMEM((KMAC, LANE), jnp.int32),
                       pltpu.VMEM((CH, DH), F32),
                       pltpu.VMEM_SHARED((NPAD, DH), F32)],
        compiler_params=pltpu.CompilerParams(use_tc_tiling_on_sc=False),
    )
    return f(vals, idx2d, zer)


def _sc_cnt(idx2d):
    VE = idx2d.shape[0]
    vpc = VE // 2
    vps = vpc // 16
    nmac = vps // KMAC
    CH = KMAC * LANE
    zeros = jnp.zeros((ZROWS, DC), F32)
    ones = jnp.ones((CH, DC), F32)

    def body(i2d, zer, one_h, out, idx_v, ones_v, acc):
        c = lax.axis_index("c")
        s = lax.axis_index("s")
        r0 = s * ZROWS
        pltpu.sync_copy(zer, acc.at[pl.ds(r0, ZROWS)])
        pltpu.sync_copy(one_h, ones_v)
        plsc.subcore_barrier()

        def run(c0):
            def mac(m, _):
                v0 = c0 * vpc + s * vps + m * KMAC
                pltpu.sync_copy(i2d.at[pl.ds(v0, KMAC)], idx_v)
                for j in range(KMAC):
                    pltpu.sync_copy(ones_v.at[pl.ds(j * LANE, LANE)],
                                    acc.at[idx_v.at[j]], add=True)
                return 0

            lax.fori_loop(0, nmac, mac, 0)
            plsc.subcore_barrier()
            pltpu.sync_copy(acc.at[pl.ds(r0, ZROWS)],
                            out.at[c0, pl.ds(r0, ZROWS)])

        @pl.when(c == 0)
        def _c0():
            run(0)

        @pl.when(c == 1)
        def _c1():
            run(1)

    f = pl.kernel(
        body,
        out_type=jax.ShapeDtypeStruct((2, NPAD, DC), F32),
        mesh=_mesh(),
        scratch_types=[pltpu.VMEM((KMAC, LANE), jnp.int32),
                       pltpu.VMEM((CH, DC), F32),
                       pltpu.VMEM_SHARED((NPAD, DC), F32)],
        compiler_params=pltpu.CompilerParams(use_tc_tiling_on_sc=False),
    )
    return f(idx2d, zeros, ones)


HP = 24


def _wb(a):
    return pl.BlockSpec(a.shape, lambda i: (0,) * a.ndim)


def _pad2(w, r, c):
    return jnp.pad(w, ((0, r - w.shape[0]), (0, c - w.shape[1])))


def _bd3(w, r, c):
    return jnp.kron(jnp.eye(3, dtype=F32), _pad2(w, r, c))


def _sq3(vh, w):
    return (vh[:, 0:w] * vh[:, 0:w] + vh[:, w:2 * w] * vh[:, w:2 * w]
            + vh[:, 2 * w:3 * w] * vh[:, 2 * w:3 * w])


def _node_init_body(pos_ref, na_ref, lng_ref, lnb_ref, wsw_ref, wsb_ref, out_ref):
    s = _ln16(na_ref[...], lng_ref[...], lnb_ref[...])
    hs = jnp.dot(s, wsw_ref[...], preferred_element_type=F32) + wsb_ref[...]
    z = jnp.zeros((pos_ref.shape[0], D1 - 3 - N_SCAL), F32)
    out_ref[...] = jnp.concatenate([hs, pos_ref[...], z], axis=1)


def _node_init(positions, node_attrs, pv):
    N, T = node_attrs.shape
    g = pv['gvp']
    nb = lambda i: (i, 0)
    args = [pv['ln_g'].reshape(1, -1), pv['ln_b'].reshape(1, -1),
            g['ws_w'], g['ws_b'].reshape(1, -1)]
    return pl.pallas_call(
        _node_init_body,
        grid=(N // BN,),
        in_specs=[pl.BlockSpec((BN, 3), nb), pl.BlockSpec((BN, T), nb)]
                 + [_wb(a) for a in args],
        out_specs=pl.BlockSpec((BN, D1), nb),
        out_shape=jax.ShapeDtypeStruct((N, D1), F32),
    )(positions, node_attrs, *args)


def _msg_gvp(gss, gsd, es, evt8, gvs, gvd, out_ref,
             we8_ref, wvs_ref, wvd_ref,
             wsss_ref, wses_ref, wssd_ref, wsvn_ref, wsb1_ref,
             wv1_ref, wsv1_ref, wsv1b_ref,
             wh2_ref, ws2s_ref, ws2vn_ref, wsb2_ref,
             wv2_ref, wsv2_ref, wsv2b_ref):
    vh = jnp.dot(evt8, we8_ref[...], preferred_element_type=F32)
    if gvs is not None:
        vh = (vh + jnp.dot(gvs, wvs_ref[...], preferred_element_type=F32)
              + jnp.dot(gvd, wvd_ref[...], preferred_element_type=F32))
    vn = jnp.sqrt(jnp.maximum(_sq3(vh, HP), 1e-8))
    s1 = (jnp.dot(gss, wsss_ref[...], preferred_element_type=F32)
          + jnp.dot(es, wses_ref[...], preferred_element_type=F32)
          + jnp.dot(gsd, wssd_ref[...], preferred_element_type=F32)
          + jnp.dot(vn, wsvn_ref[...], preferred_element_type=F32)
          + wsb1_ref[...])
    sig1 = _sigmoid(jnp.dot(s1, wsv1_ref[...], preferred_element_type=F32)
                    + wsv1b_ref[...])
    vo1 = jnp.dot(vh, wv1_ref[...], preferred_element_type=F32) * sig1
    vh2 = jnp.dot(vo1, wh2_ref[...], preferred_element_type=F32)
    vn2 = jnp.sqrt(jnp.maximum(_sq3(vh2, N_VEC), 1e-8))
    s2 = (jnp.dot(_silu(s1), ws2s_ref[...], preferred_element_type=F32)
          + jnp.dot(vn2, ws2vn_ref[...], preferred_element_type=F32)
          + wsb2_ref[...])
    sig2 = _sigmoid(jnp.dot(s2, wsv2_ref[...], preferred_element_type=F32)
                    + wsv2b_ref[...])
    vo2 = jnp.dot(vh2, wv2_ref[...], preferred_element_type=F32) * sig2
    out_ref[...] = jnp.concatenate(
        [s2, jnp.zeros((s2.shape[0], DM - D2), F32), vo2], axis=1)


def _msg_weight_args(lp):
    p1, p2 = lp['msg'][0], lp['msg'][1]
    wh = p1['wh']
    wsw = p1['ws_w']
    we8 = jnp.pad(jnp.kron(jnp.eye(3, dtype=F32), _pad2(wh[8:9, :], 1, HP)),
                  ((0, N_VEC - 3), (0, 0)))
    return [
        we8, _bd3(wh[0:N_VEC, :], N_VEC, HP), _bd3(wh[N_VEC + 1:, :], N_VEC, HP),
        wsw[0:N_SCAL, :], wsw[N_SCAL:N_SCAL + N_SEDGE, :],
        wsw[N_SCAL + N_SEDGE:2 * N_SCAL + N_SEDGE, :],
        _pad2(wsw[2 * N_SCAL + N_SEDGE:, :], HP, N_SCAL),
        p1['ws_b'].reshape(1, -1),
        _bd3(p1['wv'], HP, N_VEC),
        jnp.tile(p1['wsv_w'], (1, 3)), jnp.tile(p1['wsv_b'], 3).reshape(1, -1),
        _bd3(p2['wh'], N_VEC, N_VEC),
        p2['ws_w'][0:N_SCAL, :], p2['ws_w'][N_SCAL:, :],
        p2['ws_b'].reshape(1, -1),
        _bd3(p2['wv'], N_VEC, N_VEC),
        jnp.tile(p2['wsv_w'], (1, 3)), jnp.tile(p2['wsv_b'], 3).reshape(1, -1),
    ]


def _edge1_body(g1s_ref, g1d_ref, psel_ref,
                lng_ref, lnb_ref, wsw_ref, wsb_ref, whv_ref, wvv_ref,
                wsvw_ref, wsvb_ref,
                we8_ref, wvs_ref, wvd_ref,
                wsss_ref, wses_ref, wssd_ref, wsvn_ref, wsb1_ref,
                wv1_ref, wsv1_ref, wsv1b_ref,
                wh2_ref, ws2s_ref, ws2vn_ref, wsb2_ref,
                wv2_ref, wsv2_ref, wsv2b_ref,
                msg_ref, es_ref, evt_ref):
    g1s = g1s_ref[...]
    g1d = g1d_ref[...]
    v8 = jnp.dot(g1d - g1s, psel_ref[...], preferred_element_type=F32)
    l2 = jnp.sum(v8 * v8, axis=1, keepdims=True)
    lengths = jnp.sqrt(l2)
    w_row = jnp.pi * (1.0 + lax.broadcasted_iota(
        jnp.int32, (1, N_BASES), 1).astype(F32)) / CUTOFF
    arg = lengths * w_row
    q = jnp.round(arg * 0.15915494309189535)
    r = arg - q * 6.283185307179586
    t = r * r
    p = -7.647163731819816e-13
    for c in (1.6059043836821613e-10, -2.505210838544172e-08,
              2.7557319223985893e-06, -0.0001984126984126984,
              0.008333333333333333, -0.16666666666666666):
        p = p * t + c
    sinr = r + r * t * p
    rb = jnp.sqrt(2.0 / CUTOFF) * sinr / lengths
    x = lengths / CUTOFF
    p = float(N_POLY)
    x6 = (x * x * x) ** 2
    env = (1.0 - (p + 1.0) * (p + 2.0) / 2.0 * x6
           + p * (p + 2.0) * x6 * x
           - p * (p + 1.0) / 2.0 * x6 * x * x)
    env = env * (x < 1.0).astype(F32)
    e_s = rb * env
    es_n = _ln16(e_s, lng_ref[...], lnb_ref[...])
    ev_n = v8 * jax.lax.rsqrt(jnp.maximum(l2, 1e-18))
    vh = ev_n * whv_ref[...]
    vn1 = jnp.sqrt(jnp.maximum(jnp.sum(vh * vh, axis=1, keepdims=True), 1e-8))
    s16 = (jnp.dot(es_n, wsw_ref[0:N_BASES, :], preferred_element_type=F32)
           + vn1 * wsw_ref[N_BASES:N_BASES + 1, :]
           + wsb_ref[...])
    vout = vh * wvv_ref[...]
    gate = jnp.dot(s16, wsvw_ref[...], preferred_element_type=F32) + wsvb_ref[...]
    evt8 = vout * _sigmoid(gate)
    es_ref[...] = s16
    evt_ref[...] = evt8
    _msg_gvp(g1s[:, 0:N_SCAL], g1d[:, 0:N_SCAL], s16, evt8, None, None,
             msg_ref,
             we8_ref, wvs_ref, wvd_ref,
             wsss_ref, wses_ref, wssd_ref, wsvn_ref, wsb1_ref,
             wv1_ref, wsv1_ref, wsv1b_ref,
             wh2_ref, ws2s_ref, ws2vn_ref, wsb2_ref,
             wv2_ref, wsv2_ref, wsv2b_ref)


def _edge1(g1s, g1d, pe, lp):
    E_pad = g1s.shape[0]
    g = pe['gvp']
    eb = lambda i: (i, 0)
    psel = jnp.zeros((D1, N_VEC), F32).at[N_SCAL:N_SCAL + 3, 0:3].set(
        jnp.eye(3, dtype=F32))
    args = [psel,
            pe['ln_g'].reshape(1, -1), pe['ln_b'].reshape(1, -1),
            g['ws_w'], g['ws_b'].reshape(1, -1),
            g['wh'], g['wv'], g['wsv_w'], g['wsv_b'].reshape(1, -1)] \
        + _msg_weight_args(lp)
    return pl.pallas_call(
        _edge1_body,
        grid=(E_pad // BE,),
        in_specs=[pl.BlockSpec((BE, D1), eb), pl.BlockSpec((BE, D1), eb)]
                 + [_wb(a) for a in args],
        out_specs=[pl.BlockSpec((BE, DM), eb), pl.BlockSpec((BE, N_SCAL), eb),
                   pl.BlockSpec((BE, N_VEC), eb)],
        out_shape=[jax.ShapeDtypeStruct((E_pad, DM), F32),
                   jax.ShapeDtypeStruct((E_pad, N_SCAL), F32),
                   jax.ShapeDtypeStruct((E_pad, N_VEC), F32)],
    )(g1s, g1d, *args)


def _edge2_body(g2s_ref, g2d_ref, es_ref, evt_ref,
                we8_ref, wvs_ref, wvd_ref,
                wsss_ref, wses_ref, wssd_ref, wsvn_ref, wsb1_ref,
                wv1_ref, wsv1_ref, wsv1b_ref,
                wh2_ref, ws2s_ref, ws2vn_ref, wsb2_ref,
                wv2_ref, wsv2_ref, wsv2b_ref,
                msg_ref):
    g2s = g2s_ref[...]
    g2d = g2d_ref[...]
    _msg_gvp(g2s[:, 0:N_SCAL], g2d[:, 0:N_SCAL], es_ref[...], evt_ref[...],
             g2s[:, N_SCAL:], g2d[:, N_SCAL:], msg_ref,
             we8_ref, wvs_ref, wvd_ref,
             wsss_ref, wses_ref, wssd_ref, wsvn_ref, wsb1_ref,
             wv1_ref, wsv1_ref, wsv1b_ref,
             wh2_ref, ws2s_ref, ws2vn_ref, wsb2_ref,
             wv2_ref, wsv2_ref, wsv2b_ref)


def _edge2(g2s, g2d, es, evt, lp):
    E_pad = g2s.shape[0]
    eb = lambda i: (i, 0)
    args = _msg_weight_args(lp)
    return pl.pallas_call(
        _edge2_body,
        grid=(E_pad // BE,),
        in_specs=[pl.BlockSpec((BE, D2), eb), pl.BlockSpec((BE, D2), eb),
                  pl.BlockSpec((BE, N_SCAL), eb), pl.BlockSpec((BE, N_VEC), eb)]
                 + [_wb(a) for a in args],
        out_specs=pl.BlockSpec((BE, DM), eb),
        out_shape=jax.ShapeDtypeStruct((E_pad, DM), F32),
    )(g2s, g2d, es, evt, *args)


def _node_upd_body(g_ref, sums_ref, cntp_ref,
                   g1_ref, b1_ref, wh_ref, wss_ref, wsvn_ref, wsb_ref,
                   wv_ref, wsvw_ref, wsvb_ref, g2_ref, b2_ref,
                   out_ref, *, has_v):
    cnt = jnp.maximum(cntp_ref[0, :, 0:1] + cntp_ref[1, :, 0:1], 1.0)
    inv = 1.0 / cnt
    gblk = g_ref[...]
    sums = sums_ref[...]
    s = gblk[:, 0:N_SCAL] + sums[:, 0:N_SCAL] * inv
    v24 = sums[:, DM - 3 * N_VEC:] * inv
    if has_v:
        v24 = v24 + gblk[:, N_SCAL:]
    vnc = jnp.maximum(_sq3(v24, N_VEC), 1e-8)
    m = jnp.mean(vnc, axis=1, keepdims=True)
    v_ln = v24 * jax.lax.rsqrt(m)
    s_ln = _ln16(s, g1_ref[...], b1_ref[...])
    vh = jnp.dot(v_ln, wh_ref[...], preferred_element_type=F32)
    vn = jnp.sqrt(jnp.maximum(_sq3(vh, N_VEC), 1e-8))
    fs = (jnp.dot(s_ln, wss_ref[...], preferred_element_type=F32)
          + jnp.dot(vn, wsvn_ref[...], preferred_element_type=F32) + wsb_ref[...])
    sig = _sigmoid(jnp.dot(fs, wsvw_ref[...], preferred_element_type=F32)
                   + wsvb_ref[...])
    fv = jnp.dot(vh, wv_ref[...], preferred_element_type=F32) * sig
    s2 = s_ln + fs
    v2 = v_ln + fv
    vnc2 = jnp.maximum(_sq3(v2, N_VEC), 1e-8)
    m2 = jnp.mean(vnc2, axis=1, keepdims=True)
    out_ref[...] = jnp.concatenate(
        [_ln16(s2, g2_ref[...], b2_ref[...]), v2 * jax.lax.rsqrt(m2)], axis=1)


def _node_update(G, sums, cntp, lp, has_v):
    N = G.shape[0]
    Din = G.shape[1]
    ff = lp['ff'][0]
    nb = lambda i: (i, 0)
    args = [lp['ln1_g'].reshape(1, -1), lp['ln1_b'].reshape(1, -1),
            _bd3(ff['wh'], N_VEC, N_VEC),
            ff['ws_w'][0:N_SCAL, :], ff['ws_w'][N_SCAL:, :],
            ff['ws_b'].reshape(1, -1),
            _bd3(ff['wv'], N_VEC, N_VEC),
            jnp.tile(ff['wsv_w'], (1, 3)), jnp.tile(ff['wsv_b'], 3).reshape(1, -1),
            lp['ln2_g'].reshape(1, -1), lp['ln2_b'].reshape(1, -1)]
    body = functools.partial(_node_upd_body, has_v=has_v)
    return pl.pallas_call(
        body,
        grid=(N // BN,),
        in_specs=[pl.BlockSpec((BN, Din), nb),
                  pl.BlockSpec((BN, DM), nb),
                  pl.BlockSpec((2, BN, DC), lambda i: (0, i, 0))]
                 + [_wb(a) for a in args],
        out_specs=pl.BlockSpec((BN, D2), nb),
        out_shape=jax.ShapeDtypeStruct((N, D2), F32),
    )(G, sums, cntp, *args)


def _out_body(g_ref, batch_ref,
              lg_ref, lb_ref, wh_ref, wss_ref, wsvn_ref, wsb_ref,
              out_ref, acc_ref, cntacc_ref):
    i = pl.program_id(0)
    n = pl.num_programs(0)

    @pl.when(i == 0)
    def _init():
        acc_ref[...] = jnp.zeros_like(acc_ref)
        cntacc_ref[...] = jnp.zeros_like(cntacc_ref)

    gblk = g_ref[...]
    v24 = gblk[:, N_SCAL:]
    vnc = jnp.maximum(_sq3(v24, N_VEC), 1e-8)
    m = jnp.mean(vnc, axis=1, keepdims=True)
    v_ln = v24 * jax.lax.rsqrt(m)
    s_ln = _ln16(gblk[:, 0:N_SCAL], lg_ref[...], lb_ref[...])
    vh = jnp.dot(v_ln, wh_ref[...], preferred_element_type=F32)
    vn = jnp.sqrt(jnp.maximum(_sq3(vh, N_VEC), 1e-8))
    o = (jnp.dot(s_ln, wss_ref[...], preferred_element_type=F32)
         + jnp.dot(vn, wsvn_ref[...], preferred_element_type=F32) + wsb_ref[...])
    o = _silu(o)
    gi = lax.broadcasted_iota(jnp.int32, (BN, N_GRAPHS), 1)
    oh = (batch_ref[...] == gi).astype(F32)
    acc_ref[...] += lax.dot_general(oh, o, (((0,), (0,)), ((), ())),
                                    preferred_element_type=F32)
    cntacc_ref[...] += jnp.sum(oh, axis=0, keepdims=True)

    @pl.when(i == n - 1)
    def _fin():
        out_ref[...] = acc_ref[...] / jnp.maximum(
            cntacc_ref[...].reshape(N_GRAPHS, 1), 1.0)


def _readout(G, batch2d, po):
    N = G.shape[0]
    g = po['gvp']
    n_out = g['ws_w'].shape[1]
    nb = lambda i: (i, 0)
    args = [po['ln_g'].reshape(1, -1), po['ln_b'].reshape(1, -1),
            _bd3(g['wh'], N_VEC, N_VEC),
            g['ws_w'][0:N_SCAL, :], g['ws_w'][N_SCAL:, :],
            g['ws_b'].reshape(1, -1)]
    return pl.pallas_call(
        _out_body,
        grid=(N // BN,),
        in_specs=[pl.BlockSpec((BN, D2), nb), pl.BlockSpec((BN, 1), nb)]
                 + [_wb(a) for a in args],
        out_specs=pl.BlockSpec((N_GRAPHS, n_out), lambda i: (0, 0)),
        out_shape=jax.ShapeDtypeStruct((N_GRAPHS, n_out), F32),
        scratch_shapes=[pltpu.VMEM((N_GRAPHS, n_out), F32),
                        pltpu.VMEM((1, N_GRAPHS), F32)],
    )(G, batch2d, *args)


def kernel(positions, shifts, node_attrs, edge_index, batch, params):
    N = positions.shape[0]
    E = edge_index.shape[1]
    VE = -(-E // (NW * KMAC * LANE)) * NW * KMAC
    E_pad = VE * LANE

    src = edge_index[0]
    dst = edge_index[1]
    pad = E_pad - E
    src2d = jnp.pad(src, (0, pad)).reshape(VE, LANE)
    dst2d_g = jnp.pad(dst, (0, pad)).reshape(VE, LANE)
    dst2d_s = jnp.pad(dst, (0, pad), constant_values=N).reshape(VE, LANE)

    table1 = _node_init(positions, node_attrs, params['W_v'])
    g1s, g1d = _sc_gather2(table1, src2d, dst2d_g)

    lp0, lp1 = params['layers']
    msg1, es, evt = _edge1(g1s, g1d, params['W_e'], lp0)
    cntp = _sc_cnt(dst2d_s)
    sums1 = _sc_scatter(msg1, dst2d_s)
    G2 = _node_update(table1, sums1, cntp, lp0, has_v=False)

    g2s, g2d = _sc_gather2(G2, src2d, dst2d_g)
    msg2 = _edge2(g2s, g2d, es, evt, lp1)
    sums2 = _sc_scatter(msg2, dst2d_s)
    G3 = _node_update(G2, sums2, cntp, lp1, has_v=True)

    batch2d = batch.reshape(N, 1)
    return _readout(G3, batch2d, params['W_out'])

# --- scband reference (transcript-rebuilt; emitter-appended) ---
"""Pipeline reference for scband-gvpmodel-44014824849933 (READ-ONLY COPY).

The authoritative reference and input builder live on the scoring server;
editing this copy changes nothing except your own understanding.
"""

import jax, jax.numpy as jnp
import numpy as np

N_NODES = 50000
N_EDGES = 800000
N_TYPES = 4
N_BASES = 6
N_POLY = 6
CUTOFF = 5.0
N_SCAL = 16
N_VEC = 8
N_SEDGE = 16
N_OUT = 2
N_LAYERS = 2
N_GRAPHS = 64


def _gvp_params(key, si, vi, so, vo):
    ks = jax.random.split(key, 4)
    p = {}
    if vi > 0:
        h = max(vi, vo)
        p['wh'] = jax.random.normal(ks[0], (vi, h), jnp.float32) * (1.0 / np.sqrt(vi))
        p['ws_w'] = jax.random.normal(ks[1], (h + si, so), jnp.float32) * (1.0 / np.sqrt(h + si))
        if vo > 0:
            p['wv'] = jax.random.normal(ks[2], (h, vo), jnp.float32) * (1.0 / np.sqrt(h))
            p['wsv_w'] = jax.random.normal(ks[3], (so, vo), jnp.float32) * (1.0 / np.sqrt(so))
            p['wsv_b'] = jnp.zeros((vo,), jnp.float32)
    else:
        p['ws_w'] = jax.random.normal(ks[1], (si, so), jnp.float32) * (1.0 / np.sqrt(si))
    p['ws_b'] = jnp.zeros((so,), jnp.float32)
    return p


def _init_params(key):
    ks = jax.random.split(key, 8)
    params = {}
    params['W_e'] = {'ln_g': jnp.ones((N_BASES,), jnp.float32), 'ln_b': jnp.zeros((N_BASES,), jnp.float32), 'gvp': _gvp_params(ks[0], N_BASES, 1, N_SEDGE, 1)}
    params['W_v'] = {'ln_g': jnp.ones((N_TYPES,), jnp.float32), 'ln_b': jnp.zeros((N_TYPES,), jnp.float32), 'gvp': _gvp_params(ks[1], N_TYPES, 0, N_SCAL, N_VEC)}
    layers = []
    for i in range(N_LAYERS):
        lk = jax.random.split(ks[2 + i], 4)
        layers.append({
            'msg': [_gvp_params(lk[0], 2 * N_SCAL + N_SEDGE, 2 * N_VEC + 1, N_SCAL, N_VEC),
                    _gvp_params(lk[1], N_SCAL, N_VEC, N_SCAL, N_VEC)],
            'ff': [_gvp_params(lk[2], N_SCAL, N_VEC, N_SCAL, N_VEC)],
            'ln1_g': jnp.ones((N_SCAL,), jnp.float32), 'ln1_b': jnp.zeros((N_SCAL,), jnp.float32),
            'ln2_g': jnp.ones((N_SCAL,), jnp.float32), 'ln2_b': jnp.zeros((N_SCAL,), jnp.float32),
        })
    params['layers'] = layers
    params['W_out'] = {'ln_g': jnp.ones((N_SCAL,), jnp.float32), 'ln_b': jnp.zeros((N_SCAL,), jnp.float32), 'gvp': _gvp_params(ks[4], N_SCAL, N_VEC, N_OUT, 0)}
    return params


def setup_inputs(seed: int = 0) -> dict:
    key = jax.random.key(seed)
    ks = jax.random.split(key, 6)
    positions = jax.random.normal(ks[0], (N_NODES, 3), jnp.float32)
    shifts = jnp.zeros((N_EDGES, 3), jnp.float32)
    node_attrs = jax.random.uniform(ks[1], (N_NODES, N_TYPES), jnp.float32)
    src = jax.random.randint(ks[2], (N_EDGES,), 0, N_NODES)
    off = jax.random.randint(ks[3], (N_EDGES,), 1, N_NODES)
    dst = (src + off) % N_NODES  # guarantee no self-loops (zero-length edges)
    edge_index = jnp.stack([src, dst]).astype(jnp.int32)
    batch = jnp.sort(jax.random.randint(ks[4], (N_NODES,), 0, N_GRAPHS)).astype(jnp.int32)
    params = _init_params(ks[5])
    return {'positions': positions, 'shifts': shifts, 'node_attrs': node_attrs, 'edge_index': edge_index, 'batch': batch, 'params': params}


def _norm_no_nan(x, axis=-1, keepdims=False, eps=1e-8, sqrt=True):
    out = jnp.maximum(jnp.sum(x * x, axis=axis, keepdims=keepdims), eps)
    return jnp.sqrt(out) if sqrt else out


def _gvp(p, s, v, vo, scalar_act=None, vector_act=None):
    vout = None
    if v is not None:
        vt = jnp.swapaxes(v, -1, -2)
        vh = vt @ p['wh']
        vn = _norm_no_nan(vh, axis=-2)
        s = jnp.concatenate([s, vn], axis=-1) @ p['ws_w'] + p['ws_b']
        if vo > 0:
            vout = jnp.swapaxes(vh @ p['wv'], -1, -2)
            gate_in = vector_act(s) if vector_act is not None else s
            gate = gate_in @ p['wsv_w'] + p['wsv_b']
            vout = vout * jax.nn.sigmoid(gate)[..., None]
    else:
        s = s @ p['ws_w'] + p['ws_b']
        if vo > 0:
            vout = jnp.zeros(s.shape[:-1] + (vo, 3), dtype=s.dtype)
    if scalar_act is not None:
        s = scalar_act(s)
    return s, vout


def _ln_s(s, g, b, eps=1e-5):
    mu = jnp.mean(s, axis=-1, keepdims=True)
    var = jnp.var(s, axis=-1, keepdims=True)
    return (s - mu) / jnp.sqrt(var + eps) * g + b


def _ln_sv(s, v, g, b):
    vn = _norm_no_nan(v, axis=-1, keepdims=True, sqrt=False)
    vn = jnp.sqrt(jnp.mean(vn, axis=-2, keepdims=True))
    return _ln_s(s, g, b), v / vn


def _radial(lengths):
    w = jnp.pi * jnp.arange(1, N_BASES + 1, dtype=jnp.float32) / CUTOFF
    rb = jnp.sqrt(2.0 / CUTOFF) * jnp.sin(lengths * w) / lengths
    p = float(N_POLY)
    x = lengths / CUTOFF
    env = 1.0 - (p + 1.0) * (p + 2.0) / 2.0 * x ** p + p * (p + 2.0) * x ** (p + 1.0) - p * (p + 1.0) / 2.0 * x ** (p + 2.0)
    env = env * (x < 1.0).astype(x.dtype)
    return rb * env


def _conv(lp, s, v, edge_index, es, ev):
    src, dst = edge_index[0], edge_index[1]
    ms = jnp.concatenate([s[src], es, s[dst]], axis=-1)
    mv = jnp.concatenate([v[src], ev, v[dst]], axis=-2)
    ms, mv = _gvp(lp['msg'][0], ms, mv, N_VEC, scalar_act=jax.nn.silu)
    ms, mv = _gvp(lp['msg'][1], ms, mv, N_VEC)
    n = s.shape[0]
    cnt = jnp.maximum(jax.ops.segment_sum(jnp.ones((dst.shape[0],), ms.dtype), dst, num_segments=n), 1.0)
    as_ = jax.ops.segment_sum(ms, dst, num_segments=n) / cnt[:, None]
    av = jax.ops.segment_sum(mv, dst, num_segments=n) / cnt[:, None, None]
    return as_, av


def _forward(positions, shifts, node_attrs, edge_index, batch, params):
    src, dst = edge_index[0], edge_index[1]
    vectors = positions[dst] - positions[src] + shifts
    lengths = jnp.sqrt(jnp.sum(vectors * vectors, axis=-1, keepdims=True))
    unit = vectors / (lengths + 1e-9)
    e_s = _radial(lengths)
    e_v = unit[:, None, :]
    pe = params['W_e']
    es_n, ev_n = _ln_sv(e_s, e_v, pe['ln_g'], pe['ln_b'])
    es, ev = _gvp(pe['gvp'], es_n, ev_n, 1)
    pv = params['W_v']
    hs = _ln_s(node_attrs, pv['ln_g'], pv['ln_b'])
    hs, hv = _gvp(pv['gvp'], hs, None, N_VEC)
    for lp in params['layers']:
        ds, dv = _conv(lp, hs, hv, edge_index, es, ev)
        hs, hv = _ln_sv(hs + ds, hv + dv, lp['ln1_g'], lp['ln1_b'])
        fs, fv = _gvp(lp['ff'][0], hs, hv, N_VEC)
        hs, hv = _ln_sv(hs + fs, hv + fv, lp['ln2_g'], lp['ln2_b'])
    po = params['W_out']
    os_, ov_ = _ln_sv(hs, hv, po['ln_g'], po['ln_b'])
    out, _ = _gvp(po['gvp'], os_, ov_, 0, scalar_act=jax.nn.silu)
    cnt = jnp.maximum(jax.ops.segment_sum(jnp.ones((out.shape[0],), out.dtype), batch, num_segments=N_GRAPHS), 1.0)
    return jax.ops.segment_sum(out, batch, num_segments=N_GRAPHS) / cnt[:, None]


def reference(positions, shifts, node_attrs, edge_index, batch, params):
    return _forward(positions, shifts, node_attrs, edge_index, batch, params)

if __name__ == "__main__":
    import jax
    _d = setup_inputs()
    print(jax.jit(kernel)(*tuple(_d.values())))

</pallas_src>

<mosaic_0001>
#map = affine_map<(d0, d1) -> (0, 0)>
module attributes {stable_mosaic.version = 14 : i64} {
  func.func @body(%arg0: i32, %arg1: i32, %arg2: memref<50000x40xf32, #tpu.memory_space<hbm>>, %arg3: memref<6272x128xi32, #tpu.memory_space<hbm>>, %arg4: memref<6272x128xi32, #tpu.memory_space<hbm>>, %arg5: memref<802816x40xf32, #tpu.memory_space<hbm>>, %arg6: memref<802816x40xf32, #tpu.memory_space<hbm>>, %arg7: memref<4x128xi32, #tpu.memory_space<vmem>>, %arg8: memref<512x40xf32, #tpu.memory_space<vmem>>, %arg9: memref<!tpu.dma_semaphore, #tpu.memory_space<semaphore_mem>>) attributes {dimension_semantics = [#tpu.dimension_semantics<core_parallel>, #tpu.dimension_semantics<subcore_parallel>], iteration_bounds = array<i64: 2, 16>, scalar_prefetch = 0 : i64, scratch_operands = 3 : i64, tpu.core_type = #tpu.core_type<sc_vector_subcore>, window_params = [{transform_indices = #map}, {transform_indices = #map}, {transform_indices = #map}, {transform_indices = #map}, {transform_indices = #map}]} {
    %mul3A = arith.constant 2 : i32
    %mul3A_0 = arith.muli %arg1, %mul3A : i32
    %add3A = arith.addi %mul3A_0, %arg0 : i32
    %scan3A = arith.constant 0 : i32
    %scan3A_1 = arith.constant 0 : i32
    %scan3A_2 = arith.constant 49 : i32
    %scan3A_3 = arith.addi %scan3A_1, %scan3A_2 : i32
    %scan3A_4 = arith.constant 1 : i32
    %scan3A_5 = scf.for %scan3A_7 = %scan3A_1 to %scan3A_3 step %scan3A_4 iter_args(%scan3A_8 = %scan3A) -> (i32)  : i32 {
      %mul3A_9 = arith.constant 196 : i32
      %mul3A_10 = arith.muli %add3A, %mul3A_9 : i32
      %mul3A_11 = arith.constant 4 : i32
      %mul3A_12 = arith.muli %scan3A_7, %mul3A_11 : i32
      %add3A_13 = arith.addi %mul3A_10, %mul3A_12 : i32
      "tpu.region"() ({
        %run_scoped3A = tpu.sem_alloc : memref<!tpu.dma_semaphore, #tpu.memory_space<semaphore_mem>>
        %dma_start3A_182 = arith.constant 0 : i32
        %dma_start3A_183 = tpu.memref_slice %arg3[%add3A_13, %dma_start3A_182] : memref<6272x128xi32, #tpu.memory_space<hbm>> -> memref<4x128xi32, #tpu.memory_space<hbm>>
        %dma_start3A_184 = arith.constant 0 : i32
        %dma_start3A_185 = tpu.memref_slice %arg3[%add3A_13, %dma_start3A_184] : memref<6272x128xi32, #tpu.memory_space<hbm>> -> memref<4x128xi32, #tpu.memory_space<hbm>>
        tpu.enqueue_dma source(%dma_start3A_185 : memref<4x128xi32, #tpu.memory_space<hbm>>) target(%arg7 : memref<4x128xi32, #tpu.memory_space<vmem>>) target_semaphore(%run_scoped3A : memref<!tpu.dma_semaphore, #tpu.memory_space<semaphore_mem>>)
        %dma_wait3A_186 = arith.constant 0 : i32
        %dma_wait3A_187 = tpu.memref_slice %arg3[%add3A_13, %dma_wait3A_186] : memref<6272x128xi32, #tpu.memory_space<hbm>> -> memref<4x128xi32, #tpu.memory_space<hbm>>
        %dma_wait3A_188 = arith.constant 0 : i32
        %dma_wait3A_189 = tpu.memref_slice %arg3[%add3A_13, %dma_wait3A_188] : memref<6272x128xi32, #tpu.memory_space<hbm>> -> memref<4x128xi32, #tpu.memory_space<hbm>>
        tpu.wait_dma2 semaphore(%run_scoped3A : memref<!tpu.dma_semaphore, #tpu.memory_space<semaphore_mem>>) src(%dma_wait3A_189 : memref<4x128xi32, #tpu.memory_space<hbm>>) dst(%arg7 : memref<4x128xi32, #tpu.memory_space<vmem>>)
        tpu.yield
      }) : () -> ()
      %dma_start3A = arith.constant 0 : i32
      %dma_start3A_14 = arith.constant 0 : i32
      %dma_start3A_15 = arith.constant 0 : i32
      %dma_start3A_16 = tpu.memref_slice %arg8[%dma_start3A_14, %dma_start3A_15] : memref<512x40xf32, #tpu.memory_space<vmem>> -> memref<128x40xf32, #tpu.memory_space<vmem>>
      %dma_start3A_17 = arith.constant 0 : i32
      %dma_start3A_18 = tpu.memref_slice %arg7[%dma_start3A, %dma_start3A_17] : memref<4x128xi32, #tpu.memory_space<vmem>> -> memref<1x128xi32, #tpu.memory_space<vmem>>
      %dma_start3A_19 = tpu.memref_squeeze %dma_start3A_18 : memref<1x128xi32, #tpu.memory_space<vmem>> -> memref<128xi32, #tpu.memory_space<vmem>>
      %dma_start3A_20 = arith.constant 0 : i32
      %dma_start3A_21 = arith.constant 0 : i32
      %dma_start3A_22 = tpu.memref_slice %arg2[%dma_start3A_20, %dma_start3A_21] : memref<50000x40xf32, #tpu.memory_space<hbm>> -> memref<50000x40xf32, #tpu.memory_space<hbm>>
      tpu.enqueue_indirect_dma source(%dma_start3A_22 : memref<50000x40xf32, #tpu.memory_space<hbm>>) target(%dma_start3A_16 : memref<128x40xf32, #tpu.memory_space<vmem>>) offsets(%dma_start3A_19 : memref<128xi32, #tpu.memory_space<vmem>>) semaphore(%arg9 : memref<!tpu.dma_semaphore, #tpu.memory_space<semaphore_mem>>)
      %dma_start3A_23 = arith.constant 1 : i32
      %dma_start3A_24 = arith.constant 128 : i32
      %dma_start3A_25 = arith.constant 0 : i32
      %dma_start3A_26 = tpu.memref_slice %arg8[%dma_start3A_24, %dma_start3A_25] : memref<512x40xf32, #tpu.memory_space<vmem>> -> memref<128x40xf32, #tpu.memory_space<vmem>>
      %dma_start3A_27 = arith.constant 0 : i32
      %dma_start3A_28 = tpu.memref_slice %arg7[%dma_start3A_23, %dma_start3A_27] : memref<4x128xi32, #tpu.memory_space<vmem>> -> memref<1x128xi32, #tpu.memory_space<vmem>>
      %dma_start3A_29 = tpu.memref_squeeze %dma_start3A_28 : memref<1x128xi32, #tpu.memory_space<vmem>> -> memref<128xi32, #tpu.memory_space<vmem>>
      %dma_start3A_30 = arith.constant 0 : i32
      %dma_start3A_31 = arith.constant 0 : i32
      %dma_start3A_32 = tpu.memref_slice %arg2[%dma_start3A_30, %dma_start3A_31] : memref<50000x40xf32, #tpu.memory_space<hbm>> -> memref<50000x40xf32, #tpu.memory_space<hbm>>
      tpu.enqueue_indirect_dma source(%dma_start3A_32 : memref<50000x40xf32, #tpu.memory_space<hbm>>) target(%dma_start3A_26 : memref<128x40xf32, #tpu.memory_space<vmem>>) offsets(%dma_start3A_29 : memref<128xi32, #tpu.memory_space<vmem>>) semaphore(%arg9 : memref<!tpu.dma_semaphore, #tpu.memory_space<semaphore_mem>>)
      %dma_start3A_33 = arith.constant 2 : i32
      %dma_start3A_34 = arith.constant 256 : i32
      %dma_start3A_35 = arith.constant 0 : i32
      %dma_start3A_36 = tpu.memref_slice %arg8[%dma_start3A_34, %dma_start3A_35] : memref<512x40xf32, #tpu.memory_space<vmem>> -> memref<128x40xf32, #tpu.memory_space<vmem>>
      %dma_start3A_37 = arith.constant 0 : i32
      %dma_start3A_38 = tpu.memref_slice %arg7[%dma_start3A_33, %dma_start3A_37] : memref<4x128xi32, #tpu.memory_space<vmem>> -> memref<1x128xi32, #tpu.memory_space<vmem>>
      %dma_start3A_39 = tpu.memref_squeeze %dma_start3A_38 : memref<1x128xi32, #tpu.memory_space<vmem>> -> memref<128xi32, #tpu.memory_space<vmem>>
      %dma_start3A_40 = arith.constant 0 : i32
      %dma_start3A_41 = arith.constant 0 : i32
      %dma_start3A_42 = tpu.memref_slice %arg2[%dma_start3A_40, %dma_start3A_41] : memref<50000x40xf32, #tpu.memory_space<hbm>> -> memref<50000x40xf32, #tpu.memory_space<hbm>>
      tpu.enqueue_indirect_dma source(%dma_start3A_42 : memref<50000x40xf32, #tpu.memory_space<hbm>>) target(%dma_start3A_36 : memref<128x40xf32, #tpu.memory_space<vmem>>) offsets(%dma_start3A_39 : memref<128xi32, #tpu.memory_space<vmem>>) semaphore(%arg9 : memref<!tpu.dma_semaphore, #tpu.memory_space<semaphore_mem>>)
      %dma_start3A_43 = arith.constant 3 : i32
      %dma_start3A_44 = arith.constant 384 : i32
      %dma_start3A_45 = arith.constant 0 : i32
      %dma_start3A_46 = tpu.memref_slice %arg8[%dma_start3A_44, %dma_start3A_45] : memref<512x40xf32, #tpu.memory_space<vmem>> -> memref<128x40xf32, #tpu.memory_space<vmem>>
      %dma_start3A_47 = arith.constant 0 : i32
      %dma_start3A_48 = tpu.memref_slice %arg7[%dma_start3A_43, %dma_start3A_47] : memref<4x128xi32, #tpu.memory_space<vmem>> -> memref<1x128xi32, #tpu.memory_space<vmem>>
      %dma_start3A_49 = tpu.memref_squeeze %dma_start3A_48 : memref<1x128xi32, #tpu.memory_space<vmem>> -> memref<128xi32, #tpu.memory_space<vmem>>
      %dma_start3A_50 = arith.constant 0 : i32
      %dma_start3A_51 = arith.constant 0 : i32
      %dma_start3A_52 = tpu.memref_slice %arg2[%dma_start3A_50, %dma_start3A_51] : memref<50000x40xf32, #tpu.memory_space<hbm>> -> memref<50000x40xf32, #tpu.memory_space<hbm>>
      tpu.enqueue_indirect_dma source(%dma_start3A_52 : memref<50000x40xf32, #tpu.memory_space<hbm>>) target(%dma_start3A_46 : memref<128x40xf32, #tpu.memory_space<vmem>>) offsets(%dma_start3A_49 : memref<128xi32, #tpu.memory_space<vmem>>) semaphore(%arg9 : memref<!tpu.dma_semaphore, #tpu.memory_space<semaphore_mem>>)
      %dma_wait3A = arith.constant 0 : i32
      %dma_wait3A_53 = arith.constant 0 : i32
      %dma_wait3A_54 = arith.constant 0 : i32
      %dma_wait3A_55 = tpu.memref_slice %arg8[%dma_wait3A_53, %dma_wait3A_54] : memref<512x40xf32, #tpu.memory_space<vmem>> -> memref<128x40xf32, #tpu.memory_space<vmem>>
      %dma_wait3A_56 = arith.constant 0 : i32
      %dma_wait3A_57 = tpu.memref_slice %arg7[%dma_wait3A, %dma_wait3A_56] : memref<4x128xi32, #tpu.memory_space<vmem>> -> memref<1x128xi32, #tpu.memory_space<vmem>>
      %dma_wait3A_58 = tpu.memref_squeeze %dma_wait3A_57 : memref<1x128xi32, #tpu.memory_space<vmem>> -> memref<128xi32, #tpu.memory_space<vmem>>
      %dma_wait3A_59 = arith.constant 0 : i32
      %dma_wait3A_60 = arith.constant 0 : i32
      %dma_wait3A_61 = tpu.memref_slice %arg2[%dma_wait3A_59, %dma_wait3A_60] : memref<50000x40xf32, #tpu.memory_space<hbm>> -> memref<50000x40xf32, #tpu.memory_space<hbm>>
      tpu.wait_indirect_dma semaphore(%arg9 : memref<!tpu.dma_semaphore, #tpu.memory_space<semaphore_mem>>) src(%dma_wait3A_61 : memref<50000x40xf32, #tpu.memory_space<hbm>>) dst(%dma_wait3A_55 : memref<128x40xf32, #tpu.memory_space<vmem>>)
      %dma_wait3A_62 = arith.constant 1 : i32
      %dma_wait3A_63 = arith.constant 128 : i32
      %dma_wait3A_64 = arith.constant 0 : i32
      %dma_wait3A_65 = tpu.memref_slice %arg8[%dma_wait3A_63, %dma_wait3A_64] : memref<512x40xf32, #tpu.memory_space<vmem>> -> memref<128x40xf32, #tpu.memory_space<vmem>>
      %dma_wait3A_66 = arith.constant 0 : i32
      %dma_wait3A_67 = tpu.memref_slice %arg7[%dma_wait3A_62, %dma_wait3A_66] : memref<4x128xi32, #tpu.memory_space<vmem>> -> memref<1x128xi32, #tpu.memory_space<vmem>>
      %dma_wait3A_68 = tpu.memref_squeeze %dma_wait3A_67 : memref<1x128xi32, #tpu.memory_space<vmem>> -> memref<128xi32, #tpu.memory_space<vmem>>
      %dma_wait3A_69 = arith.constant 0 : i32
      %dma_wait3A_70 = arith.constant 0 : i32
      %dma_wait3A_71 = tpu.memref_slice %arg2[%dma_wait3A_69, %dma_wait3A_70] : memref<50000x40xf32, #tpu.memory_space<hbm>> -> memref<50000x40xf32, #tpu.memory_space<hbm>>
      tpu.wait_indirect_dma semaphore(%arg9 : memref<!tpu.dma_semaphore, #tpu.memory_space<semaphore_mem>>) src(%dma_wait3A_71 : memref<50000x40xf32, #tpu.memory_space<hbm>>) dst(%dma_wait3A_65 : memref<128x40xf32, #tpu.memory_space<vmem>>)
      %dma_wait3A_72 = arith.constant 2 : i32
      %dma_wait3A_73 = arith.constant 256 : i32
      %dma_wait3A_74 = arith.constant 0 : i32
      %dma_wait3A_75 = tpu.memref_slice %arg8[%dma_wait3A_73, %dma_wait3A_74] : memref<512x40xf32, #tpu.memory_space<vmem>> -> memref<128x40xf32, #tpu.memory_space<vmem>>
      %dma_wait3A_76 = arith.constant 0 : i32
      %dma_wait3A_77 = tpu.memref_slice %arg7[%dma_wait3A_72, %dma_wait3A_76] : memref<4x128xi32, #tpu.memory_space<vmem>> -> memref<1x128xi32, #tpu.memory_space<vmem>>
      %dma_wait3A_78 = tpu.memref_squeeze %dma_wait3A_77 : memref<1x128xi32, #tpu.memory_space<vmem>> -> memref<128xi32, #tpu.memory_space<vmem>>
      %dma_wait3A_79 = arith.constant 0 : i32
      %dma_wait3A_80 = arith.constant 0 : i32
      %dma_wait3A_81 = tpu.memref_slice %arg2[%dma_wait3A_79, %dma_wait3A_80] : memref<50000x40xf32, #tpu.memory_space<hbm>> -> memref<50000x40xf32, #tpu.memory_space<hbm>>
      tpu.wait_indirect_dma semaphore(%arg9 : memref<!tpu.dma_semaphore, #tpu.memory_space<semaphore_mem>>) src(%dma_wait3A_81 : memref<50000x40xf32, #tpu.memory_space<hbm>>) dst(%dma_wait3A_75 : memref<128x40xf32, #tpu.memory_space<vmem>>)
      %dma_wait3A_82 = arith.constant 3 : i32
      %dma_wait3A_83 = arith.constant 384 : i32
      %dma_wait3A_84 = arith.constant 0 : i32
      %dma_wait3A_85 = tpu.memref_slice %arg8[%dma_wait3A_83, %dma_wait3A_84] : memref<512x40xf32, #tpu.memory_space<vmem>> -> memref<128x40xf32, #tpu.memory_space<vmem>>
      %dma_wait3A_86 = arith.constant 0 : i32
      %dma_wait3A_87 = tpu.memref_slice %arg7[%dma_wait3A_82, %dma_wait3A_86] : memref<4x128xi32, #tpu.memory_space<vmem>> -> memref<1x128xi32, #tpu.memory_space<vmem>>
      %dma_wait3A_88 = tpu.memref_squeeze %dma_wait3A_87 : memref<1x128xi32, #tpu.memory_space<vmem>> -> memref<128xi32, #tpu.memory_space<vmem>>
      %dma_wait3A_89 = arith.constant 0 : i32
      %dma_wait3A_90 = arith.constant 0 : i32
      %dma_wait3A_91 = tpu.memref_slice %arg2[%dma_wait3A_89, %dma_wait3A_90] : memref<50000x40xf32, #tpu.memory_space<hbm>> -> memref<50000x40xf32, #tpu.memory_space<hbm>>
      tpu.wait_indirect_dma semaphore(%arg9 : memref<!tpu.dma_semaphore, #tpu.memory_space<semaphore_mem>>) src(%dma_wait3A_91 : memref<50000x40xf32, #tpu.memory_space<hbm>>) dst(%dma_wait3A_85 : memref<128x40xf32, #tpu.memory_space<vmem>>)
      %mul3A_92 = arith.constant 128 : i32
      %mul3A_93 = arith.muli %add3A_13, %mul3A_92 : i32
      "tpu.region"() ({
        %run_scoped3A = tpu.sem_alloc : memref<!tpu.dma_semaphore, #tpu.memory_space<semaphore_mem>>
        %dma_start3A_182 = arith.constant 0 : i32
        %dma_start3A_183 = tpu.memref_slice %arg5[%mul3A_93, %dma_start3A_182] : memref<802816x40xf32, #tpu.memory_space<hbm>> -> memref<512x40xf32, #tpu.memory_space<hbm>>
        %dma_start3A_184 = arith.constant 0 : i32
        %dma_start3A_185 = tpu.memref_slice %arg5[%mul3A_93, %dma_start3A_184] : memref<802816x40xf32, #tpu.memory_space<hbm>> -> memref<512x40xf32, #tpu.memory_space<hbm>>
        tpu.enqueue_dma source(%arg8 : memref<512x40xf32, #tpu.memory_space<vmem>>) target(%dma_start3A_185 : memref<512x40xf32, #tpu.memory_space<hbm>>) target_semaphore(%run_scoped3A : memref<!tpu.dma_semaphore, #tpu.memory_space<semaphore_mem>>)
        %dma_wait3A_186 = arith.constant 0 : i32
        %dma_wait3A_187 = tpu.memref_slice %arg5[%mul3A_93, %dma_wait3A_186] : memref<802816x40xf32, #tpu.memory_space<hbm>> -> memref<512x40xf32, #tpu.memory_space<hbm>>
        %dma_wait3A_188 = arith.constant 0 : i32
        %dma_wait3A_189 = tpu.memref_slice %arg5[%mul3A_93, %dma_wait3A_188] : memref<802816x40xf32, #tpu.memory_space<hbm>> -> memref<512x40xf32, #tpu.memory_space<hbm>>
        tpu.wait_dma2 semaphore(%run_scoped3A : memref<!tpu.dma_semaphore, #tpu.memory_space<semaphore_mem>>) src(%arg8 : memref<512x40xf32, #tpu.memory_space<vmem>>) dst(%dma_wait3A_189 : memref<512x40xf32, #tpu.memory_space<hbm>>)
        tpu.yield
      }) : () -> ()
      %mul3A_94 = arith.constant 196 : i32
      %mul3A_95 = arith.muli %add3A, %mul3A_94 : i32
      %mul3A_96 = arith.constant 4 : i32
      %mul3A_97 = arith.muli %scan3A_7, %mul3A_96 : i32
      %add3A_98 = arith.addi %mul3A_95, %mul3A_97 : i32
      "tpu.region"() ({
        %run_scoped3A = tpu.sem_alloc : memref<!tpu.dma_semaphore, #tpu.memory_space<semaphore_mem>>
        %dma_start3A_182 = arith.constant 0 : i32
        %dma_start3A_183 = tpu.memref_slice %arg4[%add3A_98, %dma_start3A_182] : memref<6272x128xi32, #tpu.memory_space<hbm>> -> memref<4x128xi32, #tpu.memory_space<hbm>>
        %dma_start3A_184 = arith.constant 0 : i32
        %dma_start3A_185 = tpu.memref_slice %arg4[%add3A_98, %dma_start3A_184] : memref<6272x128xi32, #tpu.memory_space<hbm>> -> memref<4x128xi32, #tpu.memory_space<hbm>>
        tpu.enqueue_dma source(%dma_start3A_185 : memref<4x128xi32, #tpu.memory_space<hbm>>) target(%arg7 : memref<4x128xi32, #tpu.memory_space<vmem>>) target_semaphore(%run_scoped3A : memref<!tpu.dma_semaphore, #tpu.memory_space<semaphore_mem>>)
        %dma_wait3A_186 = arith.constant 0 : i32
        %dma_wait3A_187 = tpu.memref_slice %arg4[%add3A_98, %dma_wait3A_186] : memref<6272x128xi32, #tpu.memory_space<hbm>> -> memref<4x128xi32, #tpu.memory_space<hbm>>
        %dma_wait3A_188 = arith.constant 0 : i32
        %dma_wait3A_189 = tpu.memref_slice %arg4[%add3A_98, %dma_wait3A_188] : memref<6272x128xi32, #tpu.memory_space<hbm>> -> memref<4x128xi32, #tpu.memory_space<hbm>>
        tpu.wait_dma2 semaphore(%run_scoped3A : memref<!tpu.dma_semaphore, #tpu.memory_space<semaphore_mem>>) src(%dma_wait3A_189 : memref<4x128xi32, #tpu.memory_space<hbm>>) dst(%arg7 : memref<4x128xi32, #tpu.memory_space<vmem>>)
        tpu.yield
      }) : () -> ()
      %dma_start3A_99 = arith.constant 0 : i32
      %dma_start3A_100 = arith.constant 0 : i32
      %dma_start3A_101 = arith.constant 0 : i32
      %dma_start3A_102 = tpu.memref_slice %arg8[%dma_start3A_100, %dma_start3A_101] : memref<512x40xf32, #tpu.memory_space<vmem>> -> memref<128x40xf32, #tpu.memory_space<vmem>>
      %dma_start3A_103 = arith.constant 0 : i32
      %dma_start3A_104 = tpu.memref_slice %arg7[%dma_start3A_99, %dma_start3A_103] : memref<4x128xi32, #tpu.memory_space<vmem>> -> memref<1x128xi32, #tpu.memory_space<vmem>>
      %dma_start3A_105 = tpu.memref_squeeze %dma_start3A_104 : memref<1x128xi32, #tpu.memory_space<vmem>> -> memref<128xi32, #tpu.memory_space<vmem>>
      %dma_start3A_106 = arith.constant 0 : i32
      %dma_start3A_107 = arith.constant 0 : i32
      %dma_start3A_108 = tpu.memref_slice %arg2[%dma_start3A_106, %dma_start3A_107] : memref<50000x40xf32, #tpu.memory_space<hbm>> -> memref<50000x40xf32, #tpu.memory_space<hbm>>
      tpu.enqueue_indirect_dma source(%dma_start3A_108 : memref<50000x40xf32, #tpu.memory_space<hbm>>) target(%dma_start3A_102 : memref<128x40xf32, #tpu.memory_space<vmem>>) offsets(%dma_start3A_105 : memref<128xi32, #tpu.memory_space<vmem>>) semaphore(%arg9 : memref<!tpu.dma_semaphore, #tpu.memory_space<semaphore_mem>>)
      %dma_start3A_109 = arith.constant 1 : i32
      %dma_start3A_110 = arith.constant 128 : i32
      %dma_start3A_111 = arith.constant 0 : i32
      %dma_start3A_112 = tpu.memref_slice %arg8[%dma_start3A_110, %dma_start3A_111] : memref<512x40xf32, #tpu.memory_space<vmem>> -> memref<128x40xf32, #tpu.memory_space<vmem>>
      %dma_start3A_113 = arith.constant 0 : i32
      %dma_start3A_114 = tpu.memref_slice %arg7[%dma_start3A_109, %dma_start3A_113] : memref<4x128xi32, #tpu.memory_space<vmem>> -> memref<1x128xi32, #tpu.memory_space<vmem>>
      %dma_start3A_115 = tpu.memref_squeeze %dma_start3A_114 : memref<1x128xi32, #tpu.memory_space<vmem>> -> memref<128xi32, #tpu.memory_space<vmem>>
      %dma_start3A_116 = arith.constant 0 : i32
      %dma_start3A_117 = arith.constant 0 : i32
      %dma_start3A_118 = tpu.memref_slice %arg2[%dma_start3A_116, %dma_start3A_117] : memref<50000x40xf32, #tpu.memory_space<hbm>> -> memref<50000x40xf32, #tpu.memory_space<hbm>>
      tpu.enqueue_indirect_dma source(%dma_start3A_118 : memref<50000x40xf32, #tpu.memory_space<hbm>>) target(%dma_start3A_112 : memref<128x40xf32, #tpu.memory_space<vmem>>) offsets(%dma_start3A_115 : memref<128xi32, #tpu.memory_space<vmem>>) semaphore(%arg9 : memref<!tpu.dma_semaphore, #tpu.memory_space<semaphore_mem>>)
      %dma_start3A_119 = arith.constant 2 : i32
      %dma_start3A_120 = arith.constant 256 : i32
      %dma_start3A_121 = arith.constant 0 : i32
      %dma_start3A_122 = tpu.memref_slice %arg8[%dma_start3A_120, %dma_start3A_121] : memref<512x40xf32, #tpu.memory_space<vmem>> -> memref<128x40xf32, #tpu.memory_space<vmem>>
      %dma_start3A_123 = arith.constant 0 : i32
      %dma_start3A_124 = tpu.memref_slice %arg7[%dma_start3A_119, %dma_start3A_123] : memref<4x128xi32, #tpu.memory_space<vmem>> -> memref<1x128xi32, #tpu.memory_space<vmem>>
      %dma_start3A_125 = tpu.memref_squeeze %dma_start3A_124 : memref<1x128xi32, #tpu.memory_space<vmem>> -> memref<128xi32, #tpu.memory_space<vmem>>
      %dma_start3A_126 = arith.constant 0 : i32
      %dma_start3A_127 = arith.constant 0 : i32
      %dma_start3A_128 = tpu.memref_slice %arg2[%dma_start3A_126, %dma_start3A_127] : memref<50000x40xf32, #tpu.memory_space<hbm>> -> memref<50000x40xf32, #tpu.memory_space<hbm>>
      tpu.enqueue_indirect_dma source(%dma_start3A_128 : memref<50000x40xf32, #tpu.memory_space<hbm>>) target(%dma_start3A_122 : memref<128x40xf32, #tpu.memory_space<vmem>>) offsets(%dma_start3A_125 : memref<128xi32, #tpu.memory_space<vmem>>) semaphore(%arg9 : memref<!tpu.dma_semaphore, #tpu.memory_space<semaphore_mem>>)
      %dma_start3A_129 = arith.constant 3 : i32
      %dma_start3A_130 = arith.constant 384 : i32
      %dma_start3A_131 = arith.constant 0 : i32
      %dma_start3A_132 = tpu.memref_slice %arg8[%dma_start3A_130, %dma_start3A_131] : memref<512x40xf32, #tpu.memory_space<vmem>> -> memref<128x40xf32, #tpu.memory_space<vmem>>
      %dma_start3A_133 = arith.constant 0 : i32
      %dma_start3A_134 = tpu.memref_slice %arg7[%dma_start3A_129, %dma_start3A_133] : memref<4x128xi32, #tpu.memory_space<vmem>> -> memref<1x128xi32, #tpu.memory_space<vmem>>
      %dma_start3A_135 = tpu.memref_squeeze %dma_start3A_134 : memref<1x128xi32, #tpu.memory_space<vmem>> -> memref<128xi32, #tpu.memory_space<vmem>>
      %dma_start3A_136 = arith.constant 0 : i32
      %dma_start3A_137 = arith.constant 0 : i32
      %dma_start3A_138 = tpu.memref_slice %arg2[%dma_start3A_136, %dma_start3A_137] : memref<50000x40xf32, #tpu.memory_space<hbm>> -> memref<50000x40xf32, #tpu.memory_space<hbm>>
      tpu.enqueue_indirect_dma source(%dma_start3A_138 : memref<50000x40xf32, #tpu.memory_space<hbm>>) target(%dma_start3A_132 : memref<128x40xf32, #tpu.memory_space<vmem>>) offsets(%dma_start3A_135 : memref<128xi32, #tpu.memory_space<vmem>>) semaphore(%arg9 : memref<!tpu.dma_semaphore, #tpu.memory_space<semaphore_mem>>)
      %dma_wait3A_139 = arith.constant 0 : i32
      %dma_wait3A_140 = arith.constant 0 : i32
      %dma_wait3A_141 = arith.constant 0 : i32
      %dma_wait3A_142 = tpu.memref_slice %arg8[%dma_wait3A_140, %dma_wait3A_141] : memref<512x40xf32, #tpu.memory_space<vmem>> -> memref<128x40xf32, #tpu.memory_space<vmem>>
      %dma_wait3A_143 = arith.constant 0 : i32
      %dma_wait3A_144 = tpu.memref_slice %arg7[%dma_wait3A_139, %dma_wait3A_143] : memref<4x128xi32, #tpu.memory_space<vmem>> -> memref<1x128xi32, #tpu.memory_space<vmem>>
      %dma_wait3A_145 = tpu.memref_squeeze %dma_wait3A_144 : memref<1x128xi32, #tpu.memory_space<vmem>> -> memref<128xi32, #tpu.memory_space<vmem>>
      %dma_wait3A_146 = arith.constant 0 : i32
      %dma_wait3A_147 = arith.constant 0 : i32
      %dma_wait3A_148 = tpu.memref_slice %arg2[%dma_wait3A_146, %dma_wait3A_147] : memref<50000x40xf32, #tpu.memory_space<hbm>> -> memref<50000x40xf32, #tpu.memory_space<hbm>>
      tpu.wait_indirect_dma semaphore(%arg9 : memref<!tpu.dma_semaphore, #tpu.memory_space<semaphore_mem>>) src(%dma_wait3A_148 : memref<50000x40xf32, #tpu.memory_space<hbm>>) dst(%dma_wait3A_142 : memref<128x40xf32, #tpu.memory_space<vmem>>)
      %dma_wait3A_149 = arith.constant 1 : i32
      %dma_wait3A_150 = arith.constant 128 : i32
      %dma_wait3A_151 = arith.constant 0 : i32
      %dma_wait3A_152 = tpu.memref_slice %arg8[%dma_wait3A_150, %dma_wait3A_151] : memref<512x40xf32, #tpu.memory_space<vmem>> -> memref<128x40xf32, #tpu.memory_space<vmem>>
      %dma_wait3A_153 = arith.constant 0 : i32
      %dma_wait3A_154 = tpu.memref_slice %arg7[%dma_wait3A_149, %dma_wait3A_153] : memref<4x128xi32, #tpu.memory_space<vmem>> -> memref<1x128xi32, #tpu.memory_space<vmem>>
      %dma_wait3A_155 = tpu.memref_squeeze %dma_wait3A_154 : memref<1x128xi32, #tpu.memory_space<vmem>> -> memref<128xi32, #tpu.memory_space<vmem>>
      %dma_wait3A_156 = arith.constant 0 : i32
      %dma_wait3A_157 = arith.constant 0 : i32
      %dma_wait3A_158 = tpu.memref_slice %arg2[%dma_wait3A_156, %dma_wait3A_157] : memref<50000x40xf32, #tpu.memory_space<hbm>> -> memref<50000x40xf32, #tpu.memory_space<hbm>>
      tpu.wait_indirect_dma semaphore(%arg9 : memref<!tpu.dma_semaphore, #tpu.memory_space<semaphore_mem>>) src(%dma_wait3A_158 : memref<50000x40xf32, #tpu.memory_space<hbm>>) dst(%dma_wait3A_152 : memref<128x40xf32, #tpu.memory_space<vmem>>)
      %dma_wait3A_159 = arith.constant 2 : i32
      %dma_wait3A_160 = arith.constant 256 : i32
      %dma_wait3A_161 = arith.constant 0 : i32
      %dma_wait3A_162 = tpu.memref_slice %arg8[%dma_wait3A_160, %dma_wait3A_161] : memref<512x40xf32, #tpu.memory_space<vmem>> -> memref<128x40xf32, #tpu.memory_space<vmem>>
      %dma_wait3A_163 = arith.constant 0 : i32
      %dma_wait3A_164 = tpu.memref_slice %arg7[%dma_wait3A_159, %dma_wait3A_163] : memref<4x128xi32, #tpu.memory_space<vmem>> -> memref<1x128xi32, #tpu.memory_space<vmem>>
      %dma_wait3A_165 = tpu.memref_squeeze %dma_wait3A_164 : memref<1x128xi32, #tpu.memory_space<vmem>> -> memref<128xi32, #tpu.memory_space<vmem>>
      %dma_wait3A_166 = arith.constant 0 : i32
      %dma_wait3A_167 = arith.constant 0 : i32
      %dma_wait3A_168 = tpu.memref_slice %arg2[%dma_wait3A_166, %dma_wait3A_167] : memref<50000x40xf32, #tpu.memory_space<hbm>> -> memref<50000x40xf32, #tpu.memory_space<hbm>>
      tpu.wait_indirect_dma semaphore(%arg9 : memref<!tpu.dma_semaphore, #tpu.memory_space<semaphore_mem>>) src(%dma_wait3A_168 : memref<50000x40xf32, #tpu.memory_space<hbm>>) dst(%dma_wait3A_162 : memref<128x40xf32, #tpu.memory_space<vmem>>)
      %dma_wait3A_169 = arith.constant 3 : i32
      %dma_wait3A_170 = arith.constant 384 : i32
      %dma_wait3A_171 = arith.constant 0 : i32
      %dma_wait3A_172 = tpu.memref_slice %arg8[%dma_wait3A_170, %dma_wait3A_171] : memref<512x40xf32, #tpu.memory_space<vmem>> -> memref<128x40xf32, #tpu.memory_space<vmem>>
      %dma_wait3A_173 = arith.constant 0 : i32
      %dma_wait3A_174 = tpu.memref_slice %arg7[%dma_wait3A_169, %dma_wait3A_173] : memref<4x128xi32, #tpu.memory_space<vmem>> -> memref<1x128xi32, #tpu.memory_space<vmem>>
      %dma_wait3A_175 = tpu.memref_squeeze %dma_wait3A_174 : memref<1x128xi32, #tpu.memory_space<vmem>> -> memref<128xi32, #tpu.memory_space<vmem>>
      %dma_wait3A_176 = arith.constant 0 : i32
      %dma_wait3A_177 = arith.constant 0 : i32
      %dma_wait3A_178 = tpu.memref_slice %arg2[%dma_wait3A_176, %dma_wait3A_177] : memref<50000x40xf32, #tpu.memory_space<hbm>> -> memref<50000x40xf32, #tpu.memory_space<hbm>>
      tpu.wait_indirect_dma semaphore(%arg9 : memref<!tpu.dma_semaphore, #tpu.memory_space<semaphore_mem>>) src(%dma_wait3A_178 : memref<50000x40xf32, #tpu.memory_space<hbm>>) dst(%dma_wait3A_172 : memref<128x40xf32, #tpu.memory_space<vmem>>)
      %mul3A_179 = arith.constant 128 : i32
      %mul3A_180 = arith.muli %add3A_98, %mul3A_179 : i32
      "tpu.region"() ({
        %run_scoped3A = tpu.sem_alloc : memref<!tpu.dma_semaphore, #tpu.memory_space<semaphore_mem>>
        %dma_start3A_182 = arith.constant 0 : i32
        %dma_start3A_183 = tpu.memref_slice %arg6[%mul3A_180, %dma_start3A_182] : memref<802816x40xf32, #tpu.memory_space<hbm>> -> memref<512x40xf32, #tpu.memory_space<hbm>>
        %dma_start3A_184 = arith.constant 0 : i32
        %dma_start3A_185 = tpu.memref_slice %arg6[%mul3A_180, %dma_start3A_184] : memref<802816x40xf32, #tpu.memory_space<hbm>> -> memref<512x40xf32, #tpu.memory_space<hbm>>
        tpu.enqueue_dma source(%arg8 : memref<512x40xf32, #tpu.memory_space<vmem>>) target(%dma_start3A_185 : memref<512x40xf32, #tpu.memory_space<hbm>>) target_semaphore(%run_scoped3A : memref<!tpu.dma_semaphore, #tpu.memory_space<semaphore_mem>>)
        %dma_wait3A_186 = arith.constant 0 : i32
        %dma_wait3A_187 = tpu.memref_slice %arg6[%mul3A_180, %dma_wait3A_186] : memref<802816x40xf32, #tpu.memory_space<hbm>> -> memref<512x40xf32, #tpu.memory_space<hbm>>
        %dma_wait3A_188 = arith.constant 0 : i32
        %dma_wait3A_189 = tpu.memref_slice %arg6[%mul3A_180, %dma_wait3A_188] : memref<802816x40xf32, #tpu.memory_space<hbm>> -> memref<512x40xf32, #tpu.memory_space<hbm>>
        tpu.wait_dma2 semaphore(%run_scoped3A : memref<!tpu.dma_semaphore, #tpu.memory_space<semaphore_mem>>) src(%arg8 : memref<512x40xf32, #tpu.memory_space<vmem>>) dst(%dma_wait3A_189 : memref<512x40xf32, #tpu.memory_space<hbm>>)
        tpu.yield
      }) : () -> ()
      %scan3A_181 = arith.constant 0 : i32
      scf.yield %scan3A_181 : i32
    }
    %scan3A_6 = arith.constant 49 : i32
    return
  }
}

#map = affine_map<(d0, d1) -> (0, 0)>
module attributes {stable_mosaic.version = 14 : i64} {
  func.func @body(%arg0: i32, %arg1: i32, %arg2: memref<802816x48xf32, #tpu.memory_space<hbm>>, %arg3: memref<6272x128xi32, #tpu.memory_space<hbm>>, %arg4: memref<3126x24xf32, #tpu.memory_space<hbm>>, %arg5: memref<50016x48xf32, #tpu.memory_space<hbm>>, %arg6: memref<4x128xi32, #tpu.memory_space<vmem>>, %arg7: memref<512x24xf32, #tpu.memory_space<vmem>>, %arg8: memref<50016x24xf32, #tpu.memory_space<vmem_shared>>) attributes {dimension_semantics = [#tpu.dimension_semantics<core_parallel>, #tpu.dimension_semantics<subcore_parallel>], iteration_bounds = array<i64: 2, 16>, scalar_prefetch = 0 : i64, scratch_operands = 3 : i64, tpu.core_type = #tpu.core_type<sc_vector_subcore>, window_params = [{transform_indices = #map}, {transform_indices = #map}, {transform_indices = #map}, {transform_indices = #map}]} {
    %mul3A = arith.constant 3126 : i32
    %mul3A_0 = arith.muli %arg1, %mul3A : i32
    "tpu.region"() ({
      %run_scoped3A = tpu.sem_alloc : memref<!tpu.dma_semaphore, #tpu.memory_space<semaphore_mem>>
      %dma_start3A = arith.constant 0 : i32
      %dma_start3A_8 = tpu.memref_slice %arg8[%mul3A_0, %dma_start3A] : memref<50016x24xf32, #tpu.memory_space<vmem_shared>> -> memref<3126x24xf32, #tpu.memory_space<vmem_shared>>
      tpu.enqueue_dma source(%arg4 : memref<3126x24xf32, #tpu.memory_space<hbm>>) target(%dma_start3A_8 : memref<3126x24xf32, #tpu.memory_space<vmem_shared>>) target_semaphore(%run_scoped3A : memref<!tpu.dma_semaphore, #tpu.memory_space<semaphore_mem>>)
      %dma_wait3A = arith.constant 0 : i32
      %dma_wait3A_9 = tpu.memref_slice %arg8[%mul3A_0, %dma_wait3A] : memref<50016x24xf32, #tpu.memory_space<vmem_shared>> -> memref<3126x24xf32, #tpu.memory_space<vmem_shared>>
      tpu.wait_dma2 semaphore(%run_scoped3A : memref<!tpu.dma_semaphore, #tpu.memory_space<semaphore_mem>>) src(%arg4 : memref<3126x24xf32, #tpu.memory_space<hbm>>) dst(%dma_wait3A_9 : memref<3126x24xf32, #tpu.memory_space<vmem_shared>>)
      tpu.yield
    }) : () -> ()
    %barrier3A = arith.constant 0 : index
    tpu.barrier barrier_id(%barrier3A)
    %eq3A = arith.constant 0 : i32
    %eq3A_1 = arith.cmpi eq, %arg0, %eq3A : i32
    %convert_element_type3A = arith.extui %eq3A_1 : i1 to i32
    %cond3A = arith.constant 0 : i32
    %cond3A_2 = arith.cmpi ne, %convert_element_type3A, %cond3A : i32
    scf.if %cond3A_2 {
      %scan3A = arith.constant 0 : i32
      %scan3A_8 = arith.constant 0 : i32
      %scan3A_9 = arith.constant 98 : i32
      %scan3A_10 = arith.addi %scan3A_8, %scan3A_9 : i32
      %scan3A_11 = arith.constant 1 : i32
      %scan3A_12 = scf.for %scan3A_15 = %scan3A_8 to %scan3A_10 step %scan3A_11 iter_args(%scan3A_16 = %scan3A) -> (i32)  : i32 {
        %mul3A_17 = arith.constant 392 : i32
        %mul3A_18 = arith.muli %arg1, %mul3A_17 : i32
        %mul3A_19 = arith.constant 4 : i32
        %mul3A_20 = arith.muli %scan3A_15, %mul3A_19 : i32
        %add3A = arith.addi %mul3A_18, %mul3A_20 : i32
        "tpu.region"() ({
          %run_scoped3A_27 = tpu.sem_alloc : memref<!tpu.dma_semaphore, #tpu.memory_space<semaphore_mem>>
          %dma_start3A = arith.constant 0 : i32
          %dma_start3A_28 = tpu.memref_slice %arg3[%add3A, %dma_start3A] : memref<6272x128xi32, #tpu.memory_space<hbm>> -> memref<4x128xi32, #tpu.memory_space<hbm>>
          %dma_start3A_29 = arith.constant 0 : i32
          %dma_start3A_30 = tpu.memref_slice %arg3[%add3A, %dma_start3A_29] : memref<6272x128xi32, #tpu.memory_space<hbm>> -> memref<4x128xi32, #tpu.memory_space<hbm>>
          tpu.enqueue_dma source(%dma_start3A_30 : memref<4x128xi32, #tpu.memory_space<hbm>>) target(%arg6 : memref<4x128xi32, #tpu.memory_space<vmem>>) target_semaphore(%run_scoped3A_27 : memref<!tpu.dma_semaphore, #tpu.memory_space<semaphore_mem>>)
          %dma_wait3A = arith.constant 0 : i32
          %dma_wait3A_31 = tpu.memref_slice %arg3[%add3A, %dma_wait3A] : memref<6272x128xi32, #tpu.memory_space<hbm>> -> memref<4x128xi32, #tpu.memory_space<hbm>>
          %dma_wait3A_32 = arith.constant 0 : i32
          %dma_wait3A_33 = tpu.memref_slice %arg3[%add3A, %dma_wait3A_32] : memref<6272x128xi32, #tpu.memory_space<hbm>> -> memref<4x128xi32, #tpu.memory_space<hbm>>
          tpu.wait_dma2 semaphore(%run_scoped3A_27 : memref<!tpu.dma_semaphore, #tpu.memory_space<semaphore_mem>>) src(%dma_wait3A_33 : memref<4x128xi32, #tpu.memory_space<hbm>>) dst(%arg6 : memref<4x128xi32, #tpu.memory_space<vmem>>)
          tpu.yield
        }) : () -> ()
        %mul3A_21 = arith.constant 128 : i32
        %mul3A_22 = arith.muli %add3A, %mul3A_21 : i32
        "tpu.region"() ({
          %run_scoped3A_27 = tpu.sem_alloc : memref<!tpu.dma_semaphore, #tpu.memory_space<semaphore_mem>>
          %dma_start3A = arith.constant 0 : i32
          %dma_start3A_28 = tpu.memref_slice %arg2[%mul3A_22, %dma_start3A] : memref<802816x48xf32, #tpu.memory_space<hbm>> -> memref<512x24xf32, #tpu.memory_space<hbm>>
          %dma_start3A_29 = arith.constant 0 : i32
          %dma_start3A_30 = tpu.memref_slice %arg2[%mul3A_22, %dma_start3A_29] : memref<802816x48xf32, #tpu.memory_space<hbm>> -> memref<512x24xf32, #tpu.memory_space<hbm>>
          tpu.enqueue_dma source(%dma_start3A_30 : memref<512x24xf32, #tpu.memory_space<hbm>>) target(%arg7 : memref<512x24xf32, #tpu.memory_space<vmem>>) target_semaphore(%run_scoped3A_27 : memref<!tpu.dma_semaphore, #tpu.memory_space<semaphore_mem>>)
          %dma_wait3A = arith.constant 0 : i32
          %dma_wait3A_31 = tpu.memref_slice %arg2[%mul3A_22, %dma_wait3A] : memref<802816x48xf32, #tpu.memory_space<hbm>> -> memref<512x24xf32, #tpu.memory_space<hbm>>
          %dma_wait3A_32 = arith.constant 0 : i32
          %dma_wait3A_33 = tpu.memref_slice %arg2[%mul3A_22, %dma_wait3A_32] : memref<802816x48xf32, #tpu.memory_space<hbm>> -> memref<512x24xf32, #tpu.memory_space<hbm>>
          tpu.wait_dma2 semaphore(%run_scoped3A_27 : memref<!tpu.dma_semaphore, #tpu.memory_space<semaphore_mem>>) src(%dma_wait3A_33 : memref<512x24xf32, #tpu.memory_space<hbm>>) dst(%arg7 : memref<512x24xf32, #tpu.memory_space<vmem>>)
          tpu.yield
        }) : () -> ()
        %run_scoped3A = arith.constant 0 : i32
        "tpu.region"() ({
          %run_scoped3A_27 = tpu.sem_alloc : memref<!tpu.dma_semaphore, #tpu.memory_space<semaphore_mem>>
          %dma_start3A = arith.constant 0 : i32
          %dma_start3A_28 = arith.constant 0 : i32
          %dma_start3A_29 = tpu.memref_slice %arg7[%dma_start3A, %dma_start3A_28] : memref<512x24xf32, #tpu.memory_space<vmem>> -> memref<128x24xf32, #tpu.memory_space<vmem>>
          %dma_start3A_30 = arith.constant 0 : i32
          %dma_start3A_31 = tpu.memref_slice %arg6[%run_scoped3A, %dma_start3A_30] : memref<4x128xi32, #tpu.memory_space<vmem>> -> memref<1x128xi32, #tpu.memory_space<vmem>>
          %dma_start3A_32 = tpu.memref_squeeze %dma_start3A_31 : memref<1x128xi32, #tpu.memory_space<vmem>> -> memref<128xi32, #tpu.memory_space<vmem>>
          %dma_start3A_33 = arith.constant 0 : i32
          %dma_start3A_34 = arith.constant 0 : i32
          %dma_start3A_35 = tpu.memref_slice %arg8[%dma_start3A_33, %dma_start3A_34] : memref<50016x24xf32, #tpu.memory_space<vmem_shared>> -> memref<50016x24xf32, #tpu.memory_space<vmem_shared>>
          tpu.enqueue_indirect_dma source(%dma_start3A_29 : memref<128x24xf32, #tpu.memory_space<vmem>>) target(%dma_start3A_35 : memref<50016x24xf32, #tpu.memory_space<vmem_shared>>) offsets(%dma_start3A_32 : memref<128xi32, #tpu.memory_space<vmem>>) semaphore(%run_scoped3A_27 : memref<!tpu.dma_semaphore, #tpu.memory_space<semaphore_mem>>) {add = true}
          %dma_wait3A = arith.constant 0 : i32
          %dma_wait3A_36 = arith.constant 0 : i32
          %dma_wait3A_37 = tpu.memref_slice %arg7[%dma_wait3A, %dma_wait3A_36] : memref<512x24xf32, #tpu.memory_space<vmem>> -> memref<128x24xf32, #tpu.memory_space<vmem>>
          %dma_wait3A_38 = arith.constant 0 : i32
          %dma_wait3A_39 = tpu.memref_slice %arg6[%run_scoped3A, %dma_wait3A_38] : memref<4x128xi32, #tpu.memory_space<vmem>> -> memref<1x128xi32, #tpu.memory_space<vmem>>
          %dma_wait3A_40 = tpu.memref_squeeze %dma_wait3A_39 : memref<1x128xi32, #tpu.memory_space<vmem>> -> memref<128xi32, #tpu.memory_space<vmem>>
          %dma_wait3A_41 = arith.constant 0 : i32
          %dma_wait3A_42 = arith.constant 0 : i32
          %dma_wait3A_43 = tpu.memref_slice %arg8[%dma_wait3A_41, %dma_wait3A_42] : memref<50016x24xf32, #tpu.memory_space<vmem_shared>> -> memref<50016x24xf32, #tpu.memory_space<vmem_shared>>
          tpu.wait_indirect_dma semaphore(%run_scoped3A_27 : memref<!tpu.dma_semaphore, #tpu.memory_space<semaphore_mem>>) src(%dma_wait3A_37 : memref<128x24xf32, #tpu.memory_space<vmem>>) dst(%dma_wait3A_43 : memref<50016x24xf32, #tpu.memory_space<vmem_shared>>)
          tpu.yield
        }) : () -> ()
        %run_scoped3A_23 = arith.constant 1 : i32
        "tpu.region"() ({
          %run_scoped3A_27 = tpu.sem_alloc : memref<!tpu.dma_semaphore, #tpu.memory_space<semaphore_mem>>
          %dma_start3A = arith.constant 128 : i32
          %dma_start3A_28 = arith.constant 0 : i32
          %dma_start3A_29 = tpu.memref_slice %arg7[%dma_start3A, %dma_start3A_28] : memref<512x24xf32, #tpu.memory_space<vmem>> -> memref<128x24xf32, #tpu.memory_space<vmem>>
          %dma_start3A_30 = arith.constant 0 : i32
          %dma_start3A_31 = tpu.memref_slice %arg6[%run_scoped3A_23, %dma_start3A_30] : memref<4x128xi32, #tpu.memory_space<vmem>> -> memref<1x128xi32, #tpu.memory_space<vmem>>
          %dma_start3A_32 = tpu.memref_squeeze %dma_start3A_31 : memref<1x128xi32, #tpu.memory_space<vmem>> -> memref<128xi32, #tpu.memory_space<vmem>>
          %dma_start3A_33 = arith.constant 0 : i32
          %dma_start3A_34 = arith.constant 0 : i32
          %dma_start3A_35 = tpu.memref_slice %arg8[%dma_start3A_33, %dma_start3A_34] : memref<50016x24xf32, #tpu.memory_space<vmem_shared>> -> memref<50016x24xf32, #tpu.memory_space<vmem_shared>>
          tpu.enqueue_indirect_dma source(%dma_start3A_29 : memref<128x24xf32, #tpu.memory_space<vmem>>) target(%dma_start3A_35 : memref<50016x24xf32, #tpu.memory_space<vmem_shared>>) offsets(%dma_start3A_32 : memref<128xi32, #tpu.memory_space<vmem>>) semaphore(%run_scoped3A_27 : memref<!tpu.dma_semaphore, #tpu.memory_space<semaphore_mem>>) {add = true}
          %dma_wait3A = arith.constant 128 : i32
          %dma_wait3A_36 = arith.constant 0 : i32
          %dma_wait3A_37 = tpu.memref_slice %arg7[%dma_wait3A, %dma_wait3A_36] : memref<512x24xf32, #tpu.memory_space<vmem>> -> memref<128x24xf32, #tpu.memory_space<vmem>>
          %dma_wait3A_38 = arith.constant 0 : i32
          %dma_wait3A_39 = tpu.memref_slice %arg6[%run_scoped3A_23, %dma_wait3A_38] : memref<4x128xi32, #tpu.memory_space<vmem>> -> memref<1x128xi32, #tpu.memory_space<vmem>>
          %dma_wait3A_40 = tpu.memref_squeeze %dma_wait3A_39 : memref<1x128xi32, #tpu.memory_space<vmem>> -> memref<128xi32, #tpu.memory_space<vmem>>
          %dma_wait3A_41 = arith.constant 0 : i32
          %dma_wait3A_42 = arith.constant 0 : i32
          %dma_wait3A_43 = tpu.memref_slice %arg8[%dma_wait3A_41, %dma_wait3A_42] : memref<50016x24xf32, #tpu.memory_space<vmem_shared>> -> memref<50016x24xf32, #tpu.memory_space<vmem_shared>>
          tpu.wait_indirect_dma semaphore(%run_scoped3A_27 : memref<!tpu.dma_semaphore, #tpu.memory_space<semaphore_mem>>) src(%dma_wait3A_37 : memref<128x24xf32, #tpu.memory_space<vmem>>) dst(%dma_wait3A_43 : memref<50016x24xf32, #tpu.memory_space<vmem_shared>>)
          tpu.yield
        }) : () -> ()
        %run_scoped3A_24 = arith.constant 2 : i32
        "tpu.region"() ({
          %run_scoped3A_27 = tpu.sem_alloc : memref<!tpu.dma_semaphore, #tpu.memory_space<semaphore_mem>>
          %dma_start3A = arith.constant 256 : i32
          %dma_start3A_28 = arith.constant 0 : i32
          %dma_start3A_29 = tpu.memref_slice %arg7[%dma_start3A, %dma_start3A_28] : memref<512x24xf32, #tpu.memory_space<vmem>> -> memref<128x24xf32, #tpu.memory_space<vmem>>
          %dma_start3A_30 = arith.constant 0 : i32
          %dma_start3A_31 = tpu.memref_slice %arg6[%run_scoped3A_24, %dma_start3A_30] : memref<4x128xi32, #tpu.memory_space<vmem>> -> memref<1x128xi32, #tpu.memory_space<vmem>>
          %dma_start3A_32 = tpu.memref_squeeze %dma_start3A_31 : memref<1x128xi32, #tpu.memory_space<vmem>> -> memref<128xi32, #tpu.memory_space<vmem>>
          %dma_start3A_33 = arith.constant 0 : i32
          %dma_start3A_34 = arith.constant 0 : i32
          %dma_start3A_35 = tpu.memref_slice %arg8[%dma_start3A_33, %dma_start3A_34] : memref<50016x24xf32, #tpu.memory_space<vmem_shared>> -> memref<50016x24xf32, #tpu.memory_space<vmem_shared>>
          tpu.enqueue_indirect_dma source(%dma_start3A_29 : memref<128x24xf32, #tpu.memory_space<vmem>>) target(%dma_start3A_35 : memref<50016x24xf32, #tpu.memory_space<vmem_shared>>) offsets(%dma_start3A_32 : memref<128xi32, #tpu.memory_space<vmem>>) semaphore(%run_scoped3A_27 : memref<!tpu.dma_semaphore, #tpu.memory_space<semaphore_mem>>) {add = true}
          %dma_wait3A = arith.constant 256 : i32
          %dma_wait3A_36 = arith.constant 0 : i32
          %dma_wait3A_37 = tpu.memref_slice %arg7[%dma_wait3A, %dma_wait3A_36] : memref<512x24xf32, #tpu.memory_space<vmem>> -> memref<128x24xf32, #tpu.memory_space<vmem>>
          %dma_wait3A_38 = arith.constant 0 : i32
          %dma_wait3A_39 = tpu.memref_slice %arg6[%run_scoped3A_24, %dma_wait3A_38] : memref<4x128xi32, #tpu.memory_space<vmem>> -> memref<1x128xi32, #tpu.memory_space<vmem>>
          %dma_wait3A_40 = tpu.memref_squeeze %dma_wait3A_39 : memref<1x128xi32, #tpu.memory_space<vmem>> -> memref<128xi32, #tpu.memory_space<vmem>>
          %dma_wait3A_41 = arith.constant 0 : i32
          %dma_wait3A_42 = arith.constant 0 : i32
          %dma_wait3A_43 = tpu.memref_slice %arg8[%dma_wait3A_41, %dma_wait3A_42] : memref<50016x24xf32, #tpu.memory_space<vmem_shared>> -> memref<50016x24xf32, #tpu.memory_space<vmem_shared>>
          tpu.wait_indirect_dma semaphore(%run_scoped3A_27 : memref<!tpu.dma_semaphore, #tpu.memory_space<semaphore_mem>>) src(%dma_wait3A_37 : memref<128x24xf32, #tpu.memory_space<vmem>>) dst(%dma_wait3A_43 : memref<50016x24xf32, #tpu.memory_space<vmem_shared>>)
          tpu.yield
        }) : () -> ()
        %run_scoped3A_25 = arith.constant 3 : i32
        "tpu.region"() ({
          %run_scoped3A_27 = tpu.sem_alloc : memref<!tpu.dma_semaphore, #tpu.memory_space<semaphore_mem>>
          %dma_start3A = arith.constant 384 : i32
          %dma_start3A_28 = arith.constant 0 : i32
          %dma_start3A_29 = tpu.memref_slice %arg7[%dma_start3A, %dma_start3A_28] : memref<512x24xf32, #tpu.memory_space<vmem>> -> memref<128x24xf32, #tpu.memory_space<vmem>>
          %dma_start3A_30 = arith.constant 0 : i32
          %dma_start3A_31 = tpu.memref_slice %arg6[%run_scoped3A_25, %dma_start3A_30] : memref<4x128xi32, #tpu.memory_space<vmem>> -> memref<1x128xi32, #tpu.memory_space<vmem>>
          %dma_start3A_32 = tpu.memref_squeeze %dma_start3A_31 : memref<1x128xi32, #tpu.memory_space<vmem>> -> memref<128xi32, #tpu.memory_space<vmem>>
          %dma_start3A_33 = arith.constant 0 : i32
          %dma_start3A_34 = arith.constant 0 : i32
          %dma_start3A_35 = tpu.memref_slice %arg8[%dma_start3A_33, %dma_start3A_34] : memref<50016x24xf32, #tpu.memory_space<vmem_shared>> -> memref<50016x24xf32, #tpu.memory_space<vmem_shared>>
          tpu.enqueue_indirect_dma source(%dma_start3A_29 : memref<128x24xf32, #tpu.memory_space<vmem>>) target(%dma_start3A_35 : memref<50016x24xf32, #tpu.memory_space<vmem_shared>>) offsets(%dma_start3A_32 : memref<128xi32, #tpu.memory_space<vmem>>) semaphore(%run_scoped3A_27 : memref<!tpu.dma_semaphore, #tpu.memory_space<semaphore_mem>>) {add = true}
          %dma_wait3A = arith.constant 384 : i32
          %dma_wait3A_36 = arith.constant 0 : i32
          %dma_wait3A_37 = tpu.memref_slice %arg7[%dma_wait3A, %dma_wait3A_36] : memref<512x24xf32, #tpu.memory_space<vmem>> -> memref<128x24xf32, #tpu.memory_space<vmem>>
          %dma_wait3A_38 = arith.constant 0 : i32
          %dma_wait3A_39 = tpu.memref_slice %arg6[%run_scoped3A_25, %dma_wait3A_38] : memref<4x128xi32, #tpu.memory_space<vmem>> -> memref<1x128xi32, #tpu.memory_space<vmem>>
          %dma_wait3A_40 = tpu.memref_squeeze %dma_wait3A_39 : memref<1x128xi32, #tpu.memory_space<vmem>> -> memref<128xi32, #tpu.memory_space<vmem>>
          %dma_wait3A_41 = arith.constant 0 : i32
          %dma_wait3A_42 = arith.constant 0 : i32
          %dma_wait3A_43 = tpu.memref_slice %arg8[%dma_wait3A_41, %dma_wait3A_42] : memref<50016x24xf32, #tpu.memory_space<vmem_shared>> -> memref<50016x24xf32, #tpu.memory_space<vmem_shared>>
          tpu.wait_indirect_dma semaphore(%run_scoped3A_27 : memref<!tpu.dma_semaphore, #tpu.memory_space<semaphore_mem>>) src(%dma_wait3A_37 : memref<128x24xf32, #tpu.memory_space<vmem>>) dst(%dma_wait3A_43 : memref<50016x24xf32, #tpu.memory_space<vmem_shared>>)
          tpu.yield
        }) : () -> ()
        %scan3A_26 = arith.constant 0 : i32
        scf.yield %scan3A_26 : i32
      }
      %scan3A_13 = arith.constant 98 : i32
      %barrier3A_14 = arith.constant 0 : index
      tpu.barrier barrier_id(%barrier3A_14)
      "tpu.region"() ({
        %run_scoped3A = tpu.sem_alloc : memref<!tpu.dma_semaphore, #tpu.memory_space<semaphore_mem>>
        %dma_start3A = arith.constant 0 : i32
        %dma_start3A_15 = tpu.memref_slice %arg5[%mul3A_0, %dma_start3A] : memref<50016x48xf32, #tpu.memory_space<hbm>> -> memref<3126x24xf32, #tpu.memory_space<hbm>>
        %dma_start3A_16 = arith.constant 0 : i32
        %dma_start3A_17 = tpu.memref_slice %arg8[%mul3A_0, %dma_start3A_16] : memref<50016x24xf32, #tpu.memory_space<vmem_shared>> -> memref<3126x24xf32, #tpu.memory_space<vmem_shared>>
        tpu.enqueue_dma source(%dma_start3A_17 : memref<3126x24xf32, #tpu.memory_space<vmem_shared>>) target(%dma_start3A_15 : memref<3126x24xf32, #tpu.memory_space<hbm>>) target_semaphore(%run_scoped3A : memref<!tpu.dma_semaphore, #tpu.memory_space<semaphore_mem>>)
        %dma_wait3A = arith.constant 0 : i32
        %dma_wait3A_18 = tpu.memref_slice %arg5[%mul3A_0, %dma_wait3A] : memref<50016x48xf32, #tpu.memory_space<hbm>> -> memref<3126x24xf32, #tpu.memory_space<hbm>>
        %dma_wait3A_19 = arith.constant 0 : i32
        %dma_wait3A_20 = tpu.memref_slice %arg8[%mul3A_0, %dma_wait3A_19] : memref<50016x24xf32, #tpu.memory_space<vmem_shared>> -> memref<3126x24xf32, #tpu.memory_space<vmem_shared>>
        tpu.wait_dma2 semaphore(%run_scoped3A : memref<!tpu.dma_semaphore, #tpu.memory_space<semaphore_mem>>) src(%dma_wait3A_20 : memref<3126x24xf32, #tpu.memory_space<vmem_shared>>) dst(%dma_wait3A_18 : memref<3126x24xf32, #tpu.memory_space<hbm>>)
        tpu.yield
      }) : () -> ()
    } else {
    }
    %eq3A_3 = arith.constant 1 : i32
    %eq3A_4 = arith.cmpi eq, %arg0, %eq3A_3 : i32
    %convert_element_type3A_5 = arith.extui %eq3A_4 : i1 to i32
    %cond3A_6 = arith.constant 0 : i32
    %cond3A_7 = arith.cmpi ne, %convert_element_type3A_5, %cond3A_6 : i32
    scf.if %cond3A_7 {
      %scan3A = arith.constant 0 : i32
      %scan3A_8 = arith.constant 0 : i32
      %scan3A_9 = arith.constant 98 : i32
      %scan3A_10 = arith.addi %scan3A_8, %scan3A_9 : i32
      %scan3A_11 = arith.constant 1 : i32
      %scan3A_12 = scf.for %scan3A_15 = %scan3A_8 to %scan3A_10 step %scan3A_11 iter_args(%scan3A_16 = %scan3A) -> (i32)  : i32 {
        %mul3A_17 = arith.constant 392 : i32
        %mul3A_18 = arith.muli %arg1, %mul3A_17 : i32
        %mul3A_19 = arith.constant 4 : i32
        %mul3A_20 = arith.muli %scan3A_15, %mul3A_19 : i32
        %add3A = arith.addi %mul3A_18, %mul3A_20 : i32
        "tpu.region"() ({
          %run_scoped3A_27 = tpu.sem_alloc : memref<!tpu.dma_semaphore, #tpu.memory_space<semaphore_mem>>
          %dma_start3A = arith.constant 0 : i32
          %dma_start3A_28 = tpu.memref_slice %arg3[%add3A, %dma_start3A] : memref<6272x128xi32, #tpu.memory_space<hbm>> -> memref<4x128xi32, #tpu.memory_space<hbm>>
          %dma_start3A_29 = arith.constant 0 : i32
          %dma_start3A_30 = tpu.memref_slice %arg3[%add3A, %dma_start3A_29] : memref<6272x128xi32, #tpu.memory_space<hbm>> -> memref<4x128xi32, #tpu.memory_space<hbm>>
          tpu.enqueue_dma source(%dma_start3A_30 : memref<4x128xi32, #tpu.memory_space<hbm>>) target(%arg6 : memref<4x128xi32, #tpu.memory_space<vmem>>) target_semaphore(%run_scoped3A_27 : memref<!tpu.dma_semaphore, #tpu.memory_space<semaphore_mem>>)
          %dma_wait3A = arith.constant 0 : i32
          %dma_wait3A_31 = tpu.memref_slice %arg3[%add3A, %dma_wait3A] : memref<6272x128xi32, #tpu.memory_space<hbm>> -> memref<4x128xi32, #tpu.memory_space<hbm>>
          %dma_wait3A_32 = arith.constant 0 : i32
          %dma_wait3A_33 = tpu.memref_slice %arg3[%add3A, %dma_wait3A_32] : memref<6272x128xi32, #tpu.memory_space<hbm>> -> memref<4x128xi32, #tpu.memory_space<hbm>>
          tpu.wait_dma2 semaphore(%run_scoped3A_27 : memref<!tpu.dma_semaphore, #tpu.memory_space<semaphore_mem>>) src(%dma_wait3A_33 : memref<4x128xi32, #tpu.memory_space<hbm>>) dst(%arg6 : memref<4x128xi32, #tpu.memory_space<vmem>>)
          tpu.yield
        }) : () -> ()
        %mul3A_21 = arith.constant 128 : i32
        %mul3A_22 = arith.muli %add3A, %mul3A_21 : i32
        "tpu.region"() ({
          %run_scoped3A_27 = tpu.sem_alloc : memref<!tpu.dma_semaphore, #tpu.memory_space<semaphore_mem>>
          %dma_start3A = arith.constant 24 : i32
          %dma_start3A_28 = tpu.memref_slice %arg2[%mul3A_22, %dma_start3A] : memref<802816x48xf32, #tpu.memory_space<hbm>> -> memref<512x24xf32, #tpu.memory_space<hbm>>
          %dma_start3A_29 = arith.constant 24 : i32
          %dma_start3A_30 = tpu.memref_slice %arg2[%mul3A_22, %dma_start3A_29] : memref<802816x48xf32, #tpu.memory_space<hbm>> -> memref<512x24xf32, #tpu.memory_space<hbm>>
          tpu.enqueue_dma source(%dma_start3A_30 : memref<512x24xf32, #tpu.memory_space<hbm>>) target(%arg7 : memref<512x24xf32, #tpu.memory_space<vmem>>) target_semaphore(%run_scoped3A_27 : memref<!tpu.dma_semaphore, #tpu.memory_space<semaphore_mem>>)
          %dma_wait3A = arith.constant 24 : i32
          %dma_wait3A_31 = tpu.memref_slice %arg2[%mul3A_22, %dma_wait3A] : memref<802816x48xf32, #tpu.memory_space<hbm>> -> memref<512x24xf32, #tpu.memory_space<hbm>>
          %dma_wait3A_32 = arith.constant 24 : i32
          %dma_wait3A_33 = tpu.memref_slice %arg2[%mul3A_22, %dma_wait3A_32] : memref<802816x48xf32, #tpu.memory_space<hbm>> -> memref<512x24xf32, #tpu.memory_space<hbm>>
          tpu.wait_dma2 semaphore(%run_scoped3A_27 : memref<!tpu.dma_semaphore, #tpu.memory_space<semaphore_mem>>) src(%dma_wait3A_33 : memref<512x24xf32, #tpu.memory_space<hbm>>) dst(%arg7 : memref<512x24xf32, #tpu.memory_space<vmem>>)
          tpu.yield
        }) : () -> ()
        %run_scoped3A = arith.constant 0 : i32
        "tpu.region"() ({
          %run_scoped3A_27 = tpu.sem_alloc : memref<!tpu.dma_semaphore, #tpu.memory_space<semaphore_mem>>
          %dma_start3A = arith.constant 0 : i32
          %dma_start3A_28 = arith.constant 0 : i32
          %dma_start3A_29 = tpu.memref_slice %arg7[%dma_start3A, %dma_start3A_28] : memref<512x24xf32, #tpu.memory_space<vmem>> -> memref<128x24xf32, #tpu.memory_space<vmem>>
          %dma_start3A_30 = arith.constant 0 : i32
          %dma_start3A_31 = tpu.memref_slice %arg6[%run_scoped3A, %dma_start3A_30] : memref<4x128xi32, #tpu.memory_space<vmem>> -> memref<1x128xi32, #tpu.memory_space<vmem>>
          %dma_start3A_32 = tpu.memref_squeeze %dma_start3A_31 : memref<1x128xi32, #tpu.memory_space<vmem>> -> memref<128xi32, #tpu.memory_space<vmem>>
          %dma_start3A_33 = arith.constant 0 : i32
          %dma_start3A_34 = arith.constant 0 : i32
          %dma_start3A_35 = tpu.memref_slice %arg8[%dma_start3A_33, %dma_start3A_34] : memref<50016x24xf32, #tpu.memory_space<vmem_shared>> -> memref<50016x24xf32, #tpu.memory_space<vmem_shared>>
          tpu.enqueue_indirect_dma source(%dma_start3A_29 : memref<128x24xf32, #tpu.memory_space<vmem>>) target(%dma_start3A_35 : memref<50016x24xf32, #tpu.memory_space<vmem_shared>>) offsets(%dma_start3A_32 : memref<128xi32, #tpu.memory_space<vmem>>) semaphore(%run_scoped3A_27 : memref<!tpu.dma_semaphore, #tpu.memory_space<semaphore_mem>>) {add = true}
          %dma_wait3A = arith.constant 0 : i32
          %dma_wait3A_36 = arith.constant 0 : i32
          %dma_wait3A_37 = tpu.memref_slice %arg7[%dma_wait3A, %dma_wait3A_36] : memref<512x24xf32, #tpu.memory_space<vmem>> -> memref<128x24xf32, #tpu.memory_space<vmem>>
          %dma_wait3A_38 = arith.constant 0 : i32
          %dma_wait3A_39 = tpu.memref_slice %arg6[%run_scoped3A, %dma_wait3A_38] : memref<4x128xi32, #tpu.memory_space<vmem>> -> memref<1x128xi32, #tpu.memory_space<vmem>>
          %dma_wait3A_40 = tpu.memref_squeeze %dma_wait3A_39 : memref<1x128xi32, #tpu.memory_space<vmem>> -> memref<128xi32, #tpu.memory_space<vmem>>
          %dma_wait3A_41 = arith.constant 0 : i32
          %dma_wait3A_42 = arith.constant 0 : i32
          %dma_wait3A_43 = tpu.memref_slice %arg8[%dma_wait3A_41, %dma_wait3A_42] : memref<50016x24xf32, #tpu.memory_space<vmem_shared>> -> memref<50016x24xf32, #tpu.memory_space<vmem_shared>>
          tpu.wait_indirect_dma semaphore(%run_scoped3A_27 : memref<!tpu.dma_semaphore, #tpu.memory_space<semaphore_mem>>) src(%dma_wait3A_37 : memref<128x24xf32, #tpu.memory_space<vmem>>) dst(%dma_wait3A_43 : memref<50016x24xf32, #tpu.memory_space<vmem_shared>>)
          tpu.yield
        }) : () -> ()
        %run_scoped3A_23 = arith.constant 1 : i32
        "tpu.region"() ({
          %run_scoped3A_27 = tpu.sem_alloc : memref<!tpu.dma_semaphore, #tpu.memory_space<semaphore_mem>>
          %dma_start3A = arith.constant 128 : i32
          %dma_start3A_28 = arith.constant 0 : i32
          %dma_start3A_29 = tpu.memref_slice %arg7[%dma_start3A, %dma_start3A_28] : memref<512x24xf32, #tpu.memory_space<vmem>> -> memref<128x24xf32, #tpu.memory_space<vmem>>
          %dma_start3A_30 = arith.constant 0 : i32
          %dma_start3A_31 = tpu.memref_slice %arg6[%run_scoped3A_23, %dma_start3A_30] : memref<4x128xi32, #tpu.memory_space<vmem>> -> memref<1x128xi32, #tpu.memory_space<vmem>>
          %dma_start3A_32 = tpu.memref_squeeze %dma_start3A_31 : memref<1x128xi32, #tpu.memory_space<vmem>> -> memref<128xi32, #tpu.memory_space<vmem>>
          %dma_start3A_33 = arith.constant 0 : i32
          %dma_start3A_34 = arith.constant 0 : i32
          %dma_start3A_35 = tpu.memref_slice %arg8[%dma_start3A_33, %dma_start3A_34] : memref<50016x24xf32, #tpu.memory_space<vmem_shared>> -> memref<50016x24xf32, #tpu.memory_space<vmem_shared>>
          tpu.enqueue_indirect_dma source(%dma_start3A_29 : memref<128x24xf32, #tpu.memory_space<vmem>>) target(%dma_start3A_35 : memref<50016x24xf32, #tpu.memory_space<vmem_shared>>) offsets(%dma_start3A_32 : memref<128xi32, #tpu.memory_space<vmem>>) semaphore(%run_scoped3A_27 : memref<!tpu.dma_semaphore, #tpu.memory_space<semaphore_mem>>) {add = true}
          %dma_wait3A = arith.constant 128 : i32
          %dma_wait3A_36 = arith.constant 0 : i32
          %dma_wait3A_37 = tpu.memref_slice %arg7[%dma_wait3A, %dma_wait3A_36] : memref<512x24xf32, #tpu.memory_space<vmem>> -> memref<128x24xf32, #tpu.memory_space<vmem>>
          %dma_wait3A_38 = arith.constant 0 : i32
          %dma_wait3A_39 = tpu.memref_slice %arg6[%run_scoped3A_23, %dma_wait3A_38] : memref<4x128xi32, #tpu.memory_space<vmem>> -> memref<1x128xi32, #tpu.memory_space<vmem>>
          %dma_wait3A_40 = tpu.memref_squeeze %dma_wait3A_39 : memref<1x128xi32, #tpu.memory_space<vmem>> -> memref<128xi32, #tpu.memory_space<vmem>>
          %dma_wait3A_41 = arith.constant 0 : i32
          %dma_wait3A_42 = arith.constant 0 : i32
          %dma_wait3A_43 = tpu.memref_slice %arg8[%dma_wait3A_41, %dma_wait3A_42] : memref<50016x24xf32, #tpu.memory_space<vmem_shared>> -> memref<50016x24xf32, #tpu.memory_space<vmem_shared>>
          tpu.wait_indirect_dma semaphore(%run_scoped3A_27 : memref<!tpu.dma_semaphore, #tpu.memory_space<semaphore_mem>>) src(%dma_wait3A_37 : memref<128x24xf32, #tpu.memory_space<vmem>>) dst(%dma_wait3A_43 : memref<50016x24xf32, #tpu.memory_space<vmem_shared>>)
          tpu.yield
        }) : () -> ()
        %run_scoped3A_24 = arith.constant 2 : i32
        "tpu.region"() ({
          %run_scoped3A_27 = tpu.sem_alloc : memref<!tpu.dma_semaphore, #tpu.memory_space<semaphore_mem>>
          %dma_start3A = arith.constant 256 : i32
          %dma_start3A_28 = arith.constant 0 : i32
          %dma_start3A_29 = tpu.memref_slice %arg7[%dma_start3A, %dma_start3A_28] : memref<512x24xf32, #tpu.memory_space<vmem>> -> memref<128x24xf32, #tpu.memory_space<vmem>>
          %dma_start3A_30 = arith.constant 0 : i32
          %dma_start3A_31 = tpu.memref_slice %arg6[%run_scoped3A_24, %dma_start3A_30] : memref<4x128xi32, #tpu.memory_space<vmem>> -> memref<1x128xi32, #tpu.memory_space<vmem>>
          %dma_start3A_32 = tpu.memref_squeeze %dma_start3A_31 : memref<1x128xi32, #tpu.memory_space<vmem>> -> memref<128xi32, #tpu.memory_space<vmem>>
          %dma_start3A_33 = arith.constant 0 : i32
          %dma_start3A_34 = arith.constant 0 : i32
          %dma_start3A_35 = tpu.memref_slice %arg8[%dma_start3A_33, %dma_start3A_34] : memref<50016x24xf32, #tpu.memory_space<vmem_shared>> -> memref<50016x24xf32, #tpu.memory_space<vmem_shared>>
          tpu.enqueue_indirect_dma source(%dma_start3A_29 : memref<128x24xf32, #tpu.memory_space<vmem>>) target(%dma_start3A_35 : memref<50016x24xf32, #tpu.memory_space<vmem_shared>>) offsets(%dma_start3A_32 : memref<128xi32, #tpu.memory_space<vmem>>) semaphore(%run_scoped3A_27 : memref<!tpu.dma_semaphore, #tpu.memory_space<semaphore_mem>>) {add = true}
          %dma_wait3A = arith.constant 256 : i32
          %dma_wait3A_36 = arith.constant 0 : i32
          %dma_wait3A_37 = tpu.memref_slice %arg7[%dma_wait3A, %dma_wait3A_36] : memref<512x24xf32, #tpu.memory_space<vmem>> -> memref<128x24xf32, #tpu.memory_space<vmem>>
          %dma_wait3A_38 = arith.constant 0 : i32
          %dma_wait3A_39 = tpu.memref_slice %arg6[%run_scoped3A_24, %dma_wait3A_38] : memref<4x128xi32, #tpu.memory_space<vmem>> -> memref<1x128xi32, #tpu.memory_space<vmem>>
          %dma_wait3A_40 = tpu.memref_squeeze %dma_wait3A_39 : memref<1x128xi32, #tpu.memory_space<vmem>> -> memref<128xi32, #tpu.memory_space<vmem>>
          %dma_wait3A_41 = arith.constant 0 : i32
          %dma_wait3A_42 = arith.constant 0 : i32
          %dma_wait3A_43 = tpu.memref_slice %arg8[%dma_wait3A_41, %dma_wait3A_42] : memref<50016x24xf32, #tpu.memory_space<vmem_shared>> -> memref<50016x24xf32, #tpu.memory_space<vmem_shared>>
          tpu.wait_indirect_dma semaphore(%run_scoped3A_27 : memref<!tpu.dma_semaphore, #tpu.memory_space<semaphore_mem>>) src(%dma_wait3A_37 : memref<128x24xf32, #tpu.memory_space<vmem>>) dst(%dma_wait3A_43 : memref<50016x24xf32, #tpu.memory_space<vmem_shared>>)
          tpu.yield
        }) : () -> ()
        %run_scoped3A_25 = arith.constant 3 : i32
        "tpu.region"() ({
          %run_scoped3A_27 = tpu.sem_alloc : memref<!tpu.dma_semaphore, #tpu.memory_space<semaphore_mem>>
          %dma_start3A = arith.constant 384 : i32
          %dma_start3A_28 = arith.constant 0 : i32
          %dma_start3A_29 = tpu.memref_slice %arg7[%dma_start3A, %dma_start3A_28] : memref<512x24xf32, #tpu.memory_space<vmem>> -> memref<128x24xf32, #tpu.memory_space<vmem>>
          %dma_start3A_30 = arith.constant 0 : i32
          %dma_start3A_31 = tpu.memref_slice %arg6[%run_scoped3A_25, %dma_start3A_30] : memref<4x128xi32, #tpu.memory_space<vmem>> -> memref<1x128xi32, #tpu.memory_space<vmem>>
          %dma_start3A_32 = tpu.memref_squeeze %dma_start3A_31 : memref<1x128xi32, #tpu.memory_space<vmem>> -> memref<128xi32, #tpu.memory_space<vmem>>
          %dma_start3A_33 = arith.constant 0 : i32
          %dma_start3A_34 = arith.constant 0 : i32
          %dma_start3A_35 = tpu.memref_slice %arg8[%dma_start3A_33, %dma_start3A_34] : memref<50016x24xf32, #tpu.memory_space<vmem_shared>> -> memref<50016x24xf32, #tpu.memory_space<vmem_shared>>
          tpu.enqueue_indirect_dma source(%dma_start3A_29 : memref<128x24xf32, #tpu.memory_space<vmem>>) target(%dma_start3A_35 : memref<50016x24xf32, #tpu.memory_space<vmem_shared>>) offsets(%dma_start3A_32 : memref<128xi32, #tpu.memory_space<vmem>>) semaphore(%run_scoped3A_27 : memref<!tpu.dma_semaphore, #tpu.memory_space<semaphore_mem>>) {add = true}
          %dma_wait3A = arith.constant 384 : i32
          %dma_wait3A_36 = arith.constant 0 : i32
          %dma_wait3A_37 = tpu.memref_slice %arg7[%dma_wait3A, %dma_wait3A_36] : memref<512x24xf32, #tpu.memory_space<vmem>> -> memref<128x24xf32, #tpu.memory_space<vmem>>
          %dma_wait3A_38 = arith.constant 0 : i32
          %dma_wait3A_39 = tpu.memref_slice %arg6[%run_scoped3A_25, %dma_wait3A_38] : memref<4x128xi32, #tpu.memory_space<vmem>> -> memref<1x128xi32, #tpu.memory_space<vmem>>
          %dma_wait3A_40 = tpu.memref_squeeze %dma_wait3A_39 : memref<1x128xi32, #tpu.memory_space<vmem>> -> memref<128xi32, #tpu.memory_space<vmem>>
          %dma_wait3A_41 = arith.constant 0 : i32
          %dma_wait3A_42 = arith.constant 0 : i32
          %dma_wait3A_43 = tpu.memref_slice %arg8[%dma_wait3A_41, %dma_wait3A_42] : memref<50016x24xf32, #tpu.memory_space<vmem_shared>> -> memref<50016x24xf32, #tpu.memory_space<vmem_shared>>
          tpu.wait_indirect_dma semaphore(%run_scoped3A_27 : memref<!tpu.dma_semaphore, #tpu.memory_space<semaphore_mem>>) src(%dma_wait3A_37 : memref<128x24xf32, #tpu.memory_space<vmem>>) dst(%dma_wait3A_43 : memref<50016x24xf32, #tpu.memory_space<vmem_shared>>)
          tpu.yield
        }) : () -> ()
        %scan3A_26 = arith.constant 0 : i32
        scf.yield %scan3A_26 : i32
      }
      %scan3A_13 = arith.constant 98 : i32
      %barrier3A_14 = arith.constant 0 : index
      tpu.barrier barrier_id(%barrier3A_14)
      "tpu.region"() ({
        %run_scoped3A = tpu.sem_alloc : memref<!tpu.dma_semaphore, #tpu.memory_space<semaphore_mem>>
        %dma_start3A = arith.constant 24 : i32
        %dma_start3A_15 = tpu.memref_slice %arg5[%mul3A_0, %dma_start3A] : memref<50016x48xf32, #tpu.memory_space<hbm>> -> memref<3126x24xf32, #tpu.memory_space<hbm>>
        %dma_start3A_16 = arith.constant 0 : i32
        %dma_start3A_17 = tpu.memref_slice %arg8[%mul3A_0, %dma_start3A_16] : memref<50016x24xf32, #tpu.memory_space<vmem_shared>> -> memref<3126x24xf32, #tpu.memory_space<vmem_shared>>
        tpu.enqueue_dma source(%dma_start3A_17 : memref<3126x24xf32, #tpu.memory_space<vmem_shared>>) target(%dma_start3A_15 : memref<3126x24xf32, #tpu.memory_space<hbm>>) target_semaphore(%run_scoped3A : memref<!tpu.dma_semaphore, #tpu.memory_space<semaphore_mem>>)
        %dma_wait3A = arith.constant 24 : i32
        %dma_wait3A_18 = tpu.memref_slice %arg5[%mul3A_0, %dma_wait3A] : memref<50016x48xf32, #tpu.memory_space<hbm>> -> memref<3126x24xf32, #tpu.memory_space<hbm>>
        %dma_wait3A_19 = arith.constant 0 : i32
        %dma_wait3A_20 = tpu.memref_slice %arg8[%mul3A_0, %dma_wait3A_19] : memref<50016x24xf32, #tpu.memory_space<vmem_shared>> -> memref<3126x24xf32, #tpu.memory_space<vmem_shared>>
        tpu.wait_dma2 semaphore(%run_scoped3A : memref<!tpu.dma_semaphore, #tpu.memory_space<semaphore_mem>>) src(%dma_wait3A_20 : memref<3126x24xf32, #tpu.memory_space<vmem_shared>>) dst(%dma_wait3A_18 : memref<3126x24xf32, #tpu.memory_space<hbm>>)
        tpu.yield
      }) : () -> ()
    } else {
    }
    return
  }
}

#map = affine_map<(d0, d1) -> (0, 0)>
module attributes {stable_mosaic.version = 14 : i64} {
  func.func @body(%arg0: i32, %arg1: i32, %arg2: memref<50000x24xf32, #tpu.memory_space<hbm>>, %arg3: memref<6272x128xi32, #tpu.memory_space<hbm>>, %arg4: memref<6272x128xi32, #tpu.memory_space<hbm>>, %arg5: memref<802816x24xf32, #tpu.memory_space<hbm>>, %arg6: memref<802816x24xf32, #tpu.memory_space<hbm>>, %arg7: memref<4x128xi32, #tpu.memory_space<vmem>>, %arg8: memref<512x24xf32, #tpu.memory_space<vmem>>, %arg9: memref<!tpu.dma_semaphore, #tpu.memory_space<semaphore_mem>>) attributes {dimension_semantics = [#tpu.dimension_semantics<core_parallel>, #tpu.dimension_semantics<subcore_parallel>], iteration_bounds = array<i64: 2, 16>, scalar_prefetch = 0 : i64, scratch_operands = 3 : i64, tpu.core_type = #tpu.core_type<sc_vector_subcore>, window_params = [{transform_indices = #map}, {transform_indices = #map}, {transform_indices = #map}, {transform_indices = #map}, {transform_indices = #map}]} {
    %mul3A = arith.constant 2 : i32
    %mul3A_0 = arith.muli %arg1, %mul3A : i32
    %add3A = arith.addi %mul3A_0, %arg0 : i32
    %scan3A = arith.constant 0 : i32
    %scan3A_1 = arith.constant 0 : i32
    %scan3A_2 = arith.constant 49 : i32
    %scan3A_3 = arith.addi %scan3A_1, %scan3A_2 : i32
    %scan3A_4 = arith.constant 1 : i32
    %scan3A_5 = scf.for %scan3A_7 = %scan3A_1 to %scan3A_3 step %scan3A_4 iter_args(%scan3A_8 = %scan3A) -> (i32)  : i32 {
      %mul3A_9 = arith.constant 196 : i32
      %mul3A_10 = arith.muli %add3A, %mul3A_9 : i32
      %mul3A_11 = arith.constant 4 : i32
      %mul3A_12 = arith.muli %scan3A_7, %mul3A_11 : i32
      %add3A_13 = arith.addi %mul3A_10, %mul3A_12 : i32
      "tpu.region"() ({
        %run_scoped3A = tpu.sem_alloc : memref<!tpu.dma_semaphore, #tpu.memory_space<semaphore_mem>>
        %dma_start3A_182 = arith.constant 0 : i32
        %dma_start3A_183 = tpu.memref_slice %arg3[%add3A_13, %dma_start3A_182] : memref<6272x128xi32, #tpu.memory_space<hbm>> -> memref<4x128xi32, #tpu.memory_space<hbm>>
        %dma_start3A_184 = arith.constant 0 : i32
        %dma_start3A_185 = tpu.memref_slice %arg3[%add3A_13, %dma_start3A_184] : memref<6272x128xi32, #tpu.memory_space<hbm>> -> memref<4x128xi32, #tpu.memory_space<hbm>>
        tpu.enqueue_dma source(%dma_start3A_185 : memref<4x128xi32, #tpu.memory_space<hbm>>) target(%arg7 : memref<4x128xi32, #tpu.memory_space<vmem>>) target_semaphore(%run_scoped3A : memref<!tpu.dma_semaphore, #tpu.memory_space<semaphore_mem>>)
        %dma_wait3A_186 = arith.constant 0 : i32
        %dma_wait3A_187 = tpu.memref_slice %arg3[%add3A_13, %dma_wait3A_186] : memref<6272x128xi32, #tpu.memory_space<hbm>> -> memref<4x128xi32, #tpu.memory_space<hbm>>
        %dma_wait3A_188 = arith.constant 0 : i32
        %dma_wait3A_189 = tpu.memref_slice %arg3[%add3A_13, %dma_wait3A_188] : memref<6272x128xi32, #tpu.memory_space<hbm>> -> memref<4x128xi32, #tpu.memory_space<hbm>>
        tpu.wait_dma2 semaphore(%run_scoped3A : memref<!tpu.dma_semaphore, #tpu.memory_space<semaphore_mem>>) src(%dma_wait3A_189 : memref<4x128xi32, #tpu.memory_space<hbm>>) dst(%arg7 : memref<4x128xi32, #tpu.memory_space<vmem>>)
        tpu.yield
      }) : () -> ()
      %dma_start3A = arith.constant 0 : i32
      %dma_start3A_14 = arith.constant 0 : i32
      %dma_start3A_15 = arith.constant 0 : i32
      %dma_start3A_16 = tpu.memref_slice %arg8[%dma_start3A_14, %dma_start3A_15] : memref<512x24xf32, #tpu.memory_space<vmem>> -> memref<128x24xf32, #tpu.memory_space<vmem>>
      %dma_start3A_17 = arith.constant 0 : i32
      %dma_start3A_18 = tpu.memref_slice %arg7[%dma_start3A, %dma_start3A_17] : memref<4x128xi32, #tpu.memory_space<vmem>> -> memref<1x128xi32, #tpu.memory_space<vmem>>
      %dma_start3A_19 = tpu.memref_squeeze %dma_start3A_18 : memref<1x128xi32, #tpu.memory_space<vmem>> -> memref<128xi32, #tpu.memory_space<vmem>>
      %dma_start3A_20 = arith.constant 0 : i32
      %dma_start3A_21 = arith.constant 0 : i32
      %dma_start3A_22 = tpu.memref_slice %arg2[%dma_start3A_20, %dma_start3A_21] : memref<50000x24xf32, #tpu.memory_space<hbm>> -> memref<50000x24xf32, #tpu.memory_space<hbm>>
      tpu.enqueue_indirect_dma source(%dma_start3A_22 : memref<50000x24xf32, #tpu.memory_space<hbm>>) target(%dma_start3A_16 : memref<128x24xf32, #tpu.memory_space<vmem>>) offsets(%dma_start3A_19 : memref<128xi32, #tpu.memory_space<vmem>>) semaphore(%arg9 : memref<!tpu.dma_semaphore, #tpu.memory_space<semaphore_mem>>)
      %dma_start3A_23 = arith.constant 1 : i32
      %dma_start3A_24 = arith.constant 128 : i32
      %dma_start3A_25 = arith.constant 0 : i32
      %dma_start3A_26 = tpu.memref_slice %arg8[%dma_start3A_24, %dma_start3A_25] : memref<512x24xf32, #tpu.memory_space<vmem>> -> memref<128x24xf32, #tpu.memory_space<vmem>>
      %dma_start3A_27 = arith.constant 0 : i32
      %dma_start3A_28 = tpu.memref_slice %arg7[%dma_start3A_23, %dma_start3A_27] : memref<4x128xi32, #tpu.memory_space<vmem>> -> memref<1x128xi32, #tpu.memory_space<vmem>>
      %dma_start3A_29 = tpu.memref_squeeze %dma_start3A_28 : memref<1x128xi32, #tpu.memory_space<vmem>> -> memref<128xi32, #tpu.memory_space<vmem>>
      %dma_start3A_30 = arith.constant 0 : i32
      %dma_start3A_31 = arith.constant 0 : i32
      %dma_start3A_32 = tpu.memref_slice %arg2[%dma_start3A_30, %dma_start3A_31] : memref<50000x24xf32, #tpu.memory_space<hbm>> -> memref<50000x24xf32, #tpu.memory_space<hbm>>
      tpu.enqueue_indirect_dma source(%dma_start3A_32 : memref<50000x24xf32, #tpu.memory_space<hbm>>) target(%dma_start3A_26 : memref<128x24xf32, #tpu.memory_space<vmem>>) offsets(%dma_start3A_29 : memref<128xi32, #tpu.memory_space<vmem>>) semaphore(%arg9 : memref<!tpu.dma_semaphore, #tpu.memory_space<semaphore_mem>>)
      %dma_start3A_33 = arith.constant 2 : i32
      %dma_start3A_34 = arith.constant 256 : i32
      %dma_start3A_35 = arith.constant 0 : i32
      %dma_start3A_36 = tpu.memref_slice %arg8[%dma_start3A_34, %dma_start3A_35] : memref<512x24xf32, #tpu.memory_space<vmem>> -> memref<128x24xf32, #tpu.memory_space<vmem>>
      %dma_start3A_37 = arith.constant 0 : i32
      %dma_start3A_38 = tpu.memref_slice %arg7[%dma_start3A_33, %dma_start3A_37] : memref<4x128xi32, #tpu.memory_space<vmem>> -> memref<1x128xi32, #tpu.memory_space<vmem>>
      %dma_start3A_39 = tpu.memref_squeeze %dma_start3A_38 : memref<1x128xi32, #tpu.memory_space<vmem>> -> memref<128xi32, #tpu.memory_space<vmem>>
      %dma_start3A_40 = arith.constant 0 : i32
      %dma_start3A_41 = arith.constant 0 : i32
      %dma_start3A_42 = tpu.memref_slice %arg2[%dma_start3A_40, %dma_start3A_41] : memref<50000x24xf32, #tpu.memory_space<hbm>> -> memref<50000x24xf32, #tpu.memory_space<hbm>>
      tpu.enqueue_indirect_dma source(%dma_start3A_42 : memref<50000x24xf32, #tpu.memory_space<hbm>>) target(%dma_start3A_36 : memref<128x24xf32, #tpu.memory_space<vmem>>) offsets(%dma_start3A_39 : memref<128xi32, #tpu.memory_space<vmem>>) semaphore(%arg9 : memref<!tpu.dma_semaphore, #tpu.memory_space<semaphore_mem>>)
      %dma_start3A_43 = arith.constant 3 : i32
      %dma_start3A_44 = arith.constant 384 : i32
      %dma_start3A_45 = arith.constant 0 : i32
      %dma_start3A_46 = tpu.memref_slice %arg8[%dma_start3A_44, %dma_start3A_45] : memref<512x24xf32, #tpu.memory_space<vmem>> -> memref<128x24xf32, #tpu.memory_space<vmem>>
      %dma_start3A_47 = arith.constant 0 : i32
      %dma_start3A_48 = tpu.memref_slice %arg7[%dma_start3A_43, %dma_start3A_47] : memref<4x128xi32, #tpu.memory_space<vmem>> -> memref<1x128xi32, #tpu.memory_space<vmem>>
      %dma_start3A_49 = tpu.memref_squeeze %dma_start3A_48 : memref<1x128xi32, #tpu.memory_space<vmem>> -> memref<128xi32, #tpu.memory_space<vmem>>
      %dma_start3A_50 = arith.constant 0 : i32
      %dma_start3A_51 = arith.constant 0 : i32
      %dma_start3A_52 = tpu.memref_slice %arg2[%dma_start3A_50, %dma_start3A_51] : memref<50000x24xf32, #tpu.memory_space<hbm>> -> memref<50000x24xf32, #tpu.memory_space<hbm>>
      tpu.enqueue_indirect_dma source(%dma_start3A_52 : memref<50000x24xf32, #tpu.memory_space<hbm>>) target(%dma_start3A_46 : memref<128x24xf32, #tpu.memory_space<vmem>>) offsets(%dma_start3A_49 : memref<128xi32, #tpu.memory_space<vmem>>) semaphore(%arg9 : memref<!tpu.dma_semaphore, #tpu.memory_space<semaphore_mem>>)
      %dma_wait3A = arith.constant 0 : i32
      %dma_wait3A_53 = arith.constant 0 : i32
      %dma_wait3A_54 = arith.constant 0 : i32
      %dma_wait3A_55 = tpu.memref_slice %arg8[%dma_wait3A_53, %dma_wait3A_54] : memref<512x24xf32, #tpu.memory_space<vmem>> -> memref<128x24xf32, #tpu.memory_space<vmem>>
      %dma_wait3A_56 = arith.constant 0 : i32
      %dma_wait3A_57 = tpu.memref_slice %arg7[%dma_wait3A, %dma_wait3A_56] : memref<4x128xi32, #tpu.memory_space<vmem>> -> memref<1x128xi32, #tpu.memory_space<vmem>>
      %dma_wait3A_58 = tpu.memref_squeeze %dma_wait3A_57 : memref<1x128xi32, #tpu.memory_space<vmem>> -> memref<128xi32, #tpu.memory_space<vmem>>
      %dma_wait3A_59 = arith.constant 0 : i32
      %dma_wait3A_60 = arith.constant 0 : i32
      %dma_wait3A_61 = tpu.memref_slice %arg2[%dma_wait3A_59, %dma_wait3A_60] : memref<50000x24xf32, #tpu.memory_space<hbm>> -> memref<50000x24xf32, #tpu.memory_space<hbm>>
      tpu.wait_indirect_dma semaphore(%arg9 : memref<!tpu.dma_semaphore, #tpu.memory_space<semaphore_mem>>) src(%dma_wait3A_61 : memref<50000x24xf32, #tpu.memory_space<hbm>>) dst(%dma_wait3A_55 : memref<128x24xf32, #tpu.memory_space<vmem>>)
      %dma_wait3A_62 = arith.constant 1 : i32
      %dma_wait3A_63 = arith.constant 128 : i32
      %dma_wait3A_64 = arith.constant 0 : i32
      %dma_wait3A_65 = tpu.memref_slice %arg8[%dma_wait3A_63, %dma_wait3A_64] : memref<512x24xf32, #tpu.memory_space<vmem>> -> memref<128x24xf32, #tpu.memory_space<vmem>>
      %dma_wait3A_66 = arith.constant 0 : i32
      %dma_wait3A_67 = tpu.memref_slice %arg7[%dma_wait3A_62, %dma_wait3A_66] : memref<4x128xi32, #tpu.memory_space<vmem>> -> memref<1x128xi32, #tpu.memory_space<vmem>>
      %dma_wait3A_68 = tpu.memref_squeeze %dma_wait3A_67 : memref<1x128xi32, #tpu.memory_space<vmem>> -> memref<128xi32, #tpu.memory_space<vmem>>
      %dma_wait3A_69 = arith.constant 0 : i32
      %dma_wait3A_70 = arith.constant 0 : i32
      %dma_wait3A_71 = tpu.memref_slice %arg2[%dma_wait3A_69, %dma_wait3A_70] : memref<50000x24xf32, #tpu.memory_space<hbm>> -> memref<50000x24xf32, #tpu.memory_space<hbm>>
      tpu.wait_indirect_dma semaphore(%arg9 : memref<!tpu.dma_semaphore, #tpu.memory_space<semaphore_mem>>) src(%dma_wait3A_71 : memref<50000x24xf32, #tpu.memory_space<hbm>>) dst(%dma_wait3A_65 : memref<128x24xf32, #tpu.memory_space<vmem>>)
      %dma_wait3A_72 = arith.constant 2 : i32
      %dma_wait3A_73 = arith.constant 256 : i32
      %dma_wait3A_74 = arith.constant 0 : i32
      %dma_wait3A_75 = tpu.memref_slice %arg8[%dma_wait3A_73, %dma_wait3A_74] : memref<512x24xf32, #tpu.memory_space<vmem>> -> memref<128x24xf32, #tpu.memory_space<vmem>>
      %dma_wait3A_76 = arith.constant 0 : i32
      %dma_wait3A_77 = tpu.memref_slice %arg7[%dma_wait3A_72, %dma_wait3A_76] : memref<4x128xi32, #tpu.memory_space<vmem>> -> memref<1x128xi32, #tpu.memory_space<vmem>>
      %dma_wait3A_78 = tpu.memref_squeeze %dma_wait3A_77 : memref<1x128xi32, #tpu.memory_space<vmem>> -> memref<128xi32, #tpu.memory_space<vmem>>
      %dma_wait3A_79 = arith.constant 0 : i32
      %dma_wait3A_80 = arith.constant 0 : i32
      %dma_wait3A_81 = tpu.memref_slice %arg2[%dma_wait3A_79, %dma_wait3A_80] : memref<50000x24xf32, #tpu.memory_space<hbm>> -> memref<50000x24xf32, #tpu.memory_space<hbm>>
      tpu.wait_indirect_dma semaphore(%arg9 : memref<!tpu.dma_semaphore, #tpu.memory_space<semaphore_mem>>) src(%dma_wait3A_81 : memref<50000x24xf32, #tpu.memory_space<hbm>>) dst(%dma_wait3A_75 : memref<128x24xf32, #tpu.memory_space<vmem>>)
      %dma_wait3A_82 = arith.constant 3 : i32
      %dma_wait3A_83 = arith.constant 384 : i32
      %dma_wait3A_84 = arith.constant 0 : i32
      %dma_wait3A_85 = tpu.memref_slice %arg8[%dma_wait3A_83, %dma_wait3A_84] : memref<512x24xf32, #tpu.memory_space<vmem>> -> memref<128x24xf32, #tpu.memory_space<vmem>>
      %dma_wait3A_86 = arith.constant 0 : i32
      %dma_wait3A_87 = tpu.memref_slice %arg7[%dma_wait3A_82, %dma_wait3A_86] : memref<4x128xi32, #tpu.memory_space<vmem>> -> memref<1x128xi32, #tpu.memory_space<vmem>>
      %dma_wait3A_88 = tpu.memref_squeeze %dma_wait3A_87 : memref<1x128xi32, #tpu.memory_space<vmem>> -> memref<128xi32, #tpu.memory_space<vmem>>
      %dma_wait3A_89 = arith.constant 0 : i32
      %dma_wait3A_90 = arith.constant 0 : i32
      %dma_wait3A_91 = tpu.memref_slice %arg2[%dma_wait3A_89, %dma_wait3A_90] : memref<50000x24xf32, #tpu.memory_space<hbm>> -> memref<50000x24xf32, #tpu.memory_space<hbm>>
      tpu.wait_indirect_dma semaphore(%arg9 : memref<!tpu.dma_semaphore, #tpu.memory_space<semaphore_mem>>) src(%dma_wait3A_91 : memref<50000x24xf32, #tpu.memory_space<hbm>>) dst(%dma_wait3A_85 : memref<128x24xf32, #tpu.memory_space<vmem>>)
      %mul3A_92 = arith.constant 128 : i32
      %mul3A_93 = arith.muli %add3A_13, %mul3A_92 : i32
      "tpu.region"() ({
        %run_scoped3A = tpu.sem_alloc : memref<!tpu.dma_semaphore, #tpu.memory_space<semaphore_mem>>
        %dma_start3A_182 = arith.constant 0 : i32
        %dma_start3A_183 = tpu.memref_slice %arg5[%mul3A_93, %dma_start3A_182] : memref<802816x24xf32, #tpu.memory_space<hbm>> -> memref<512x24xf32, #tpu.memory_space<hbm>>
        %dma_start3A_184 = arith.constant 0 : i32
        %dma_start3A_185 = tpu.memref_slice %arg5[%mul3A_93, %dma_start3A_184] : memref<802816x24xf32, #tpu.memory_space<hbm>> -> memref<512x24xf32, #tpu.memory_space<hbm>>
        tpu.enqueue_dma source(%arg8 : memref<512x24xf32, #tpu.memory_space<vmem>>) target(%dma_start3A_185 : memref<512x24xf32, #tpu.memory_space<hbm>>) target_semaphore(%run_scoped3A : memref<!tpu.dma_semaphore, #tpu.memory_space<semaphore_mem>>)
        %dma_wait3A_186 = arith.constant 0 : i32
        %dma_wait3A_187 = tpu.memref_slice %arg5[%mul3A_93, %dma_wait3A_186] : memref<802816x24xf32, #tpu.memory_space<hbm>> -> memref<512x24xf32, #tpu.memory_space<hbm>>
        %dma_wait3A_188 = arith.constant 0 : i32
        %dma_wait3A_189 = tpu.memref_slice %arg5[%mul3A_93, %dma_wait3A_188] : memref<802816x24xf32, #tpu.memory_space<hbm>> -> memref<512x24xf32, #tpu.memory_space<hbm>>
        tpu.wait_dma2 semaphore(%run_scoped3A : memref<!tpu.dma_semaphore, #tpu.memory_space<semaphore_mem>>) src(%arg8 : memref<512x24xf32, #tpu.memory_space<vmem>>) dst(%dma_wait3A_189 : memref<512x24xf32, #tpu.memory_space<hbm>>)
        tpu.yield
      }) : () -> ()
      %mul3A_94 = arith.constant 196 : i32
      %mul3A_95 = arith.muli %add3A, %mul3A_94 : i32
      %mul3A_96 = arith.constant 4 : i32
      %mul3A_97 = arith.muli %scan3A_7, %mul3A_96 : i32
      %add3A_98 = arith.addi %mul3A_95, %mul3A_97 : i32
      "tpu.region"() ({
        %run_scoped3A = tpu.sem_alloc : memref<!tpu.dma_semaphore, #tpu.memory_space<semaphore_mem>>
        %dma_start3A_182 = arith.constant 0 : i32
        %dma_start3A_183 = tpu.memref_slice %arg4[%add3A_98, %dma_start3A_182] : memref<6272x128xi32, #tpu.memory_space<hbm>> -> memref<4x128xi32, #tpu.memory_space<hbm>>
        %dma_start3A_184 = arith.constant 0 : i32
        %dma_start3A_185 = tpu.memref_slice %arg4[%add3A_98, %dma_start3A_184] : memref<6272x128xi32, #tpu.memory_space<hbm>> -> memref<4x128xi32, #tpu.memory_space<hbm>>
        tpu.enqueue_dma source(%dma_start3A_185 : memref<4x128xi32, #tpu.memory_space<hbm>>) target(%arg7 : memref<4x128xi32, #tpu.memory_space<vmem>>) target_semaphore(%run_scoped3A : memref<!tpu.dma_semaphore, #tpu.memory_space<semaphore_mem>>)
        %dma_wait3A_186 = arith.constant 0 : i32
        %dma_wait3A_187 = tpu.memref_slice %arg4[%add3A_98, %dma_wait3A_186] : memref<6272x128xi32, #tpu.memory_space<hbm>> -> memref<4x128xi32, #tpu.memory_space<hbm>>
        %dma_wait3A_188 = arith.constant 0 : i32
        %dma_wait3A_189 = tpu.memref_slice %arg4[%add3A_98, %dma_wait3A_188] : memref<6272x128xi32, #tpu.memory_space<hbm>> -> memref<4x128xi32, #tpu.memory_space<hbm>>
        tpu.wait_dma2 semaphore(%run_scoped3A : memref<!tpu.dma_semaphore, #tpu.memory_space<semaphore_mem>>) src(%dma_wait3A_189 : memref<4x128xi32, #tpu.memory_space<hbm>>) dst(%arg7 : memref<4x128xi32, #tpu.memory_space<vmem>>)
        tpu.yield
      }) : () -> ()
      %dma_start3A_99 = arith.constant 0 : i32
      %dma_start3A_100 = arith.constant 0 : i32
      %dma_start3A_101 = arith.constant 0 : i32
      %dma_start3A_102 = tpu.memref_slice %arg8[%dma_start3A_100, %dma_start3A_101] : memref<512x24xf32, #tpu.memory_space<vmem>> -> memref<128x24xf32, #tpu.memory_space<vmem>>
      %dma_start3A_103 = arith.constant 0 : i32
      %dma_start3A_104 = tpu.memref_slice %arg7[%dma_start3A_99, %dma_start3A_103] : memref<4x128xi32, #tpu.memory_space<vmem>> -> memref<1x128xi32, #tpu.memory_space<vmem>>
      %dma_start3A_105 = tpu.memref_squeeze %dma_start3A_104 : memref<1x128xi32, #tpu.memory_space<vmem>> -> memref<128xi32, #tpu.memory_space<vmem>>
      %dma_start3A_106 = arith.constant 0 : i32
      %dma_start3A_107 = arith.constant 0 : i32
      %dma_start3A_108 = tpu.memref_slice %arg2[%dma_start3A_106, %dma_start3A_107] : memref<50000x24xf32, #tpu.memory_space<hbm>> -> memref<50000x24xf32, #tpu.memory_space<hbm>>
      tpu.enqueue_indirect_dma source(%dma_start3A_108 : memref<50000x24xf32, #tpu.memory_space<hbm>>) target(%dma_start3A_102 : memref<128x24xf32, #tpu.memory_space<vmem>>) offsets(%dma_start3A_105 : memref<128xi32, #tpu.memory_space<vmem>>) semaphore(%arg9 : memref<!tpu.dma_semaphore, #tpu.memory_space<semaphore_mem>>)
      %dma_start3A_109 = arith.constant 1 : i32
      %dma_start3A_110 = arith.constant 128 : i32
      %dma_start3A_111 = arith.constant 0 : i32
      %dma_start3A_112 = tpu.memref_slice %arg8[%dma_start3A_110, %dma_start3A_111] : memref<512x24xf32, #tpu.memory_space<vmem>> -> memref<128x24xf32, #tpu.memory_space<vmem>>
      %dma_start3A_113 = arith.constant 0 : i32
      %dma_start3A_114 = tpu.memref_slice %arg7[%dma_start3A_109, %dma_start3A_113] : memref<4x128xi32, #tpu.memory_space<vmem>> -> memref<1x128xi32, #tpu.memory_space<vmem>>
      %dma_start3A_115 = tpu.memref_squeeze %dma_start3A_114 : memref<1x128xi32, #tpu.memory_space<vmem>> -> memref<128xi32, #tpu.memory_space<vmem>>
      %dma_start3A_116 = arith.constant 0 : i32
      %dma_start3A_117 = arith.constant 0 : i32
      %dma_start3A_118 = tpu.memref_slice %arg2[%dma_start3A_116, %dma_start3A_117] : memref<50000x24xf32, #tpu.memory_space<hbm>> -> memref<50000x24xf32, #tpu.memory_space<hbm>>
      tpu.enqueue_indirect_dma source(%dma_start3A_118 : memref<50000x24xf32, #tpu.memory_space<hbm>>) target(%dma_start3A_112 : memref<128x24xf32, #tpu.memory_space<vmem>>) offsets(%dma_start3A_115 : memref<128xi32, #tpu.memory_space<vmem>>) semaphore(%arg9 : memref<!tpu.dma_semaphore, #tpu.memory_space<semaphore_mem>>)
      %dma_start3A_119 = arith.constant 2 : i32
      %dma_start3A_120 = arith.constant 256 : i32
      %dma_start3A_121 = arith.constant 0 : i32
      %dma_start3A_122 = tpu.memref_slice %arg8[%dma_start3A_120, %dma_start3A_121] : memref<512x24xf32, #tpu.memory_space<vmem>> -> memref<128x24xf32, #tpu.memory_space<vmem>>
      %dma_start3A_123 = arith.constant 0 : i32
      %dma_start3A_124 = tpu.memref_slice %arg7[%dma_start3A_119, %dma_start3A_123] : memref<4x128xi32, #tpu.memory_space<vmem>> -> memref<1x128xi32, #tpu.memory_space<vmem>>
      %dma_start3A_125 = tpu.memref_squeeze %dma_start3A_124 : memref<1x128xi32, #tpu.memory_space<vmem>> -> memref<128xi32, #tpu.memory_space<vmem>>
      %dma_start3A_126 = arith.constant 0 : i32
      %dma_start3A_127 = arith.constant 0 : i32
      %dma_start3A_128 = tpu.memref_slice %arg2[%dma_start3A_126, %dma_start3A_127] : memref<50000x24xf32, #tpu.memory_space<hbm>> -> memref<50000x24xf32, #tpu.memory_space<hbm>>
      tpu.enqueue_indirect_dma source(%dma_start3A_128 : memref<50000x24xf32, #tpu.memory_space<hbm>>) target(%dma_start3A_122 : memref<128x24xf32, #tpu.memory_space<vmem>>) offsets(%dma_start3A_125 : memref<128xi32, #tpu.memory_space<vmem>>) semaphore(%arg9 : memref<!tpu.dma_semaphore, #tpu.memory_space<semaphore_mem>>)
      %dma_start3A_129 = arith.constant 3 : i32
      %dma_start3A_130 = arith.constant 384 : i32
      %dma_start3A_131 = arith.constant 0 : i32
      %dma_start3A_132 = tpu.memref_slice %arg8[%dma_start3A_130, %dma_start3A_131] : memref<512x24xf32, #tpu.memory_space<vmem>> -> memref<128x24xf32, #tpu.memory_space<vmem>>
      %dma_start3A_133 = arith.constant 0 : i32
      %dma_start3A_134 = tpu.memref_slice %arg7[%dma_start3A_129, %dma_start3A_133] : memref<4x128xi32, #tpu.memory_space<vmem>> -> memref<1x128xi32, #tpu.memory_space<vmem>>
      %dma_start3A_135 = tpu.memref_squeeze %dma_start3A_134 : memref<1x128xi32, #tpu.memory_space<vmem>> -> memref<128xi32, #tpu.memory_space<vmem>>
      %dma_start3A_136 = arith.constant 0 : i32
      %dma_start3A_137 = arith.constant 0 : i32
      %dma_start3A_138 = tpu.memref_slice %arg2[%dma_start3A_136, %dma_start3A_137] : memref<50000x24xf32, #tpu.memory_space<hbm>> -> memref<50000x24xf32, #tpu.memory_space<hbm>>
      tpu.enqueue_indirect_dma source(%dma_start3A_138 : memref<50000x24xf32, #tpu.memory_space<hbm>>) target(%dma_start3A_132 : memref<128x24xf32, #tpu.memory_space<vmem>>) offsets(%dma_start3A_135 : memref<128xi32, #tpu.memory_space<vmem>>) semaphore(%arg9 : memref<!tpu.dma_semaphore, #tpu.memory_space<semaphore_mem>>)
      %dma_wait3A_139 = arith.constant 0 : i32
      %dma_wait3A_140 = arith.constant 0 : i32
      %dma_wait3A_141 = arith.constant 0 : i32
      %dma_wait3A_142 = tpu.memref_slice %arg8[%dma_wait3A_140, %dma_wait3A_141] : memref<512x24xf32, #tpu.memory_space<vmem>> -> memref<128x24xf32, #tpu.memory_space<vmem>>
      %dma_wait3A_143 = arith.constant 0 : i32
      %dma_wait3A_144 = tpu.memref_slice %arg7[%dma_wait3A_139, %dma_wait3A_143] : memref<4x128xi32, #tpu.memory_space<vmem>> -> memref<1x128xi32, #tpu.memory_space<vmem>>
      %dma_wait3A_145 = tpu.memref_squeeze %dma_wait3A_144 : memref<1x128xi32, #tpu.memory_space<vmem>> -> memref<128xi32, #tpu.memory_space<vmem>>
      %dma_wait3A_146 = arith.constant 0 : i32
      %dma_wait3A_147 = arith.constant 0 : i32
      %dma_wait3A_148 = tpu.memref_slice %arg2[%dma_wait3A_146, %dma_wait3A_147] : memref<50000x24xf32, #tpu.memory_space<hbm>> -> memref<50000x24xf32, #tpu.memory_space<hbm>>
      tpu.wait_indirect_dma semaphore(%arg9 : memref<!tpu.dma_semaphore, #tpu.memory_space<semaphore_mem>>) src(%dma_wait3A_148 : memref<50000x24xf32, #tpu.memory_space<hbm>>) dst(%dma_wait3A_142 : memref<128x24xf32, #tpu.memory_space<vmem>>)
      %dma_wait3A_149 = arith.constant 1 : i32
      %dma_wait3A_150 = arith.constant 128 : i32
      %dma_wait3A_151 = arith.constant 0 : i32
      %dma_wait3A_152 = tpu.memref_slice %arg8[%dma_wait3A_150, %dma_wait3A_151] : memref<512x24xf32, #tpu.memory_space<vmem>> -> memref<128x24xf32, #tpu.memory_space<vmem>>
      %dma_wait3A_153 = arith.constant 0 : i32
      %dma_wait3A_154 = tpu.memref_slice %arg7[%dma_wait3A_149, %dma_wait3A_153] : memref<4x128xi32, #tpu.memory_space<vmem>> -> memref<1x128xi32, #tpu.memory_space<vmem>>
      %dma_wait3A_155 = tpu.memref_squeeze %dma_wait3A_154 : memref<1x128xi32, #tpu.memory_space<vmem>> -> memref<128xi32, #tpu.memory_space<vmem>>
      %dma_wait3A_156 = arith.constant 0 : i32
      %dma_wait3A_157 = arith.constant 0 : i32
      %dma_wait3A_158 = tpu.memref_slice %arg2[%dma_wait3A_156, %dma_wait3A_157] : memref<50000x24xf32, #tpu.memory_space<hbm>> -> memref<50000x24xf32, #tpu.memory_space<hbm>>
      tpu.wait_indirect_dma semaphore(%arg9 : memref<!tpu.dma_semaphore, #tpu.memory_space<semaphore_mem>>) src(%dma_wait3A_158 : memref<50000x24xf32, #tpu.memory_space<hbm>>) dst(%dma_wait3A_152 : memref<128x24xf32, #tpu.memory_space<vmem>>)
      %dma_wait3A_159 = arith.constant 2 : i32
      %dma_wait3A_160 = arith.constant 256 : i32
      %dma_wait3A_161 = arith.constant 0 : i32
      %dma_wait3A_162 = tpu.memref_slice %arg8[%dma_wait3A_160, %dma_wait3A_161] : memref<512x24xf32, #tpu.memory_space<vmem>> -> memref<128x24xf32, #tpu.memory_space<vmem>>
      %dma_wait3A_163 = arith.constant 0 : i32
      %dma_wait3A_164 = tpu.memref_slice %arg7[%dma_wait3A_159, %dma_wait3A_163] : memref<4x128xi32, #tpu.memory_space<vmem>> -> memref<1x128xi32, #tpu.memory_space<vmem>>
      %dma_wait3A_165 = tpu.memref_squeeze %dma_wait3A_164 : memref<1x128xi32, #tpu.memory_space<vmem>> -> memref<128xi32, #tpu.memory_space<vmem>>
      %dma_wait3A_166 = arith.constant 0 : i32
      %dma_wait3A_167 = arith.constant 0 : i32
      %dma_wait3A_168 = tpu.memref_slice %arg2[%dma_wait3A_166, %dma_wait3A_167] : memref<50000x24xf32, #tpu.memory_space<hbm>> -> memref<50000x24xf32, #tpu.memory_space<hbm>>
      tpu.wait_indirect_dma semaphore(%arg9 : memref<!tpu.dma_semaphore, #tpu.memory_space<semaphore_mem>>) src(%dma_wait3A_168 : memref<50000x24xf32, #tpu.memory_space<hbm>>) dst(%dma_wait3A_162 : memref<128x24xf32, #tpu.memory_space<vmem>>)
      %dma_wait3A_169 = arith.constant 3 : i32
      %dma_wait3A_170 = arith.constant 384 : i32
      %dma_wait3A_171 = arith.constant 0 : i32
      %dma_wait3A_172 = tpu.memref_slice %arg8[%dma_wait3A_170, %dma_wait3A_171] : memref<512x24xf32, #tpu.memory_space<vmem>> -> memref<128x24xf32, #tpu.memory_space<vmem>>
      %dma_wait3A_173 = arith.constant 0 : i32
      %dma_wait3A_174 = tpu.memref_slice %arg7[%dma_wait3A_169, %dma_wait3A_173] : memref<4x128xi32, #tpu.memory_space<vmem>> -> memref<1x128xi32, #tpu.memory_space<vmem>>
      %dma_wait3A_175 = tpu.memref_squeeze %dma_wait3A_174 : memref<1x128xi32, #tpu.memory_space<vmem>> -> memref<128xi32, #tpu.memory_space<vmem>>
      %dma_wait3A_176 = arith.constant 0 : i32
      %dma_wait3A_177 = arith.constant 0 : i32
      %dma_wait3A_178 = tpu.memref_slice %arg2[%dma_wait3A_176, %dma_wait3A_177] : memref<50000x24xf32, #tpu.memory_space<hbm>> -> memref<50000x24xf32, #tpu.memory_space<hbm>>
      tpu.wait_indirect_dma semaphore(%arg9 : memref<!tpu.dma_semaphore, #tpu.memory_space<semaphore_mem>>) src(%dma_wait3A_178 : memref<50000x24xf32, #tpu.memory_space<hbm>>) dst(%dma_wait3A_172 : memref<128x24xf32, #tpu.memory_space<vmem>>)
      %mul3A_179 = arith.constant 128 : i32
      %mul3A_180 = arith.muli %add3A_98, %mul3A_179 : i32
      "tpu.region"() ({
        %run_scoped3A = tpu.sem_alloc : memref<!tpu.dma_semaphore, #tpu.memory_space<semaphore_mem>>
        %dma_start3A_182 = arith.constant 0 : i32
        %dma_start3A_183 = tpu.memref_slice %arg6[%mul3A_180, %dma_start3A_182] : memref<802816x24xf32, #tpu.memory_space<hbm>> -> memref<512x24xf32, #tpu.memory_space<hbm>>
        %dma_start3A_184 = arith.constant 0 : i32
        %dma_start3A_185 = tpu.memref_slice %arg6[%mul3A_180, %dma_start3A_184] : memref<802816x24xf32, #tpu.memory_space<hbm>> -> memref<512x24xf32, #tpu.memory_space<hbm>>
        tpu.enqueue_dma source(%arg8 : memref<512x24xf32, #tpu.memory_space<vmem>>) target(%dma_start3A_185 : memref<512x24xf32, #tpu.memory_space<hbm>>) target_semaphore(%run_scoped3A : memref<!tpu.dma_semaphore, #tpu.memory_space<semaphore_mem>>)
        %dma_wait3A_186 = arith.constant 0 : i32
        %dma_wait3A_187 = tpu.memref_slice %arg6[%mul3A_180, %dma_wait3A_186] : memref<802816x24xf32, #tpu.memory_space<hbm>> -> memref<512x24xf32, #tpu.memory_space<hbm>>
        %dma_wait3A_188 = arith.constant 0 : i32
        %dma_wait3A_189 = tpu.memref_slice %arg6[%mul3A_180, %dma_wait3A_188] : memref<802816x24xf32, #tpu.memory_space<hbm>> -> memref<512x24xf32, #tpu.memory_space<hbm>>
        tpu.wait_dma2 semaphore(%run_scoped3A : memref<!tpu.dma_semaphore, #tpu.memory_space<semaphore_mem>>) src(%arg8 : memref<512x24xf32, #tpu.memory_space<vmem>>) dst(%dma_wait3A_189 : memref<512x24xf32, #tpu.memory_space<hbm>>)
        tpu.yield
      }) : () -> ()
      %scan3A_181 = arith.constant 0 : i32
      scf.yield %scan3A_181 : i32
    }
    %scan3A_6 = arith.constant 49 : i32
    return
  }
}

#map = affine_map<(d0, d1) -> (0, 0)>
#map1 = affine_map<(d0, d1) -> (0, 0, 0)>
module attributes {stable_mosaic.version = 14 : i64} {
  func.func @body(%arg0: i32, %arg1: i32, %arg2: memref<6272x128xi32, #tpu.memory_space<hbm>>, %arg3: memref<3126x8xf32, #tpu.memory_space<hbm>>, %arg4: memref<512x8xf32, #tpu.memory_space<hbm>>, %arg5: memref<2x50016x8xf32, #tpu.memory_space<hbm>>, %arg6: memref<4x128xi32, #tpu.memory_space<vmem>>, %arg7: memref<512x8xf32, #tpu.memory_space<vmem>>, %arg8: memref<50016x8xf32, #tpu.memory_space<vmem_shared>>) attributes {dimension_semantics = [#tpu.dimension_semantics<core_parallel>, #tpu.dimension_semantics<subcore_parallel>], iteration_bounds = array<i64: 2, 16>, scalar_prefetch = 0 : i64, scratch_operands = 3 : i64, tpu.core_type = #tpu.core_type<sc_vector_subcore>, window_params = [{transform_indices = #map}, {transform_indices = #map}, {transform_indices = #map}, {transform_indices = #map1}]} {
    %mul3A = arith.constant 3126 : i32
    %mul3A_0 = arith.muli %arg1, %mul3A : i32
    "tpu.region"() ({
      %run_scoped3A = tpu.sem_alloc : memref<!tpu.dma_semaphore, #tpu.memory_space<semaphore_mem>>
      %dma_start3A = arith.constant 0 : i32
      %dma_start3A_8 = tpu.memref_slice %arg8[%mul3A_0, %dma_start3A] : memref<50016x8xf32, #tpu.memory_space<vmem_shared>> -> memref<3126x8xf32, #tpu.memory_space<vmem_shared>>
      tpu.enqueue_dma source(%arg3 : memref<3126x8xf32, #tpu.memory_space<hbm>>) target(%dma_start3A_8 : memref<3126x8xf32, #tpu.memory_space<vmem_shared>>) target_semaphore(%run_scoped3A : memref<!tpu.dma_semaphore, #tpu.memory_space<semaphore_mem>>)
      %dma_wait3A = arith.constant 0 : i32
      %dma_wait3A_9 = tpu.memref_slice %arg8[%mul3A_0, %dma_wait3A] : memref<50016x8xf32, #tpu.memory_space<vmem_shared>> -> memref<3126x8xf32, #tpu.memory_space<vmem_shared>>
      tpu.wait_dma2 semaphore(%run_scoped3A : memref<!tpu.dma_semaphore, #tpu.memory_space<semaphore_mem>>) src(%arg3 : memref<3126x8xf32, #tpu.memory_space<hbm>>) dst(%dma_wait3A_9 : memref<3126x8xf32, #tpu.memory_space<vmem_shared>>)
      tpu.yield
    }) : () -> ()
    "tpu.region"() ({
      %run_scoped3A = tpu.sem_alloc : memref<!tpu.dma_semaphore, #tpu.memory_space<semaphore_mem>>
      tpu.enqueue_dma source(%arg4 : memref<512x8xf32, #tpu.memory_space<hbm>>) target(%arg7 : memref<512x8xf32, #tpu.memory_space<vmem>>) target_semaphore(%run_scoped3A : memref<!tpu.dma_semaphore, #tpu.memory_space<semaphore_mem>>)
      tpu.wait_dma2 semaphore(%run_scoped3A : memref<!tpu.dma_semaphore, #tpu.memory_space<semaphore_mem>>) src(%arg4 : memref<512x8xf32, #tpu.memory_space<hbm>>) dst(%arg7 : memref<512x8xf32, #tpu.memory_space<vmem>>)
      tpu.yield
    }) : () -> ()
    %barrier3A = arith.constant 0 : index
    tpu.barrier barrier_id(%barrier3A)
    %eq3A = arith.constant 0 : i32
    %eq3A_1 = arith.cmpi eq, %arg0, %eq3A : i32
    %convert_element_type3A = arith.extui %eq3A_1 : i1 to i32
    %cond3A = arith.constant 0 : i32
    %cond3A_2 = arith.cmpi ne, %convert_element_type3A, %cond3A : i32
    scf.if %cond3A_2 {
      %scan3A = arith.constant 0 : i32
      %scan3A_8 = arith.constant 0 : i32
      %scan3A_9 = arith.constant 49 : i32
      %scan3A_10 = arith.addi %scan3A_8, %scan3A_9 : i32
      %scan3A_11 = arith.constant 1 : i32
      %scan3A_12 = scf.for %scan3A_15 = %scan3A_8 to %scan3A_10 step %scan3A_11 iter_args(%scan3A_16 = %scan3A) -> (i32)  : i32 {
        %mul3A_17 = arith.constant 196 : i32
        %mul3A_18 = arith.muli %arg1, %mul3A_17 : i32
        %add3A = arith.constant 0 : i32
        %add3A_19 = arith.addi %add3A, %mul3A_18 : i32
        %mul3A_20 = arith.constant 4 : i32
        %mul3A_21 = arith.muli %scan3A_15, %mul3A_20 : i32
        %add3A_22 = arith.addi %add3A_19, %mul3A_21 : i32
        "tpu.region"() ({
          %run_scoped3A_28 = tpu.sem_alloc : memref<!tpu.dma_semaphore, #tpu.memory_space<semaphore_mem>>
          %dma_start3A = arith.constant 0 : i32
          %dma_start3A_29 = tpu.memref_slice %arg2[%add3A_22, %dma_start3A] : memref<6272x128xi32, #tpu.memory_space<hbm>> -> memref<4x128xi32, #tpu.memory_space<hbm>>
          %dma_start3A_30 = arith.constant 0 : i32
          %dma_start3A_31 = tpu.memref_slice %arg2[%add3A_22, %dma_start3A_30] : memref<6272x128xi32, #tpu.memory_space<hbm>> -> memref<4x128xi32, #tpu.memory_space<hbm>>
          tpu.enqueue_dma source(%dma_start3A_31 : memref<4x128xi32, #tpu.memory_space<hbm>>) target(%arg6 : memref<4x128xi32, #tpu.memory_space<vmem>>) target_semaphore(%run_scoped3A_28 : memref<!tpu.dma_semaphore, #tpu.memory_space<semaphore_mem>>)
          %dma_wait3A = arith.constant 0 : i32
          %dma_wait3A_32 = tpu.memref_slice %arg2[%add3A_22, %dma_wait3A] : memref<6272x128xi32, #tpu.memory_space<hbm>> -> memref<4x128xi32, #tpu.memory_space<hbm>>
          %dma_wait3A_33 = arith.constant 0 : i32
          %dma_wait3A_34 = tpu.memref_slice %arg2[%add3A_22, %dma_wait3A_33] : memref<6272x128xi32, #tpu.memory_space<hbm>> -> memref<4x128xi32, #tpu.memory_space<hbm>>
          tpu.wait_dma2 semaphore(%run_scoped3A_28 : memref<!tpu.dma_semaphore, #tpu.memory_space<semaphore_mem>>) src(%dma_wait3A_34 : memref<4x128xi32, #tpu.memory_space<hbm>>) dst(%arg6 : memref<4x128xi32, #tpu.memory_space<vmem>>)
          tpu.yield
        }) : () -> ()
        %run_scoped3A_23 = arith.constant 0 : i32
        "tpu.region"() ({
          %run_scoped3A_28 = tpu.sem_alloc : memref<!tpu.dma_semaphore, #tpu.memory_space<semaphore_mem>>
          %dma_start3A = arith.constant 0 : i32
          %dma_start3A_29 = arith.constant 0 : i32
          %dma_start3A_30 = tpu.memref_slice %arg7[%dma_start3A, %dma_start3A_29] : memref<512x8xf32, #tpu.memory_space<vmem>> -> memref<128x8xf32, #tpu.memory_space<vmem>>
          %dma_start3A_31 = arith.constant 0 : i32
          %dma_start3A_32 = tpu.memref_slice %arg6[%run_scoped3A_23, %dma_start3A_31] : memref<4x128xi32, #tpu.memory_space<vmem>> -> memref<1x128xi32, #tpu.memory_space<vmem>>
          %dma_start3A_33 = tpu.memref_squeeze %dma_start3A_32 : memref<1x128xi32, #tpu.memory_space<vmem>> -> memref<128xi32, #tpu.memory_space<vmem>>
          %dma_start3A_34 = arith.constant 0 : i32
          %dma_start3A_35 = arith.constant 0 : i32
          %dma_start3A_36 = tpu.memref_slice %arg8[%dma_start3A_34, %dma_start3A_35] : memref<50016x8xf32, #tpu.memory_space<vmem_shared>> -> memref<50016x8xf32, #tpu.memory_space<vmem_shared>>
          tpu.enqueue_indirect_dma source(%dma_start3A_30 : memref<128x8xf32, #tpu.memory_space<vmem>>) target(%dma_start3A_36 : memref<50016x8xf32, #tpu.memory_space<vmem_shared>>) offsets(%dma_start3A_33 : memref<128xi32, #tpu.memory_space<vmem>>) semaphore(%run_scoped3A_28 : memref<!tpu.dma_semaphore, #tpu.memory_space<semaphore_mem>>) {add = true}
          %dma_wait3A = arith.constant 0 : i32
          %dma_wait3A_37 = arith.constant 0 : i32
          %dma_wait3A_38 = tpu.memref_slice %arg7[%dma_wait3A, %dma_wait3A_37] : memref<512x8xf32, #tpu.memory_space<vmem>> -> memref<128x8xf32, #tpu.memory_space<vmem>>
          %dma_wait3A_39 = arith.constant 0 : i32
          %dma_wait3A_40 = tpu.memref_slice %arg6[%run_scoped3A_23, %dma_wait3A_39] : memref<4x128xi32, #tpu.memory_space<vmem>> -> memref<1x128xi32, #tpu.memory_space<vmem>>
          %dma_wait3A_41 = tpu.memref_squeeze %dma_wait3A_40 : memref<1x128xi32, #tpu.memory_space<vmem>> -> memref<128xi32, #tpu.memory_space<vmem>>
          %dma_wait3A_42 = arith.constant 0 : i32
          %dma_wait3A_43 = arith.constant 0 : i32
          %dma_wait3A_44 = tpu.memref_slice %arg8[%dma_wait3A_42, %dma_wait3A_43] : memref<50016x8xf32, #tpu.memory_space<vmem_shared>> -> memref<50016x8xf32, #tpu.memory_space<vmem_shared>>
          tpu.wait_indirect_dma semaphore(%run_scoped3A_28 : memref<!tpu.dma_semaphore, #tpu.memory_space<semaphore_mem>>) src(%dma_wait3A_38 : memref<128x8xf32, #tpu.memory_space<vmem>>) dst(%dma_wait3A_44 : memref<50016x8xf32, #tpu.memory_space<vmem_shared>>)
          tpu.yield
        }) : () -> ()
        %run_scoped3A_24 = arith.constant 1 : i32
        "tpu.region"() ({
          %run_scoped3A_28 = tpu.sem_alloc : memref<!tpu.dma_semaphore, #tpu.memory_space<semaphore_mem>>
          %dma_start3A = arith.constant 128 : i32
          %dma_start3A_29 = arith.constant 0 : i32
          %dma_start3A_30 = tpu.memref_slice %arg7[%dma_start3A, %dma_start3A_29] : memref<512x8xf32, #tpu.memory_space<vmem>> -> memref<128x8xf32, #tpu.memory_space<vmem>>
          %dma_start3A_31 = arith.constant 0 : i32
          %dma_start3A_32 = tpu.memref_slice %arg6[%run_scoped3A_24, %dma_start3A_31] : memref<4x128xi32, #tpu.memory_space<vmem>> -> memref<1x128xi32, #tpu.memory_space<vmem>>
          %dma_start3A_33 = tpu.memref_squeeze %dma_start3A_32 : memref<1x128xi32, #tpu.memory_space<vmem>> -> memref<128xi32, #tpu.memory_space<vmem>>
          %dma_start3A_34 = arith.constant 0 : i32
          %dma_start3A_35 = arith.constant 0 : i32
          %dma_start3A_36 = tpu.memref_slice %arg8[%dma_start3A_34, %dma_start3A_35] : memref<50016x8xf32, #tpu.memory_space<vmem_shared>> -> memref<50016x8xf32, #tpu.memory_space<vmem_shared>>
          tpu.enqueue_indirect_dma source(%dma_start3A_30 : memref<128x8xf32, #tpu.memory_space<vmem>>) target(%dma_start3A_36 : memref<50016x8xf32, #tpu.memory_space<vmem_shared>>) offsets(%dma_start3A_33 : memref<128xi32, #tpu.memory_space<vmem>>) semaphore(%run_scoped3A_28 : memref<!tpu.dma_semaphore, #tpu.memory_space<semaphore_mem>>) {add = true}
          %dma_wait3A = arith.constant 128 : i32
          %dma_wait3A_37 = arith.constant 0 : i32
          %dma_wait3A_38 = tpu.memref_slice %arg7[%dma_wait3A, %dma_wait3A_37] : memref<512x8xf32, #tpu.memory_space<vmem>> -> memref<128x8xf32, #tpu.memory_space<vmem>>
          %dma_wait3A_39 = arith.constant 0 : i32
          %dma_wait3A_40 = tpu.memref_slice %arg6[%run_scoped3A_24, %dma_wait3A_39] : memref<4x128xi32, #tpu.memory_space<vmem>> -> memref<1x128xi32, #tpu.memory_space<vmem>>
          %dma_wait3A_41 = tpu.memref_squeeze %dma_wait3A_40 : memref<1x128xi32, #tpu.memory_space<vmem>> -> memref<128xi32, #tpu.memory_space<vmem>>
          %dma_wait3A_42 = arith.constant 0 : i32
          %dma_wait3A_43 = arith.constant 0 : i32
          %dma_wait3A_44 = tpu.memref_slice %arg8[%dma_wait3A_42, %dma_wait3A_43] : memref<50016x8xf32, #tpu.memory_space<vmem_shared>> -> memref<50016x8xf32, #tpu.memory_space<vmem_shared>>
          tpu.wait_indirect_dma semaphore(%run_scoped3A_28 : memref<!tpu.dma_semaphore, #tpu.memory_space<semaphore_mem>>) src(%dma_wait3A_38 : memref<128x8xf32, #tpu.memory_space<vmem>>) dst(%dma_wait3A_44 : memref<50016x8xf32, #tpu.memory_space<vmem_shared>>)
          tpu.yield
        }) : () -> ()
        %run_scoped3A_25 = arith.constant 2 : i32
        "tpu.region"() ({
          %run_scoped3A_28 = tpu.sem_alloc : memref<!tpu.dma_semaphore, #tpu.memory_space<semaphore_mem>>
          %dma_start3A = arith.constant 256 : i32
          %dma_start3A_29 = arith.constant 0 : i32
          %dma_start3A_30 = tpu.memref_slice %arg7[%dma_start3A, %dma_start3A_29] : memref<512x8xf32, #tpu.memory_space<vmem>> -> memref<128x8xf32, #tpu.memory_space<vmem>>
          %dma_start3A_31 = arith.constant 0 : i32
          %dma_start3A_32 = tpu.memref_slice %arg6[%run_scoped3A_25, %dma_start3A_31] : memref<4x128xi32, #tpu.memory_space<vmem>> -> memref<1x128xi32, #tpu.memory_space<vmem>>
          %dma_start3A_33 = tpu.memref_squeeze %dma_start3A_32 : memref<1x128xi32, #tpu.memory_space<vmem>> -> memref<128xi32, #tpu.memory_space<vmem>>
          %dma_start3A_34 = arith.constant 0 : i32
          %dma_start3A_35 = arith.constant 0 : i32
          %dma_start3A_36 = tpu.memref_slice %arg8[%dma_start3A_34, %dma_start3A_35] : memref<50016x8xf32, #tpu.memory_space<vmem_shared>> -> memref<50016x8xf32, #tpu.memory_space<vmem_shared>>
          tpu.enqueue_indirect_dma source(%dma_start3A_30 : memref<128x8xf32, #tpu.memory_space<vmem>>) target(%dma_start3A_36 : memref<50016x8xf32, #tpu.memory_space<vmem_shared>>) offsets(%dma_start3A_33 : memref<128xi32, #tpu.memory_space<vmem>>) semaphore(%run_scoped3A_28 : memref<!tpu.dma_semaphore, #tpu.memory_space<semaphore_mem>>) {add = true}
          %dma_wait3A = arith.constant 256 : i32
          %dma_wait3A_37 = arith.constant 0 : i32
          %dma_wait3A_38 = tpu.memref_slice %arg7[%dma_wait3A, %dma_wait3A_37] : memref<512x8xf32, #tpu.memory_space<vmem>> -> memref<128x8xf32, #tpu.memory_space<vmem>>
          %dma_wait3A_39 = arith.constant 0 : i32
          %dma_wait3A_40 = tpu.memref_slice %arg6[%run_scoped3A_25, %dma_wait3A_39] : memref<4x128xi32, #tpu.memory_space<vmem>> -> memref<1x128xi32, #tpu.memory_space<vmem>>
          %dma_wait3A_41 = tpu.memref_squeeze %dma_wait3A_40 : memref<1x128xi32, #tpu.memory_space<vmem>> -> memref<128xi32, #tpu.memory_space<vmem>>
          %dma_wait3A_42 = arith.constant 0 : i32
          %dma_wait3A_43 = arith.constant 0 : i32
          %dma_wait3A_44 = tpu.memref_slice %arg8[%dma_wait3A_42, %dma_wait3A_43] : memref<50016x8xf32, #tpu.memory_space<vmem_shared>> -> memref<50016x8xf32, #tpu.memory_space<vmem_shared>>
          tpu.wait_indirect_dma semaphore(%run_scoped3A_28 : memref<!tpu.dma_semaphore, #tpu.memory_space<semaphore_mem>>) src(%dma_wait3A_38 : memref<128x8xf32, #tpu.memory_space<vmem>>) dst(%dma_wait3A_44 : memref<50016x8xf32, #tpu.memory_space<vmem_shared>>)
          tpu.yield
        }) : () -> ()
        %run_scoped3A_26 = arith.constant 3 : i32
        "tpu.region"() ({
          %run_scoped3A_28 = tpu.sem_alloc : memref<!tpu.dma_semaphore, #tpu.memory_space<semaphore_mem>>
          %dma_start3A = arith.constant 384 : i32
          %dma_start3A_29 = arith.constant 0 : i32
          %dma_start3A_30 = tpu.memref_slice %arg7[%dma_start3A, %dma_start3A_29] : memref<512x8xf32, #tpu.memory_space<vmem>> -> memref<128x8xf32, #tpu.memory_space<vmem>>
          %dma_start3A_31 = arith.constant 0 : i32
          %dma_start3A_32 = tpu.memref_slice %arg6[%run_scoped3A_26, %dma_start3A_31] : memref<4x128xi32, #tpu.memory_space<vmem>> -> memref<1x128xi32, #tpu.memory_space<vmem>>
          %dma_start3A_33 = tpu.memref_squeeze %dma_start3A_32 : memref<1x128xi32, #tpu.memory_space<vmem>> -> memref<128xi32, #tpu.memory_space<vmem>>
          %dma_start3A_34 = arith.constant 0 : i32
          %dma_start3A_35 = arith.constant 0 : i32
          %dma_start3A_36 = tpu.memref_slice %arg8[%dma_start3A_34, %dma_start3A_35] : memref<50016x8xf32, #tpu.memory_space<vmem_shared>> -> memref<50016x8xf32, #tpu.memory_space<vmem_shared>>
          tpu.enqueue_indirect_dma source(%dma_start3A_30 : memref<128x8xf32, #tpu.memory_space<vmem>>) target(%dma_start3A_36 : memref<50016x8xf32, #tpu.memory_space<vmem_shared>>) offsets(%dma_start3A_33 : memref<128xi32, #tpu.memory_space<vmem>>) semaphore(%run_scoped3A_28 : memref<!tpu.dma_semaphore, #tpu.memory_space<semaphore_mem>>) {add = true}
          %dma_wait3A = arith.constant 384 : i32
          %dma_wait3A_37 = arith.constant 0 : i32
          %dma_wait3A_38 = tpu.memref_slice %arg7[%dma_wait3A, %dma_wait3A_37] : memref<512x8xf32, #tpu.memory_space<vmem>> -> memref<128x8xf32, #tpu.memory_space<vmem>>
          %dma_wait3A_39 = arith.constant 0 : i32
          %dma_wait3A_40 = tpu.memref_slice %arg6[%run_scoped3A_26, %dma_wait3A_39] : memref<4x128xi32, #tpu.memory_space<vmem>> -> memref<1x128xi32, #tpu.memory_space<vmem>>
          %dma_wait3A_41 = tpu.memref_squeeze %dma_wait3A_40 : memref<1x128xi32, #tpu.memory_space<vmem>> -> memref<128xi32, #tpu.memory_space<vmem>>
          %dma_wait3A_42 = arith.constant 0 : i32
          %dma_wait3A_43 = arith.constant 0 : i32
          %dma_wait3A_44 = tpu.memref_slice %arg8[%dma_wait3A_42, %dma_wait3A_43] : memref<50016x8xf32, #tpu.memory_space<vmem_shared>> -> memref<50016x8xf32, #tpu.memory_space<vmem_shared>>
          tpu.wait_indirect_dma semaphore(%run_scoped3A_28 : memref<!tpu.dma_semaphore, #tpu.memory_space<semaphore_mem>>) src(%dma_wait3A_38 : memref<128x8xf32, #tpu.memory_space<vmem>>) dst(%dma_wait3A_44 : memref<50016x8xf32, #tpu.memory_space<vmem_shared>>)
          tpu.yield
        }) : () -> ()
        %scan3A_27 = arith.constant 0 : i32
        scf.yield %scan3A_27 : i32
      }
      %scan3A_13 = arith.constant 49 : i32
      %barrier3A_14 = arith.constant 0 : index
      tpu.barrier barrier_id(%barrier3A_14)
      %run_scoped3A = arith.constant 0 : i32
      "tpu.region"() ({
        %run_scoped3A_15 = tpu.sem_alloc : memref<!tpu.dma_semaphore, #tpu.memory_space<semaphore_mem>>
        %dma_start3A = arith.constant 0 : i32
        %dma_start3A_16 = tpu.memref_slice %arg5[%run_scoped3A, %mul3A_0, %dma_start3A] : memref<2x50016x8xf32, #tpu.memory_space<hbm>> -> memref<1x3126x8xf32, #tpu.memory_space<hbm>>
        %dma_start3A_17 = tpu.memref_squeeze %dma_start3A_16 : memref<1x3126x8xf32, #tpu.memory_space<hbm>> -> memref<3126x8xf32, #tpu.memory_space<hbm>>
        %dma_start3A_18 = arith.constant 0 : i32
        %dma_start3A_19 = tpu.memref_slice %arg8[%mul3A_0, %dma_start3A_18] : memref<50016x8xf32, #tpu.memory_space<vmem_shared>> -> memref<3126x8xf32, #tpu.memory_space<vmem_shared>>
        tpu.enqueue_dma source(%dma_start3A_19 : memref<3126x8xf32, #tpu.memory_space<vmem_shared>>) target(%dma_start3A_17 : memref<3126x8xf32, #tpu.memory_space<hbm>>) target_semaphore(%run_scoped3A_15 : memref<!tpu.dma_semaphore, #tpu.memory_space<semaphore_mem>>)
        %dma_wait3A = arith.constant 0 : i32
        %dma_wait3A_20 = tpu.memref_slice %arg5[%run_scoped3A, %mul3A_0, %dma_wait3A] : memref<2x50016x8xf32, #tpu.memory_space<hbm>> -> memref<1x3126x8xf32, #tpu.memory_space<hbm>>
        %dma_wait3A_21 = tpu.memref_squeeze %dma_wait3A_20 : memref<1x3126x8xf32, #tpu.memory_space<hbm>> -> memref<3126x8xf32, #tpu.memory_space<hbm>>
        %dma_wait3A_22 = arith.constant 0 : i32
        %dma_wait3A_23 = tpu.memref_slice %arg8[%mul3A_0, %dma_wait3A_22] : memref<50016x8xf32, #tpu.memory_space<vmem_shared>> -> memref<3126x8xf32, #tpu.memory_space<vmem_shared>>
        tpu.wait_dma2 semaphore(%run_scoped3A_15 : memref<!tpu.dma_semaphore, #tpu.memory_space<semaphore_mem>>) src(%dma_wait3A_23 : memref<3126x8xf32, #tpu.memory_space<vmem_shared>>) dst(%dma_wait3A_21 : memref<3126x8xf32, #tpu.memory_space<hbm>>)
        tpu.yield
      }) : () -> ()
    } else {
    }
    %eq3A_3 = arith.constant 1 : i32
    %eq3A_4 = arith.cmpi eq, %arg0, %eq3A_3 : i32
    %convert_element_type3A_5 = arith.extui %eq3A_4 : i1 to i32
    %cond3A_6 = arith.constant 0 : i32
    %cond3A_7 = arith.cmpi ne, %convert_element_type3A_5, %cond3A_6 : i32
    scf.if %cond3A_7 {
      %scan3A = arith.constant 0 : i32
      %scan3A_8 = arith.constant 0 : i32
      %scan3A_9 = arith.constant 49 : i32
      %scan3A_10 = arith.addi %scan3A_8, %scan3A_9 : i32
      %scan3A_11 = arith.constant 1 : i32
      %scan3A_12 = scf.for %scan3A_15 = %scan3A_8 to %scan3A_10 step %scan3A_11 iter_args(%scan3A_16 = %scan3A) -> (i32)  : i32 {
        %mul3A_17 = arith.constant 196 : i32
        %mul3A_18 = arith.muli %arg1, %mul3A_17 : i32
        %add3A = arith.constant 3136 : i32
        %add3A_19 = arith.addi %add3A, %mul3A_18 : i32
        %mul3A_20 = arith.constant 4 : i32
        %mul3A_21 = arith.muli %scan3A_15, %mul3A_20 : i32
        %add3A_22 = arith.addi %add3A_19, %mul3A_21 : i32
        "tpu.region"() ({
          %run_scoped3A_28 = tpu.sem_alloc : memref<!tpu.dma_semaphore, #tpu.memory_space<semaphore_mem>>
          %dma_start3A = arith.constant 0 : i32
          %dma_start3A_29 = tpu.memref_slice %arg2[%add3A_22, %dma_start3A] : memref<6272x128xi32, #tpu.memory_space<hbm>> -> memref<4x128xi32, #tpu.memory_space<hbm>>
          %dma_start3A_30 = arith.constant 0 : i32
          %dma_start3A_31 = tpu.memref_slice %arg2[%add3A_22, %dma_start3A_30] : memref<6272x128xi32, #tpu.memory_space<hbm>> -> memref<4x128xi32, #tpu.memory_space<hbm>>
          tpu.enqueue_dma source(%dma_start3A_31 : memref<4x128xi32, #tpu.memory_space<hbm>>) target(%arg6 : memref<4x128xi32, #tpu.memory_space<vmem>>) target_semaphore(%run_scoped3A_28 : memref<!tpu.dma_semaphore, #tpu.memory_space<semaphore_mem>>)
          %dma_wait3A = arith.constant 0 : i32
          %dma_wait3A_32 = tpu.memref_slice %arg2[%add3A_22, %dma_wait3A] : memref<6272x128xi32, #tpu.memory_space<hbm>> -> memref<4x128xi32, #tpu.memory_space<hbm>>
          %dma_wait3A_33 = arith.constant 0 : i32
          %dma_wait3A_34 = tpu.memref_slice %arg2[%add3A_22, %dma_wait3A_33] : memref<6272x128xi32, #tpu.memory_space<hbm>> -> memref<4x128xi32, #tpu.memory_space<hbm>>
          tpu.wait_dma2 semaphore(%run_scoped3A_28 : memref<!tpu.dma_semaphore, #tpu.memory_space<semaphore_mem>>) src(%dma_wait3A_34 : memref<4x128xi32, #tpu.memory_space<hbm>>) dst(%arg6 : memref<4x128xi32, #tpu.memory_space<vmem>>)
          tpu.yield
        }) : () -> ()
        %run_scoped3A_23 = arith.constant 0 : i32
        "tpu.region"() ({
          %run_scoped3A_28 = tpu.sem_alloc : memref<!tpu.dma_semaphore, #tpu.memory_space<semaphore_mem>>
          %dma_start3A = arith.constant 0 : i32
          %dma_start3A_29 = arith.constant 0 : i32
          %dma_start3A_30 = tpu.memref_slice %arg7[%dma_start3A, %dma_start3A_29] : memref<512x8xf32, #tpu.memory_space<vmem>> -> memref<128x8xf32, #tpu.memory_space<vmem>>
          %dma_start3A_31 = arith.constant 0 : i32
          %dma_start3A_32 = tpu.memref_slice %arg6[%run_scoped3A_23, %dma_start3A_31] : memref<4x128xi32, #tpu.memory_space<vmem>> -> memref<1x128xi32, #tpu.memory_space<vmem>>
          %dma_start3A_33 = tpu.memref_squeeze %dma_start3A_32 : memref<1x128xi32, #tpu.memory_space<vmem>> -> memref<128xi32, #tpu.memory_space<vmem>>
          %dma_start3A_34 = arith.constant 0 : i32
          %dma_start3A_35 = arith.constant 0 : i32
          %dma_start3A_36 = tpu.memref_slice %arg8[%dma_start3A_34, %dma_start3A_35] : memref<50016x8xf32, #tpu.memory_space<vmem_shared>> -> memref<50016x8xf32, #tpu.memory_space<vmem_shared>>
          tpu.enqueue_indirect_dma source(%dma_start3A_30 : memref<128x8xf32, #tpu.memory_space<vmem>>) target(%dma_start3A_36 : memref<50016x8xf32, #tpu.memory_space<vmem_shared>>) offsets(%dma_start3A_33 : memref<128xi32, #tpu.memory_space<vmem>>) semaphore(%run_scoped3A_28 : memref<!tpu.dma_semaphore, #tpu.memory_space<semaphore_mem>>) {add = true}
          %dma_wait3A = arith.constant 0 : i32
          %dma_wait3A_37 = arith.constant 0 : i32
          %dma_wait3A_38 = tpu.memref_slice %arg7[%dma_wait3A, %dma_wait3A_37] : memref<512x8xf32, #tpu.memory_space<vmem>> -> memref<128x8xf32, #tpu.memory_space<vmem>>
          %dma_wait3A_39 = arith.constant 0 : i32
          %dma_wait3A_40 = tpu.memref_slice %arg6[%run_scoped3A_23, %dma_wait3A_39] : memref<4x128xi32, #tpu.memory_space<vmem>> -> memref<1x128xi32, #tpu.memory_space<vmem>>
          %dma_wait3A_41 = tpu.memref_squeeze %dma_wait3A_40 : memref<1x128xi32, #tpu.memory_space<vmem>> -> memref<128xi32, #tpu.memory_space<vmem>>
          %dma_wait3A_42 = arith.constant 0 : i32
          %dma_wait3A_43 = arith.constant 0 : i32
          %dma_wait3A_44 = tpu.memref_slice %arg8[%dma_wait3A_42, %dma_wait3A_43] : memref<50016x8xf32, #tpu.memory_space<vmem_shared>> -> memref<50016x8xf32, #tpu.memory_space<vmem_shared>>
          tpu.wait_indirect_dma semaphore(%run_scoped3A_28 : memref<!tpu.dma_semaphore, #tpu.memory_space<semaphore_mem>>) src(%dma_wait3A_38 : memref<128x8xf32, #tpu.memory_space<vmem>>) dst(%dma_wait3A_44 : memref<50016x8xf32, #tpu.memory_space<vmem_shared>>)
          tpu.yield
        }) : () -> ()
        %run_scoped3A_24 = arith.constant 1 : i32
        "tpu.region"() ({
          %run_scoped3A_28 = tpu.sem_alloc : memref<!tpu.dma_semaphore, #tpu.memory_space<semaphore_mem>>
          %dma_start3A = arith.constant 128 : i32
          %dma_start3A_29 = arith.constant 0 : i32
          %dma_start3A_30 = tpu.memref_slice %arg7[%dma_start3A, %dma_start3A_29] : memref<512x8xf32, #tpu.memory_space<vmem>> -> memref<128x8xf32, #tpu.memory_space<vmem>>
          %dma_start3A_31 = arith.constant 0 : i32
          %dma_start3A_32 = tpu.memref_slice %arg6[%run_scoped3A_24, %dma_start3A_31] : memref<4x128xi32, #tpu.memory_space<vmem>> -> memref<1x128xi32, #tpu.memory_space<vmem>>
          %dma_start3A_33 = tpu.memref_squeeze %dma_start3A_32 : memref<1x128xi32, #tpu.memory_space<vmem>> -> memref<128xi32, #tpu.memory_space<vmem>>
          %dma_start3A_34 = arith.constant 0 : i32
          %dma_start3A_35 = arith.constant 0 : i32
          %dma_start3A_36 = tpu.memref_slice %arg8[%dma_start3A_34, %dma_start3A_35] : memref<50016x8xf32, #tpu.memory_space<vmem_shared>> -> memref<50016x8xf32, #tpu.memory_space<vmem_shared>>
          tpu.enqueue_indirect_dma source(%dma_start3A_30 : memref<128x8xf32, #tpu.memory_space<vmem>>) target(%dma_start3A_36 : memref<50016x8xf32, #tpu.memory_space<vmem_shared>>) offsets(%dma_start3A_33 : memref<128xi32, #tpu.memory_space<vmem>>) semaphore(%run_scoped3A_28 : memref<!tpu.dma_semaphore, #tpu.memory_space<semaphore_mem>>) {add = true}
          %dma_wait3A = arith.constant 128 : i32
          %dma_wait3A_37 = arith.constant 0 : i32
          %dma_wait3A_38 = tpu.memref_slice %arg7[%dma_wait3A, %dma_wait3A_37] : memref<512x8xf32, #tpu.memory_space<vmem>> -> memref<128x8xf32, #tpu.memory_space<vmem>>
          %dma_wait3A_39 = arith.constant 0 : i32
          %dma_wait3A_40 = tpu.memref_slice %arg6[%run_scoped3A_24, %dma_wait3A_39] : memref<4x128xi32, #tpu.memory_space<vmem>> -> memref<1x128xi32, #tpu.memory_space<vmem>>
          %dma_wait3A_41 = tpu.memref_squeeze %dma_wait3A_40 : memref<1x128xi32, #tpu.memory_space<vmem>> -> memref<128xi32, #tpu.memory_space<vmem>>
          %dma_wait3A_42 = arith.constant 0 : i32
          %dma_wait3A_43 = arith.constant 0 : i32
          %dma_wait3A_44 = tpu.memref_slice %arg8[%dma_wait3A_42, %dma_wait3A_43] : memref<50016x8xf32, #tpu.memory_space<vmem_shared>> -> memref<50016x8xf32, #tpu.memory_space<vmem_shared>>
          tpu.wait_indirect_dma semaphore(%run_scoped3A_28 : memref<!tpu.dma_semaphore, #tpu.memory_space<semaphore_mem>>) src(%dma_wait3A_38 : memref<128x8xf32, #tpu.memory_space<vmem>>) dst(%dma_wait3A_44 : memref<50016x8xf32, #tpu.memory_space<vmem_shared>>)
          tpu.yield
        }) : () -> ()
        %run_scoped3A_25 = arith.constant 2 : i32
        "tpu.region"() ({
          %run_scoped3A_28 = tpu.sem_alloc : memref<!tpu.dma_semaphore, #tpu.memory_space<semaphore_mem>>
          %dma_start3A = arith.constant 256 : i32
          %dma_start3A_29 = arith.constant 0 : i32
          %dma_start3A_30 = tpu.memref_slice %arg7[%dma_start3A, %dma_start3A_29] : memref<512x8xf32, #tpu.memory_space<vmem>> -> memref<128x8xf32, #tpu.memory_space<vmem>>
          %dma_start3A_31 = arith.constant 0 : i32
          %dma_start3A_32 = tpu.memref_slice %arg6[%run_scoped3A_25, %dma_start3A_31] : memref<4x128xi32, #tpu.memory_space<vmem>> -> memref<1x128xi32, #tpu.memory_space<vmem>>
          %dma_start3A_33 = tpu.memref_squeeze %dma_start3A_32 : memref<1x128xi32, #tpu.memory_space<vmem>> -> memref<128xi32, #tpu.memory_space<vmem>>
          %dma_start3A_34 = arith.constant 0 : i32
          %dma_start3A_35 = arith.constant 0 : i32
          %dma_start3A_36 = tpu.memref_slice %arg8[%dma_start3A_34, %dma_start3A_35] : memref<50016x8xf32, #tpu.memory_space<vmem_shared>> -> memref<50016x8xf32, #tpu.memory_space<vmem_shared>>
          tpu.enqueue_indirect_dma source(%dma_start3A_30 : memref<128x8xf32, #tpu.memory_space<vmem>>) target(%dma_start3A_36 : memref<50016x8xf32, #tpu.memory_space<vmem_shared>>) offsets(%dma_start3A_33 : memref<128xi32, #tpu.memory_space<vmem>>) semaphore(%run_scoped3A_28 : memref<!tpu.dma_semaphore, #tpu.memory_space<semaphore_mem>>) {add = true}
          %dma_wait3A = arith.constant 256 : i32
          %dma_wait3A_37 = arith.constant 0 : i32
          %dma_wait3A_38 = tpu.memref_slice %arg7[%dma_wait3A, %dma_wait3A_37] : memref<512x8xf32, #tpu.memory_space<vmem>> -> memref<128x8xf32, #tpu.memory_space<vmem>>
          %dma_wait3A_39 = arith.constant 0 : i32
          %dma_wait3A_40 = tpu.memref_slice %arg6[%run_scoped3A_25, %dma_wait3A_39] : memref<4x128xi32, #tpu.memory_space<vmem>> -> memref<1x128xi32, #tpu.memory_space<vmem>>
          %dma_wait3A_41 = tpu.memref_squeeze %dma_wait3A_40 : memref<1x128xi32, #tpu.memory_space<vmem>> -> memref<128xi32, #tpu.memory_space<vmem>>
          %dma_wait3A_42 = arith.constant 0 : i32
          %dma_wait3A_43 = arith.constant 0 : i32
          %dma_wait3A_44 = tpu.memref_slice %arg8[%dma_wait3A_42, %dma_wait3A_43] : memref<50016x8xf32, #tpu.memory_space<vmem_shared>> -> memref<50016x8xf32, #tpu.memory_space<vmem_shared>>
          tpu.wait_indirect_dma semaphore(%run_scoped3A_28 : memref<!tpu.dma_semaphore, #tpu.memory_space<semaphore_mem>>) src(%dma_wait3A_38 : memref<128x8xf32, #tpu.memory_space<vmem>>) dst(%dma_wait3A_44 : memref<50016x8xf32, #tpu.memory_space<vmem_shared>>)
          tpu.yield
        }) : () -> ()
        %run_scoped3A_26 = arith.constant 3 : i32
        "tpu.region"() ({
          %run_scoped3A_28 = tpu.sem_alloc : memref<!tpu.dma_semaphore, #tpu.memory_space<semaphore_mem>>
          %dma_start3A = arith.constant 384 : i32
          %dma_start3A_29 = arith.constant 0 : i32
          %dma_start3A_30 = tpu.memref_slice %arg7[%dma_start3A, %dma_start3A_29] : memref<512x8xf32, #tpu.memory_space<vmem>> -> memref<128x8xf32, #tpu.memory_space<vmem>>
          %dma_start3A_31 = arith.constant 0 : i32
          %dma_start3A_32 = tpu.memref_slice %arg6[%run_scoped3A_26, %dma_start3A_31] : memref<4x128xi32, #tpu.memory_space<vmem>> -> memref<1x128xi32, #tpu.memory_space<vmem>>
          %dma_start3A_33 = tpu.memref_squeeze %dma_start3A_32 : memref<1x128xi32, #tpu.memory_space<vmem>> -> memref<128xi32, #tpu.memory_space<vmem>>
          %dma_start3A_34 = arith.constant 0 : i32
          %dma_start3A_35 = arith.constant 0 : i32
          %dma_start3A_36 = tpu.memref_slice %arg8[%dma_start3A_34, %dma_start3A_35] : memref<50016x8xf32, #tpu.memory_space<vmem_shared>> -> memref<50016x8xf32, #tpu.memory_space<vmem_shared>>
          tpu.enqueue_indirect_dma source(%dma_start3A_30 : memref<128x8xf32, #tpu.memory_space<vmem>>) target(%dma_start3A_36 : memref<50016x8xf32, #tpu.memory_space<vmem_shared>>) offsets(%dma_start3A_33 : memref<128xi32, #tpu.memory_space<vmem>>) semaphore(%run_scoped3A_28 : memref<!tpu.dma_semaphore, #tpu.memory_space<semaphore_mem>>) {add = true}
          %dma_wait3A = arith.constant 384 : i32
          %dma_wait3A_37 = arith.constant 0 : i32
          %dma_wait3A_38 = tpu.memref_slice %arg7[%dma_wait3A, %dma_wait3A_37] : memref<512x8xf32, #tpu.memory_space<vmem>> -> memref<128x8xf32, #tpu.memory_space<vmem>>
          %dma_wait3A_39 = arith.constant 0 : i32
          %dma_wait3A_40 = tpu.memref_slice %arg6[%run_scoped3A_26, %dma_wait3A_39] : memref<4x128xi32, #tpu.memory_space<vmem>> -> memref<1x128xi32, #tpu.memory_space<vmem>>
          %dma_wait3A_41 = tpu.memref_squeeze %dma_wait3A_40 : memref<1x128xi32, #tpu.memory_space<vmem>> -> memref<128xi32, #tpu.memory_space<vmem>>
          %dma_wait3A_42 = arith.constant 0 : i32
          %dma_wait3A_43 = arith.constant 0 : i32
          %dma_wait3A_44 = tpu.memref_slice %arg8[%dma_wait3A_42, %dma_wait3A_43] : memref<50016x8xf32, #tpu.memory_space<vmem_shared>> -> memref<50016x8xf32, #tpu.memory_space<vmem_shared>>
          tpu.wait_indirect_dma semaphore(%run_scoped3A_28 : memref<!tpu.dma_semaphore, #tpu.memory_space<semaphore_mem>>) src(%dma_wait3A_38 : memref<128x8xf32, #tpu.memory_space<vmem>>) dst(%dma_wait3A_44 : memref<50016x8xf32, #tpu.memory_space<vmem_shared>>)
          tpu.yield
        }) : () -> ()
        %scan3A_27 = arith.constant 0 : i32
        scf.yield %scan3A_27 : i32
      }
      %scan3A_13 = arith.constant 49 : i32
      %barrier3A_14 = arith.constant 0 : index
      tpu.barrier barrier_id(%barrier3A_14)
      %run_scoped3A = arith.constant 1 : i32
      "tpu.region"() ({
        %run_scoped3A_15 = tpu.sem_alloc : memref<!tpu.dma_semaphore, #tpu.memory_space<semaphore_mem>>
        %dma_start3A = arith.constant 0 : i32
        %dma_start3A_16 = tpu.memref_slice %arg5[%run_scoped3A, %mul3A_0, %dma_start3A] : memref<2x50016x8xf32, #tpu.memory_space<hbm>> -> memref<1x3126x8xf32, #tpu.memory_space<hbm>>
        %dma_start3A_17 = tpu.memref_squeeze %dma_start3A_16 : memref<1x3126x8xf32, #tpu.memory_space<hbm>> -> memref<3126x8xf32, #tpu.memory_space<hbm>>
        %dma_start3A_18 = arith.constant 0 : i32
        %dma_start3A_19 = tpu.memref_slice %arg8[%mul3A_0, %dma_start3A_18] : memref<50016x8xf32, #tpu.memory_space<vmem_shared>> -> memref<3126x8xf32, #tpu.memory_space<vmem_shared>>
        tpu.enqueue_dma source(%dma_start3A_19 : memref<3126x8xf32, #tpu.memory_space<vmem_shared>>) target(%dma_start3A_17 : memref<3126x8xf32, #tpu.memory_space<hbm>>) target_semaphore(%run_scoped3A_15 : memref<!tpu.dma_semaphore, #tpu.memory_space<semaphore_mem>>)
        %dma_wait3A = arith.constant 0 : i32
        %dma_wait3A_20 = tpu.memref_slice %arg5[%run_scoped3A, %mul3A_0, %dma_wait3A] : memref<2x50016x8xf32, #tpu.memory_space<hbm>> -> memref<1x3126x8xf32, #tpu.memory_space<hbm>>
        %dma_wait3A_21 = tpu.memref_squeeze %dma_wait3A_20 : memref<1x3126x8xf32, #tpu.memory_space<hbm>> -> memref<3126x8xf32, #tpu.memory_space<hbm>>
        %dma_wait3A_22 = arith.constant 0 : i32
        %dma_wait3A_23 = tpu.memref_slice %arg8[%mul3A_0, %dma_wait3A_22] : memref<50016x8xf32, #tpu.memory_space<vmem_shared>> -> memref<3126x8xf32, #tpu.memory_space<vmem_shared>>
        tpu.wait_dma2 semaphore(%run_scoped3A_15 : memref<!tpu.dma_semaphore, #tpu.memory_space<semaphore_mem>>) src(%dma_wait3A_23 : memref<3126x8xf32, #tpu.memory_space<vmem_shared>>) dst(%dma_wait3A_21 : memref<3126x8xf32, #tpu.memory_space<hbm>>)
        tpu.yield
      }) : () -> ()
    } else {
    }
    return
  }
}

#map = affine_map<(d0, d1) -> (0, 0)>
module attributes {stable_mosaic.version = 14 : i64} {
  func.func @body(%arg0: i32, %arg1: i32, %arg2: memref<802816x48xf32, #tpu.memory_space<hbm>>, %arg3: memref<6272x128xi32, #tpu.memory_space<hbm>>, %arg4: memref<3126x24xf32, #tpu.memory_space<hbm>>, %arg5: memref<50016x48xf32, #tpu.memory_space<hbm>>, %arg6: memref<4x128xi32, #tpu.memory_space<vmem>>, %arg7: memref<512x24xf32, #tpu.memory_space<vmem>>, %arg8: memref<50016x24xf32, #tpu.memory_space<vmem_shared>>) attributes {dimension_semantics = [#tpu.dimension_semantics<core_parallel>, #tpu.dimension_semantics<subcore_parallel>], iteration_bounds = array<i64: 2, 16>, scalar_prefetch = 0 : i64, scratch_operands = 3 : i64, tpu.core_type = #tpu.core_type<sc_vector_subcore>, window_params = [{transform_indices = #map}, {transform_indices = #map}, {transform_indices = #map}, {transform_indices = #map}]} {
    %mul3A = arith.constant 3126 : i32
    %mul3A_0 = arith.muli %arg1, %mul3A : i32
    "tpu.region"() ({
      %run_scoped3A = tpu.sem_alloc : memref<!tpu.dma_semaphore, #tpu.memory_space<semaphore_mem>>
      %dma_start3A = arith.constant 0 : i32
      %dma_start3A_8 = tpu.memref_slice %arg8[%mul3A_0, %dma_start3A] : memref<50016x24xf32, #tpu.memory_space<vmem_shared>> -> memref<3126x24xf32, #tpu.memory_space<vmem_shared>>
      tpu.enqueue_dma source(%arg4 : memref<3126x24xf32, #tpu.memory_space<hbm>>) target(%dma_start3A_8 : memref<3126x24xf32, #tpu.memory_space<vmem_shared>>) target_semaphore(%run_scoped3A : memref<!tpu.dma_semaphore, #tpu.memory_space<semaphore_mem>>)
      %dma_wait3A = arith.constant 0 : i32
      %dma_wait3A_9 = tpu.memref_slice %arg8[%mul3A_0, %dma_wait3A] : memref<50016x24xf32, #tpu.memory_space<vmem_shared>> -> memref<3126x24xf32, #tpu.memory_space<vmem_shared>>
      tpu.wait_dma2 semaphore(%run_scoped3A : memref<!tpu.dma_semaphore, #tpu.memory_space<semaphore_mem>>) src(%arg4 : memref<3126x24xf32, #tpu.memory_space<hbm>>) dst(%dma_wait3A_9 : memref<3126x24xf32, #tpu.memory_space<vmem_shared>>)
      tpu.yield
    }) : () -> ()
    %barrier3A = arith.constant 0 : index
    tpu.barrier barrier_id(%barrier3A)
    %eq3A = arith.constant 0 : i32
    %eq3A_1 = arith.cmpi eq, %arg0, %eq3A : i32
    %convert_element_type3A = arith.extui %eq3A_1 : i1 to i32
    %cond3A = arith.constant 0 : i32
    %cond3A_2 = arith.cmpi ne, %convert_element_type3A, %cond3A : i32
    scf.if %cond3A_2 {
      %scan3A = arith.constant 0 : i32
      %scan3A_8 = arith.constant 0 : i32
      %scan3A_9 = arith.constant 98 : i32
      %scan3A_10 = arith.addi %scan3A_8, %scan3A_9 : i32
      %scan3A_11 = arith.constant 1 : i32
      %scan3A_12 = scf.for %scan3A_15 = %scan3A_8 to %scan3A_10 step %scan3A_11 iter_args(%scan3A_16 = %scan3A) -> (i32)  : i32 {
        %mul3A_17 = arith.constant 392 : i32
        %mul3A_18 = arith.muli %arg1, %mul3A_17 : i32
        %mul3A_19 = arith.constant 4 : i32
        %mul3A_20 = arith.muli %scan3A_15, %mul3A_19 : i32
        %add3A = arith.addi %mul3A_18, %mul3A_20 : i32
        "tpu.region"() ({
          %run_scoped3A_27 = tpu.sem_alloc : memref<!tpu.dma_semaphore, #tpu.memory_space<semaphore_mem>>
          %dma_start3A = arith.constant 0 : i32
          %dma_start3A_28 = tpu.memref_slice %arg3[%add3A, %dma_start3A] : memref<6272x128xi32, #tpu.memory_space<hbm>> -> memref<4x128xi32, #tpu.memory_space<hbm>>
          %dma_start3A_29 = arith.constant 0 : i32
          %dma_start3A_30 = tpu.memref_slice %arg3[%add3A, %dma_start3A_29] : memref<6272x128xi32, #tpu.memory_space<hbm>> -> memref<4x128xi32, #tpu.memory_space<hbm>>
          tpu.enqueue_dma source(%dma_start3A_30 : memref<4x128xi32, #tpu.memory_space<hbm>>) target(%arg6 : memref<4x128xi32, #tpu.memory_space<vmem>>) target_semaphore(%run_scoped3A_27 : memref<!tpu.dma_semaphore, #tpu.memory_space<semaphore_mem>>)
          %dma_wait3A = arith.constant 0 : i32
          %dma_wait3A_31 = tpu.memref_slice %arg3[%add3A, %dma_wait3A] : memref<6272x128xi32, #tpu.memory_space<hbm>> -> memref<4x128xi32, #tpu.memory_space<hbm>>
          %dma_wait3A_32 = arith.constant 0 : i32
          %dma_wait3A_33 = tpu.memref_slice %arg3[%add3A, %dma_wait3A_32] : memref<6272x128xi32, #tpu.memory_space<hbm>> -> memref<4x128xi32, #tpu.memory_space<hbm>>
          tpu.wait_dma2 semaphore(%run_scoped3A_27 : memref<!tpu.dma_semaphore, #tpu.memory_space<semaphore_mem>>) src(%dma_wait3A_33 : memref<4x128xi32, #tpu.memory_space<hbm>>) dst(%arg6 : memref<4x128xi32, #tpu.memory_space<vmem>>)
          tpu.yield
        }) : () -> ()
        %mul3A_21 = arith.constant 128 : i32
        %mul3A_22 = arith.muli %add3A, %mul3A_21 : i32
        "tpu.region"() ({
          %run_scoped3A_27 = tpu.sem_alloc : memref<!tpu.dma_semaphore, #tpu.memory_space<semaphore_mem>>
          %dma_start3A = arith.constant 0 : i32
          %dma_start3A_28 = tpu.memref_slice %arg2[%mul3A_22, %dma_start3A] : memref<802816x48xf32, #tpu.memory_space<hbm>> -> memref<512x24xf32, #tpu.memory_space<hbm>>
          %dma_start3A_29 = arith.constant 0 : i32
          %dma_start3A_30 = tpu.memref_slice %arg2[%mul3A_22, %dma_start3A_29] : memref<802816x48xf32, #tpu.memory_space<hbm>> -> memref<512x24xf32, #tpu.memory_space<hbm>>
          tpu.enqueue_dma source(%dma_start3A_30 : memref<512x24xf32, #tpu.memory_space<hbm>>) target(%arg7 : memref<512x24xf32, #tpu.memory_space<vmem>>) target_semaphore(%run_scoped3A_27 : memref<!tpu.dma_semaphore, #tpu.memory_space<semaphore_mem>>)
          %dma_wait3A = arith.constant 0 : i32
          %dma_wait3A_31 = tpu.memref_slice %arg2[%mul3A_22, %dma_wait3A] : memref<802816x48xf32, #tpu.memory_space<hbm>> -> memref<512x24xf32, #tpu.memory_space<hbm>>
          %dma_wait3A_32 = arith.constant 0 : i32
          %dma_wait3A_33 = tpu.memref_slice %arg2[%mul3A_22, %dma_wait3A_32] : memref<802816x48xf32, #tpu.memory_space<hbm>> -> memref<512x24xf32, #tpu.memory_space<hbm>>
          tpu.wait_dma2 semaphore(%run_scoped3A_27 : memref<!tpu.dma_semaphore, #tpu.memory_space<semaphore_mem>>) src(%dma_wait3A_33 : memref<512x24xf32, #tpu.memory_space<hbm>>) dst(%arg7 : memref<512x24xf32, #tpu.memory_space<vmem>>)
          tpu.yield
        }) : () -> ()
        %run_scoped3A = arith.constant 0 : i32
        "tpu.region"() ({
          %run_scoped3A_27 = tpu.sem_alloc : memref<!tpu.dma_semaphore, #tpu.memory_space<semaphore_mem>>
          %dma_start3A = arith.constant 0 : i32
          %dma_start3A_28 = arith.constant 0 : i32
          %dma_start3A_29 = tpu.memref_slice %arg7[%dma_start3A, %dma_start3A_28] : memref<512x24xf32, #tpu.memory_space<vmem>> -> memref<128x24xf32, #tpu.memory_space<vmem>>
          %dma_start3A_30 = arith.constant 0 : i32
          %dma_start3A_31 = tpu.memref_slice %arg6[%run_scoped3A, %dma_start3A_30] : memref<4x128xi32, #tpu.memory_space<vmem>> -> memref<1x128xi32, #tpu.memory_space<vmem>>
          %dma_start3A_32 = tpu.memref_squeeze %dma_start3A_31 : memref<1x128xi32, #tpu.memory_space<vmem>> -> memref<128xi32, #tpu.memory_space<vmem>>
          %dma_start3A_33 = arith.constant 0 : i32
          %dma_start3A_34 = arith.constant 0 : i32
          %dma_start3A_35 = tpu.memref_slice %arg8[%dma_start3A_33, %dma_start3A_34] : memref<50016x24xf32, #tpu.memory_space<vmem_shared>> -> memref<50016x24xf32, #tpu.memory_space<vmem_shared>>
          tpu.enqueue_indirect_dma source(%dma_start3A_29 : memref<128x24xf32, #tpu.memory_space<vmem>>) target(%dma_start3A_35 : memref<50016x24xf32, #tpu.memory_space<vmem_shared>>) offsets(%dma_start3A_32 : memref<128xi32, #tpu.memory_space<vmem>>) semaphore(%run_scoped3A_27 : memref<!tpu.dma_semaphore, #tpu.memory_space<semaphore_mem>>) {add = true}
          %dma_wait3A = arith.constant 0 : i32
          %dma_wait3A_36 = arith.constant 0 : i32
          %dma_wait3A_37 = tpu.memref_slice %arg7[%dma_wait3A, %dma_wait3A_36] : memref<512x24xf32, #tpu.memory_space<vmem>> -> memref<128x24xf32, #tpu.memory_space<vmem>>
          %dma_wait3A_38 = arith.constant 0 : i32
          %dma_wait3A_39 = tpu.memref_slice %arg6[%run_scoped3A, %dma_wait3A_38] : memref<4x128xi32, #tpu.memory_space<vmem>> -> memref<1x128xi32, #tpu.memory_space<vmem>>
          %dma_wait3A_40 = tpu.memref_squeeze %dma_wait3A_39 : memref<1x128xi32, #tpu.memory_space<vmem>> -> memref<128xi32, #tpu.memory_space<vmem>>
          %dma_wait3A_41 = arith.constant 0 : i32
          %dma_wait3A_42 = arith.constant 0 : i32
          %dma_wait3A_43 = tpu.memref_slice %arg8[%dma_wait3A_41, %dma_wait3A_42] : memref<50016x24xf32, #tpu.memory_space<vmem_shared>> -> memref<50016x24xf32, #tpu.memory_space<vmem_shared>>
          tpu.wait_indirect_dma semaphore(%run_scoped3A_27 : memref<!tpu.dma_semaphore, #tpu.memory_space<semaphore_mem>>) src(%dma_wait3A_37 : memref<128x24xf32, #tpu.memory_space<vmem>>) dst(%dma_wait3A_43 : memref<50016x24xf32, #tpu.memory_space<vmem_shared>>)
          tpu.yield
        }) : () -> ()
        %run_scoped3A_23 = arith.constant 1 : i32
        "tpu.region"() ({
          %run_scoped3A_27 = tpu.sem_alloc : memref<!tpu.dma_semaphore, #tpu.memory_space<semaphore_mem>>
          %dma_start3A = arith.constant 128 : i32
          %dma_start3A_28 = arith.constant 0 : i32
          %dma_start3A_29 = tpu.memref_slice %arg7[%dma_start3A, %dma_start3A_28] : memref<512x24xf32, #tpu.memory_space<vmem>> -> memref<128x24xf32, #tpu.memory_space<vmem>>
          %dma_start3A_30 = arith.constant 0 : i32
          %dma_start3A_31 = tpu.memref_slice %arg6[%run_scoped3A_23, %dma_start3A_30] : memref<4x128xi32, #tpu.memory_space<vmem>> -> memref<1x128xi32, #tpu.memory_space<vmem>>
          %dma_start3A_32 = tpu.memref_squeeze %dma_start3A_31 : memref<1x128xi32, #tpu.memory_space<vmem>> -> memref<128xi32, #tpu.memory_space<vmem>>
          %dma_start3A_33 = arith.constant 0 : i32
          %dma_start3A_34 = arith.constant 0 : i32
          %dma_start3A_35 = tpu.memref_slice %arg8[%dma_start3A_33, %dma_start3A_34] : memref<50016x24xf32, #tpu.memory_space<vmem_shared>> -> memref<50016x24xf32, #tpu.memory_space<vmem_shared>>
          tpu.enqueue_indirect_dma source(%dma_start3A_29 : memref<128x24xf32, #tpu.memory_space<vmem>>) target(%dma_start3A_35 : memref<50016x24xf32, #tpu.memory_space<vmem_shared>>) offsets(%dma_start3A_32 : memref<128xi32, #tpu.memory_space<vmem>>) semaphore(%run_scoped3A_27 : memref<!tpu.dma_semaphore, #tpu.memory_space<semaphore_mem>>) {add = true}
          %dma_wait3A = arith.constant 128 : i32
          %dma_wait3A_36 = arith.constant 0 : i32
          %dma_wait3A_37 = tpu.memref_slice %arg7[%dma_wait3A, %dma_wait3A_36] : memref<512x24xf32, #tpu.memory_space<vmem>> -> memref<128x24xf32, #tpu.memory_space<vmem>>
          %dma_wait3A_38 = arith.constant 0 : i32
          %dma_wait3A_39 = tpu.memref_slice %arg6[%run_scoped3A_23, %dma_wait3A_38] : memref<4x128xi32, #tpu.memory_space<vmem>> -> memref<1x128xi32, #tpu.memory_space<vmem>>
          %dma_wait3A_40 = tpu.memref_squeeze %dma_wait3A_39 : memref<1x128xi32, #tpu.memory_space<vmem>> -> memref<128xi32, #tpu.memory_space<vmem>>
          %dma_wait3A_41 = arith.constant 0 : i32
          %dma_wait3A_42 = arith.constant 0 : i32
          %dma_wait3A_43 = tpu.memref_slice %arg8[%dma_wait3A_41, %dma_wait3A_42] : memref<50016x24xf32, #tpu.memory_space<vmem_shared>> -> memref<50016x24xf32, #tpu.memory_space<vmem_shared>>
          tpu.wait_indirect_dma semaphore(%run_scoped3A_27 : memref<!tpu.dma_semaphore, #tpu.memory_space<semaphore_mem>>) src(%dma_wait3A_37 : memref<128x24xf32, #tpu.memory_space<vmem>>) dst(%dma_wait3A_43 : memref<50016x24xf32, #tpu.memory_space<vmem_shared>>)
          tpu.yield
        }) : () -> ()
        %run_scoped3A_24 = arith.constant 2 : i32
        "tpu.region"() ({
          %run_scoped3A_27 = tpu.sem_alloc : memref<!tpu.dma_semaphore, #tpu.memory_space<semaphore_mem>>
          %dma_start3A = arith.constant 256 : i32
          %dma_start3A_28 = arith.constant 0 : i32
          %dma_start3A_29 = tpu.memref_slice %arg7[%dma_start3A, %dma_start3A_28] : memref<512x24xf32, #tpu.memory_space<vmem>> -> memref<128x24xf32, #tpu.memory_space<vmem>>
          %dma_start3A_30 = arith.constant 0 : i32
          %dma_start3A_31 = tpu.memref_slice %arg6[%run_scoped3A_24, %dma_start3A_30] : memref<4x128xi32, #tpu.memory_space<vmem>> -> memref<1x128xi32, #tpu.memory_space<vmem>>
          %dma_start3A_32 = tpu.memref_squeeze %dma_start3A_31 : memref<1x128xi32, #tpu.memory_space<vmem>> -> memref<128xi32, #tpu.memory_space<vmem>>
          %dma_start3A_33 = arith.constant 0 : i32
          %dma_start3A_34 = arith.constant 0 : i32
          %dma_start3A_35 = tpu.memref_slice %arg8[%dma_start3A_33, %dma_start3A_34] : memref<50016x24xf32, #tpu.memory_space<vmem_shared>> -> memref<50016x24xf32, #tpu.memory_space<vmem_shared>>
          tpu.enqueue_indirect_dma source(%dma_start3A_29 : memref<128x24xf32, #tpu.memory_space<vmem>>) target(%dma_start3A_35 : memref<50016x24xf32, #tpu.memory_space<vmem_shared>>) offsets(%dma_start3A_32 : memref<128xi32, #tpu.memory_space<vmem>>) semaphore(%run_scoped3A_27 : memref<!tpu.dma_semaphore, #tpu.memory_space<semaphore_mem>>) {add = true}
          %dma_wait3A = arith.constant 256 : i32
          %dma_wait3A_36 = arith.constant 0 : i32
          %dma_wait3A_37 = tpu.memref_slice %arg7[%dma_wait3A, %dma_wait3A_36] : memref<512x24xf32, #tpu.memory_space<vmem>> -> memref<128x24xf32, #tpu.memory_space<vmem>>
          %dma_wait3A_38 = arith.constant 0 : i32
          %dma_wait3A_39 = tpu.memref_slice %arg6[%run_scoped3A_24, %dma_wait3A_38] : memref<4x128xi32, #tpu.memory_space<vmem>> -> memref<1x128xi32, #tpu.memory_space<vmem>>
          %dma_wait3A_40 = tpu.memref_squeeze %dma_wait3A_39 : memref<1x128xi32, #tpu.memory_space<vmem>> -> memref<128xi32, #tpu.memory_space<vmem>>
          %dma_wait3A_41 = arith.constant 0 : i32
          %dma_wait3A_42 = arith.constant 0 : i32
          %dma_wait3A_43 = tpu.memref_slice %arg8[%dma_wait3A_41, %dma_wait3A_42] : memref<50016x24xf32, #tpu.memory_space<vmem_shared>> -> memref<50016x24xf32, #tpu.memory_space<vmem_shared>>
          tpu.wait_indirect_dma semaphore(%run_scoped3A_27 : memref<!tpu.dma_semaphore, #tpu.memory_space<semaphore_mem>>) src(%dma_wait3A_37 : memref<128x24xf32, #tpu.memory_space<vmem>>) dst(%dma_wait3A_43 : memref<50016x24xf32, #tpu.memory_space<vmem_shared>>)
          tpu.yield
        }) : () -> ()
        %run_scoped3A_25 = arith.constant 3 : i32
        "tpu.region"() ({
          %run_scoped3A_27 = tpu.sem_alloc : memref<!tpu.dma_semaphore, #tpu.memory_space<semaphore_mem>>
          %dma_start3A = arith.constant 384 : i32
          %dma_start3A_28 = arith.constant 0 : i32
          %dma_start3A_29 = tpu.memref_slice %arg7[%dma_start3A, %dma_start3A_28] : memref<512x24xf32, #tpu.memory_space<vmem>> -> memref<128x24xf32, #tpu.memory_space<vmem>>
          %dma_start3A_30 = arith.constant 0 : i32
          %dma_start3A_31 = tpu.memref_slice %arg6[%run_scoped3A_25, %dma_start3A_30] : memref<4x128xi32, #tpu.memory_space<vmem>> -> memref<1x128xi32, #tpu.memory_space<vmem>>
          %dma_start3A_32 = tpu.memref_squeeze %dma_start3A_31 : memref<1x128xi32, #tpu.memory_space<vmem>> -> memref<128xi32, #tpu.memory_space<vmem>>
          %dma_start3A_33 = arith.constant 0 : i32
          %dma_start3A_34 = arith.constant 0 : i32
          %dma_start3A_35 = tpu.memref_slice %arg8[%dma_start3A_33, %dma_start3A_34] : memref<50016x24xf32, #tpu.memory_space<vmem_shared>> -> memref<50016x24xf32, #tpu.memory_space<vmem_shared>>
          tpu.enqueue_indirect_dma source(%dma_start3A_29 : memref<128x24xf32, #tpu.memory_space<vmem>>) target(%dma_start3A_35 : memref<50016x24xf32, #tpu.memory_space<vmem_shared>>) offsets(%dma_start3A_32 : memref<128xi32, #tpu.memory_space<vmem>>) semaphore(%run_scoped3A_27 : memref<!tpu.dma_semaphore, #tpu.memory_space<semaphore_mem>>) {add = true}
          %dma_wait3A = arith.constant 384 : i32
          %dma_wait3A_36 = arith.constant 0 : i32
          %dma_wait3A_37 = tpu.memref_slice %arg7[%dma_wait3A, %dma_wait3A_36] : memref<512x24xf32, #tpu.memory_space<vmem>> -> memref<128x24xf32, #tpu.memory_space<vmem>>
          %dma_wait3A_38 = arith.constant 0 : i32
          %dma_wait3A_39 = tpu.memref_slice %arg6[%run_scoped3A_25, %dma_wait3A_38] : memref<4x128xi32, #tpu.memory_space<vmem>> -> memref<1x128xi32, #tpu.memory_space<vmem>>
          %dma_wait3A_40 = tpu.memref_squeeze %dma_wait3A_39 : memref<1x128xi32, #tpu.memory_space<vmem>> -> memref<128xi32, #tpu.memory_space<vmem>>
          %dma_wait3A_41 = arith.constant 0 : i32
          %dma_wait3A_42 = arith.constant 0 : i32
          %dma_wait3A_43 = tpu.memref_slice %arg8[%dma_wait3A_41, %dma_wait3A_42] : memref<50016x24xf32, #tpu.memory_space<vmem_shared>> -> memref<50016x24xf32, #tpu.memory_space<vmem_shared>>
          tpu.wait_indirect_dma semaphore(%run_scoped3A_27 : memref<!tpu.dma_semaphore, #tpu.memory_space<semaphore_mem>>) src(%dma_wait3A_37 : memref<128x24xf32, #tpu.memory_space<vmem>>) dst(%dma_wait3A_43 : memref<50016x24xf32, #tpu.memory_space<vmem_shared>>)
          tpu.yield
        }) : () -> ()
        %scan3A_26 = arith.constant 0 : i32
        scf.yield %scan3A_26 : i32
      }
      %scan3A_13 = arith.constant 98 : i32
      %barrier3A_14 = arith.constant 0 : index
      tpu.barrier barrier_id(%barrier3A_14)
      "tpu.region"() ({
        %run_scoped3A = tpu.sem_alloc : memref<!tpu.dma_semaphore, #tpu.memory_space<semaphore_mem>>
        %dma_start3A = arith.constant 0 : i32
        %dma_start3A_15 = tpu.memref_slice %arg5[%mul3A_0, %dma_start3A] : memref<50016x48xf32, #tpu.memory_space<hbm>> -> memref<3126x24xf32, #tpu.memory_space<hbm>>
        %dma_start3A_16 = arith.constant 0 : i32
        %dma_start3A_17 = tpu.memref_slice %arg8[%mul3A_0, %dma_start3A_16] : memref<50016x24xf32, #tpu.memory_space<vmem_shared>> -> memref<3126x24xf32, #tpu.memory_space<vmem_shared>>
        tpu.enqueue_dma source(%dma_start3A_17 : memref<3126x24xf32, #tpu.memory_space<vmem_shared>>) target(%dma_start3A_15 : memref<3126x24xf32, #tpu.memory_space<hbm>>) target_semaphore(%run_scoped3A : memref<!tpu.dma_semaphore, #tpu.memory_space<semaphore_mem>>)
        %dma_wait3A = arith.constant 0 : i32
        %dma_wait3A_18 = tpu.memref_slice %arg5[%mul3A_0, %dma_wait3A] : memref<50016x48xf32, #tpu.memory_space<hbm>> -> memref<3126x24xf32, #tpu.memory_space<hbm>>
        %dma_wait3A_19 = arith.constant 0 : i32
        %dma_wait3A_20 = tpu.memref_slice %arg8[%mul3A_0, %dma_wait3A_19] : memref<50016x24xf32, #tpu.memory_space<vmem_shared>> -> memref<3126x24xf32, #tpu.memory_space<vmem_shared>>
        tpu.wait_dma2 semaphore(%run_scoped3A : memref<!tpu.dma_semaphore, #tpu.memory_space<semaphore_mem>>) src(%dma_wait3A_20 : memref<3126x24xf32, #tpu.memory_space<vmem_shared>>) dst(%dma_wait3A_18 : memref<3126x24xf32, #tpu.memory_space<hbm>>)
        tpu.yield
      }) : () -> ()
    } else {
    }
    %eq3A_3 = arith.constant 1 : i32
    %eq3A_4 = arith.cmpi eq, %arg0, %eq3A_3 : i32
    %convert_element_type3A_5 = arith.extui %eq3A_4 : i1 to i32
    %cond3A_6 = arith.constant 0 : i32
    %cond3A_7 = arith.cmpi ne, %convert_element_type3A_5, %cond3A_6 : i32
    scf.if %cond3A_7 {
      %scan3A = arith.constant 0 : i32
      %scan3A_8 = arith.constant 0 : i32
      %scan3A_9 = arith.constant 98 : i32
      %scan3A_10 = arith.addi %scan3A_8, %scan3A_9 : i32
      %scan3A_11 = arith.constant 1 : i32
      %scan3A_12 = scf.for %scan3A_15 = %scan3A_8 to %scan3A_10 step %scan3A_11 iter_args(%scan3A_16 = %scan3A) -> (i32)  : i32 {
        %mul3A_17 = arith.constant 392 : i32
        %mul3A_18 = arith.muli %arg1, %mul3A_17 : i32
        %mul3A_19 = arith.constant 4 : i32
        %mul3A_20 = arith.muli %scan3A_15, %mul3A_19 : i32
        %add3A = arith.addi %mul3A_18, %mul3A_20 : i32
        "tpu.region"() ({
          %run_scoped3A_27 = tpu.sem_alloc : memref<!tpu.dma_semaphore, #tpu.memory_space<semaphore_mem>>
          %dma_start3A = arith.constant 0 : i32
          %dma_start3A_28 = tpu.memref_slice %arg3[%add3A, %dma_start3A] : memref<6272x128xi32, #tpu.memory_space<hbm>> -> memref<4x128xi32, #tpu.memory_space<hbm>>
          %dma_start3A_29 = arith.constant 0 : i32
          %dma_start3A_30 = tpu.memref_slice %arg3[%add3A, %dma_start3A_29] : memref<6272x128xi32, #tpu.memory_space<hbm>> -> memref<4x128xi32, #tpu.memory_space<hbm>>
          tpu.enqueue_dma source(%dma_start3A_30 : memref<4x128xi32, #tpu.memory_space<hbm>>) target(%arg6 : memref<4x128xi32, #tpu.memory_space<vmem>>) target_semaphore(%run_scoped3A_27 : memref<!tpu.dma_semaphore, #tpu.memory_space<semaphore_mem>>)
          %dma_wait3A = arith.constant 0 : i32
          %dma_wait3A_31 = tpu.memref_slice %arg3[%add3A, %dma_wait3A] : memref<6272x128xi32, #tpu.memory_space<hbm>> -> memref<4x128xi32, #tpu.memory_space<hbm>>
          %dma_wait3A_32 = arith.constant 0 : i32
          %dma_wait3A_33 = tpu.memref_slice %arg3[%add3A, %dma_wait3A_32] : memref<6272x128xi32, #tpu.memory_space<hbm>> -> memref<4x128xi32, #tpu.memory_space<hbm>>
          tpu.wait_dma2 semaphore(%run_scoped3A_27 : memref<!tpu.dma_semaphore, #tpu.memory_space<semaphore_mem>>) src(%dma_wait3A_33 : memref<4x128xi32, #tpu.memory_space<hbm>>) dst(%arg6 : memref<4x128xi32, #tpu.memory_space<vmem>>)
          tpu.yield
        }) : () -> ()
        %mul3A_21 = arith.constant 128 : i32
        %mul3A_22 = arith.muli %add3A, %mul3A_21 : i32
        "tpu.region"() ({
          %run_scoped3A_27 = tpu.sem_alloc : memref<!tpu.dma_semaphore, #tpu.memory_space<semaphore_mem>>
          %dma_start3A = arith.constant 24 : i32
          %dma_start3A_28 = tpu.memref_slice %arg2[%mul3A_22, %dma_start3A] : memref<802816x48xf32, #tpu.memory_space<hbm>> -> memref<512x24xf32, #tpu.memory_space<hbm>>
          %dma_start3A_29 = arith.constant 24 : i32
          %dma_start3A_30 = tpu.memref_slice %arg2[%mul3A_22, %dma_start3A_29] : memref<802816x48xf32, #tpu.memory_space<hbm>> -> memref<512x24xf32, #tpu.memory_space<hbm>>
          tpu.enqueue_dma source(%dma_start3A_30 : memref<512x24xf32, #tpu.memory_space<hbm>>) target(%arg7 : memref<512x24xf32, #tpu.memory_space<vmem>>) target_semaphore(%run_scoped3A_27 : memref<!tpu.dma_semaphore, #tpu.memory_space<semaphore_mem>>)
          %dma_wait3A = arith.constant 24 : i32
          %dma_wait3A_31 = tpu.memref_slice %arg2[%mul3A_22, %dma_wait3A] : memref<802816x48xf32, #tpu.memory_space<hbm>> -> memref<512x24xf32, #tpu.memory_space<hbm>>
          %dma_wait3A_32 = arith.constant 24 : i32
          %dma_wait3A_33 = tpu.memref_slice %arg2[%mul3A_22, %dma_wait3A_32] : memref<802816x48xf32, #tpu.memory_space<hbm>> -> memref<512x24xf32, #tpu.memory_space<hbm>>
          tpu.wait_dma2 semaphore(%run_scoped3A_27 : memref<!tpu.dma_semaphore, #tpu.memory_space<semaphore_mem>>) src(%dma_wait3A_33 : memref<512x24xf32, #tpu.memory_space<hbm>>) dst(%arg7 : memref<512x24xf32, #tpu.memory_space<vmem>>)
          tpu.yield
        }) : () -> ()
        %run_scoped3A = arith.constant 0 : i32
        "tpu.region"() ({
          %run_scoped3A_27 = tpu.sem_alloc : memref<!tpu.dma_semaphore, #tpu.memory_space<semaphore_mem>>
          %dma_start3A = arith.constant 0 : i32
          %dma_start3A_28 = arith.constant 0 : i32
          %dma_start3A_29 = tpu.memref_slice %arg7[%dma_start3A, %dma_start3A_28] : memref<512x24xf32, #tpu.memory_space<vmem>> -> memref<128x24xf32, #tpu.memory_space<vmem>>
          %dma_start3A_30 = arith.constant 0 : i32
          %dma_start3A_31 = tpu.memref_slice %arg6[%run_scoped3A, %dma_start3A_30] : memref<4x128xi32, #tpu.memory_space<vmem>> -> memref<1x128xi32, #tpu.memory_space<vmem>>
          %dma_start3A_32 = tpu.memref_squeeze %dma_start3A_31 : memref<1x128xi32, #tpu.memory_space<vmem>> -> memref<128xi32, #tpu.memory_space<vmem>>
          %dma_start3A_33 = arith.constant 0 : i32
          %dma_start3A_34 = arith.constant 0 : i32
          %dma_start3A_35 = tpu.memref_slice %arg8[%dma_start3A_33, %dma_start3A_34] : memref<50016x24xf32, #tpu.memory_space<vmem_shared>> -> memref<50016x24xf32, #tpu.memory_space<vmem_shared>>
          tpu.enqueue_indirect_dma source(%dma_start3A_29 : memref<128x24xf32, #tpu.memory_space<vmem>>) target(%dma_start3A_35 : memref<50016x24xf32, #tpu.memory_space<vmem_shared>>) offsets(%dma_start3A_32 : memref<128xi32, #tpu.memory_space<vmem>>) semaphore(%run_scoped3A_27 : memref<!tpu.dma_semaphore, #tpu.memory_space<semaphore_mem>>) {add = true}
          %dma_wait3A = arith.constant 0 : i32
          %dma_wait3A_36 = arith.constant 0 : i32
          %dma_wait3A_37 = tpu.memref_slice %arg7[%dma_wait3A, %dma_wait3A_36] : memref<512x24xf32, #tpu.memory_space<vmem>> -> memref<128x24xf32, #tpu.memory_space<vmem>>
          %dma_wait3A_38 = arith.constant 0 : i32
          %dma_wait3A_39 = tpu.memref_slice %arg6[%run_scoped3A, %dma_wait3A_38] : memref<4x128xi32, #tpu.memory_space<vmem>> -> memref<1x128xi32, #tpu.memory_space<vmem>>
          %dma_wait3A_40 = tpu.memref_squeeze %dma_wait3A_39 : memref<1x128xi32, #tpu.memory_space<vmem>> -> memref<128xi32, #tpu.memory_space<vmem>>
          %dma_wait3A_41 = arith.constant 0 : i32
          %dma_wait3A_42 = arith.constant 0 : i32
          %dma_wait3A_43 = tpu.memref_slice %arg8[%dma_wait3A_41, %dma_wait3A_42] : memref<50016x24xf32, #tpu.memory_space<vmem_shared>> -> memref<50016x24xf32, #tpu.memory_space<vmem_shared>>
          tpu.wait_indirect_dma semaphore(%run_scoped3A_27 : memref<!tpu.dma_semaphore, #tpu.memory_space<semaphore_mem>>) src(%dma_wait3A_37 : memref<128x24xf32, #tpu.memory_space<vmem>>) dst(%dma_wait3A_43 : memref<50016x24xf32, #tpu.memory_space<vmem_shared>>)
          tpu.yield
        }) : () -> ()
        %run_scoped3A_23 = arith.constant 1 : i32
        "tpu.region"() ({
          %run_scoped3A_27 = tpu.sem_alloc : memref<!tpu.dma_semaphore, #tpu.memory_space<semaphore_mem>>
          %dma_start3A = arith.constant 128 : i32
          %dma_start3A_28 = arith.constant 0 : i32
          %dma_start3A_29 = tpu.memref_slice %arg7[%dma_start3A, %dma_start3A_28] : memref<512x24xf32, #tpu.memory_space<vmem>> -> memref<128x24xf32, #tpu.memory_space<vmem>>
          %dma_start3A_30 = arith.constant 0 : i32
          %dma_start3A_31 = tpu.memref_slice %arg6[%run_scoped3A_23, %dma_start3A_30] : memref<4x128xi32, #tpu.memory_space<vmem>> -> memref<1x128xi32, #tpu.memory_space<vmem>>
          %dma_start3A_32 = tpu.memref_squeeze %dma_start3A_31 : memref<1x128xi32, #tpu.memory_space<vmem>> -> memref<128xi32, #tpu.memory_space<vmem>>
          %dma_start3A_33 = arith.constant 0 : i32
          %dma_start3A_34 = arith.constant 0 : i32
          %dma_start3A_35 = tpu.memref_slice %arg8[%dma_start3A_33, %dma_start3A_34] : memref<50016x24xf32, #tpu.memory_space<vmem_shared>> -> memref<50016x24xf32, #tpu.memory_space<vmem_shared>>
          tpu.enqueue_indirect_dma source(%dma_start3A_29 : memref<128x24xf32, #tpu.memory_space<vmem>>) target(%dma_start3A_35 : memref<50016x24xf32, #tpu.memory_space<vmem_shared>>) offsets(%dma_start3A_32 : memref<128xi32, #tpu.memory_space<vmem>>) semaphore(%run_scoped3A_27 : memref<!tpu.dma_semaphore, #tpu.memory_space<semaphore_mem>>) {add = true}
          %dma_wait3A = arith.constant 128 : i32
          %dma_wait3A_36 = arith.constant 0 : i32
          %dma_wait3A_37 = tpu.memref_slice %arg7[%dma_wait3A, %dma_wait3A_36] : memref<512x24xf32, #tpu.memory_space<vmem>> -> memref<128x24xf32, #tpu.memory_space<vmem>>
          %dma_wait3A_38 = arith.constant 0 : i32
          %dma_wait3A_39 = tpu.memref_slice %arg6[%run_scoped3A_23, %dma_wait3A_38] : memref<4x128xi32, #tpu.memory_space<vmem>> -> memref<1x128xi32, #tpu.memory_space<vmem>>
          %dma_wait3A_40 = tpu.memref_squeeze %dma_wait3A_39 : memref<1x128xi32, #tpu.memory_space<vmem>> -> memref<128xi32, #tpu.memory_space<vmem>>
          %dma_wait3A_41 = arith.constant 0 : i32
          %dma_wait3A_42 = arith.constant 0 : i32
          %dma_wait3A_43 = tpu.memref_slice %arg8[%dma_wait3A_41, %dma_wait3A_42] : memref<50016x24xf32, #tpu.memory_space<vmem_shared>> -> memref<50016x24xf32, #tpu.memory_space<vmem_shared>>
          tpu.wait_indirect_dma semaphore(%run_scoped3A_27 : memref<!tpu.dma_semaphore, #tpu.memory_space<semaphore_mem>>) src(%dma_wait3A_37 : memref<128x24xf32, #tpu.memory_space<vmem>>) dst(%dma_wait3A_43 : memref<50016x24xf32, #tpu.memory_space<vmem_shared>>)
          tpu.yield
        }) : () -> ()
        %run_scoped3A_24 = arith.constant 2 : i32
        "tpu.region"() ({
          %run_scoped3A_27 = tpu.sem_alloc : memref<!tpu.dma_semaphore, #tpu.memory_space<semaphore_mem>>
          %dma_start3A = arith.constant 256 : i32
          %dma_start3A_28 = arith.constant 0 : i32
          %dma_start3A_29 = tpu.memref_slice %arg7[%dma_start3A, %dma_start3A_28] : memref<512x24xf32, #tpu.memory_space<vmem>> -> memref<128x24xf32, #tpu.memory_space<vmem>>
          %dma_start3A_30 = arith.constant 0 : i32
          %dma_start3A_31 = tpu.memref_slice %arg6[%run_scoped3A_24, %dma_start3A_30] : memref<4x128xi32, #tpu.memory_space<vmem>> -> memref<1x128xi32, #tpu.memory_space<vmem>>
          %dma_start3A_32 = tpu.memref_squeeze %dma_start3A_31 : memref<1x128xi32, #tpu.memory_space<vmem>> -> memref<128xi32, #tpu.memory_space<vmem>>
          %dma_start3A_33 = arith.constant 0 : i32
          %dma_start3A_34 = arith.constant 0 : i32
          %dma_start3A_35 = tpu.memref_slice %arg8[%dma_start3A_33, %dma_start3A_34] : memref<50016x24xf32, #tpu.memory_space<vmem_shared>> -> memref<50016x24xf32, #tpu.memory_space<vmem_shared>>
          tpu.enqueue_indirect_dma source(%dma_start3A_29 : memref<128x24xf32, #tpu.memory_space<vmem>>) target(%dma_start3A_35 : memref<50016x24xf32, #tpu.memory_space<vmem_shared>>) offsets(%dma_start3A_32 : memref<128xi32, #tpu.memory_space<vmem>>) semaphore(%run_scoped3A_27 : memref<!tpu.dma_semaphore, #tpu.memory_space<semaphore_mem>>) {add = true}
          %dma_wait3A = arith.constant 256 : i32
          %dma_wait3A_36 = arith.constant 0 : i32
          %dma_wait3A_37 = tpu.memref_slice %arg7[%dma_wait3A, %dma_wait3A_36] : memref<512x24xf32, #tpu.memory_space<vmem>> -> memref<128x24xf32, #tpu.memory_space<vmem>>
          %dma_wait3A_38 = arith.constant 0 : i32
          %dma_wait3A_39 = tpu.memref_slice %arg6[%run_scoped3A_24, %dma_wait3A_38] : memref<4x128xi32, #tpu.memory_space<vmem>> -> memref<1x128xi32, #tpu.memory_space<vmem>>
          %dma_wait3A_40 = tpu.memref_squeeze %dma_wait3A_39 : memref<1x128xi32, #tpu.memory_space<vmem>> -> memref<128xi32, #tpu.memory_space<vmem>>
          %dma_wait3A_41 = arith.constant 0 : i32
          %dma_wait3A_42 = arith.constant 0 : i32
          %dma_wait3A_43 = tpu.memref_slice %arg8[%dma_wait3A_41, %dma_wait3A_42] : memref<50016x24xf32, #tpu.memory_space<vmem_shared>> -> memref<50016x24xf32, #tpu.memory_space<vmem_shared>>
          tpu.wait_indirect_dma semaphore(%run_scoped3A_27 : memref<!tpu.dma_semaphore, #tpu.memory_space<semaphore_mem>>) src(%dma_wait3A_37 : memref<128x24xf32, #tpu.memory_space<vmem>>) dst(%dma_wait3A_43 : memref<50016x24xf32, #tpu.memory_space<vmem_shared>>)
          tpu.yield
        }) : () -> ()
        %run_scoped3A_25 = arith.constant 3 : i32
        "tpu.region"() ({
          %run_scoped3A_27 = tpu.sem_alloc : memref<!tpu.dma_semaphore, #tpu.memory_space<semaphore_mem>>
          %dma_start3A = arith.constant 384 : i32
          %dma_start3A_28 = arith.constant 0 : i32
          %dma_start3A_29 = tpu.memref_slice %arg7[%dma_start3A, %dma_start3A_28] : memref<512x24xf32, #tpu.memory_space<vmem>> -> memref<128x24xf32, #tpu.memory_space<vmem>>
          %dma_start3A_30 = arith.constant 0 : i32
          %dma_start3A_31 = tpu.memref_slice %arg6[%run_scoped3A_25, %dma_start3A_30] : memref<4x128xi32, #tpu.memory_space<vmem>> -> memref<1x128xi32, #tpu.memory_space<vmem>>
          %dma_start3A_32 = tpu.memref_squeeze %dma_start3A_31 : memref<1x128xi32, #tpu.memory_space<vmem>> -> memref<128xi32, #tpu.memory_space<vmem>>
          %dma_start3A_33 = arith.constant 0 : i32
          %dma_start3A_34 = arith.constant 0 : i32
          %dma_start3A_35 = tpu.memref_slice %arg8[%dma_start3A_33, %dma_start3A_34] : memref<50016x24xf32, #tpu.memory_space<vmem_shared>> -> memref<50016x24xf32, #tpu.memory_space<vmem_shared>>
          tpu.enqueue_indirect_dma source(%dma_start3A_29 : memref<128x24xf32, #tpu.memory_space<vmem>>) target(%dma_start3A_35 : memref<50016x24xf32, #tpu.memory_space<vmem_shared>>) offsets(%dma_start3A_32 : memref<128xi32, #tpu.memory_space<vmem>>) semaphore(%run_scoped3A_27 : memref<!tpu.dma_semaphore, #tpu.memory_space<semaphore_mem>>) {add = true}
          %dma_wait3A = arith.constant 384 : i32
          %dma_wait3A_36 = arith.constant 0 : i32
          %dma_wait3A_37 = tpu.memref_slice %arg7[%dma_wait3A, %dma_wait3A_36] : memref<512x24xf32, #tpu.memory_space<vmem>> -> memref<128x24xf32, #tpu.memory_space<vmem>>
          %dma_wait3A_38 = arith.constant 0 : i32
          %dma_wait3A_39 = tpu.memref_slice %arg6[%run_scoped3A_25, %dma_wait3A_38] : memref<4x128xi32, #tpu.memory_space<vmem>> -> memref<1x128xi32, #tpu.memory_space<vmem>>
          %dma_wait3A_40 = tpu.memref_squeeze %dma_wait3A_39 : memref<1x128xi32, #tpu.memory_space<vmem>> -> memref<128xi32, #tpu.memory_space<vmem>>
          %dma_wait3A_41 = arith.constant 0 : i32
          %dma_wait3A_42 = arith.constant 0 : i32
          %dma_wait3A_43 = tpu.memref_slice %arg8[%dma_wait3A_41, %dma_wait3A_42] : memref<50016x24xf32, #tpu.memory_space<vmem_shared>> -> memref<50016x24xf32, #tpu.memory_space<vmem_shared>>
          tpu.wait_indirect_dma semaphore(%run_scoped3A_27 : memref<!tpu.dma_semaphore, #tpu.memory_space<semaphore_mem>>) src(%dma_wait3A_37 : memref<128x24xf32, #tpu.memory_space<vmem>>) dst(%dma_wait3A_43 : memref<50016x24xf32, #tpu.memory_space<vmem_shared>>)
          tpu.yield
        }) : () -> ()
        %scan3A_26 = arith.constant 0 : i32
        scf.yield %scan3A_26 : i32
      }
      %scan3A_13 = arith.constant 98 : i32
      %barrier3A_14 = arith.constant 0 : index
      tpu.barrier barrier_id(%barrier3A_14)
      "tpu.region"() ({
        %run_scoped3A = tpu.sem_alloc : memref<!tpu.dma_semaphore, #tpu.memory_space<semaphore_mem>>
        %dma_start3A = arith.constant 24 : i32
        %dma_start3A_15 = tpu.memref_slice %arg5[%mul3A_0, %dma_start3A] : memref<50016x48xf32, #tpu.memory_space<hbm>> -> memref<3126x24xf32, #tpu.memory_space<hbm>>
        %dma_start3A_16 = arith.constant 0 : i32
        %dma_start3A_17 = tpu.memref_slice %arg8[%mul3A_0, %dma_start3A_16] : memref<50016x24xf32, #tpu.memory_space<vmem_shared>> -> memref<3126x24xf32, #tpu.memory_space<vmem_shared>>
        tpu.enqueue_dma source(%dma_start3A_17 : memref<3126x24xf32, #tpu.memory_space<vmem_shared>>) target(%dma_start3A_15 : memref<3126x24xf32, #tpu.memory_space<hbm>>) target_semaphore(%run_scoped3A : memref<!tpu.dma_semaphore, #tpu.memory_space<semaphore_mem>>)
        %dma_wait3A = arith.constant 24 : i32
        %dma_wait3A_18 = tpu.memref_slice %arg5[%mul3A_0, %dma_wait3A] : memref<50016x48xf32, #tpu.memory_space<hbm>> -> memref<3126x24xf32, #tpu.memory_space<hbm>>
        %dma_wait3A_19 = arith.constant 0 : i32
        %dma_wait3A_20 = tpu.memref_slice %arg8[%mul3A_0, %dma_wait3A_19] : memref<50016x24xf32, #tpu.memory_space<vmem_shared>> -> memref<3126x24xf32, #tpu.memory_space<vmem_shared>>
        tpu.wait_dma2 semaphore(%run_scoped3A : memref<!tpu.dma_semaphore, #tpu.memory_space<semaphore_mem>>) src(%dma_wait3A_20 : memref<3126x24xf32, #tpu.memory_space<vmem_shared>>) dst(%dma_wait3A_18 : memref<3126x24xf32, #tpu.memory_space<hbm>>)
        tpu.yield
      }) : () -> ()
    } else {
    }
    return
  }
}

module attributes {stable_mosaic.version = 14 : i64} {
  func.func @_node_init_body(%arg0: i32, %arg1: memref<2000x3xf32, #tpu.memory_space<vmem>>, %arg2: memref<2000x4xf32, #tpu.memory_space<vmem>>, %arg3: memref<1x4xf32, #tpu.memory_space<vmem>>, %arg4: memref<1x4xf32, #tpu.memory_space<vmem>>, %arg5: memref<4x16xf32, #tpu.memory_space<vmem>>, %arg6: memref<1x16xf32, #tpu.memory_space<vmem>>, %arg7: memref<2000x24xf32, #tpu.memory_space<vmem>>) attributes {dimension_semantics = [#tpu.dimension_semantics<arbitrary>], iteration_bounds = array<i64: 25>, scalar_prefetch = 0 : i64, scratch_operands = 0 : i64, tpu.core_type = #tpu.core_type<tc>, window_params = [{transform_indices = @transform_0, window_bounds = array<i64: 2000, 3>}, {transform_indices = @transform_1, window_bounds = array<i64: 2000, 4>}, {pipeline_mode = #tpu.pipeline_mode<synchronous>, transform_indices = @transform_2, window_bounds = array<i64: 1, 4>}, {pipeline_mode = #tpu.pipeline_mode<synchronous>, transform_indices = @transform_3, window_bounds = array<i64: 1, 4>}, {pipeline_mode = #tpu.pipeline_mode<synchronous>, transform_indices = @transform_4, window_bounds = array<i64: 4, 16>}, {pipeline_mode = #tpu.pipeline_mode<synchronous>, transform_indices = @transform_5, window_bounds = array<i64: 1, 16>}, {transform_indices = @transform_6, window_bounds = array<i64: 2000, 24>}]} {
    %get3A = arith.constant 0 : index
    %get3A_0 = arith.constant 0 : index
    %get3A_1 = vector.load %arg2[%get3A, %get3A_0] : memref<2000x4xf32, #tpu.memory_space<vmem>>, vector<2000x4xf32>
    %get3A_2 = arith.constant 0 : index
    %get3A_3 = arith.constant 0 : index
    %get3A_4 = vector.load %arg3[%get3A_2, %get3A_3] : memref<1x4xf32, #tpu.memory_space<vmem>>, vector<1x4xf32>
    %get3A_5 = arith.constant 0 : index
    %get3A_6 = arith.constant 0 : index
    %get3A_7 = vector.load %arg4[%get3A_5, %get3A_6] : memref<1x4xf32, #tpu.memory_space<vmem>>, vector<1x4xf32>
    %reduce_sum3A = arith.constant dense<0.000000e+00> : vector<2000xf32>
    %reduce_sum3A_8 = vector.multi_reduction <add>, %get3A_1, %reduce_sum3A [1] : vector<2000x4xf32> to vector<2000xf32>
    %broadcast_in_dim3A = vector.shape_cast %reduce_sum3A_8 : vector<2000xf32> to vector<2000x1xf32>
    %div3A = arith.constant 4.000000e+00 : f32
    %div3A_9 = vector.broadcast %div3A : f32 to vector<2000x1xf32>
    %div3A_10 = arith.divf %broadcast_in_dim3A, %div3A_9 : vector<2000x1xf32>
    %sub3A = vector.broadcast %div3A_10 : vector<2000x1xf32> to vector<2000x4xf32>
    %sub3A_11 = arith.subf %get3A_1, %sub3A : vector<2000x4xf32>
    %sub3A_12 = vector.broadcast %div3A_10 : vector<2000x1xf32> to vector<2000x4xf32>
    %sub3A_13 = arith.subf %get3A_1, %sub3A_12 : vector<2000x4xf32>
    %mul3A = arith.mulf %sub3A_11, %sub3A_13 : vector<2000x4xf32>
    %reduce_sum3A_14 = arith.constant dense<0.000000e+00> : vector<2000xf32>
    %reduce_sum3A_15 = vector.multi_reduction <add>, %mul3A, %reduce_sum3A_14 [1] : vector<2000x4xf32> to vector<2000xf32>
    %broadcast_in_dim3A_16 = vector.shape_cast %reduce_sum3A_15 : vector<2000xf32> to vector<2000x1xf32>
    %div3A_17 = arith.constant 4.000000e+00 : f32
    %div3A_18 = vector.broadcast %div3A_17 : f32 to vector<2000x1xf32>
    %div3A_19 = arith.divf %broadcast_in_dim3A_16, %div3A_18 : vector<2000x1xf32>
    %sub3A_20 = vector.broadcast %div3A_10 : vector<2000x1xf32> to vector<2000x4xf32>
    %sub3A_21 = arith.subf %get3A_1, %sub3A_20 : vector<2000x4xf32>
    %add3A = arith.constant 9.99999974E-6 : f32
    %add3A_22 = vector.broadcast %add3A : f32 to vector<2000x1xf32>
    %add3A_23 = arith.addf %div3A_19, %add3A_22 : vector<2000x1xf32>
    %rsqrt3A = math.rsqrt %add3A_23 : vector<2000x1xf32>
    %mul3A_24 = vector.broadcast %rsqrt3A : vector<2000x1xf32> to vector<2000x4xf32>
    %mul3A_25 = arith.mulf %sub3A_21, %mul3A_24 : vector<2000x4xf32>
    %mul3A_26 = vector.broadcast %get3A_4 : vector<1x4xf32> to vector<2000x4xf32>
    %mul3A_27 = arith.mulf %mul3A_25, %mul3A_26 : vector<2000x4xf32>
    %add3A_28 = vector.broadcast %get3A_7 : vector<1x4xf32> to vector<2000x4xf32>
    %add3A_29 = arith.addf %mul3A_27, %add3A_28 : vector<2000x4xf32>
    %get3A_30 = arith.constant 0 : index
    %get3A_31 = arith.constant 0 : index
    %get3A_32 = vector.load %arg5[%get3A_30, %get3A_31] : memref<4x16xf32, #tpu.memory_space<vmem>>, vector<4x16xf32>
    %dot_general3A = arith.constant dense<0.000000e+00> : vector<2000x16xf32>
    %dot_general3A_33 = tpu.matmul %add3A_29, %get3A_32, %dot_general3A {dimension_numbers = #tpu.dot_dimension_numbers<[1], [0], [0], [1], [0, 0, 1, 1], [], []>, transpose_lhs_hint = false} : vector<2000x4xf32>, vector<4x16xf32>, vector<2000x16xf32> -> vector<2000x16xf32>
    %get3A_34 = arith.constant 0 : index
    %get3A_35 = arith.constant 0 : index
    %get3A_36 = vector.load %arg6[%get3A_34, %get3A_35] : memref<1x16xf32, #tpu.memory_space<vmem>>, vector<1x16xf32>
    %add3A_37 = vector.broadcast %get3A_36 : vector<1x16xf32> to vector<2000x16xf32>
    %add3A_38 = arith.addf %dot_general3A_33, %add3A_37 : vector<2000x16xf32>
    %broadcast_in_dim3A_39 = arith.constant 0.000000e+00 : f32
    %broadcast_in_dim3A_40 = vector.broadcast %broadcast_in_dim3A_39 : f32 to vector<2000x5xf32>
    %get3A_41 = arith.constant 0 : index
    %get3A_42 = arith.constant 0 : index
    %get3A_43 = vector.load %arg1[%get3A_41, %get3A_42] : memref<2000x3xf32, #tpu.memory_space<vmem>>, vector<2000x3xf32>
    %concatenate3A = tpu.concatenate %add3A_38, %get3A_43, %broadcast_in_dim3A_40 in 1 : vector<2000x16xf32>, vector<2000x3xf32>, vector<2000x5xf32> -> vector<2000x24xf32>
    %swap3A = arith.constant 0 : index
    %swap3A_44 = arith.constant 0 : index
    %swap3A_45 = vector.load %arg7[%swap3A, %swap3A_44] : memref<2000x24xf32, #tpu.memory_space<vmem>>, vector<2000x24xf32>
    tpu.vector_store %arg7[%swap3A, %swap3A_44], %concatenate3A {strides = array<i32>} : memref<2000x24xf32, #tpu.memory_space<vmem>>, vector<2000x24xf32>,
    return
  }
  func.func @transform_0(%arg0: i32) -> (i32, i32) {
    %c0_i32 = arith.constant 0 : i32
    %c0_i32_0 = arith.constant 0 : i32
    return %arg0, %c0_i32 : i32, i32
  }
  func.func @transform_1(%arg0: i32) -> (i32, i32) {
    %c0_i32 = arith.constant 0 : i32
    %c0_i32_0 = arith.constant 0 : i32
    return %arg0, %c0_i32 : i32, i32
  }
  func.func @transform_2(%arg0: i32) -> (i32, i32) {
    %c0_i32 = arith.constant 0 : i32
    %c0_i32_0 = arith.constant 0 : i32
    %c0_i32_1 = arith.constant 0 : i32
    return %c0_i32, %c0_i32_0 : i32, i32
  }
  func.func @transform_3(%arg0: i32) -> (i32, i32) {
    %c0_i32 = arith.constant 0 : i32
    %c0_i32_0 = arith.constant 0 : i32
    %c0_i32_1 = arith.constant 0 : i32
    return %c0_i32, %c0_i32_0 : i32, i32
  }
  func.func @transform_4(%arg0: i32) -> (i32, i32) {
    %c0_i32 = arith.constant 0 : i32
    %c0_i32_0 = arith.constant 0 : i32
    %c0_i32_1 = arith.constant 0 : i32
    return %c0_i32, %c0_i32_0 : i32, i32
  }
  func.func @transform_5(%arg0: i32) -> (i32, i32) {
    %c0_i32 = arith.constant 0 : i32
    %c0_i32_0 = arith.constant 0 : i32
    %c0_i32_1 = arith.constant 0 : i32
    return %c0_i32, %c0_i32_0 : i32, i32
  }
  func.func @transform_6(%arg0: i32) -> (i32, i32) {
    %c0_i32 = arith.constant 0 : i32
    %c0_i32_0 = arith.constant 0 : i32
    return %arg0, %c0_i32 : i32, i32
  }
}

module attributes {stable_mosaic.version = 14 : i64} {
  func.func @_edge1_body(%arg0: i32, %arg1: memref<3584x24xf32, #tpu.memory_space<vmem>>, %arg2: memref<3584x24xf32, #tpu.memory_space<vmem>>, %arg3: memref<24x8xf32, #tpu.memory_space<vmem>>, %arg4: memref<1x6xf32, #tpu.memory_space<vmem>>, %arg5: memref<1x6xf32, #tpu.memory_space<vmem>>, %arg6: memref<7x16xf32, #tpu.memory_space<vmem>>, %arg7: memref<1x16xf32, #tpu.memory_space<vmem>>, %arg8: memref<1x1xf32, #tpu.memory_space<vmem>>, %arg9: memref<1x1xf32, #tpu.memory_space<vmem>>, %arg10: memref<16x1xf32, #tpu.memory_space<vmem>>, %arg11: memref<1x1xf32, #tpu.memory_space<vmem>>, %arg12: memref<8x72xf32, #tpu.memory_space<vmem>>, %arg13: memref<24x72xf32, #tpu.memory_space<vmem>>, %arg14: memref<24x72xf32, #tpu.memory_space<vmem>>, %arg15: memref<16x16xf32, #tpu.memory_space<vmem>>, %arg16: memref<16x16xf32, #tpu.memory_space<vmem>>, %arg17: memref<16x16xf32, #tpu.memory_space<vmem>>, %arg18: memref<24x16xf32, #tpu.memory_space<vmem>>, %arg19: memref<1x16xf32, #tpu.memory_space<vmem>>, %arg20: memref<72x24xf32, #tpu.memory_space<vmem>>, %arg21: memref<16x24xf32, #tpu.memory_space<vmem>>, %arg22: memref<1x24xf32, #tpu.memory_space<vmem>>, %arg23: memref<24x24xf32, #tpu.memory_space<vmem>>, %arg24: memref<16x16xf32, #tpu.memory_space<vmem>>, %arg25: memref<8x16xf32, #tpu.memory_space<vmem>>, %arg26: memref<1x16xf32, #tpu.memory_space<vmem>>, %arg27: memref<24x24xf32, #tpu.memory_space<vmem>>, %arg28: memref<16x24xf32, #tpu.memory_space<vmem>>, %arg29: memref<1x24xf32, #tpu.memory_space<vmem>>, %arg30: memref<3584x48xf32, #tpu.memory_space<vmem>>, %arg31: memref<3584x16xf32, #tpu.memory_space<vmem>>, %arg32: memref<3584x8xf32, #tpu.memory_space<vmem>>) attributes {dimension_semantics = [#tpu.dimension_semantics<arbitrary>], iteration_bounds = array<i64: 224>, scalar_prefetch = 0 : i64, scratch_operands = 0 : i64, tpu.core_type = #tpu.core_type<tc>, window_params = [{transform_indices = @transform_0, window_bounds = array<i64: 3584, 24>}, {transform_indices = @transform_1, window_bounds = array<i64: 3584, 24>}, {pipeline_mode = #tpu.pipeline_mode<synchronous>, transform_indices = @transform_2, window_bounds = array<i64: 24, 8>}, {pipeline_mode = #tpu.pipeline_mode<synchronous>, transform_indices = @transform_3, window_bounds = array<i64: 1, 6>}, {pipeline_mode = #tpu.pipeline_mode<synchronous>, transform_indices = @transform_4, window_bounds = array<i64: 1, 6>}, {pipeline_mode = #tpu.pipeline_mode<synchronous>, transform_indices = @transform_5, window_bounds = array<i64: 7, 16>}, {pipeline_mode = #tpu.pipeline_mode<synchronous>, transform_indices = @transform_6, window_bounds = array<i64: 1, 16>}, {pipeline_mode = #tpu.pipeline_mode<synchronous>, transform_indices = @transform_7, window_bounds = array<i64: 1, 1>}, {pipeline_mode = #tpu.pipeline_mode<synchronous>, transform_indices = @transform_8, window_bounds = array<i64: 1, 1>}, {pipeline_mode = #tpu.pipeline_mode<synchronous>, transform_indices = @transform_9, window_bounds = array<i64: 16, 1>}, {pipeline_mode = #tpu.pipeline_mode<synchronous>, transform_indices = @transform_10, window_bounds = array<i64: 1, 1>}, {pipeline_mode = #tpu.pipeline_mode<synchronous>, transform_indices = @transform_11, window_bounds = array<i64: 8, 72>}, {pipeline_mode = #tpu.pipeline_mode<synchronous>, transform_indices = @transform_12, window_bounds = array<i64: 24, 72>}, {pipeline_mode = #tpu.pipeline_mode<synchronous>, transform_indices = @transform_13, window_bounds = array<i64: 24, 72>}, {pipeline_mode = #tpu.pipeline_mode<synchronous>, transform_indices = @transform_14, window_bounds = array<i64: 16, 16>}, {pipeline_mode = #tpu.pipeline_mode<synchronous>, transform_indices = @transform_15, window_bounds = array<i64: 16, 16>}, {pipeline_mode = #tpu.pipeline_mode<synchronous>, transform_indices = @transform_16, window_bounds = array<i64: 16, 16>}, {pipeline_mode = #tpu.pipeline_mode<synchronous>, transform_indices = @transform_17, window_bounds = array<i64: 24, 16>}, {pipeline_mode = #tpu.pipeline_mode<synchronous>, transform_indices = @transform_18, window_bounds = array<i64: 1, 16>}, {pipeline_mode = #tpu.pipeline_mode<synchronous>, transform_indices = @transform_19, window_bounds = array<i64: 72, 24>}, {pipeline_mode = #tpu.pipeline_mode<synchronous>, transform_indices = @transform_20, window_bounds = array<i64: 16, 24>}, {pipeline_mode = #tpu.pipeline_mode<synchronous>, transform_indices = @transform_21, window_bounds = array<i64: 1, 24>}, {pipeline_mode = #tpu.pipeline_mode<synchronous>, transform_indices = @transform_22, window_bounds = array<i64: 24, 24>}, {pipeline_mode = #tpu.pipeline_mode<synchronous>, transform_indices = @transform_23, window_bounds = array<i64: 16, 16>}, {pipeline_mode = #tpu.pipeline_mode<synchronous>, transform_indices = @transform_24, window_bounds = array<i64: 8, 16>}, {pipeline_mode = #tpu.pipeline_mode<synchronous>, transform_indices = @transform_25, window_bounds = array<i64: 1, 16>}, {pipeline_mode = #tpu.pipeline_mode<synchronous>, transform_indices = @transform_26, window_bounds = array<i64: 24, 24>}, {pipeline_mode = #tpu.pipeline_mode<synchronous>, transform_indices = @transform_27, window_bounds = array<i64: 16, 24>}, {pipeline_mode = #tpu.pipeline_mode<synchronous>, transform_indices = @transform_28, window_bounds = array<i64: 1, 24>}, {transform_indices = @transform_29, window_bounds = array<i64: 3584, 48>}, {transform_indices = @transform_30, window_bounds = array<i64: 3584, 16>}, {transform_indices = @transform_31, window_bounds = array<i64: 3584, 8>}]} {
    %get3A = arith.constant 0 : index
    %get3A_0 = arith.constant 0 : index
    %get3A_1 = vector.load %arg1[%get3A, %get3A_0] : memref<3584x24xf32, #tpu.memory_space<vmem>>, vector<3584x24xf32>
    %get3A_2 = arith.constant 0 : index
    %get3A_3 = arith.constant 0 : index
    %get3A_4 = vector.load %arg2[%get3A_2, %get3A_3] : memref<3584x24xf32, #tpu.memory_space<vmem>>, vector<3584x24xf32>
    %sub3A = arith.subf %get3A_4, %get3A_1 : vector<3584x24xf32>
    %get3A_5 = arith.constant 0 : index
    %get3A_6 = arith.constant 0 : index
    %get3A_7 = vector.load %arg3[%get3A_5, %get3A_6] : memref<24x8xf32, #tpu.memory_space<vmem>>, vector<24x8xf32>
    %dot_general3A = arith.constant dense<0.000000e+00> : vector<3584x8xf32>
    %dot_general3A_8 = tpu.matmul %sub3A, %get3A_7, %dot_general3A {dimension_numbers = #tpu.dot_dimension_numbers<[1], [0], [0], [1], [0, 0, 1, 1], [], []>, transpose_lhs_hint = false} : vector<3584x24xf32>, vector<24x8xf32>, vector<3584x8xf32> -> vector<3584x8xf32>
    %mul3A = arith.mulf %dot_general3A_8, %dot_general3A_8 : vector<3584x8xf32>
    %reduce_sum3A = arith.constant dense<0.000000e+00> : vector<3584xf32>
    %reduce_sum3A_9 = vector.multi_reduction <add>, %mul3A, %reduce_sum3A [1] : vector<3584x8xf32> to vector<3584xf32>
    %broadcast_in_dim3A = vector.shape_cast %reduce_sum3A_9 : vector<3584xf32> to vector<3584x1xf32>
    %sqrt3A = math.sqrt %broadcast_in_dim3A : vector<3584x1xf32>
    %iota3A = tpu.iota {dimensions = array<i32: 1>} : vector<1x6xi32>
    %convert_element_type3A = arith.sitofp %iota3A : vector<1x6xi32> to vector<1x6xf32>
    %add3A = arith.constant 1.000000e+00 : f32
    %add3A_10 = vector.broadcast %add3A : f32 to vector<1x6xf32>
    %add3A_11 = arith.addf %add3A_10, %convert_element_type3A : vector<1x6xf32>
    %mul3A_12 = arith.constant 3.14159274 : f32
    %mul3A_13 = vector.broadcast %mul3A_12 : f32 to vector<1x6xf32>
    %mul3A_14 = arith.mulf %mul3A_13, %add3A_11 : vector<1x6xf32>
    %div3A = arith.constant 5.000000e+00 : f32
    %div3A_15 = vector.broadcast %div3A : f32 to vector<1x6xf32>
    %div3A_16 = arith.divf %mul3A_14, %div3A_15 : vector<1x6xf32>
    %mul3A_17 = vector.broadcast %sqrt3A : vector<3584x1xf32> to vector<3584x6xf32>
    %mul3A_18 = vector.broadcast %div3A_16 : vector<1x6xf32> to vector<3584x6xf32>
    %mul3A_19 = arith.mulf %mul3A_17, %mul3A_18 : vector<3584x6xf32>
    %mul3A_20 = arith.constant 0.159154937 : f32
    %mul3A_21 = vector.broadcast %mul3A_20 : f32 to vector<3584x6xf32>
    %mul3A_22 = arith.mulf %mul3A_19, %mul3A_21 : vector<3584x6xf32>
    %round3A = math.roundeven %mul3A_22 : vector<3584x6xf32>
    %mul3A_23 = arith.constant 6.28318548 : f32
    %mul3A_24 = vector.broadcast %mul3A_23 : f32 to vector<3584x6xf32>
    %mul3A_25 = arith.mulf %round3A, %mul3A_24 : vector<3584x6xf32>
    %sub3A_26 = arith.subf %mul3A_19, %mul3A_25 : vector<3584x6xf32>
    %mul3A_27 = arith.mulf %sub3A_26, %sub3A_26 : vector<3584x6xf32>
    %mul3A_28 = arith.constant -7.6471636E-13 : f32
    %mul3A_29 = vector.broadcast %mul3A_28 : f32 to vector<3584x6xf32>
    %mul3A_30 = arith.mulf %mul3A_29, %mul3A_27 : vector<3584x6xf32>
    %add3A_31 = arith.constant 1.60590444E-10 : f32
    %add3A_32 = vector.broadcast %add3A_31 : f32 to vector<3584x6xf32>
    %add3A_33 = arith.addf %mul3A_30, %add3A_32 : vector<3584x6xf32>
    %mul3A_34 = arith.mulf %add3A_33, %mul3A_27 : vector<3584x6xf32>
    %add3A_35 = arith.constant -2.50521079E-8 : f32
    %add3A_36 = vector.broadcast %add3A_35 : f32 to vector<3584x6xf32>
    %add3A_37 = arith.addf %mul3A_34, %add3A_36 : vector<3584x6xf32>
    %mul3A_38 = arith.mulf %add3A_37, %mul3A_27 : vector<3584x6xf32>
    %add3A_39 = arith.constant 2.75573188E-6 : f32
    %add3A_40 = vector.broadcast %add3A_39 : f32 to vector<3584x6xf32>
    %add3A_41 = arith.addf %mul3A_38, %add3A_40 : vector<3584x6xf32>
    %mul3A_42 = arith.mulf %add3A_41, %mul3A_27 : vector<3584x6xf32>
    %add3A_43 = arith.constant -1.98412701E-4 : f32
    %add3A_44 = vector.broadcast %add3A_43 : f32 to vector<3584x6xf32>
    %add3A_45 = arith.addf %mul3A_42, %add3A_44 : vector<3584x6xf32>
    %mul3A_46 = arith.mulf %add3A_45, %mul3A_27 : vector<3584x6xf32>
    %add3A_47 = arith.constant 0.00833333377 : f32
    %add3A_48 = vector.broadcast %add3A_47 : f32 to vector<3584x6xf32>
    %add3A_49 = arith.addf %mul3A_46, %add3A_48 : vector<3584x6xf32>
    %mul3A_50 = arith.mulf %add3A_49, %mul3A_27 : vector<3584x6xf32>
    %add3A_51 = arith.constant -0.166666672 : f32
    %add3A_52 = vector.broadcast %add3A_51 : f32 to vector<3584x6xf32>
    %add3A_53 = arith.addf %mul3A_50, %add3A_52 : vector<3584x6xf32>
    %mul3A_54 = arith.mulf %sub3A_26, %mul3A_27 : vector<3584x6xf32>
    %mul3A_55 = arith.mulf %mul3A_54, %add3A_53 : vector<3584x6xf32>
    %add3A_56 = arith.addf %sub3A_26, %mul3A_55 : vector<3584x6xf32>
    %sqrt3A_57 = arith.constant 4.000000e-01 : f32
    %sqrt3A_58 = math.sqrt %sqrt3A_57 : f32
    %mul3A_59 = vector.broadcast %sqrt3A_58 : f32 to vector<3584x6xf32>
    %mul3A_60 = arith.mulf %mul3A_59, %add3A_56 : vector<3584x6xf32>
    %div3A_61 = vector.broadcast %sqrt3A : vector<3584x1xf32> to vector<3584x6xf32>
    %div3A_62 = arith.divf %mul3A_60, %div3A_61 : vector<3584x6xf32>
    %div3A_63 = arith.constant 5.000000e+00 : f32
    %div3A_64 = vector.broadcast %div3A_63 : f32 to vector<3584x1xf32>
    %div3A_65 = arith.divf %sqrt3A, %div3A_64 : vector<3584x1xf32>
    %mul3A_66 = arith.mulf %div3A_65, %div3A_65 : vector<3584x1xf32>
    %mul3A_67 = arith.mulf %mul3A_66, %div3A_65 : vector<3584x1xf32>
    %integer_pow3A = arith.mulf %mul3A_67, %mul3A_67 : vector<3584x1xf32>
    %mul3A_68 = arith.constant 2.800000e+01 : f32
    %mul3A_69 = vector.broadcast %mul3A_68 : f32 to vector<3584x1xf32>
    %mul3A_70 = arith.mulf %mul3A_69, %integer_pow3A : vector<3584x1xf32>
    %sub3A_71 = arith.constant 1.000000e+00 : f32
    %sub3A_72 = vector.broadcast %sub3A_71 : f32 to vector<3584x1xf32>
    %sub3A_73 = arith.subf %sub3A_72, %mul3A_70 : vector<3584x1xf32>
    %mul3A_74 = arith.constant 4.800000e+01 : f32
    %mul3A_75 = vector.broadcast %mul3A_74 : f32 to vector<3584x1xf32>
    %mul3A_76 = arith.mulf %mul3A_75, %integer_pow3A : vector<3584x1xf32>
    %mul3A_77 = arith.mulf %mul3A_76, %div3A_65 : vector<3584x1xf32>
    %add3A_78 = arith.addf %sub3A_73, %mul3A_77 : vector<3584x1xf32>
    %mul3A_79 = arith.constant 2.100000e+01 : f32
    %mul3A_80 = vector.broadcast %mul3A_79 : f32 to vector<3584x1xf32>
    %mul3A_81 = arith.mulf %mul3A_80, %integer_pow3A : vector<3584x1xf32>
    %mul3A_82 = arith.mulf %mul3A_81, %div3A_65 : vector<3584x1xf32>
    %mul3A_83 = arith.mulf %mul3A_82, %div3A_65 : vector<3584x1xf32>
    %sub3A_84 = arith.subf %add3A_78, %mul3A_83 : vector<3584x1xf32>
    %lt3A = arith.constant 1.000000e+00 : f32
    %lt3A_85 = vector.broadcast %lt3A : f32 to vector<3584x1xf32>
    %lt3A_86 = arith.cmpf olt, %div3A_65, %lt3A_85 : vector<3584x1xf32>
    %convert_element_type3A_87 = arith.extui %lt3A_86 : vector<3584x1xi1> to vector<3584x1xi32>
    %convert_element_type3A_88 = arith.sitofp %convert_element_type3A_87 : vector<3584x1xi32> to vector<3584x1xf32>
    %mul3A_89 = arith.mulf %sub3A_84, %convert_element_type3A_88 : vector<3584x1xf32>
    %mul3A_90 = vector.broadcast %mul3A_89 : vector<3584x1xf32> to vector<3584x6xf32>
    %mul3A_91 = arith.mulf %div3A_62, %mul3A_90 : vector<3584x6xf32>
    %get3A_92 = arith.constant 0 : index
    %get3A_93 = arith.constant 0 : index
    %get3A_94 = vector.load %arg4[%get3A_92, %get3A_93] : memref<1x6xf32, #tpu.memory_space<vmem>>, vector<1x6xf32>
    %get3A_95 = arith.constant 0 : index
    %get3A_96 = arith.constant 0 : index
    %get3A_97 = vector.load %arg5[%get3A_95, %get3A_96] : memref<1x6xf32, #tpu.memory_space<vmem>>, vector<1x6xf32>
    %reduce_sum3A_98 = arith.constant dense<0.000000e+00> : vector<3584xf32>
    %reduce_sum3A_99 = vector.multi_reduction <add>, %mul3A_91, %reduce_sum3A_98 [1] : vector<3584x6xf32> to vector<3584xf32>
    %broadcast_in_dim3A_100 = vector.shape_cast %reduce_sum3A_99 : vector<3584xf32> to vector<3584x1xf32>
    %div3A_101 = arith.constant 6.000000e+00 : f32
    %div3A_102 = vector.broadcast %div3A_101 : f32 to vector<3584x1xf32>
    %div3A_103 = arith.divf %broadcast_in_dim3A_100, %div3A_102 : vector<3584x1xf32>
    %sub3A_104 = vector.broadcast %div3A_103 : vector<3584x1xf32> to vector<3584x6xf32>
    %sub3A_105 = arith.subf %mul3A_91, %sub3A_104 : vector<3584x6xf32>
    %sub3A_106 = vector.broadcast %div3A_103 : vector<3584x1xf32> to vector<3584x6xf32>
    %sub3A_107 = arith.subf %mul3A_91, %sub3A_106 : vector<3584x6xf32>
    %mul3A_108 = arith.mulf %sub3A_105, %sub3A_107 : vector<3584x6xf32>
    %reduce_sum3A_109 = arith.constant dense<0.000000e+00> : vector<3584xf32>
    %reduce_sum3A_110 = vector.multi_reduction <add>, %mul3A_108, %reduce_sum3A_109 [1] : vector<3584x6xf32> to vector<3584xf32>
    %broadcast_in_dim3A_111 = vector.shape_cast %reduce_sum3A_110 : vector<3584xf32> to vector<3584x1xf32>
    %div3A_112 = arith.constant 6.000000e+00 : f32
    %div3A_113 = vector.broadcast %div3A_112 : f32 to vector<3584x1xf32>
    %div3A_114 = arith.divf %broadcast_in_dim3A_111, %div3A_113 : vector<3584x1xf32>
    %sub3A_115 = vector.broadcast %div3A_103 : vector<3584x1xf32> to vector<3584x6xf32>
    %sub3A_116 = arith.subf %mul3A_91, %sub3A_115 : vector<3584x6xf32>
    %add3A_117 = arith.constant 9.99999974E-6 : f32
    %add3A_118 = vector.broadcast %add3A_117 : f32 to vector<3584x1xf32>
    %add3A_119 = arith.addf %div3A_114, %add3A_118 : vector<3584x1xf32>
    %rsqrt3A = math.rsqrt %add3A_119 : vector<3584x1xf32>
    %mul3A_120 = vector.broadcast %rsqrt3A : vector<3584x1xf32> to vector<3584x6xf32>
    %mul3A_121 = arith.mulf %sub3A_116, %mul3A_120 : vector<3584x6xf32>
    %mul3A_122 = vector.broadcast %get3A_94 : vector<1x6xf32> to vector<3584x6xf32>
    %mul3A_123 = arith.mulf %mul3A_121, %mul3A_122 : vector<3584x6xf32>
    %add3A_124 = vector.broadcast %get3A_97 : vector<1x6xf32> to vector<3584x6xf32>
    %add3A_125 = arith.addf %mul3A_123, %add3A_124 : vector<3584x6xf32>
    %max3A = arith.constant 1.000000e-18 : f32
    %max3A_126 = vector.broadcast %max3A : f32 to vector<3584x1xf32>
    %max3A_127 = arith.maximumf %broadcast_in_dim3A, %max3A_126 : vector<3584x1xf32>
    %rsqrt3A_128 = math.rsqrt %max3A_127 : vector<3584x1xf32>
    %mul3A_129 = vector.broadcast %rsqrt3A_128 : vector<3584x1xf32> to vector<3584x8xf32>
    %mul3A_130 = arith.mulf %dot_general3A_8, %mul3A_129 : vector<3584x8xf32>
    %get3A_131 = arith.constant 0 : index
    %get3A_132 = arith.constant 0 : index
    %get3A_133 = vector.load %arg8[%get3A_131, %get3A_132] : memref<1x1xf32, #tpu.memory_space<vmem>>, vector<1x1xf32>
    %mul3A_134 = vector.broadcast %get3A_133 : vector<1x1xf32> to vector<3584x8xf32>
    %mul3A_135 = arith.mulf %mul3A_130, %mul3A_134 : vector<3584x8xf32>
    %mul3A_136 = arith.mulf %mul3A_135, %mul3A_135 : vector<3584x8xf32>
    %reduce_sum3A_137 = arith.constant dense<0.000000e+00> : vector<3584xf32>
    %reduce_sum3A_138 = vector.multi_reduction <add>, %mul3A_136, %reduce_sum3A_137 [1] : vector<3584x8xf32> to vector<3584xf32>
    %broadcast_in_dim3A_139 = vector.shape_cast %reduce_sum3A_138 : vector<3584xf32> to vector<3584x1xf32>
    %max3A_140 = arith.constant 9.99999993E-9 : f32
    %max3A_141 = vector.broadcast %max3A_140 : f32 to vector<3584x1xf32>
    %max3A_142 = arith.maximumf %broadcast_in_dim3A_139, %max3A_141 : vector<3584x1xf32>
    %sqrt3A_143 = math.sqrt %max3A_142 : vector<3584x1xf32>
    %get3A_144 = arith.constant 0 : index
    %get3A_145 = arith.constant 0 : index
    %get3A_146 = vector.load %arg6[%get3A_144, %get3A_145] : memref<7x16xf32, #tpu.memory_space<vmem>>, vector<6x16xf32>
    %dot_general3A_147 = arith.constant dense<0.000000e+00> : vector<3584x16xf32>
    %dot_general3A_148 = tpu.matmul %add3A_125, %get3A_146, %dot_general3A_147 {dimension_numbers = #tpu.dot_dimension_numbers<[1], [0], [0], [1], [0, 0, 1, 1], [], []>, transpose_lhs_hint = false} : vector<3584x6xf32>, vector<6x16xf32>, vector<3584x16xf32> -> vector<3584x16xf32>
    %get3A_149 = arith.constant 6 : index
    %get3A_150 = arith.constant 0 : index
    %get3A_151 = vector.load %arg6[%get3A_149, %get3A_150] : memref<7x16xf32, #tpu.memory_space<vmem>>, vector<1x16xf32>
    %mul3A_152 = vector.broadcast %sqrt3A_143 : vector<3584x1xf32> to vector<3584x16xf32>
    %mul3A_153 = vector.broadcast %get3A_151 : vector<1x16xf32> to vector<3584x16xf32>
    %mul3A_154 = arith.mulf %mul3A_152, %mul3A_153 : vector<3584x16xf32>
    %add3A_155 = arith.addf %dot_general3A_148, %mul3A_154 : vector<3584x16xf32>
    %get3A_156 = arith.constant 0 : index
    %get3A_157 = arith.constant 0 : index
    %get3A_158 = vector.load %arg7[%get3A_156, %get3A_157] : memref<1x16xf32, #tpu.memory_space<vmem>>, vector<1x16xf32>
    %add3A_159 = vector.broadcast %get3A_158 : vector<1x16xf32> to vector<3584x16xf32>
    %add3A_160 = arith.addf %add3A_155, %add3A_159 : vector<3584x16xf32>
    %get3A_161 = arith.constant 0 : index
    %get3A_162 = arith.constant 0 : index
    %get3A_163 = vector.load %arg9[%get3A_161, %get3A_162] : memref<1x1xf32, #tpu.memory_space<vmem>>, vector<1x1xf32>
    %mul3A_164 = vector.broadcast %get3A_163 : vector<1x1xf32> to vector<3584x8xf32>
    %mul3A_165 = arith.mulf %mul3A_135, %mul3A_164 : vector<3584x8xf32>
    %get3A_166 = arith.constant 0 : index
    %get3A_167 = arith.constant 0 : index
    %get3A_168 = vector.load %arg10[%get3A_166, %get3A_167] : memref<16x1xf32, #tpu.memory_space<vmem>>, vector<16x1xf32>
    %dot_general3A_169 = arith.constant dense<0.000000e+00> : vector<3584x1xf32>
    %dot_general3A_170 = tpu.matmul %add3A_160, %get3A_168, %dot_general3A_169 {dimension_numbers = #tpu.dot_dimension_numbers<[1], [0], [0], [1], [0, 0, 1, 1], [], []>, transpose_lhs_hint = false} : vector<3584x16xf32>, vector<16x1xf32>, vector<3584x1xf32> -> vector<3584x1xf32>
    %get3A_171 = arith.constant 0 : index
    %get3A_172 = arith.constant 0 : index
    %get3A_173 = vector.load %arg11[%get3A_171, %get3A_172] : memref<1x1xf32, #tpu.memory_space<vmem>>, vector<1x1xf32>
    %add3A_174 = vector.broadcast %get3A_173 : vector<1x1xf32> to vector<3584x1xf32>
    %add3A_175 = arith.addf %dot_general3A_170, %add3A_174 : vector<3584x1xf32>
    %logistic3A = arith.negf %add3A_175 : vector<3584x1xf32>
    %logistic3A_176 = math.exp %logistic3A : vector<3584x1xf32>
    %logistic3A_177 = arith.constant 1.000000e+00 : f32
    %logistic3A_178 = vector.broadcast %logistic3A_177 : f32 to vector<3584x1xf32>
    %logistic3A_179 = arith.addf %logistic3A_178, %logistic3A_176 : vector<3584x1xf32>
    %logistic3A_180 = arith.divf %logistic3A_178, %logistic3A_179 : vector<3584x1xf32>
    %mul3A_181 = vector.broadcast %logistic3A_180 : vector<3584x1xf32> to vector<3584x8xf32>
    %mul3A_182 = arith.mulf %mul3A_165, %mul3A_181 : vector<3584x8xf32>
    %swap3A = arith.constant 0 : index
    %swap3A_183 = arith.constant 0 : index
    %swap3A_184 = vector.load %arg31[%swap3A, %swap3A_183] : memref<3584x16xf32, #tpu.memory_space<vmem>>, vector<3584x16xf32>
    tpu.vector_store %arg31[%swap3A, %swap3A_183], %add3A_160 {strides = array<i32>} : memref<3584x16xf32, #tpu.memory_space<vmem>>, vector<3584x16xf32>,
    %swap3A_185 = arith.constant 0 : index
    %swap3A_186 = arith.constant 0 : index
    %swap3A_187 = vector.load %arg32[%swap3A_185, %swap3A_186] : memref<3584x8xf32, #tpu.memory_space<vmem>>, vector<3584x8xf32>
    tpu.vector_store %arg32[%swap3A_185, %swap3A_186], %mul3A_182 {strides = array<i32>} : memref<3584x8xf32, #tpu.memory_space<vmem>>, vector<3584x8xf32>,
    %slice3A = vector.extract_strided_slice %get3A_1 {offsets = [0, 0], sizes = [3584, 16], strides = [1, 1]} : vector<3584x24xf32> to vector<3584x16xf32>
    %slice3A_188 = vector.extract_strided_slice %get3A_4 {offsets = [0, 0], sizes = [3584, 16], strides = [1, 1]} : vector<3584x24xf32> to vector<3584x16xf32>
    %get3A_189 = arith.constant 0 : index
    %get3A_190 = arith.constant 0 : index
    %get3A_191 = vector.load %arg12[%get3A_189, %get3A_190] : memref<8x72xf32, #tpu.memory_space<vmem>>, vector<8x72xf32>
    %dot_general3A_192 = arith.constant dense<0.000000e+00> : vector<3584x72xf32>
    %dot_general3A_193 = tpu.matmul %mul3A_182, %get3A_191, %dot_general3A_192 {dimension_numbers = #tpu.dot_dimension_numbers<[1], [0], [0], [1], [0, 0, 1, 1], [], []>, transpose_lhs_hint = false} : vector<3584x8xf32>, vector<8x72xf32>, vector<3584x72xf32> -> vector<3584x72xf32>
    %slice3A_194 = vector.extract_strided_slice %dot_general3A_193 {offsets = [0, 0], sizes = [3584, 24], strides = [1, 1]} : vector<3584x72xf32> to vector<3584x24xf32>
    %slice3A_195 = vector.extract_strided_slice %dot_general3A_193 {offsets = [0, 0], sizes = [3584, 24], strides = [1, 1]} : vector<3584x72xf32> to vector<3584x24xf32>
    %mul3A_196 = arith.mulf %slice3A_194, %slice3A_195 : vector<3584x24xf32>
    %slice3A_197 = vector.extract_strided_slice %dot_general3A_193 {offsets = [0, 24], sizes = [3584, 24], strides = [1, 1]} : vector<3584x72xf32> to vector<3584x24xf32>
    %slice3A_198 = vector.extract_strided_slice %dot_general3A_193 {offsets = [0, 24], sizes = [3584, 24], strides = [1, 1]} : vector<3584x72xf32> to vector<3584x24xf32>
    %mul3A_199 = arith.mulf %slice3A_197, %slice3A_198 : vector<3584x24xf32>
    %add3A_200 = arith.addf %mul3A_196, %mul3A_199 : vector<3584x24xf32>
    %slice3A_201 = vector.extract_strided_slice %dot_general3A_193 {offsets = [0, 48], sizes = [3584, 24], strides = [1, 1]} : vector<3584x72xf32> to vector<3584x24xf32>
    %slice3A_202 = vector.extract_strided_slice %dot_general3A_193 {offsets = [0, 48], sizes = [3584, 24], strides = [1, 1]} : vector<3584x72xf32> to vector<3584x24xf32>
    %mul3A_203 = arith.mulf %slice3A_201, %slice3A_202 : vector<3584x24xf32>
    %add3A_204 = arith.addf %add3A_200, %mul3A_203 : vector<3584x24xf32>
    %max3A_205 = arith.constant 9.99999993E-9 : f32
    %max3A_206 = vector.broadcast %max3A_205 : f32 to vector<3584x24xf32>
    %max3A_207 = arith.maximumf %add3A_204, %max3A_206 : vector<3584x24xf32>
    %sqrt3A_208 = math.sqrt %max3A_207 : vector<3584x24xf32>
    %get3A_209 = arith.constant 0 : index
    %get3A_210 = arith.constant 0 : index
    %get3A_211 = vector.load %arg15[%get3A_209, %get3A_210] : memref<16x16xf32, #tpu.memory_space<vmem>>, vector<16x16xf32>
    %dot_general3A_212 = arith.constant dense<0.000000e+00> : vector<3584x16xf32>
    %dot_general3A_213 = tpu.matmul %slice3A, %get3A_211, %dot_general3A_212 {dimension_numbers = #tpu.dot_dimension_numbers<[1], [0], [0], [1], [0, 0, 1, 1], [], []>, transpose_lhs_hint = false} : vector<3584x16xf32>, vector<16x16xf32>, vector<3584x16xf32> -> vector<3584x16xf32>
    %get3A_214 = arith.constant 0 : index
    %get3A_215 = arith.constant 0 : index
    %get3A_216 = vector.load %arg16[%get3A_214, %get3A_215] : memref<16x16xf32, #tpu.memory_space<vmem>>, vector<16x16xf32>
    %dot_general3A_217 = arith.constant dense<0.000000e+00> : vector<3584x16xf32>
    %dot_general3A_218 = tpu.matmul %add3A_160, %get3A_216, %dot_general3A_217 {dimension_numbers = #tpu.dot_dimension_numbers<[1], [0], [0], [1], [0, 0, 1, 1], [], []>, transpose_lhs_hint = false} : vector<3584x16xf32>, vector<16x16xf32>, vector<3584x16xf32> -> vector<3584x16xf32>
    %add3A_219 = arith.addf %dot_general3A_213, %dot_general3A_218 : vector<3584x16xf32>
    %get3A_220 = arith.constant 0 : index
    %get3A_221 = arith.constant 0 : index
    %get3A_222 = vector.load %arg17[%get3A_220, %get3A_221] : memref<16x16xf32, #tpu.memory_space<vmem>>, vector<16x16xf32>
    %dot_general3A_223 = arith.constant dense<0.000000e+00> : vector<3584x16xf32>
    %dot_general3A_224 = tpu.matmul %slice3A_188, %get3A_222, %dot_general3A_223 {dimension_numbers = #tpu.dot_dimension_numbers<[1], [0], [0], [1], [0, 0, 1, 1], [], []>, transpose_lhs_hint = false} : vector<3584x16xf32>, vector<16x16xf32>, vector<3584x16xf32> -> vector<3584x16xf32>
    %add3A_225 = arith.addf %add3A_219, %dot_general3A_224 : vector<3584x16xf32>
    %get3A_226 = arith.constant 0 : index
    %get3A_227 = arith.constant 0 : index
    %get3A_228 = vector.load %arg18[%get3A_226, %get3A_227] : memref<24x16xf32, #tpu.memory_space<vmem>>, vector<24x16xf32>
    %dot_general3A_229 = arith.constant dense<0.000000e+00> : vector<3584x16xf32>
    %dot_general3A_230 = tpu.matmul %sqrt3A_208, %get3A_228, %dot_general3A_229 {dimension_numbers = #tpu.dot_dimension_numbers<[1], [0], [0], [1], [0, 0, 1, 1], [], []>, transpose_lhs_hint = false} : vector<3584x24xf32>, vector<24x16xf32>, vector<3584x16xf32> -> vector<3584x16xf32>
    %add3A_231 = arith.addf %add3A_225, %dot_general3A_230 : vector<3584x16xf32>
    %get3A_232 = arith.constant 0 : index
    %get3A_233 = arith.constant 0 : index
    %get3A_234 = vector.load %arg19[%get3A_232, %get3A_233] : memref<1x16xf32, #tpu.memory_space<vmem>>, vector<1x16xf32>
    %add3A_235 = vector.broadcast %get3A_234 : vector<1x16xf32> to vector<3584x16xf32>
    %add3A_236 = arith.addf %add3A_231, %add3A_235 : vector<3584x16xf32>
    %get3A_237 = arith.constant 0 : index
    %get3A_238 = arith.constant 0 : index
    %get3A_239 = vector.load %arg21[%get3A_237, %get3A_238] : memref<16x24xf32, #tpu.memory_space<vmem>>, vector<16x24xf32>
    %dot_general3A_240 = arith.constant dense<0.000000e+00> : vector<3584x24xf32>
    %dot_general3A_241 = tpu.matmul %add3A_236, %get3A_239, %dot_general3A_240 {dimension_numbers = #tpu.dot_dimension_numbers<[1], [0], [0], [1], [0, 0, 1, 1], [], []>, transpose_lhs_hint = false} : vector<3584x16xf32>, vector<16x24xf32>, vector<3584x24xf32> -> vector<3584x24xf32>
    %get3A_242 = arith.constant 0 : index
    %get3A_243 = arith.constant 0 : index
    %get3A_244 = vector.load %arg22[%get3A_242, %get3A_243] : memref<1x24xf32, #tpu.memory_space<vmem>>, vector<1x24xf32>
    %add3A_245 = vector.broadcast %get3A_244 : vector<1x24xf32> to vector<3584x24xf32>
    %add3A_246 = arith.addf %dot_general3A_241, %add3A_245 : vector<3584x24xf32>
    %logistic3A_247 = arith.negf %add3A_246 : vector<3584x24xf32>
    %logistic3A_248 = math.exp %logistic3A_247 : vector<3584x24xf32>
    %logistic3A_249 = arith.constant 1.000000e+00 : f32
    %logistic3A_250 = vector.broadcast %logistic3A_249 : f32 to vector<3584x24xf32>
    %logistic3A_251 = arith.addf %logistic3A_250, %logistic3A_248 : vector<3584x24xf32>
    %logistic3A_252 = arith.divf %logistic3A_250, %logistic3A_251 : vector<3584x24xf32>
    %get3A_253 = arith.constant 0 : index
    %get3A_254 = arith.constant 0 : index
    %get3A_255 = vector.load %arg20[%get3A_253, %get3A_254] : memref<72x24xf32, #tpu.memory_space<vmem>>, vector<72x24xf32>
    %dot_general3A_256 = arith.constant dense<0.000000e+00> : vector<3584x24xf32>
    %dot_general3A_257 = tpu.matmul %dot_general3A_193, %get3A_255, %dot_general3A_256 {dimension_numbers = #tpu.dot_dimension_numbers<[1], [0], [0], [1], [0, 0, 1, 1], [], []>, transpose_lhs_hint = false} : vector<3584x72xf32>, vector<72x24xf32>, vector<3584x24xf32> -> vector<3584x24xf32>
    %mul3A_258 = arith.mulf %dot_general3A_257, %logistic3A_252 : vector<3584x24xf32>
    %get3A_259 = arith.constant 0 : index
    %get3A_260 = arith.constant 0 : index
    %get3A_261 = vector.load %arg23[%get3A_259, %get3A_260] : memref<24x24xf32, #tpu.memory_space<vmem>>, vector<24x24xf32>
    %dot_general3A_262 = arith.constant dense<0.000000e+00> : vector<3584x24xf32>
    %dot_general3A_263 = tpu.matmul %mul3A_258, %get3A_261, %dot_general3A_262 {dimension_numbers = #tpu.dot_dimension_numbers<[1], [0], [0], [1], [0, 0, 1, 1], [], []>, transpose_lhs_hint = false} : vector<3584x24xf32>, vector<24x24xf32>, vector<3584x24xf32> -> vector<3584x24xf32>
    %slice3A_264 = vector.extract_strided_slice %dot_general3A_263 {offsets = [0, 0], sizes = [3584, 8], strides = [1, 1]} : vector<3584x24xf32> to vector<3584x8xf32>
    %slice3A_265 = vector.extract_strided_slice %dot_general3A_263 {offsets = [0, 0], sizes = [3584, 8], strides = [1, 1]} : vector<3584x24xf32> to vector<3584x8xf32>
    %mul3A_266 = arith.mulf %slice3A_264, %slice3A_265 : vector<3584x8xf32>
    %slice3A_267 = vector.extract_strided_slice %dot_general3A_263 {offsets = [0, 8], sizes = [3584, 8], strides = [1, 1]} : vector<3584x24xf32> to vector<3584x8xf32>
    %slice3A_268 = vector.extract_strided_slice %dot_general3A_263 {offsets = [0, 8], sizes = [3584, 8], strides = [1, 1]} : vector<3584x24xf32> to vector<3584x8xf32>
    %mul3A_269 = arith.mulf %slice3A_267, %slice3A_268 : vector<3584x8xf32>
    %add3A_270 = arith.addf %mul3A_266, %mul3A_269 : vector<3584x8xf32>
    %slice3A_271 = vector.extract_strided_slice %dot_general3A_263 {offsets = [0, 16], sizes = [3584, 8], strides = [1, 1]} : vector<3584x24xf32> to vector<3584x8xf32>
    %slice3A_272 = vector.extract_strided_slice %dot_general3A_263 {offsets = [0, 16], sizes = [3584, 8], strides = [1, 1]} : vector<3584x24xf32> to vector<3584x8xf32>
    %mul3A_273 = arith.mulf %slice3A_271, %slice3A_272 : vector<3584x8xf32>
    %add3A_274 = arith.addf %add3A_270, %mul3A_273 : vector<3584x8xf32>
    %max3A_275 = arith.constant 9.99999993E-9 : f32
    %max3A_276 = vector.broadcast %max3A_275 : f32 to vector<3584x8xf32>
    %max3A_277 = arith.maximumf %add3A_274, %max3A_276 : vector<3584x8xf32>
    %sqrt3A_278 = math.sqrt %max3A_277 : vector<3584x8xf32>
    %logistic3A_279 = arith.negf %add3A_236 : vector<3584x16xf32>
    %logistic3A_280 = math.exp %logistic3A_279 : vector<3584x16xf32>
    %logistic3A_281 = arith.constant 1.000000e+00 : f32
    %logistic3A_282 = vector.broadcast %logistic3A_281 : f32 to vector<3584x16xf32>
    %logistic3A_283 = arith.addf %logistic3A_282, %logistic3A_280 : vector<3584x16xf32>
    %logistic3A_284 = arith.divf %logistic3A_282, %logistic3A_283 : vector<3584x16xf32>
    %mul3A_285 = arith.mulf %add3A_236, %logistic3A_284 : vector<3584x16xf32>
    %get3A_286 = arith.constant 0 : index
    %get3A_287 = arith.constant 0 : index
    %get3A_288 = vector.load %arg24[%get3A_286, %get3A_287] : memref<16x16xf32, #tpu.memory_space<vmem>>, vector<16x16xf32>
    %dot_general3A_289 = arith.constant dense<0.000000e+00> : vector<3584x16xf32>
    %dot_general3A_290 = tpu.matmul %mul3A_285, %get3A_288, %dot_general3A_289 {dimension_numbers = #tpu.dot_dimension_numbers<[1], [0], [0], [1], [0, 0, 1, 1], [], []>, transpose_lhs_hint = false} : vector<3584x16xf32>, vector<16x16xf32>, vector<3584x16xf32> -> vector<3584x16xf32>
    %get3A_291 = arith.constant 0 : index
    %get3A_292 = arith.constant 0 : index
    %get3A_293 = vector.load %arg25[%get3A_291, %get3A_292] : memref<8x16xf32, #tpu.memory_space<vmem>>, vector<8x16xf32>
    %dot_general3A_294 = arith.constant dense<0.000000e+00> : vector<3584x16xf32>
    %dot_general3A_295 = tpu.matmul %sqrt3A_278, %get3A_293, %dot_general3A_294 {dimension_numbers = #tpu.dot_dimension_numbers<[1], [0], [0], [1], [0, 0, 1, 1], [], []>, transpose_lhs_hint = false} : vector<3584x8xf32>, vector<8x16xf32>, vector<3584x16xf32> -> vector<3584x16xf32>
    %add3A_296 = arith.addf %dot_general3A_290, %dot_general3A_295 : vector<3584x16xf32>
    %get3A_297 = arith.constant 0 : index
    %get3A_298 = arith.constant 0 : index
    %get3A_299 = vector.load %arg26[%get3A_297, %get3A_298] : memref<1x16xf32, #tpu.memory_space<vmem>>, vector<1x16xf32>
    %add3A_300 = vector.broadcast %get3A_299 : vector<1x16xf32> to vector<3584x16xf32>
    %add3A_301 = arith.addf %add3A_296, %add3A_300 : vector<3584x16xf32>
    %get3A_302 = arith.constant 0 : index
    %get3A_303 = arith.constant 0 : index
    %get3A_304 = vector.load %arg28[%get3A_302, %get3A_303] : memref<16x24xf32, #tpu.memory_space<vmem>>, vector<16x24xf32>
    %dot_general3A_305 = arith.constant dense<0.000000e+00> : vector<3584x24xf32>
    %dot_general3A_306 = tpu.matmul %add3A_301, %get3A_304, %dot_general3A_305 {dimension_numbers = #tpu.dot_dimension_numbers<[1], [0], [0], [1], [0, 0, 1, 1], [], []>, transpose_lhs_hint = false} : vector<3584x16xf32>, vector<16x24xf32>, vector<3584x24xf32> -> vector<3584x24xf32>
    %get3A_307 = arith.constant 0 : index
    %get3A_308 = arith.constant 0 : index
    %get3A_309 = vector.load %arg29[%get3A_307, %get3A_308] : memref<1x24xf32, #tpu.memory_space<vmem>>, vector<1x24xf32>
    %add3A_310 = vector.broadcast %get3A_309 : vector<1x24xf32> to vector<3584x24xf32>
    %add3A_311 = arith.addf %dot_general3A_306, %add3A_310 : vector<3584x24xf32>
    %logistic3A_312 = arith.negf %add3A_311 : vector<3584x24xf32>
    %logistic3A_313 = math.exp %logistic3A_312 : vector<3584x24xf32>
    %logistic3A_314 = arith.constant 1.000000e+00 : f32
    %logistic3A_315 = vector.broadcast %logistic3A_314 : f32 to vector<3584x24xf32>
    %logistic3A_316 = arith.addf %logistic3A_315, %logistic3A_313 : vector<3584x24xf32>
    %logistic3A_317 = arith.divf %logistic3A_315, %logistic3A_316 : vector<3584x24xf32>
    %get3A_318 = arith.constant 0 : index
    %get3A_319 = arith.constant 0 : index
    %get3A_320 = vector.load %arg27[%get3A_318, %get3A_319] : memref<24x24xf32, #tpu.memory_space<vmem>>, vector<24x24xf32>
    %dot_general3A_321 = arith.constant dense<0.000000e+00> : vector<3584x24xf32>
    %dot_general3A_322 = tpu.matmul %dot_general3A_263, %get3A_320, %dot_general3A_321 {dimension_numbers = #tpu.dot_dimension_numbers<[1], [0], [0], [1], [0, 0, 1, 1], [], []>, transpose_lhs_hint = false} : vector<3584x24xf32>, vector<24x24xf32>, vector<3584x24xf32> -> vector<3584x24xf32>
    %mul3A_323 = arith.mulf %dot_general3A_322, %logistic3A_317 : vector<3584x24xf32>
    %broadcast_in_dim3A_324 = arith.constant 0.000000e+00 : f32
    %broadcast_in_dim3A_325 = vector.broadcast %broadcast_in_dim3A_324 : f32 to vector<3584x8xf32>
    %concatenate3A = tpu.concatenate %add3A_301, %broadcast_in_dim3A_325, %mul3A_323 in 1 : vector<3584x16xf32>, vector<3584x8xf32>, vector<3584x24xf32> -> vector<3584x48xf32>
    %swap3A_326 = arith.constant 0 : index
    %swap3A_327 = arith.constant 0 : index
    %swap3A_328 = vector.load %arg30[%swap3A_326, %swap3A_327] : memref<3584x48xf32, #tpu.memory_space<vmem>>, vector<3584x48xf32>
    tpu.vector_store %arg30[%swap3A_326, %swap3A_327], %concatenate3A {strides = array<i32>} : memref<3584x48xf32, #tpu.memory_space<vmem>>, vector<3584x48xf32>,
    return
  }
  func.func @transform_0(%arg0: i32) -> (i32, i32) {
    %c0_i32 = arith.constant 0 : i32
    %c0_i32_0 = arith.constant 0 : i32
    return %arg0, %c0_i32 : i32, i32
  }
  func.func @transform_1(%arg0: i32) -> (i32, i32) {
    %c0_i32 = arith.constant 0 : i32
    %c0_i32_0 = arith.constant 0 : i32
    return %arg0, %c0_i32 : i32, i32
  }
  func.func @transform_2(%arg0: i32) -> (i32, i32) {
    %c0_i32 = arith.constant 0 : i32
    %c0_i32_0 = arith.constant 0 : i32
    %c0_i32_1 = arith.constant 0 : i32
    return %c0_i32, %c0_i32_0 : i32, i32
  }
  func.func @transform_3(%arg0: i32) -> (i32, i32) {
    %c0_i32 = arith.constant 0 : i32
    %c0_i32_0 = arith.constant 0 : i32
    %c0_i32_1 = arith.constant 0 : i32
    return %c0_i32, %c0_i32_0 : i32, i32
  }
  func.func @transform_4(%arg0: i32) -> (i32, i32) {
    %c0_i32 = arith.constant 0 : i32
    %c0_i32_0 = arith.constant 0 : i32
    %c0_i32_1 = arith.constant 0 : i32
    return %c0_i32, %c0_i32_0 : i32, i32
  }
  func.func @transform_5(%arg0: i32) -> (i32, i32) {
    %c0_i32 = arith.constant 0 : i32
    %c0_i32_0 = arith.constant 0 : i32
    %c0_i32_1 = arith.constant 0 : i32
    return %c0_i32, %c0_i32_0 : i32, i32
  }
  func.func @transform_6(%arg0: i32) -> (i32, i32) {
    %c0_i32 = arith.constant 0 : i32
    %c0_i32_0 = arith.constant 0 : i32
    %c0_i32_1 = arith.constant 0 : i32
    return %c0_i32, %c0_i32_0 : i32, i32
  }
  func.func @transform_7(%arg0: i32) -> (i32, i32) {
    %c0_i32 = arith.constant 0 : i32
    %c0_i32_0 = arith.constant 0 : i32
    %c0_i32_1 = arith.constant 0 : i32
    return %c0_i32, %c0_i32_0 : i32, i32
  }
  func.func @transform_8(%arg0: i32) -> (i32, i32) {
    %c0_i32 = arith.constant 0 : i32
    %c0_i32_0 = arith.constant 0 : i32
    %c0_i32_1 = arith.constant 0 : i32
    return %c0_i32, %c0_i32_0 : i32, i32
  }
  func.func @transform_9(%arg0: i32) -> (i32, i32) {
    %c0_i32 = arith.constant 0 : i32
    %c0_i32_0 = arith.constant 0 : i32
    %c0_i32_1 = arith.constant 0 : i32
    return %c0_i32, %c0_i32_0 : i32, i32
  }
  func.func @transform_10(%arg0: i32) -> (i32, i32) {
    %c0_i32 = arith.constant 0 : i32
    %c0_i32_0 = arith.constant 0 : i32
    %c0_i32_1 = arith.constant 0 : i32
    return %c0_i32, %c0_i32_0 : i32, i32
  }
  func.func @transform_11(%arg0: i32) -> (i32, i32) {
    %c0_i32 = arith.constant 0 : i32
    %c0_i32_0 = arith.constant 0 : i32
    %c0_i32_1 = arith.constant 0 : i32
    return %c0_i32, %c0_i32_0 : i32, i32
  }
  func.func @transform_12(%arg0: i32) -> (i32, i32) {
    %c0_i32 = arith.constant 0 : i32
    %c0_i32_0 = arith.constant 0 : i32
    %c0_i32_1 = arith.constant 0 : i32
    return %c0_i32, %c0_i32_0 : i32, i32
  }
  func.func @transform_13(%arg0: i32) -> (i32, i32) {
    %c0_i32 = arith.constant 0 : i32
    %c0_i32_0 = arith.constant 0 : i32
    %c0_i32_1 = arith.constant 0 : i32
    return %c0_i32, %c0_i32_0 : i32, i32
  }
  func.func @transform_14(%arg0: i32) -> (i32, i32) {
    %c0_i32 = arith.constant 0 : i32
    %c0_i32_0 = arith.constant 0 : i32
    %c0_i32_1 = arith.constant 0 : i32
    return %c0_i32, %c0_i32_0 : i32, i32
  }
  func.func @transform_15(%arg0: i32) -> (i32, i32) {
    %c0_i32 = arith.constant 0 : i32
    %c0_i32_0 = arith.constant 0 : i32
    %c0_i32_1 = arith.constant 0 : i32
    return %c0_i32, %c0_i32_0 : i32, i32
  }
  func.func @transform_16(%arg0: i32) -> (i32, i32) {
    %c0_i32 = arith.constant 0 : i32
    %c0_i32_0 = arith.constant 0 : i32
    %c0_i32_1 = arith.constant 0 : i32
    return %c0_i32, %c0_i32_0 : i32, i32
  }
  func.func @transform_17(%arg0: i32) -> (i32, i32) {
    %c0_i32 = arith.constant 0 : i32
    %c0_i32_0 = arith.constant 0 : i32
    %c0_i32_1 = arith.constant 0 : i32
    return %c0_i32, %c0_i32_0 : i32, i32
  }
  func.func @transform_18(%arg0: i32) -> (i32, i32) {
    %c0_i32 = arith.constant 0 : i32
    %c0_i32_0 = arith.constant 0 : i32
    %c0_i32_1 = arith.constant 0 : i32
    return %c0_i32, %c0_i32_0 : i32, i32
  }
  func.func @transform_19(%arg0: i32) -> (i32, i32) {
    %c0_i32 = arith.constant 0 : i32
    %c0_i32_0 = arith.constant 0 : i32
    %c0_i32_1 = arith.constant 0 : i32
    return %c0_i32, %c0_i32_0 : i32, i32
  }
  func.func @transform_20(%arg0: i32) -> (i32, i32) {
    %c0_i32 = arith.constant 0 : i32
    %c0_i32_0 = arith.constant 0 : i32
    %c0_i32_1 = arith.constant 0 : i32
    return %c0_i32, %c0_i32_0 : i32, i32
  }
  func.func @transform_21(%arg0: i32) -> (i32, i32) {
    %c0_i32 = arith.constant 0 : i32
    %c0_i32_0 = arith.constant 0 : i32
    %c0_i32_1 = arith.constant 0 : i32
    return %c0_i32, %c0_i32_0 : i32, i32
  }
  func.func @transform_22(%arg0: i32) -> (i32, i32) {
    %c0_i32 = arith.constant 0 : i32
    %c0_i32_0 = arith.constant 0 : i32
    %c0_i32_1 = arith.constant 0 : i32
    return %c0_i32, %c0_i32_0 : i32, i32
  }
  func.func @transform_23(%arg0: i32) -> (i32, i32) {
    %c0_i32 = arith.constant 0 : i32
    %c0_i32_0 = arith.constant 0 : i32
    %c0_i32_1 = arith.constant 0 : i32
    return %c0_i32, %c0_i32_0 : i32, i32
  }
  func.func @transform_24(%arg0: i32) -> (i32, i32) {
    %c0_i32 = arith.constant 0 : i32
    %c0_i32_0 = arith.constant 0 : i32
    %c0_i32_1 = arith.constant 0 : i32
    return %c0_i32, %c0_i32_0 : i32, i32
  }
  func.func @transform_25(%arg0: i32) -> (i32, i32) {
    %c0_i32 = arith.constant 0 : i32
    %c0_i32_0 = arith.constant 0 : i32
    %c0_i32_1 = arith.constant 0 : i32
    return %c0_i32, %c0_i32_0 : i32, i32
  }
  func.func @transform_26(%arg0: i32) -> (i32, i32) {
    %c0_i32 = arith.constant 0 : i32
    %c0_i32_0 = arith.constant 0 : i32
    %c0_i32_1 = arith.constant 0 : i32
    return %c0_i32, %c0_i32_0 : i32, i32
  }
  func.func @transform_27(%arg0: i32) -> (i32, i32) {
    %c0_i32 = arith.constant 0 : i32
    %c0_i32_0 = arith.constant 0 : i32
    %c0_i32_1 = arith.constant 0 : i32
    return %c0_i32, %c0_i32_0 : i32, i32
  }
  func.func @transform_28(%arg0: i32) -> (i32, i32) {
    %c0_i32 = arith.constant 0 : i32
    %c0_i32_0 = arith.constant 0 : i32
    %c0_i32_1 = arith.constant 0 : i32
    return %c0_i32, %c0_i32_0 : i32, i32
  }
  func.func @transform_29(%arg0: i32) -> (i32, i32) {
    %c0_i32 = arith.constant 0 : i32
    %c0_i32_0 = arith.constant 0 : i32
    return %arg0, %c0_i32 : i32, i32
  }
  func.func @transform_30(%arg0: i32) -> (i32, i32) {
    %c0_i32 = arith.constant 0 : i32
    %c0_i32_0 = arith.constant 0 : i32
    return %arg0, %c0_i32 : i32, i32
  }
  func.func @transform_31(%arg0: i32) -> (i32, i32) {
    %c0_i32 = arith.constant 0 : i32
    %c0_i32_0 = arith.constant 0 : i32
    return %arg0, %c0_i32 : i32, i32
  }
}

module attributes {stable_mosaic.version = 14 : i64} {
  func.func @_node_upd_body(%arg0: i32, %arg1: memref<2000x24xf32, #tpu.memory_space<vmem>>, %arg2: memref<2000x48xf32, #tpu.memory_space<vmem>>, %arg3: memref<2x2000x8xf32, #tpu.memory_space<vmem>>, %arg4: memref<1x16xf32, #tpu.memory_space<vmem>>, %arg5: memref<1x16xf32, #tpu.memory_space<vmem>>, %arg6: memref<24x24xf32, #tpu.memory_space<vmem>>, %arg7: memref<16x16xf32, #tpu.memory_space<vmem>>, %arg8: memref<8x16xf32, #tpu.memory_space<vmem>>, %arg9: memref<1x16xf32, #tpu.memory_space<vmem>>, %arg10: memref<24x24xf32, #tpu.memory_space<vmem>>, %arg11: memref<16x24xf32, #tpu.memory_space<vmem>>, %arg12: memref<1x24xf32, #tpu.memory_space<vmem>>, %arg13: memref<1x16xf32, #tpu.memory_space<vmem>>, %arg14: memref<1x16xf32, #tpu.memory_space<vmem>>, %arg15: memref<2000x40xf32, #tpu.memory_space<vmem>>) attributes {dimension_semantics = [#tpu.dimension_semantics<arbitrary>], iteration_bounds = array<i64: 25>, scalar_prefetch = 0 : i64, scratch_operands = 0 : i64, tpu.core_type = #tpu.core_type<tc>, window_params = [{transform_indices = @transform_0, window_bounds = array<i64: 2000, 24>}, {transform_indices = @transform_1, window_bounds = array<i64: 2000, 48>}, {transform_indices = @transform_2, window_bounds = array<i64: 2, 2000, 8>}, {pipeline_mode = #tpu.pipeline_mode<synchronous>, transform_indices = @transform_3, window_bounds = array<i64: 1, 16>}, {pipeline_mode = #tpu.pipeline_mode<synchronous>, transform_indices = @transform_4, window_bounds = array<i64: 1, 16>}, {pipeline_mode = #tpu.pipeline_mode<synchronous>, transform_indices = @transform_5, window_bounds = array<i64: 24, 24>}, {pipeline_mode = #tpu.pipeline_mode<synchronous>, transform_indices = @transform_6, window_bounds = array<i64: 16, 16>}, {pipeline_mode = #tpu.pipeline_mode<synchronous>, transform_indices = @transform_7, window_bounds = array<i64: 8, 16>}, {pipeline_mode = #tpu.pipeline_mode<synchronous>, transform_indices = @transform_8, window_bounds = array<i64: 1, 16>}, {pipeline_mode = #tpu.pipeline_mode<synchronous>, transform_indices = @transform_9, window_bounds = array<i64: 24, 24>}, {pipeline_mode = #tpu.pipeline_mode<synchronous>, transform_indices = @transform_10, window_bounds = array<i64: 16, 24>}, {pipeline_mode = #tpu.pipeline_mode<synchronous>, transform_indices = @transform_11, window_bounds = array<i64: 1, 24>}, {pipeline_mode = #tpu.pipeline_mode<synchronous>, transform_indices = @transform_12, window_bounds = array<i64: 1, 16>}, {pipeline_mode = #tpu.pipeline_mode<synchronous>, transform_indices = @transform_13, window_bounds = array<i64: 1, 16>}, {transform_indices = @transform_14, window_bounds = array<i64: 2000, 40>}]} {
    %get3A = arith.constant 0 : index
    %get3A_0 = arith.constant 0 : index
    %get3A_1 = arith.constant 0 : index
    %get3A_2 = vector.load %arg3[%get3A, %get3A_0, %get3A_1] : memref<2x2000x8xf32, #tpu.memory_space<vmem>>, vector<1x2000x1xf32>
    %get3A_3 = vector.shape_cast %get3A_2 : vector<1x2000x1xf32> to vector<2000x1xf32>
    %get3A_4 = arith.constant 1 : index
    %get3A_5 = arith.constant 0 : index
    %get3A_6 = arith.constant 0 : index
    %get3A_7 = vector.load %arg3[%get3A_4, %get3A_5, %get3A_6] : memref<2x2000x8xf32, #tpu.memory_space<vmem>>, vector<1x2000x1xf32>
    %get3A_8 = vector.shape_cast %get3A_7 : vector<1x2000x1xf32> to vector<2000x1xf32>
    %add3A = arith.addf %get3A_3, %get3A_8 : vector<2000x1xf32>
    %max3A = arith.constant 1.000000e+00 : f32
    %max3A_9 = vector.broadcast %max3A : f32 to vector<2000x1xf32>
    %max3A_10 = arith.maximumf %add3A, %max3A_9 : vector<2000x1xf32>
    %div3A = arith.constant 1.000000e+00 : f32
    %div3A_11 = vector.broadcast %div3A : f32 to vector<2000x1xf32>
    %div3A_12 = arith.divf %div3A_11, %max3A_10 : vector<2000x1xf32>
    %get3A_13 = arith.constant 0 : index
    %get3A_14 = arith.constant 0 : index
    %get3A_15 = vector.load %arg1[%get3A_13, %get3A_14] : memref<2000x24xf32, #tpu.memory_space<vmem>>, vector<2000x24xf32>
    %get3A_16 = arith.constant 0 : index
    %get3A_17 = arith.constant 0 : index
    %get3A_18 = vector.load %arg2[%get3A_16, %get3A_17] : memref<2000x48xf32, #tpu.memory_space<vmem>>, vector<2000x48xf32>
    %slice3A = vector.extract_strided_slice %get3A_15 {offsets = [0, 0], sizes = [2000, 16], strides = [1, 1]} : vector<2000x24xf32> to vector<2000x16xf32>
    %slice3A_19 = vector.extract_strided_slice %get3A_18 {offsets = [0, 0], sizes = [2000, 16], strides = [1, 1]} : vector<2000x48xf32> to vector<2000x16xf32>
    %mul3A = vector.broadcast %div3A_12 : vector<2000x1xf32> to vector<2000x16xf32>
    %mul3A_20 = arith.mulf %slice3A_19, %mul3A : vector<2000x16xf32>
    %add3A_21 = arith.addf %slice3A, %mul3A_20 : vector<2000x16xf32>
    %slice3A_22 = vector.extract_strided_slice %get3A_18 {offsets = [0, 24], sizes = [2000, 24], strides = [1, 1]} : vector<2000x48xf32> to vector<2000x24xf32>
    %mul3A_23 = vector.broadcast %div3A_12 : vector<2000x1xf32> to vector<2000x24xf32>
    %mul3A_24 = arith.mulf %slice3A_22, %mul3A_23 : vector<2000x24xf32>
    %slice3A_25 = vector.extract_strided_slice %mul3A_24 {offsets = [0, 0], sizes = [2000, 8], strides = [1, 1]} : vector<2000x24xf32> to vector<2000x8xf32>
    %slice3A_26 = vector.extract_strided_slice %mul3A_24 {offsets = [0, 0], sizes = [2000, 8], strides = [1, 1]} : vector<2000x24xf32> to vector<2000x8xf32>
    %mul3A_27 = arith.mulf %slice3A_25, %slice3A_26 : vector<2000x8xf32>
    %slice3A_28 = vector.extract_strided_slice %mul3A_24 {offsets = [0, 8], sizes = [2000, 8], strides = [1, 1]} : vector<2000x24xf32> to vector<2000x8xf32>
    %slice3A_29 = vector.extract_strided_slice %mul3A_24 {offsets = [0, 8], sizes = [2000, 8], strides = [1, 1]} : vector<2000x24xf32> to vector<2000x8xf32>
    %mul3A_30 = arith.mulf %slice3A_28, %slice3A_29 : vector<2000x8xf32>
    %add3A_31 = arith.addf %mul3A_27, %mul3A_30 : vector<2000x8xf32>
    %slice3A_32 = vector.extract_strided_slice %mul3A_24 {offsets = [0, 16], sizes = [2000, 8], strides = [1, 1]} : vector<2000x24xf32> to vector<2000x8xf32>
    %slice3A_33 = vector.extract_strided_slice %mul3A_24 {offsets = [0, 16], sizes = [2000, 8], strides = [1, 1]} : vector<2000x24xf32> to vector<2000x8xf32>
    %mul3A_34 = arith.mulf %slice3A_32, %slice3A_33 : vector<2000x8xf32>
    %add3A_35 = arith.addf %add3A_31, %mul3A_34 : vector<2000x8xf32>
    %max3A_36 = arith.constant 9.99999993E-9 : f32
    %max3A_37 = vector.broadcast %max3A_36 : f32 to vector<2000x8xf32>
    %max3A_38 = arith.maximumf %add3A_35, %max3A_37 : vector<2000x8xf32>
    %reduce_sum3A = arith.constant dense<0.000000e+00> : vector<2000xf32>
    %reduce_sum3A_39 = vector.multi_reduction <add>, %max3A_38, %reduce_sum3A [1] : vector<2000x8xf32> to vector<2000xf32>
    %broadcast_in_dim3A = vector.shape_cast %reduce_sum3A_39 : vector<2000xf32> to vector<2000x1xf32>
    %div3A_40 = arith.constant 8.000000e+00 : f32
    %div3A_41 = vector.broadcast %div3A_40 : f32 to vector<2000x1xf32>
    %div3A_42 = arith.divf %broadcast_in_dim3A, %div3A_41 : vector<2000x1xf32>
    %rsqrt3A = math.rsqrt %div3A_42 : vector<2000x1xf32>
    %mul3A_43 = vector.broadcast %rsqrt3A : vector<2000x1xf32> to vector<2000x24xf32>
    %mul3A_44 = arith.mulf %mul3A_24, %mul3A_43 : vector<2000x24xf32>
    %get3A_45 = arith.constant 0 : index
    %get3A_46 = arith.constant 0 : index
    %get3A_47 = vector.load %arg4[%get3A_45, %get3A_46] : memref<1x16xf32, #tpu.memory_space<vmem>>, vector<1x16xf32>
    %get3A_48 = arith.constant 0 : index
    %get3A_49 = arith.constant 0 : index
    %get3A_50 = vector.load %arg5[%get3A_48, %get3A_49] : memref<1x16xf32, #tpu.memory_space<vmem>>, vector<1x16xf32>
    %reduce_sum3A_51 = arith.constant dense<0.000000e+00> : vector<2000xf32>
    %reduce_sum3A_52 = vector.multi_reduction <add>, %add3A_21, %reduce_sum3A_51 [1] : vector<2000x16xf32> to vector<2000xf32>
    %broadcast_in_dim3A_53 = vector.shape_cast %reduce_sum3A_52 : vector<2000xf32> to vector<2000x1xf32>
    %div3A_54 = arith.constant 1.600000e+01 : f32
    %div3A_55 = vector.broadcast %div3A_54 : f32 to vector<2000x1xf32>
    %div3A_56 = arith.divf %broadcast_in_dim3A_53, %div3A_55 : vector<2000x1xf32>
    %sub3A = vector.broadcast %div3A_56 : vector<2000x1xf32> to vector<2000x16xf32>
    %sub3A_57 = arith.subf %add3A_21, %sub3A : vector<2000x16xf32>
    %sub3A_58 = vector.broadcast %div3A_56 : vector<2000x1xf32> to vector<2000x16xf32>
    %sub3A_59 = arith.subf %add3A_21, %sub3A_58 : vector<2000x16xf32>
    %mul3A_60 = arith.mulf %sub3A_57, %sub3A_59 : vector<2000x16xf32>
    %reduce_sum3A_61 = arith.constant dense<0.000000e+00> : vector<2000xf32>
    %reduce_sum3A_62 = vector.multi_reduction <add>, %mul3A_60, %reduce_sum3A_61 [1] : vector<2000x16xf32> to vector<2000xf32>
    %broadcast_in_dim3A_63 = vector.shape_cast %reduce_sum3A_62 : vector<2000xf32> to vector<2000x1xf32>
    %div3A_64 = arith.constant 1.600000e+01 : f32
    %div3A_65 = vector.broadcast %div3A_64 : f32 to vector<2000x1xf32>
    %div3A_66 = arith.divf %broadcast_in_dim3A_63, %div3A_65 : vector<2000x1xf32>
    %sub3A_67 = vector.broadcast %div3A_56 : vector<2000x1xf32> to vector<2000x16xf32>
    %sub3A_68 = arith.subf %add3A_21, %sub3A_67 : vector<2000x16xf32>
    %add3A_69 = arith.constant 9.99999974E-6 : f32
    %add3A_70 = vector.broadcast %add3A_69 : f32 to vector<2000x1xf32>
    %add3A_71 = arith.addf %div3A_66, %add3A_70 : vector<2000x1xf32>
    %rsqrt3A_72 = math.rsqrt %add3A_71 : vector<2000x1xf32>
    %mul3A_73 = vector.broadcast %rsqrt3A_72 : vector<2000x1xf32> to vector<2000x16xf32>
    %mul3A_74 = arith.mulf %sub3A_68, %mul3A_73 : vector<2000x16xf32>
    %mul3A_75 = vector.broadcast %get3A_47 : vector<1x16xf32> to vector<2000x16xf32>
    %mul3A_76 = arith.mulf %mul3A_74, %mul3A_75 : vector<2000x16xf32>
    %add3A_77 = vector.broadcast %get3A_50 : vector<1x16xf32> to vector<2000x16xf32>
    %add3A_78 = arith.addf %mul3A_76, %add3A_77 : vector<2000x16xf32>
    %get3A_79 = arith.constant 0 : index
    %get3A_80 = arith.constant 0 : index
    %get3A_81 = vector.load %arg6[%get3A_79, %get3A_80] : memref<24x24xf32, #tpu.memory_space<vmem>>, vector<24x24xf32>
    %dot_general3A = arith.constant dense<0.000000e+00> : vector<2000x24xf32>
    %dot_general3A_82 = tpu.matmul %mul3A_44, %get3A_81, %dot_general3A {dimension_numbers = #tpu.dot_dimension_numbers<[1], [0], [0], [1], [0, 0, 1, 1], [], []>, transpose_lhs_hint = false} : vector<2000x24xf32>, vector<24x24xf32>, vector<2000x24xf32> -> vector<2000x24xf32>
    %slice3A_83 = vector.extract_strided_slice %dot_general3A_82 {offsets = [0, 0], sizes = [2000, 8], strides = [1, 1]} : vector<2000x24xf32> to vector<2000x8xf32>
    %slice3A_84 = vector.extract_strided_slice %dot_general3A_82 {offsets = [0, 0], sizes = [2000, 8], strides = [1, 1]} : vector<2000x24xf32> to vector<2000x8xf32>
    %mul3A_85 = arith.mulf %slice3A_83, %slice3A_84 : vector<2000x8xf32>
    %slice3A_86 = vector.extract_strided_slice %dot_general3A_82 {offsets = [0, 8], sizes = [2000, 8], strides = [1, 1]} : vector<2000x24xf32> to vector<2000x8xf32>
    %slice3A_87 = vector.extract_strided_slice %dot_general3A_82 {offsets = [0, 8], sizes = [2000, 8], strides = [1, 1]} : vector<2000x24xf32> to vector<2000x8xf32>
    %mul3A_88 = arith.mulf %slice3A_86, %slice3A_87 : vector<2000x8xf32>
    %add3A_89 = arith.addf %mul3A_85, %mul3A_88 : vector<2000x8xf32>
    %slice3A_90 = vector.extract_strided_slice %dot_general3A_82 {offsets = [0, 16], sizes = [2000, 8], strides = [1, 1]} : vector<2000x24xf32> to vector<2000x8xf32>
    %slice3A_91 = vector.extract_strided_slice %dot_general3A_82 {offsets = [0, 16], sizes = [2000, 8], strides = [1, 1]} : vector<2000x24xf32> to vector<2000x8xf32>
    %mul3A_92 = arith.mulf %slice3A_90, %slice3A_91 : vector<2000x8xf32>
    %add3A_93 = arith.addf %add3A_89, %mul3A_92 : vector<2000x8xf32>
    %max3A_94 = arith.constant 9.99999993E-9 : f32
    %max3A_95 = vector.broadcast %max3A_94 : f32 to vector<2000x8xf32>
    %max3A_96 = arith.maximumf %add3A_93, %max3A_95 : vector<2000x8xf32>
    %sqrt3A = math.sqrt %max3A_96 : vector<2000x8xf32>
    %get3A_97 = arith.constant 0 : index
    %get3A_98 = arith.constant 0 : index
    %get3A_99 = vector.load %arg7[%get3A_97, %get3A_98] : memref<16x16xf32, #tpu.memory_space<vmem>>, vector<16x16xf32>
    %dot_general3A_100 = arith.constant dense<0.000000e+00> : vector<2000x16xf32>
    %dot_general3A_101 = tpu.matmul %add3A_78, %get3A_99, %dot_general3A_100 {dimension_numbers = #tpu.dot_dimension_numbers<[1], [0], [0], [1], [0, 0, 1, 1], [], []>, transpose_lhs_hint = false} : vector<2000x16xf32>, vector<16x16xf32>, vector<2000x16xf32> -> vector<2000x16xf32>
    %get3A_102 = arith.constant 0 : index
    %get3A_103 = arith.constant 0 : index
    %get3A_104 = vector.load %arg8[%get3A_102, %get3A_103] : memref<8x16xf32, #tpu.memory_space<vmem>>, vector<8x16xf32>
    %dot_general3A_105 = arith.constant dense<0.000000e+00> : vector<2000x16xf32>
    %dot_general3A_106 = tpu.matmul %sqrt3A, %get3A_104, %dot_general3A_105 {dimension_numbers = #tpu.dot_dimension_numbers<[1], [0], [0], [1], [0, 0, 1, 1], [], []>, transpose_lhs_hint = false} : vector<2000x8xf32>, vector<8x16xf32>, vector<2000x16xf32> -> vector<2000x16xf32>
    %add3A_107 = arith.addf %dot_general3A_101, %dot_general3A_106 : vector<2000x16xf32>
    %get3A_108 = arith.constant 0 : index
    %get3A_109 = arith.constant 0 : index
    %get3A_110 = vector.load %arg9[%get3A_108, %get3A_109] : memref<1x16xf32, #tpu.memory_space<vmem>>, vector<1x16xf32>
    %add3A_111 = vector.broadcast %get3A_110 : vector<1x16xf32> to vector<2000x16xf32>
    %add3A_112 = arith.addf %add3A_107, %add3A_111 : vector<2000x16xf32>
    %get3A_113 = arith.constant 0 : index
    %get3A_114 = arith.constant 0 : index
    %get3A_115 = vector.load %arg11[%get3A_113, %get3A_114] : memref<16x24xf32, #tpu.memory_space<vmem>>, vector<16x24xf32>
    %dot_general3A_116 = arith.constant dense<0.000000e+00> : vector<2000x24xf32>
    %dot_general3A_117 = tpu.matmul %add3A_112, %get3A_115, %dot_general3A_116 {dimension_numbers = #tpu.dot_dimension_numbers<[1], [0], [0], [1], [0, 0, 1, 1], [], []>, transpose_lhs_hint = false} : vector<2000x16xf32>, vector<16x24xf32>, vector<2000x24xf32> -> vector<2000x24xf32>
    %get3A_118 = arith.constant 0 : index
    %get3A_119 = arith.constant 0 : index
    %get3A_120 = vector.load %arg12[%get3A_118, %get3A_119] : memref<1x24xf32, #tpu.memory_space<vmem>>, vector<1x24xf32>
    %add3A_121 = vector.broadcast %get3A_120 : vector<1x24xf32> to vector<2000x24xf32>
    %add3A_122 = arith.addf %dot_general3A_117, %add3A_121 : vector<2000x24xf32>
    %logistic3A = arith.negf %add3A_122 : vector<2000x24xf32>
    %logistic3A_123 = math.exp %logistic3A : vector<2000x24xf32>
    %logistic3A_124 = arith.constant 1.000000e+00 : f32
    %logistic3A_125 = vector.broadcast %logistic3A_124 : f32 to vector<2000x24xf32>
    %logistic3A_126 = arith.addf %logistic3A_125, %logistic3A_123 : vector<2000x24xf32>
    %logistic3A_127 = arith.divf %logistic3A_125, %logistic3A_126 : vector<2000x24xf32>
    %get3A_128 = arith.constant 0 : index
    %get3A_129 = arith.constant 0 : index
    %get3A_130 = vector.load %arg10[%get3A_128, %get3A_129] : memref<24x24xf32, #tpu.memory_space<vmem>>, vector<24x24xf32>
    %dot_general3A_131 = arith.constant dense<0.000000e+00> : vector<2000x24xf32>
    %dot_general3A_132 = tpu.matmul %dot_general3A_82, %get3A_130, %dot_general3A_131 {dimension_numbers = #tpu.dot_dimension_numbers<[1], [0], [0], [1], [0, 0, 1, 1], [], []>, transpose_lhs_hint = false} : vector<2000x24xf32>, vector<24x24xf32>, vector<2000x24xf32> -> vector<2000x24xf32>
    %mul3A_133 = arith.mulf %dot_general3A_132, %logistic3A_127 : vector<2000x24xf32>
    %add3A_134 = arith.addf %add3A_78, %add3A_112 : vector<2000x16xf32>
    %add3A_135 = arith.addf %mul3A_44, %mul3A_133 : vector<2000x24xf32>
    %slice3A_136 = vector.extract_strided_slice %add3A_135 {offsets = [0, 0], sizes = [2000, 8], strides = [1, 1]} : vector<2000x24xf32> to vector<2000x8xf32>
    %slice3A_137 = vector.extract_strided_slice %add3A_135 {offsets = [0, 0], sizes = [2000, 8], strides = [1, 1]} : vector<2000x24xf32> to vector<2000x8xf32>
    %mul3A_138 = arith.mulf %slice3A_136, %slice3A_137 : vector<2000x8xf32>
    %slice3A_139 = vector.extract_strided_slice %add3A_135 {offsets = [0, 8], sizes = [2000, 8], strides = [1, 1]} : vector<2000x24xf32> to vector<2000x8xf32>
    %slice3A_140 = vector.extract_strided_slice %add3A_135 {offsets = [0, 8], sizes = [2000, 8], strides = [1, 1]} : vector<2000x24xf32> to vector<2000x8xf32>
    %mul3A_141 = arith.mulf %slice3A_139, %slice3A_140 : vector<2000x8xf32>
    %add3A_142 = arith.addf %mul3A_138, %mul3A_141 : vector<2000x8xf32>
    %slice3A_143 = vector.extract_strided_slice %add3A_135 {offsets = [0, 16], sizes = [2000, 8], strides = [1, 1]} : vector<2000x24xf32> to vector<2000x8xf32>
    %slice3A_144 = vector.extract_strided_slice %add3A_135 {offsets = [0, 16], sizes = [2000, 8], strides = [1, 1]} : vector<2000x24xf32> to vector<2000x8xf32>
    %mul3A_145 = arith.mulf %slice3A_143, %slice3A_144 : vector<2000x8xf32>
    %add3A_146 = arith.addf %add3A_142, %mul3A_145 : vector<2000x8xf32>
    %max3A_147 = arith.constant 9.99999993E-9 : f32
    %max3A_148 = vector.broadcast %max3A_147 : f32 to vector<2000x8xf32>
    %max3A_149 = arith.maximumf %add3A_146, %max3A_148 : vector<2000x8xf32>
    %reduce_sum3A_150 = arith.constant dense<0.000000e+00> : vector<2000xf32>
    %reduce_sum3A_151 = vector.multi_reduction <add>, %max3A_149, %reduce_sum3A_150 [1] : vector<2000x8xf32> to vector<2000xf32>
    %broadcast_in_dim3A_152 = vector.shape_cast %reduce_sum3A_151 : vector<2000xf32> to vector<2000x1xf32>
    %div3A_153 = arith.constant 8.000000e+00 : f32
    %div3A_154 = vector.broadcast %div3A_153 : f32 to vector<2000x1xf32>
    %div3A_155 = arith.divf %broadcast_in_dim3A_152, %div3A_154 : vector<2000x1xf32>
    %get3A_156 = arith.constant 0 : index
    %get3A_157 = arith.constant 0 : index
    %get3A_158 = vector.load %arg13[%get3A_156, %get3A_157] : memref<1x16xf32, #tpu.memory_space<vmem>>, vector<1x16xf32>
    %get3A_159 = arith.constant 0 : index
    %get3A_160 = arith.constant 0 : index
    %get3A_161 = vector.load %arg14[%get3A_159, %get3A_160] : memref<1x16xf32, #tpu.memory_space<vmem>>, vector<1x16xf32>
    %reduce_sum3A_162 = arith.constant dense<0.000000e+00> : vector<2000xf32>
    %reduce_sum3A_163 = vector.multi_reduction <add>, %add3A_134, %reduce_sum3A_162 [1] : vector<2000x16xf32> to vector<2000xf32>
    %broadcast_in_dim3A_164 = vector.shape_cast %reduce_sum3A_163 : vector<2000xf32> to vector<2000x1xf32>
    %div3A_165 = arith.constant 1.600000e+01 : f32
    %div3A_166 = vector.broadcast %div3A_165 : f32 to vector<2000x1xf32>
    %div3A_167 = arith.divf %broadcast_in_dim3A_164, %div3A_166 : vector<2000x1xf32>
    %sub3A_168 = vector.broadcast %div3A_167 : vector<2000x1xf32> to vector<2000x16xf32>
    %sub3A_169 = arith.subf %add3A_134, %sub3A_168 : vector<2000x16xf32>
    %sub3A_170 = vector.broadcast %div3A_167 : vector<2000x1xf32> to vector<2000x16xf32>
    %sub3A_171 = arith.subf %add3A_134, %sub3A_170 : vector<2000x16xf32>
    %mul3A_172 = arith.mulf %sub3A_169, %sub3A_171 : vector<2000x16xf32>
    %reduce_sum3A_173 = arith.constant dense<0.000000e+00> : vector<2000xf32>
    %reduce_sum3A_174 = vector.multi_reduction <add>, %mul3A_172, %reduce_sum3A_173 [1] : vector<2000x16xf32> to vector<2000xf32>
    %broadcast_in_dim3A_175 = vector.shape_cast %reduce_sum3A_174 : vector<2000xf32> to vector<2000x1xf32>
    %div3A_176 = arith.constant 1.600000e+01 : f32
    %div3A_177 = vector.broadcast %div3A_176 : f32 to vector<2000x1xf32>
    %div3A_178 = arith.divf %broadcast_in_dim3A_175, %div3A_177 : vector<2000x1xf32>
    %sub3A_179 = vector.broadcast %div3A_167 : vector<2000x1xf32> to vector<2000x16xf32>
    %sub3A_180 = arith.subf %add3A_134, %sub3A_179 : vector<2000x16xf32>
    %add3A_181 = arith.constant 9.99999974E-6 : f32
    %add3A_182 = vector.broadcast %add3A_181 : f32 to vector<2000x1xf32>
    %add3A_183 = arith.addf %div3A_178, %add3A_182 : vector<2000x1xf32>
    %rsqrt3A_184 = math.rsqrt %add3A_183 : vector<2000x1xf32>
    %mul3A_185 = vector.broadcast %rsqrt3A_184 : vector<2000x1xf32> to vector<2000x16xf32>
    %mul3A_186 = arith.mulf %sub3A_180, %mul3A_185 : vector<2000x16xf32>
    %mul3A_187 = vector.broadcast %get3A_158 : vector<1x16xf32> to vector<2000x16xf32>
    %mul3A_188 = arith.mulf %mul3A_186, %mul3A_187 : vector<2000x16xf32>
    %add3A_189 = vector.broadcast %get3A_161 : vector<1x16xf32> to vector<2000x16xf32>
    %add3A_190 = arith.addf %mul3A_188, %add3A_189 : vector<2000x16xf32>
    %rsqrt3A_191 = math.rsqrt %div3A_155 : vector<2000x1xf32>
    %mul3A_192 = vector.broadcast %rsqrt3A_191 : vector<2000x1xf32> to vector<2000x24xf32>
    %mul3A_193 = arith.mulf %add3A_135, %mul3A_192 : vector<2000x24xf32>
    %concatenate3A = tpu.concatenate %add3A_190, %mul3A_193 in 1 : vector<2000x16xf32>, vector<2000x24xf32> -> vector<2000x40xf32>
    %swap3A = arith.constant 0 : index
    %swap3A_194 = arith.constant 0 : index
    %swap3A_195 = vector.load %arg15[%swap3A, %swap3A_194] : memref<2000x40xf32, #tpu.memory_space<vmem>>, vector<2000x40xf32>
    tpu.vector_store %arg15[%swap3A, %swap3A_194], %concatenate3A {strides = array<i32>} : memref<2000x40xf32, #tpu.memory_space<vmem>>, vector<2000x40xf32>,
    return
  }
  func.func @transform_0(%arg0: i32) -> (i32, i32) {
    %c0_i32 = arith.constant 0 : i32
    %c0_i32_0 = arith.constant 0 : i32
    return %arg0, %c0_i32 : i32, i32
  }
  func.func @transform_1(%arg0: i32) -> (i32, i32) {
    %c0_i32 = arith.constant 0 : i32
    %c0_i32_0 = arith.constant 0 : i32
    return %arg0, %c0_i32 : i32, i32
  }
  func.func @transform_2(%arg0: i32) -> (i32, i32, i32) {
    %c0_i32 = arith.constant 0 : i32
    %c0_i32_0 = arith.constant 0 : i32
    %c0_i32_1 = arith.constant 0 : i32
    return %c0_i32, %arg0, %c0_i32_0 : i32, i32, i32
  }
  func.func @transform_3(%arg0: i32) -> (i32, i32) {
    %c0_i32 = arith.constant 0 : i32
    %c0_i32_0 = arith.constant 0 : i32
    %c0_i32_1 = arith.constant 0 : i32
    return %c0_i32, %c0_i32_0 : i32, i32
  }
  func.func @transform_4(%arg0: i32) -> (i32, i32) {
    %c0_i32 = arith.constant 0 : i32
    %c0_i32_0 = arith.constant 0 : i32
    %c0_i32_1 = arith.constant 0 : i32
    return %c0_i32, %c0_i32_0 : i32, i32
  }
  func.func @transform_5(%arg0: i32) -> (i32, i32) {
    %c0_i32 = arith.constant 0 : i32
    %c0_i32_0 = arith.constant 0 : i32
    %c0_i32_1 = arith.constant 0 : i32
    return %c0_i32, %c0_i32_0 : i32, i32
  }
  func.func @transform_6(%arg0: i32) -> (i32, i32) {
    %c0_i32 = arith.constant 0 : i32
    %c0_i32_0 = arith.constant 0 : i32
    %c0_i32_1 = arith.constant 0 : i32
    return %c0_i32, %c0_i32_0 : i32, i32
  }
  func.func @transform_7(%arg0: i32) -> (i32, i32) {
    %c0_i32 = arith.constant 0 : i32
    %c0_i32_0 = arith.constant 0 : i32
    %c0_i32_1 = arith.constant 0 : i32
    return %c0_i32, %c0_i32_0 : i32, i32
  }
  func.func @transform_8(%arg0: i32) -> (i32, i32) {
    %c0_i32 = arith.constant 0 : i32
    %c0_i32_0 = arith.constant 0 : i32
    %c0_i32_1 = arith.constant 0 : i32
    return %c0_i32, %c0_i32_0 : i32, i32
  }
  func.func @transform_9(%arg0: i32) -> (i32, i32) {
    %c0_i32 = arith.constant 0 : i32
    %c0_i32_0 = arith.constant 0 : i32
    %c0_i32_1 = arith.constant 0 : i32
    return %c0_i32, %c0_i32_0 : i32, i32
  }
  func.func @transform_10(%arg0: i32) -> (i32, i32) {
    %c0_i32 = arith.constant 0 : i32
    %c0_i32_0 = arith.constant 0 : i32
    %c0_i32_1 = arith.constant 0 : i32
    return %c0_i32, %c0_i32_0 : i32, i32
  }
  func.func @transform_11(%arg0: i32) -> (i32, i32) {
    %c0_i32 = arith.constant 0 : i32
    %c0_i32_0 = arith.constant 0 : i32
    %c0_i32_1 = arith.constant 0 : i32
    return %c0_i32, %c0_i32_0 : i32, i32
  }
  func.func @transform_12(%arg0: i32) -> (i32, i32) {
    %c0_i32 = arith.constant 0 : i32
    %c0_i32_0 = arith.constant 0 : i32
    %c0_i32_1 = arith.constant 0 : i32
    return %c0_i32, %c0_i32_0 : i32, i32
  }
  func.func @transform_13(%arg0: i32) -> (i32, i32) {
    %c0_i32 = arith.constant 0 : i32
    %c0_i32_0 = arith.constant 0 : i32
    %c0_i32_1 = arith.constant 0 : i32
    return %c0_i32, %c0_i32_0 : i32, i32
  }
  func.func @transform_14(%arg0: i32) -> (i32, i32) {
    %c0_i32 = arith.constant 0 : i32
    %c0_i32_0 = arith.constant 0 : i32
    return %arg0, %c0_i32 : i32, i32
  }
}

module attributes {stable_mosaic.version = 14 : i64} {
  func.func @_edge2_body(%arg0: i32, %arg1: memref<3584x40xf32, #tpu.memory_space<vmem>>, %arg2: memref<3584x40xf32, #tpu.memory_space<vmem>>, %arg3: memref<3584x16xf32, #tpu.memory_space<vmem>>, %arg4: memref<3584x8xf32, #tpu.memory_space<vmem>>, %arg5: memref<8x72xf32, #tpu.memory_space<vmem>>, %arg6: memref<24x72xf32, #tpu.memory_space<vmem>>, %arg7: memref<24x72xf32, #tpu.memory_space<vmem>>, %arg8: memref<16x16xf32, #tpu.memory_space<vmem>>, %arg9: memref<16x16xf32, #tpu.memory_space<vmem>>, %arg10: memref<16x16xf32, #tpu.memory_space<vmem>>, %arg11: memref<24x16xf32, #tpu.memory_space<vmem>>, %arg12: memref<1x16xf32, #tpu.memory_space<vmem>>, %arg13: memref<72x24xf32, #tpu.memory_space<vmem>>, %arg14: memref<16x24xf32, #tpu.memory_space<vmem>>, %arg15: memref<1x24xf32, #tpu.memory_space<vmem>>, %arg16: memref<24x24xf32, #tpu.memory_space<vmem>>, %arg17: memref<16x16xf32, #tpu.memory_space<vmem>>, %arg18: memref<8x16xf32, #tpu.memory_space<vmem>>, %arg19: memref<1x16xf32, #tpu.memory_space<vmem>>, %arg20: memref<24x24xf32, #tpu.memory_space<vmem>>, %arg21: memref<16x24xf32, #tpu.memory_space<vmem>>, %arg22: memref<1x24xf32, #tpu.memory_space<vmem>>, %arg23: memref<3584x48xf32, #tpu.memory_space<vmem>>) attributes {dimension_semantics = [#tpu.dimension_semantics<arbitrary>], iteration_bounds = array<i64: 224>, scalar_prefetch = 0 : i64, scratch_operands = 0 : i64, tpu.core_type = #tpu.core_type<tc>, window_params = [{transform_indices = @transform_0, window_bounds = array<i64: 3584, 40>}, {transform_indices = @transform_1, window_bounds = array<i64: 3584, 40>}, {transform_indices = @transform_2, window_bounds = array<i64: 3584, 16>}, {transform_indices = @transform_3, window_bounds = array<i64: 3584, 8>}, {pipeline_mode = #tpu.pipeline_mode<synchronous>, transform_indices = @transform_4, window_bounds = array<i64: 8, 72>}, {pipeline_mode = #tpu.pipeline_mode<synchronous>, transform_indices = @transform_5, window_bounds = array<i64: 24, 72>}, {pipeline_mode = #tpu.pipeline_mode<synchronous>, transform_indices = @transform_6, window_bounds = array<i64: 24, 72>}, {pipeline_mode = #tpu.pipeline_mode<synchronous>, transform_indices = @transform_7, window_bounds = array<i64: 16, 16>}, {pipeline_mode = #tpu.pipeline_mode<synchronous>, transform_indices = @transform_8, window_bounds = array<i64: 16, 16>}, {pipeline_mode = #tpu.pipeline_mode<synchronous>, transform_indices = @transform_9, window_bounds = array<i64: 16, 16>}, {pipeline_mode = #tpu.pipeline_mode<synchronous>, transform_indices = @transform_10, window_bounds = array<i64: 24, 16>}, {pipeline_mode = #tpu.pipeline_mode<synchronous>, transform_indices = @transform_11, window_bounds = array<i64: 1, 16>}, {pipeline_mode = #tpu.pipeline_mode<synchronous>, transform_indices = @transform_12, window_bounds = array<i64: 72, 24>}, {pipeline_mode = #tpu.pipeline_mode<synchronous>, transform_indices = @transform_13, window_bounds = array<i64: 16, 24>}, {pipeline_mode = #tpu.pipeline_mode<synchronous>, transform_indices = @transform_14, window_bounds = array<i64: 1, 24>}, {pipeline_mode = #tpu.pipeline_mode<synchronous>, transform_indices = @transform_15, window_bounds = array<i64: 24, 24>}, {pipeline_mode = #tpu.pipeline_mode<synchronous>, transform_indices = @transform_16, window_bounds = array<i64: 16, 16>}, {pipeline_mode = #tpu.pipeline_mode<synchronous>, transform_indices = @transform_17, window_bounds = array<i64: 8, 16>}, {pipeline_mode = #tpu.pipeline_mode<synchronous>, transform_indices = @transform_18, window_bounds = array<i64: 1, 16>}, {pipeline_mode = #tpu.pipeline_mode<synchronous>, transform_indices = @transform_19, window_bounds = array<i64: 24, 24>}, {pipeline_mode = #tpu.pipeline_mode<synchronous>, transform_indices = @transform_20, window_bounds = array<i64: 16, 24>}, {pipeline_mode = #tpu.pipeline_mode<synchronous>, transform_indices = @transform_21, window_bounds = array<i64: 1, 24>}, {transform_indices = @transform_22, window_bounds = array<i64: 3584, 48>}]} {
    %get3A = arith.constant 0 : index
    %get3A_0 = arith.constant 0 : index
    %get3A_1 = vector.load %arg1[%get3A, %get3A_0] : memref<3584x40xf32, #tpu.memory_space<vmem>>, vector<3584x40xf32>
    %get3A_2 = arith.constant 0 : index
    %get3A_3 = arith.constant 0 : index
    %get3A_4 = vector.load %arg2[%get3A_2, %get3A_3] : memref<3584x40xf32, #tpu.memory_space<vmem>>, vector<3584x40xf32>
    %slice3A = vector.extract_strided_slice %get3A_1 {offsets = [0, 0], sizes = [3584, 16], strides = [1, 1]} : vector<3584x40xf32> to vector<3584x16xf32>
    %slice3A_5 = vector.extract_strided_slice %get3A_4 {offsets = [0, 0], sizes = [3584, 16], strides = [1, 1]} : vector<3584x40xf32> to vector<3584x16xf32>
    %get3A_6 = arith.constant 0 : index
    %get3A_7 = arith.constant 0 : index
    %get3A_8 = vector.load %arg3[%get3A_6, %get3A_7] : memref<3584x16xf32, #tpu.memory_space<vmem>>, vector<3584x16xf32>
    %get3A_9 = arith.constant 0 : index
    %get3A_10 = arith.constant 0 : index
    %get3A_11 = vector.load %arg4[%get3A_9, %get3A_10] : memref<3584x8xf32, #tpu.memory_space<vmem>>, vector<3584x8xf32>
    %slice3A_12 = vector.extract_strided_slice %get3A_1 {offsets = [0, 16], sizes = [3584, 24], strides = [1, 1]} : vector<3584x40xf32> to vector<3584x24xf32>
    %slice3A_13 = vector.extract_strided_slice %get3A_4 {offsets = [0, 16], sizes = [3584, 24], strides = [1, 1]} : vector<3584x40xf32> to vector<3584x24xf32>
    %get3A_14 = arith.constant 0 : index
    %get3A_15 = arith.constant 0 : index
    %get3A_16 = vector.load %arg5[%get3A_14, %get3A_15] : memref<8x72xf32, #tpu.memory_space<vmem>>, vector<8x72xf32>
    %dot_general3A = arith.constant dense<0.000000e+00> : vector<3584x72xf32>
    %dot_general3A_17 = tpu.matmul %get3A_11, %get3A_16, %dot_general3A {dimension_numbers = #tpu.dot_dimension_numbers<[1], [0], [0], [1], [0, 0, 1, 1], [], []>, transpose_lhs_hint = false} : vector<3584x8xf32>, vector<8x72xf32>, vector<3584x72xf32> -> vector<3584x72xf32>
    %get3A_18 = arith.constant 0 : index
    %get3A_19 = arith.constant 0 : index
    %get3A_20 = vector.load %arg6[%get3A_18, %get3A_19] : memref<24x72xf32, #tpu.memory_space<vmem>>, vector<24x72xf32>
    %dot_general3A_21 = arith.constant dense<0.000000e+00> : vector<3584x72xf32>
    %dot_general3A_22 = tpu.matmul %slice3A_12, %get3A_20, %dot_general3A_21 {dimension_numbers = #tpu.dot_dimension_numbers<[1], [0], [0], [1], [0, 0, 1, 1], [], []>, transpose_lhs_hint = false} : vector<3584x24xf32>, vector<24x72xf32>, vector<3584x72xf32> -> vector<3584x72xf32>
    %add3A = arith.addf %dot_general3A_17, %dot_general3A_22 : vector<3584x72xf32>
    %get3A_23 = arith.constant 0 : index
    %get3A_24 = arith.constant 0 : index
    %get3A_25 = vector.load %arg7[%get3A_23, %get3A_24] : memref<24x72xf32, #tpu.memory_space<vmem>>, vector<24x72xf32>
    %dot_general3A_26 = arith.constant dense<0.000000e+00> : vector<3584x72xf32>
    %dot_general3A_27 = tpu.matmul %slice3A_13, %get3A_25, %dot_general3A_26 {dimension_numbers = #tpu.dot_dimension_numbers<[1], [0], [0], [1], [0, 0, 1, 1], [], []>, transpose_lhs_hint = false} : vector<3584x24xf32>, vector<24x72xf32>, vector<3584x72xf32> -> vector<3584x72xf32>
    %add3A_28 = arith.addf %add3A, %dot_general3A_27 : vector<3584x72xf32>
    %slice3A_29 = vector.extract_strided_slice %add3A_28 {offsets = [0, 0], sizes = [3584, 24], strides = [1, 1]} : vector<3584x72xf32> to vector<3584x24xf32>
    %slice3A_30 = vector.extract_strided_slice %add3A_28 {offsets = [0, 0], sizes = [3584, 24], strides = [1, 1]} : vector<3584x72xf32> to vector<3584x24xf32>
    %mul3A = arith.mulf %slice3A_29, %slice3A_30 : vector<3584x24xf32>
    %slice3A_31 = vector.extract_strided_slice %add3A_28 {offsets = [0, 24], sizes = [3584, 24], strides = [1, 1]} : vector<3584x72xf32> to vector<3584x24xf32>
    %slice3A_32 = vector.extract_strided_slice %add3A_28 {offsets = [0, 24], sizes = [3584, 24], strides = [1, 1]} : vector<3584x72xf32> to vector<3584x24xf32>
    %mul3A_33 = arith.mulf %slice3A_31, %slice3A_32 : vector<3584x24xf32>
    %add3A_34 = arith.addf %mul3A, %mul3A_33 : vector<3584x24xf32>
    %slice3A_35 = vector.extract_strided_slice %add3A_28 {offsets = [0, 48], sizes = [3584, 24], strides = [1, 1]} : vector<3584x72xf32> to vector<3584x24xf32>
    %slice3A_36 = vector.extract_strided_slice %add3A_28 {offsets = [0, 48], sizes = [3584, 24], strides = [1, 1]} : vector<3584x72xf32> to vector<3584x24xf32>
    %mul3A_37 = arith.mulf %slice3A_35, %slice3A_36 : vector<3584x24xf32>
    %add3A_38 = arith.addf %add3A_34, %mul3A_37 : vector<3584x24xf32>
    %max3A = arith.constant 9.99999993E-9 : f32
    %max3A_39 = vector.broadcast %max3A : f32 to vector<3584x24xf32>
    %max3A_40 = arith.maximumf %add3A_38, %max3A_39 : vector<3584x24xf32>
    %sqrt3A = math.sqrt %max3A_40 : vector<3584x24xf32>
    %get3A_41 = arith.constant 0 : index
    %get3A_42 = arith.constant 0 : index
    %get3A_43 = vector.load %arg8[%get3A_41, %get3A_42] : memref<16x16xf32, #tpu.memory_space<vmem>>, vector<16x16xf32>
    %dot_general3A_44 = arith.constant dense<0.000000e+00> : vector<3584x16xf32>
    %dot_general3A_45 = tpu.matmul %slice3A, %get3A_43, %dot_general3A_44 {dimension_numbers = #tpu.dot_dimension_numbers<[1], [0], [0], [1], [0, 0, 1, 1], [], []>, transpose_lhs_hint = false} : vector<3584x16xf32>, vector<16x16xf32>, vector<3584x16xf32> -> vector<3584x16xf32>
    %get3A_46 = arith.constant 0 : index
    %get3A_47 = arith.constant 0 : index
    %get3A_48 = vector.load %arg9[%get3A_46, %get3A_47] : memref<16x16xf32, #tpu.memory_space<vmem>>, vector<16x16xf32>
    %dot_general3A_49 = arith.constant dense<0.000000e+00> : vector<3584x16xf32>
    %dot_general3A_50 = tpu.matmul %get3A_8, %get3A_48, %dot_general3A_49 {dimension_numbers = #tpu.dot_dimension_numbers<[1], [0], [0], [1], [0, 0, 1, 1], [], []>, transpose_lhs_hint = false} : vector<3584x16xf32>, vector<16x16xf32>, vector<3584x16xf32> -> vector<3584x16xf32>
    %add3A_51 = arith.addf %dot_general3A_45, %dot_general3A_50 : vector<3584x16xf32>
    %get3A_52 = arith.constant 0 : index
    %get3A_53 = arith.constant 0 : index
    %get3A_54 = vector.load %arg10[%get3A_52, %get3A_53] : memref<16x16xf32, #tpu.memory_space<vmem>>, vector<16x16xf32>
    %dot_general3A_55 = arith.constant dense<0.000000e+00> : vector<3584x16xf32>
    %dot_general3A_56 = tpu.matmul %slice3A_5, %get3A_54, %dot_general3A_55 {dimension_numbers = #tpu.dot_dimension_numbers<[1], [0], [0], [1], [0, 0, 1, 1], [], []>, transpose_lhs_hint = false} : vector<3584x16xf32>, vector<16x16xf32>, vector<3584x16xf32> -> vector<3584x16xf32>
    %add3A_57 = arith.addf %add3A_51, %dot_general3A_56 : vector<3584x16xf32>
    %get3A_58 = arith.constant 0 : index
    %get3A_59 = arith.constant 0 : index
    %get3A_60 = vector.load %arg11[%get3A_58, %get3A_59] : memref<24x16xf32, #tpu.memory_space<vmem>>, vector<24x16xf32>
    %dot_general3A_61 = arith.constant dense<0.000000e+00> : vector<3584x16xf32>
    %dot_general3A_62 = tpu.matmul %sqrt3A, %get3A_60, %dot_general3A_61 {dimension_numbers = #tpu.dot_dimension_numbers<[1], [0], [0], [1], [0, 0, 1, 1], [], []>, transpose_lhs_hint = false} : vector<3584x24xf32>, vector<24x16xf32>, vector<3584x16xf32> -> vector<3584x16xf32>
    %add3A_63 = arith.addf %add3A_57, %dot_general3A_62 : vector<3584x16xf32>
    %get3A_64 = arith.constant 0 : index
    %get3A_65 = arith.constant 0 : index
    %get3A_66 = vector.load %arg12[%get3A_64, %get3A_65] : memref<1x16xf32, #tpu.memory_space<vmem>>, vector<1x16xf32>
    %add3A_67 = vector.broadcast %get3A_66 : vector<1x16xf32> to vector<3584x16xf32>
    %add3A_68 = arith.addf %add3A_63, %add3A_67 : vector<3584x16xf32>
    %get3A_69 = arith.constant 0 : index
    %get3A_70 = arith.constant 0 : index
    %get3A_71 = vector.load %arg14[%get3A_69, %get3A_70] : memref<16x24xf32, #tpu.memory_space<vmem>>, vector<16x24xf32>
    %dot_general3A_72 = arith.constant dense<0.000000e+00> : vector<3584x24xf32>
    %dot_general3A_73 = tpu.matmul %add3A_68, %get3A_71, %dot_general3A_72 {dimension_numbers = #tpu.dot_dimension_numbers<[1], [0], [0], [1], [0, 0, 1, 1], [], []>, transpose_lhs_hint = false} : vector<3584x16xf32>, vector<16x24xf32>, vector<3584x24xf32> -> vector<3584x24xf32>
    %get3A_74 = arith.constant 0 : index
    %get3A_75 = arith.constant 0 : index
    %get3A_76 = vector.load %arg15[%get3A_74, %get3A_75] : memref<1x24xf32, #tpu.memory_space<vmem>>, vector<1x24xf32>
    %add3A_77 = vector.broadcast %get3A_76 : vector<1x24xf32> to vector<3584x24xf32>
    %add3A_78 = arith.addf %dot_general3A_73, %add3A_77 : vector<3584x24xf32>
    %logistic3A = arith.negf %add3A_78 : vector<3584x24xf32>
    %logistic3A_79 = math.exp %logistic3A : vector<3584x24xf32>
    %logistic3A_80 = arith.constant 1.000000e+00 : f32
    %logistic3A_81 = vector.broadcast %logistic3A_80 : f32 to vector<3584x24xf32>
    %logistic3A_82 = arith.addf %logistic3A_81, %logistic3A_79 : vector<3584x24xf32>
    %logistic3A_83 = arith.divf %logistic3A_81, %logistic3A_82 : vector<3584x24xf32>
    %get3A_84 = arith.constant 0 : index
    %get3A_85 = arith.constant 0 : index
    %get3A_86 = vector.load %arg13[%get3A_84, %get3A_85] : memref<72x24xf32, #tpu.memory_space<vmem>>, vector<72x24xf32>
    %dot_general3A_87 = arith.constant dense<0.000000e+00> : vector<3584x24xf32>
    %dot_general3A_88 = tpu.matmul %add3A_28, %get3A_86, %dot_general3A_87 {dimension_numbers = #tpu.dot_dimension_numbers<[1], [0], [0], [1], [0, 0, 1, 1], [], []>, transpose_lhs_hint = false} : vector<3584x72xf32>, vector<72x24xf32>, vector<3584x24xf32> -> vector<3584x24xf32>
    %mul3A_89 = arith.mulf %dot_general3A_88, %logistic3A_83 : vector<3584x24xf32>
    %get3A_90 = arith.constant 0 : index
    %get3A_91 = arith.constant 0 : index
    %get3A_92 = vector.load %arg16[%get3A_90, %get3A_91] : memref<24x24xf32, #tpu.memory_space<vmem>>, vector<24x24xf32>
    %dot_general3A_93 = arith.constant dense<0.000000e+00> : vector<3584x24xf32>
    %dot_general3A_94 = tpu.matmul %mul3A_89, %get3A_92, %dot_general3A_93 {dimension_numbers = #tpu.dot_dimension_numbers<[1], [0], [0], [1], [0, 0, 1, 1], [], []>, transpose_lhs_hint = false} : vector<3584x24xf32>, vector<24x24xf32>, vector<3584x24xf32> -> vector<3584x24xf32>
    %slice3A_95 = vector.extract_strided_slice %dot_general3A_94 {offsets = [0, 0], sizes = [3584, 8], strides = [1, 1]} : vector<3584x24xf32> to vector<3584x8xf32>
    %slice3A_96 = vector.extract_strided_slice %dot_general3A_94 {offsets = [0, 0], sizes = [3584, 8], strides = [1, 1]} : vector<3584x24xf32> to vector<3584x8xf32>
    %mul3A_97 = arith.mulf %slice3A_95, %slice3A_96 : vector<3584x8xf32>
    %slice3A_98 = vector.extract_strided_slice %dot_general3A_94 {offsets = [0, 8], sizes = [3584, 8], strides = [1, 1]} : vector<3584x24xf32> to vector<3584x8xf32>
    %slice3A_99 = vector.extract_strided_slice %dot_general3A_94 {offsets = [0, 8], sizes = [3584, 8], strides = [1, 1]} : vector<3584x24xf32> to vector<3584x8xf32>
    %mul3A_100 = arith.mulf %slice3A_98, %slice3A_99 : vector<3584x8xf32>
    %add3A_101 = arith.addf %mul3A_97, %mul3A_100 : vector<3584x8xf32>
    %slice3A_102 = vector.extract_strided_slice %dot_general3A_94 {offsets = [0, 16], sizes = [3584, 8], strides = [1, 1]} : vector<3584x24xf32> to vector<3584x8xf32>
    %slice3A_103 = vector.extract_strided_slice %dot_general3A_94 {offsets = [0, 16], sizes = [3584, 8], strides = [1, 1]} : vector<3584x24xf32> to vector<3584x8xf32>
    %mul3A_104 = arith.mulf %slice3A_102, %slice3A_103 : vector<3584x8xf32>
    %add3A_105 = arith.addf %add3A_101, %mul3A_104 : vector<3584x8xf32>
    %max3A_106 = arith.constant 9.99999993E-9 : f32
    %max3A_107 = vector.broadcast %max3A_106 : f32 to vector<3584x8xf32>
    %max3A_108 = arith.maximumf %add3A_105, %max3A_107 : vector<3584x8xf32>
    %sqrt3A_109 = math.sqrt %max3A_108 : vector<3584x8xf32>
    %logistic3A_110 = arith.negf %add3A_68 : vector<3584x16xf32>
    %logistic3A_111 = math.exp %logistic3A_110 : vector<3584x16xf32>
    %logistic3A_112 = arith.constant 1.000000e+00 : f32
    %logistic3A_113 = vector.broadcast %logistic3A_112 : f32 to vector<3584x16xf32>
    %logistic3A_114 = arith.addf %logistic3A_113, %logistic3A_111 : vector<3584x16xf32>
    %logistic3A_115 = arith.divf %logistic3A_113, %logistic3A_114 : vector<3584x16xf32>
    %mul3A_116 = arith.mulf %add3A_68, %logistic3A_115 : vector<3584x16xf32>
    %get3A_117 = arith.constant 0 : index
    %get3A_118 = arith.constant 0 : index
    %get3A_119 = vector.load %arg17[%get3A_117, %get3A_118] : memref<16x16xf32, #tpu.memory_space<vmem>>, vector<16x16xf32>
    %dot_general3A_120 = arith.constant dense<0.000000e+00> : vector<3584x16xf32>
    %dot_general3A_121 = tpu.matmul %mul3A_116, %get3A_119, %dot_general3A_120 {dimension_numbers = #tpu.dot_dimension_numbers<[1], [0], [0], [1], [0, 0, 1, 1], [], []>, transpose_lhs_hint = false} : vector<3584x16xf32>, vector<16x16xf32>, vector<3584x16xf32> -> vector<3584x16xf32>
    %get3A_122 = arith.constant 0 : index
    %get3A_123 = arith.constant 0 : index
    %get3A_124 = vector.load %arg18[%get3A_122, %get3A_123] : memref<8x16xf32, #tpu.memory_space<vmem>>, vector<8x16xf32>
    %dot_general3A_125 = arith.constant dense<0.000000e+00> : vector<3584x16xf32>
    %dot_general3A_126 = tpu.matmul %sqrt3A_109, %get3A_124, %dot_general3A_125 {dimension_numbers = #tpu.dot_dimension_numbers<[1], [0], [0], [1], [0, 0, 1, 1], [], []>, transpose_lhs_hint = false} : vector<3584x8xf32>, vector<8x16xf32>, vector<3584x16xf32> -> vector<3584x16xf32>
    %add3A_127 = arith.addf %dot_general3A_121, %dot_general3A_126 : vector<3584x16xf32>
    %get3A_128 = arith.constant 0 : index
    %get3A_129 = arith.constant 0 : index
    %get3A_130 = vector.load %arg19[%get3A_128, %get3A_129] : memref<1x16xf32, #tpu.memory_space<vmem>>, vector<1x16xf32>
    %add3A_131 = vector.broadcast %get3A_130 : vector<1x16xf32> to vector<3584x16xf32>
    %add3A_132 = arith.addf %add3A_127, %add3A_131 : vector<3584x16xf32>
    %get3A_133 = arith.constant 0 : index
    %get3A_134 = arith.constant 0 : index
    %get3A_135 = vector.load %arg21[%get3A_133, %get3A_134] : memref<16x24xf32, #tpu.memory_space<vmem>>, vector<16x24xf32>
    %dot_general3A_136 = arith.constant dense<0.000000e+00> : vector<3584x24xf32>
    %dot_general3A_137 = tpu.matmul %add3A_132, %get3A_135, %dot_general3A_136 {dimension_numbers = #tpu.dot_dimension_numbers<[1], [0], [0], [1], [0, 0, 1, 1], [], []>, transpose_lhs_hint = false} : vector<3584x16xf32>, vector<16x24xf32>, vector<3584x24xf32> -> vector<3584x24xf32>
    %get3A_138 = arith.constant 0 : index
    %get3A_139 = arith.constant 0 : index
    %get3A_140 = vector.load %arg22[%get3A_138, %get3A_139] : memref<1x24xf32, #tpu.memory_space<vmem>>, vector<1x24xf32>
    %add3A_141 = vector.broadcast %get3A_140 : vector<1x24xf32> to vector<3584x24xf32>
    %add3A_142 = arith.addf %dot_general3A_137, %add3A_141 : vector<3584x24xf32>
    %logistic3A_143 = arith.negf %add3A_142 : vector<3584x24xf32>
    %logistic3A_144 = math.exp %logistic3A_143 : vector<3584x24xf32>
    %logistic3A_145 = arith.constant 1.000000e+00 : f32
    %logistic3A_146 = vector.broadcast %logistic3A_145 : f32 to vector<3584x24xf32>
    %logistic3A_147 = arith.addf %logistic3A_146, %logistic3A_144 : vector<3584x24xf32>
    %logistic3A_148 = arith.divf %logistic3A_146, %logistic3A_147 : vector<3584x24xf32>
    %get3A_149 = arith.constant 0 : index
    %get3A_150 = arith.constant 0 : index
    %get3A_151 = vector.load %arg20[%get3A_149, %get3A_150] : memref<24x24xf32, #tpu.memory_space<vmem>>, vector<24x24xf32>
    %dot_general3A_152 = arith.constant dense<0.000000e+00> : vector<3584x24xf32>
    %dot_general3A_153 = tpu.matmul %dot_general3A_94, %get3A_151, %dot_general3A_152 {dimension_numbers = #tpu.dot_dimension_numbers<[1], [0], [0], [1], [0, 0, 1, 1], [], []>, transpose_lhs_hint = false} : vector<3584x24xf32>, vector<24x24xf32>, vector<3584x24xf32> -> vector<3584x24xf32>
    %mul3A_154 = arith.mulf %dot_general3A_153, %logistic3A_148 : vector<3584x24xf32>
    %broadcast_in_dim3A = arith.constant 0.000000e+00 : f32
    %broadcast_in_dim3A_155 = vector.broadcast %broadcast_in_dim3A : f32 to vector<3584x8xf32>
    %concatenate3A = tpu.concatenate %add3A_132, %broadcast_in_dim3A_155, %mul3A_154 in 1 : vector<3584x16xf32>, vector<3584x8xf32>, vector<3584x24xf32> -> vector<3584x48xf32>
    %swap3A = arith.constant 0 : index
    %swap3A_156 = arith.constant 0 : index
    %swap3A_157 = vector.load %arg23[%swap3A, %swap3A_156] : memref<3584x48xf32, #tpu.memory_space<vmem>>, vector<3584x48xf32>
    tpu.vector_store %arg23[%swap3A, %swap3A_156], %concatenate3A {strides = array<i32>} : memref<3584x48xf32, #tpu.memory_space<vmem>>, vector<3584x48xf32>,
    return
  }
  func.func @transform_0(%arg0: i32) -> (i32, i32) {
    %c0_i32 = arith.constant 0 : i32
    %c0_i32_0 = arith.constant 0 : i32
    return %arg0, %c0_i32 : i32, i32
  }
  func.func @transform_1(%arg0: i32) -> (i32, i32) {
    %c0_i32 = arith.constant 0 : i32
    %c0_i32_0 = arith.constant 0 : i32
    return %arg0, %c0_i32 : i32, i32
  }
  func.func @transform_2(%arg0: i32) -> (i32, i32) {
    %c0_i32 = arith.constant 0 : i32
    %c0_i32_0 = arith.constant 0 : i32
    return %arg0, %c0_i32 : i32, i32
  }
  func.func @transform_3(%arg0: i32) -> (i32, i32) {
    %c0_i32 = arith.constant 0 : i32
    %c0_i32_0 = arith.constant 0 : i32
    return %arg0, %c0_i32 : i32, i32
  }
  func.func @transform_4(%arg0: i32) -> (i32, i32) {
    %c0_i32 = arith.constant 0 : i32
    %c0_i32_0 = arith.constant 0 : i32
    %c0_i32_1 = arith.constant 0 : i32
    return %c0_i32, %c0_i32_0 : i32, i32
  }
  func.func @transform_5(%arg0: i32) -> (i32, i32) {
    %c0_i32 = arith.constant 0 : i32
    %c0_i32_0 = arith.constant 0 : i32
    %c0_i32_1 = arith.constant 0 : i32
    return %c0_i32, %c0_i32_0 : i32, i32
  }
  func.func @transform_6(%arg0: i32) -> (i32, i32) {
    %c0_i32 = arith.constant 0 : i32
    %c0_i32_0 = arith.constant 0 : i32
    %c0_i32_1 = arith.constant 0 : i32
    return %c0_i32, %c0_i32_0 : i32, i32
  }
  func.func @transform_7(%arg0: i32) -> (i32, i32) {
    %c0_i32 = arith.constant 0 : i32
    %c0_i32_0 = arith.constant 0 : i32
    %c0_i32_1 = arith.constant 0 : i32
    return %c0_i32, %c0_i32_0 : i32, i32
  }
  func.func @transform_8(%arg0: i32) -> (i32, i32) {
    %c0_i32 = arith.constant 0 : i32
    %c0_i32_0 = arith.constant 0 : i32
    %c0_i32_1 = arith.constant 0 : i32
    return %c0_i32, %c0_i32_0 : i32, i32
  }
  func.func @transform_9(%arg0: i32) -> (i32, i32) {
    %c0_i32 = arith.constant 0 : i32
    %c0_i32_0 = arith.constant 0 : i32
    %c0_i32_1 = arith.constant 0 : i32
    return %c0_i32, %c0_i32_0 : i32, i32
  }
  func.func @transform_10(%arg0: i32) -> (i32, i32) {
    %c0_i32 = arith.constant 0 : i32
    %c0_i32_0 = arith.constant 0 : i32
    %c0_i32_1 = arith.constant 0 : i32
    return %c0_i32, %c0_i32_0 : i32, i32
  }
  func.func @transform_11(%arg0: i32) -> (i32, i32) {
    %c0_i32 = arith.constant 0 : i32
    %c0_i32_0 = arith.constant 0 : i32
    %c0_i32_1 = arith.constant 0 : i32
    return %c0_i32, %c0_i32_0 : i32, i32
  }
  func.func @transform_12(%arg0: i32) -> (i32, i32) {
    %c0_i32 = arith.constant 0 : i32
    %c0_i32_0 = arith.constant 0 : i32
    %c0_i32_1 = arith.constant 0 : i32
    return %c0_i32, %c0_i32_0 : i32, i32
  }
  func.func @transform_13(%arg0: i32) -> (i32, i32) {
    %c0_i32 = arith.constant 0 : i32
    %c0_i32_0 = arith.constant 0 : i32
    %c0_i32_1 = arith.constant 0 : i32
    return %c0_i32, %c0_i32_0 : i32, i32
  }
  func.func @transform_14(%arg0: i32) -> (i32, i32) {
    %c0_i32 = arith.constant 0 : i32
    %c0_i32_0 = arith.constant 0 : i32
    %c0_i32_1 = arith.constant 0 : i32
    return %c0_i32, %c0_i32_0 : i32, i32
  }
  func.func @transform_15(%arg0: i32) -> (i32, i32) {
    %c0_i32 = arith.constant 0 : i32
    %c0_i32_0 = arith.constant 0 : i32
    %c0_i32_1 = arith.constant 0 : i32
    return %c0_i32, %c0_i32_0 : i32, i32
  }
  func.func @transform_16(%arg0: i32) -> (i32, i32) {
    %c0_i32 = arith.constant 0 : i32
    %c0_i32_0 = arith.constant 0 : i32
    %c0_i32_1 = arith.constant 0 : i32
    return %c0_i32, %c0_i32_0 : i32, i32
  }
  func.func @transform_17(%arg0: i32) -> (i32, i32) {
    %c0_i32 = arith.constant 0 : i32
    %c0_i32_0 = arith.constant 0 : i32
    %c0_i32_1 = arith.constant 0 : i32
    return %c0_i32, %c0_i32_0 : i32, i32
  }
  func.func @transform_18(%arg0: i32) -> (i32, i32) {
    %c0_i32 = arith.constant 0 : i32
    %c0_i32_0 = arith.constant 0 : i32
    %c0_i32_1 = arith.constant 0 : i32
    return %c0_i32, %c0_i32_0 : i32, i32
  }
  func.func @transform_19(%arg0: i32) -> (i32, i32) {
    %c0_i32 = arith.constant 0 : i32
    %c0_i32_0 = arith.constant 0 : i32
    %c0_i32_1 = arith.constant 0 : i32
    return %c0_i32, %c0_i32_0 : i32, i32
  }
  func.func @transform_20(%arg0: i32) -> (i32, i32) {
    %c0_i32 = arith.constant 0 : i32
    %c0_i32_0 = arith.constant 0 : i32
    %c0_i32_1 = arith.constant 0 : i32
    return %c0_i32, %c0_i32_0 : i32, i32
  }
  func.func @transform_21(%arg0: i32) -> (i32, i32) {
    %c0_i32 = arith.constant 0 : i32
    %c0_i32_0 = arith.constant 0 : i32
    %c0_i32_1 = arith.constant 0 : i32
    return %c0_i32, %c0_i32_0 : i32, i32
  }
  func.func @transform_22(%arg0: i32) -> (i32, i32) {
    %c0_i32 = arith.constant 0 : i32
    %c0_i32_0 = arith.constant 0 : i32
    return %arg0, %c0_i32 : i32, i32
  }
}

module attributes {stable_mosaic.version = 14 : i64} {
  func.func @_node_upd_body(%arg0: i32, %arg1: memref<2000x40xf32, #tpu.memory_space<vmem>>, %arg2: memref<2000x48xf32, #tpu.memory_space<vmem>>, %arg3: memref<2x2000x8xf32, #tpu.memory_space<vmem>>, %arg4: memref<1x16xf32, #tpu.memory_space<vmem>>, %arg5: memref<1x16xf32, #tpu.memory_space<vmem>>, %arg6: memref<24x24xf32, #tpu.memory_space<vmem>>, %arg7: memref<16x16xf32, #tpu.memory_space<vmem>>, %arg8: memref<8x16xf32, #tpu.memory_space<vmem>>, %arg9: memref<1x16xf32, #tpu.memory_space<vmem>>, %arg10: memref<24x24xf32, #tpu.memory_space<vmem>>, %arg11: memref<16x24xf32, #tpu.memory_space<vmem>>, %arg12: memref<1x24xf32, #tpu.memory_space<vmem>>, %arg13: memref<1x16xf32, #tpu.memory_space<vmem>>, %arg14: memref<1x16xf32, #tpu.memory_space<vmem>>, %arg15: memref<2000x40xf32, #tpu.memory_space<vmem>>) attributes {dimension_semantics = [#tpu.dimension_semantics<arbitrary>], iteration_bounds = array<i64: 25>, scalar_prefetch = 0 : i64, scratch_operands = 0 : i64, tpu.core_type = #tpu.core_type<tc>, window_params = [{transform_indices = @transform_0, window_bounds = array<i64: 2000, 40>}, {transform_indices = @transform_1, window_bounds = array<i64: 2000, 48>}, {transform_indices = @transform_2, window_bounds = array<i64: 2, 2000, 8>}, {pipeline_mode = #tpu.pipeline_mode<synchronous>, transform_indices = @transform_3, window_bounds = array<i64: 1, 16>}, {pipeline_mode = #tpu.pipeline_mode<synchronous>, transform_indices = @transform_4, window_bounds = array<i64: 1, 16>}, {pipeline_mode = #tpu.pipeline_mode<synchronous>, transform_indices = @transform_5, window_bounds = array<i64: 24, 24>}, {pipeline_mode = #tpu.pipeline_mode<synchronous>, transform_indices = @transform_6, window_bounds = array<i64: 16, 16>}, {pipeline_mode = #tpu.pipeline_mode<synchronous>, transform_indices = @transform_7, window_bounds = array<i64: 8, 16>}, {pipeline_mode = #tpu.pipeline_mode<synchronous>, transform_indices = @transform_8, window_bounds = array<i64: 1, 16>}, {pipeline_mode = #tpu.pipeline_mode<synchronous>, transform_indices = @transform_9, window_bounds = array<i64: 24, 24>}, {pipeline_mode = #tpu.pipeline_mode<synchronous>, transform_indices = @transform_10, window_bounds = array<i64: 16, 24>}, {pipeline_mode = #tpu.pipeline_mode<synchronous>, transform_indices = @transform_11, window_bounds = array<i64: 1, 24>}, {pipeline_mode = #tpu.pipeline_mode<synchronous>, transform_indices = @transform_12, window_bounds = array<i64: 1, 16>}, {pipeline_mode = #tpu.pipeline_mode<synchronous>, transform_indices = @transform_13, window_bounds = array<i64: 1, 16>}, {transform_indices = @transform_14, window_bounds = array<i64: 2000, 40>}]} {
    %get3A = arith.constant 0 : index
    %get3A_0 = arith.constant 0 : index
    %get3A_1 = arith.constant 0 : index
    %get3A_2 = vector.load %arg3[%get3A, %get3A_0, %get3A_1] : memref<2x2000x8xf32, #tpu.memory_space<vmem>>, vector<1x2000x1xf32>
    %get3A_3 = vector.shape_cast %get3A_2 : vector<1x2000x1xf32> to vector<2000x1xf32>
    %get3A_4 = arith.constant 1 : index
    %get3A_5 = arith.constant 0 : index
    %get3A_6 = arith.constant 0 : index
    %get3A_7 = vector.load %arg3[%get3A_4, %get3A_5, %get3A_6] : memref<2x2000x8xf32, #tpu.memory_space<vmem>>, vector<1x2000x1xf32>
    %get3A_8 = vector.shape_cast %get3A_7 : vector<1x2000x1xf32> to vector<2000x1xf32>
    %add3A = arith.addf %get3A_3, %get3A_8 : vector<2000x1xf32>
    %max3A = arith.constant 1.000000e+00 : f32
    %max3A_9 = vector.broadcast %max3A : f32 to vector<2000x1xf32>
    %max3A_10 = arith.maximumf %add3A, %max3A_9 : vector<2000x1xf32>
    %div3A = arith.constant 1.000000e+00 : f32
    %div3A_11 = vector.broadcast %div3A : f32 to vector<2000x1xf32>
    %div3A_12 = arith.divf %div3A_11, %max3A_10 : vector<2000x1xf32>
    %get3A_13 = arith.constant 0 : index
    %get3A_14 = arith.constant 0 : index
    %get3A_15 = vector.load %arg1[%get3A_13, %get3A_14] : memref<2000x40xf32, #tpu.memory_space<vmem>>, vector<2000x40xf32>
    %get3A_16 = arith.constant 0 : index
    %get3A_17 = arith.constant 0 : index
    %get3A_18 = vector.load %arg2[%get3A_16, %get3A_17] : memref<2000x48xf32, #tpu.memory_space<vmem>>, vector<2000x48xf32>
    %slice3A = vector.extract_strided_slice %get3A_15 {offsets = [0, 0], sizes = [2000, 16], strides = [1, 1]} : vector<2000x40xf32> to vector<2000x16xf32>
    %slice3A_19 = vector.extract_strided_slice %get3A_18 {offsets = [0, 0], sizes = [2000, 16], strides = [1, 1]} : vector<2000x48xf32> to vector<2000x16xf32>
    %mul3A = vector.broadcast %div3A_12 : vector<2000x1xf32> to vector<2000x16xf32>
    %mul3A_20 = arith.mulf %slice3A_19, %mul3A : vector<2000x16xf32>
    %add3A_21 = arith.addf %slice3A, %mul3A_20 : vector<2000x16xf32>
    %slice3A_22 = vector.extract_strided_slice %get3A_18 {offsets = [0, 24], sizes = [2000, 24], strides = [1, 1]} : vector<2000x48xf32> to vector<2000x24xf32>
    %mul3A_23 = vector.broadcast %div3A_12 : vector<2000x1xf32> to vector<2000x24xf32>
    %mul3A_24 = arith.mulf %slice3A_22, %mul3A_23 : vector<2000x24xf32>
    %slice3A_25 = vector.extract_strided_slice %get3A_15 {offsets = [0, 16], sizes = [2000, 24], strides = [1, 1]} : vector<2000x40xf32> to vector<2000x24xf32>
    %add3A_26 = arith.addf %mul3A_24, %slice3A_25 : vector<2000x24xf32>
    %slice3A_27 = vector.extract_strided_slice %add3A_26 {offsets = [0, 0], sizes = [2000, 8], strides = [1, 1]} : vector<2000x24xf32> to vector<2000x8xf32>
    %slice3A_28 = vector.extract_strided_slice %add3A_26 {offsets = [0, 0], sizes = [2000, 8], strides = [1, 1]} : vector<2000x24xf32> to vector<2000x8xf32>
    %mul3A_29 = arith.mulf %slice3A_27, %slice3A_28 : vector<2000x8xf32>
    %slice3A_30 = vector.extract_strided_slice %add3A_26 {offsets = [0, 8], sizes = [2000, 8], strides = [1, 1]} : vector<2000x24xf32> to vector<2000x8xf32>
    %slice3A_31 = vector.extract_strided_slice %add3A_26 {offsets = [0, 8], sizes = [2000, 8], strides = [1, 1]} : vector<2000x24xf32> to vector<2000x8xf32>
    %mul3A_32 = arith.mulf %slice3A_30, %slice3A_31 : vector<2000x8xf32>
    %add3A_33 = arith.addf %mul3A_29, %mul3A_32 : vector<2000x8xf32>
    %slice3A_34 = vector.extract_strided_slice %add3A_26 {offsets = [0, 16], sizes = [2000, 8], strides = [1, 1]} : vector<2000x24xf32> to vector<2000x8xf32>
    %slice3A_35 = vector.extract_strided_slice %add3A_26 {offsets = [0, 16], sizes = [2000, 8], strides = [1, 1]} : vector<2000x24xf32> to vector<2000x8xf32>
    %mul3A_36 = arith.mulf %slice3A_34, %slice3A_35 : vector<2000x8xf32>
    %add3A_37 = arith.addf %add3A_33, %mul3A_36 : vector<2000x8xf32>
    %max3A_38 = arith.constant 9.99999993E-9 : f32
    %max3A_39 = vector.broadcast %max3A_38 : f32 to vector<2000x8xf32>
    %max3A_40 = arith.maximumf %add3A_37, %max3A_39 : vector<2000x8xf32>
    %reduce_sum3A = arith.constant dense<0.000000e+00> : vector<2000xf32>
    %reduce_sum3A_41 = vector.multi_reduction <add>, %max3A_40, %reduce_sum3A [1] : vector<2000x8xf32> to vector<2000xf32>
    %broadcast_in_dim3A = vector.shape_cast %reduce_sum3A_41 : vector<2000xf32> to vector<2000x1xf32>
    %div3A_42 = arith.constant 8.000000e+00 : f32
    %div3A_43 = vector.broadcast %div3A_42 : f32 to vector<2000x1xf32>
    %div3A_44 = arith.divf %broadcast_in_dim3A, %div3A_43 : vector<2000x1xf32>
    %rsqrt3A = math.rsqrt %div3A_44 : vector<2000x1xf32>
    %mul3A_45 = vector.broadcast %rsqrt3A : vector<2000x1xf32> to vector<2000x24xf32>
    %mul3A_46 = arith.mulf %add3A_26, %mul3A_45 : vector<2000x24xf32>
    %get3A_47 = arith.constant 0 : index
    %get3A_48 = arith.constant 0 : index
    %get3A_49 = vector.load %arg4[%get3A_47, %get3A_48] : memref<1x16xf32, #tpu.memory_space<vmem>>, vector<1x16xf32>
    %get3A_50 = arith.constant 0 : index
    %get3A_51 = arith.constant 0 : index
    %get3A_52 = vector.load %arg5[%get3A_50, %get3A_51] : memref<1x16xf32, #tpu.memory_space<vmem>>, vector<1x16xf32>
    %reduce_sum3A_53 = arith.constant dense<0.000000e+00> : vector<2000xf32>
    %reduce_sum3A_54 = vector.multi_reduction <add>, %add3A_21, %reduce_sum3A_53 [1] : vector<2000x16xf32> to vector<2000xf32>
    %broadcast_in_dim3A_55 = vector.shape_cast %reduce_sum3A_54 : vector<2000xf32> to vector<2000x1xf32>
    %div3A_56 = arith.constant 1.600000e+01 : f32
    %div3A_57 = vector.broadcast %div3A_56 : f32 to vector<2000x1xf32>
    %div3A_58 = arith.divf %broadcast_in_dim3A_55, %div3A_57 : vector<2000x1xf32>
    %sub3A = vector.broadcast %div3A_58 : vector<2000x1xf32> to vector<2000x16xf32>
    %sub3A_59 = arith.subf %add3A_21, %sub3A : vector<2000x16xf32>
    %sub3A_60 = vector.broadcast %div3A_58 : vector<2000x1xf32> to vector<2000x16xf32>
    %sub3A_61 = arith.subf %add3A_21, %sub3A_60 : vector<2000x16xf32>
    %mul3A_62 = arith.mulf %sub3A_59, %sub3A_61 : vector<2000x16xf32>
    %reduce_sum3A_63 = arith.constant dense<0.000000e+00> : vector<2000xf32>
    %reduce_sum3A_64 = vector.multi_reduction <add>, %mul3A_62, %reduce_sum3A_63 [1] : vector<2000x16xf32> to vector<2000xf32>
    %broadcast_in_dim3A_65 = vector.shape_cast %reduce_sum3A_64 : vector<2000xf32> to vector<2000x1xf32>
    %div3A_66 = arith.constant 1.600000e+01 : f32
    %div3A_67 = vector.broadcast %div3A_66 : f32 to vector<2000x1xf32>
    %div3A_68 = arith.divf %broadcast_in_dim3A_65, %div3A_67 : vector<2000x1xf32>
    %sub3A_69 = vector.broadcast %div3A_58 : vector<2000x1xf32> to vector<2000x16xf32>
    %sub3A_70 = arith.subf %add3A_21, %sub3A_69 : vector<2000x16xf32>
    %add3A_71 = arith.constant 9.99999974E-6 : f32
    %add3A_72 = vector.broadcast %add3A_71 : f32 to vector<2000x1xf32>
    %add3A_73 = arith.addf %div3A_68, %add3A_72 : vector<2000x1xf32>
    %rsqrt3A_74 = math.rsqrt %add3A_73 : vector<2000x1xf32>
    %mul3A_75 = vector.broadcast %rsqrt3A_74 : vector<2000x1xf32> to vector<2000x16xf32>
    %mul3A_76 = arith.mulf %sub3A_70, %mul3A_75 : vector<2000x16xf32>
    %mul3A_77 = vector.broadcast %get3A_49 : vector<1x16xf32> to vector<2000x16xf32>
    %mul3A_78 = arith.mulf %mul3A_76, %mul3A_77 : vector<2000x16xf32>
    %add3A_79 = vector.broadcast %get3A_52 : vector<1x16xf32> to vector<2000x16xf32>
    %add3A_80 = arith.addf %mul3A_78, %add3A_79 : vector<2000x16xf32>
    %get3A_81 = arith.constant 0 : index
    %get3A_82 = arith.constant 0 : index
    %get3A_83 = vector.load %arg6[%get3A_81, %get3A_82] : memref<24x24xf32, #tpu.memory_space<vmem>>, vector<24x24xf32>
    %dot_general3A = arith.constant dense<0.000000e+00> : vector<2000x24xf32>
    %dot_general3A_84 = tpu.matmul %mul3A_46, %get3A_83, %dot_general3A {dimension_numbers = #tpu.dot_dimension_numbers<[1], [0], [0], [1], [0, 0, 1, 1], [], []>, transpose_lhs_hint = false} : vector<2000x24xf32>, vector<24x24xf32>, vector<2000x24xf32> -> vector<2000x24xf32>
    %slice3A_85 = vector.extract_strided_slice %dot_general3A_84 {offsets = [0, 0], sizes = [2000, 8], strides = [1, 1]} : vector<2000x24xf32> to vector<2000x8xf32>
    %slice3A_86 = vector.extract_strided_slice %dot_general3A_84 {offsets = [0, 0], sizes = [2000, 8], strides = [1, 1]} : vector<2000x24xf32> to vector<2000x8xf32>
    %mul3A_87 = arith.mulf %slice3A_85, %slice3A_86 : vector<2000x8xf32>
    %slice3A_88 = vector.extract_strided_slice %dot_general3A_84 {offsets = [0, 8], sizes = [2000, 8], strides = [1, 1]} : vector<2000x24xf32> to vector<2000x8xf32>
    %slice3A_89 = vector.extract_strided_slice %dot_general3A_84 {offsets = [0, 8], sizes = [2000, 8], strides = [1, 1]} : vector<2000x24xf32> to vector<2000x8xf32>
    %mul3A_90 = arith.mulf %slice3A_88, %slice3A_89 : vector<2000x8xf32>
    %add3A_91 = arith.addf %mul3A_87, %mul3A_90 : vector<2000x8xf32>
    %slice3A_92 = vector.extract_strided_slice %dot_general3A_84 {offsets = [0, 16], sizes = [2000, 8], strides = [1, 1]} : vector<2000x24xf32> to vector<2000x8xf32>
    %slice3A_93 = vector.extract_strided_slice %dot_general3A_84 {offsets = [0, 16], sizes = [2000, 8], strides = [1, 1]} : vector<2000x24xf32> to vector<2000x8xf32>
    %mul3A_94 = arith.mulf %slice3A_92, %slice3A_93 : vector<2000x8xf32>
    %add3A_95 = arith.addf %add3A_91, %mul3A_94 : vector<2000x8xf32>
    %max3A_96 = arith.constant 9.99999993E-9 : f32
    %max3A_97 = vector.broadcast %max3A_96 : f32 to vector<2000x8xf32>
    %max3A_98 = arith.maximumf %add3A_95, %max3A_97 : vector<2000x8xf32>
    %sqrt3A = math.sqrt %max3A_98 : vector<2000x8xf32>
    %get3A_99 = arith.constant 0 : index
    %get3A_100 = arith.constant 0 : index
    %get3A_101 = vector.load %arg7[%get3A_99, %get3A_100] : memref<16x16xf32, #tpu.memory_space<vmem>>, vector<16x16xf32>
    %dot_general3A_102 = arith.constant dense<0.000000e+00> : vector<2000x16xf32>
    %dot_general3A_103 = tpu.matmul %add3A_80, %get3A_101, %dot_general3A_102 {dimension_numbers = #tpu.dot_dimension_numbers<[1], [0], [0], [1], [0, 0, 1, 1], [], []>, transpose_lhs_hint = false} : vector<2000x16xf32>, vector<16x16xf32>, vector<2000x16xf32> -> vector<2000x16xf32>
    %get3A_104 = arith.constant 0 : index
    %get3A_105 = arith.constant 0 : index
    %get3A_106 = vector.load %arg8[%get3A_104, %get3A_105] : memref<8x16xf32, #tpu.memory_space<vmem>>, vector<8x16xf32>
    %dot_general3A_107 = arith.constant dense<0.000000e+00> : vector<2000x16xf32>
    %dot_general3A_108 = tpu.matmul %sqrt3A, %get3A_106, %dot_general3A_107 {dimension_numbers = #tpu.dot_dimension_numbers<[1], [0], [0], [1], [0, 0, 1, 1], [], []>, transpose_lhs_hint = false} : vector<2000x8xf32>, vector<8x16xf32>, vector<2000x16xf32> -> vector<2000x16xf32>
    %add3A_109 = arith.addf %dot_general3A_103, %dot_general3A_108 : vector<2000x16xf32>
    %get3A_110 = arith.constant 0 : index
    %get3A_111 = arith.constant 0 : index
    %get3A_112 = vector.load %arg9[%get3A_110, %get3A_111] : memref<1x16xf32, #tpu.memory_space<vmem>>, vector<1x16xf32>
    %add3A_113 = vector.broadcast %get3A_112 : vector<1x16xf32> to vector<2000x16xf32>
    %add3A_114 = arith.addf %add3A_109, %add3A_113 : vector<2000x16xf32>
    %get3A_115 = arith.constant 0 : index
    %get3A_116 = arith.constant 0 : index
    %get3A_117 = vector.load %arg11[%get3A_115, %get3A_116] : memref<16x24xf32, #tpu.memory_space<vmem>>, vector<16x24xf32>
    %dot_general3A_118 = arith.constant dense<0.000000e+00> : vector<2000x24xf32>
    %dot_general3A_119 = tpu.matmul %add3A_114, %get3A_117, %dot_general3A_118 {dimension_numbers = #tpu.dot_dimension_numbers<[1], [0], [0], [1], [0, 0, 1, 1], [], []>, transpose_lhs_hint = false} : vector<2000x16xf32>, vector<16x24xf32>, vector<2000x24xf32> -> vector<2000x24xf32>
    %get3A_120 = arith.constant 0 : index
    %get3A_121 = arith.constant 0 : index
    %get3A_122 = vector.load %arg12[%get3A_120, %get3A_121] : memref<1x24xf32, #tpu.memory_space<vmem>>, vector<1x24xf32>
    %add3A_123 = vector.broadcast %get3A_122 : vector<1x24xf32> to vector<2000x24xf32>
    %add3A_124 = arith.addf %dot_general3A_119, %add3A_123 : vector<2000x24xf32>
    %logistic3A = arith.negf %add3A_124 : vector<2000x24xf32>
    %logistic3A_125 = math.exp %logistic3A : vector<2000x24xf32>
    %logistic3A_126 = arith.constant 1.000000e+00 : f32
    %logistic3A_127 = vector.broadcast %logistic3A_126 : f32 to vector<2000x24xf32>
    %logistic3A_128 = arith.addf %logistic3A_127, %logistic3A_125 : vector<2000x24xf32>
    %logistic3A_129 = arith.divf %logistic3A_127, %logistic3A_128 : vector<2000x24xf32>
    %get3A_130 = arith.constant 0 : index
    %get3A_131 = arith.constant 0 : index
    %get3A_132 = vector.load %arg10[%get3A_130, %get3A_131] : memref<24x24xf32, #tpu.memory_space<vmem>>, vector<24x24xf32>
    %dot_general3A_133 = arith.constant dense<0.000000e+00> : vector<2000x24xf32>
    %dot_general3A_134 = tpu.matmul %dot_general3A_84, %get3A_132, %dot_general3A_133 {dimension_numbers = #tpu.dot_dimension_numbers<[1], [0], [0], [1], [0, 0, 1, 1], [], []>, transpose_lhs_hint = false} : vector<2000x24xf32>, vector<24x24xf32>, vector<2000x24xf32> -> vector<2000x24xf32>
    %mul3A_135 = arith.mulf %dot_general3A_134, %logistic3A_129 : vector<2000x24xf32>
    %add3A_136 = arith.addf %add3A_80, %add3A_114 : vector<2000x16xf32>
    %add3A_137 = arith.addf %mul3A_46, %mul3A_135 : vector<2000x24xf32>
    %slice3A_138 = vector.extract_strided_slice %add3A_137 {offsets = [0, 0], sizes = [2000, 8], strides = [1, 1]} : vector<2000x24xf32> to vector<2000x8xf32>
    %slice3A_139 = vector.extract_strided_slice %add3A_137 {offsets = [0, 0], sizes = [2000, 8], strides = [1, 1]} : vector<2000x24xf32> to vector<2000x8xf32>
    %mul3A_140 = arith.mulf %slice3A_138, %slice3A_139 : vector<2000x8xf32>
    %slice3A_141 = vector.extract_strided_slice %add3A_137 {offsets = [0, 8], sizes = [2000, 8], strides = [1, 1]} : vector<2000x24xf32> to vector<2000x8xf32>
    %slice3A_142 = vector.extract_strided_slice %add3A_137 {offsets = [0, 8], sizes = [2000, 8], strides = [1, 1]} : vector<2000x24xf32> to vector<2000x8xf32>
    %mul3A_143 = arith.mulf %slice3A_141, %slice3A_142 : vector<2000x8xf32>
    %add3A_144 = arith.addf %mul3A_140, %mul3A_143 : vector<2000x8xf32>
    %slice3A_145 = vector.extract_strided_slice %add3A_137 {offsets = [0, 16], sizes = [2000, 8], strides = [1, 1]} : vector<2000x24xf32> to vector<2000x8xf32>
    %slice3A_146 = vector.extract_strided_slice %add3A_137 {offsets = [0, 16], sizes = [2000, 8], strides = [1, 1]} : vector<2000x24xf32> to vector<2000x8xf32>
    %mul3A_147 = arith.mulf %slice3A_145, %slice3A_146 : vector<2000x8xf32>
    %add3A_148 = arith.addf %add3A_144, %mul3A_147 : vector<2000x8xf32>
    %max3A_149 = arith.constant 9.99999993E-9 : f32
    %max3A_150 = vector.broadcast %max3A_149 : f32 to vector<2000x8xf32>
    %max3A_151 = arith.maximumf %add3A_148, %max3A_150 : vector<2000x8xf32>
    %reduce_sum3A_152 = arith.constant dense<0.000000e+00> : vector<2000xf32>
    %reduce_sum3A_153 = vector.multi_reduction <add>, %max3A_151, %reduce_sum3A_152 [1] : vector<2000x8xf32> to vector<2000xf32>
    %broadcast_in_dim3A_154 = vector.shape_cast %reduce_sum3A_153 : vector<2000xf32> to vector<2000x1xf32>
    %div3A_155 = arith.constant 8.000000e+00 : f32
    %div3A_156 = vector.broadcast %div3A_155 : f32 to vector<2000x1xf32>
    %div3A_157 = arith.divf %broadcast_in_dim3A_154, %div3A_156 : vector<2000x1xf32>
    %get3A_158 = arith.constant 0 : index
    %get3A_159 = arith.constant 0 : index
    %get3A_160 = vector.load %arg13[%get3A_158, %get3A_159] : memref<1x16xf32, #tpu.memory_space<vmem>>, vector<1x16xf32>
    %get3A_161 = arith.constant 0 : index
    %get3A_162 = arith.constant 0 : index
    %get3A_163 = vector.load %arg14[%get3A_161, %get3A_162] : memref<1x16xf32, #tpu.memory_space<vmem>>, vector<1x16xf32>
    %reduce_sum3A_164 = arith.constant dense<0.000000e+00> : vector<2000xf32>
    %reduce_sum3A_165 = vector.multi_reduction <add>, %add3A_136, %reduce_sum3A_164 [1] : vector<2000x16xf32> to vector<2000xf32>
    %broadcast_in_dim3A_166 = vector.shape_cast %reduce_sum3A_165 : vector<2000xf32> to vector<2000x1xf32>
    %div3A_167 = arith.constant 1.600000e+01 : f32
    %div3A_168 = vector.broadcast %div3A_167 : f32 to vector<2000x1xf32>
    %div3A_169 = arith.divf %broadcast_in_dim3A_166, %div3A_168 : vector<2000x1xf32>
    %sub3A_170 = vector.broadcast %div3A_169 : vector<2000x1xf32> to vector<2000x16xf32>
    %sub3A_171 = arith.subf %add3A_136, %sub3A_170 : vector<2000x16xf32>
    %sub3A_172 = vector.broadcast %div3A_169 : vector<2000x1xf32> to vector<2000x16xf32>
    %sub3A_173 = arith.subf %add3A_136, %sub3A_172 : vector<2000x16xf32>
    %mul3A_174 = arith.mulf %sub3A_171, %sub3A_173 : vector<2000x16xf32>
    %reduce_sum3A_175 = arith.constant dense<0.000000e+00> : vector<2000xf32>
    %reduce_sum3A_176 = vector.multi_reduction <add>, %mul3A_174, %reduce_sum3A_175 [1] : vector<2000x16xf32> to vector<2000xf32>
    %broadcast_in_dim3A_177 = vector.shape_cast %reduce_sum3A_176 : vector<2000xf32> to vector<2000x1xf32>
    %div3A_178 = arith.constant 1.600000e+01 : f32
    %div3A_179 = vector.broadcast %div3A_178 : f32 to vector<2000x1xf32>
    %div3A_180 = arith.divf %broadcast_in_dim3A_177, %div3A_179 : vector<2000x1xf32>
    %sub3A_181 = vector.broadcast %div3A_169 : vector<2000x1xf32> to vector<2000x16xf32>
    %sub3A_182 = arith.subf %add3A_136, %sub3A_181 : vector<2000x16xf32>
    %add3A_183 = arith.constant 9.99999974E-6 : f32
    %add3A_184 = vector.broadcast %add3A_183 : f32 to vector<2000x1xf32>
    %add3A_185 = arith.addf %div3A_180, %add3A_184 : vector<2000x1xf32>
    %rsqrt3A_186 = math.rsqrt %add3A_185 : vector<2000x1xf32>
    %mul3A_187 = vector.broadcast %rsqrt3A_186 : vector<2000x1xf32> to vector<2000x16xf32>
    %mul3A_188 = arith.mulf %sub3A_182, %mul3A_187 : vector<2000x16xf32>
    %mul3A_189 = vector.broadcast %get3A_160 : vector<1x16xf32> to vector<2000x16xf32>
    %mul3A_190 = arith.mulf %mul3A_188, %mul3A_189 : vector<2000x16xf32>
    %add3A_191 = vector.broadcast %get3A_163 : vector<1x16xf32> to vector<2000x16xf32>
    %add3A_192 = arith.addf %mul3A_190, %add3A_191 : vector<2000x16xf32>
    %rsqrt3A_193 = math.rsqrt %div3A_157 : vector<2000x1xf32>
    %mul3A_194 = vector.broadcast %rsqrt3A_193 : vector<2000x1xf32> to vector<2000x24xf32>
    %mul3A_195 = arith.mulf %add3A_137, %mul3A_194 : vector<2000x24xf32>
    %concatenate3A = tpu.concatenate %add3A_192, %mul3A_195 in 1 : vector<2000x16xf32>, vector<2000x24xf32> -> vector<2000x40xf32>
    %swap3A = arith.constant 0 : index
    %swap3A_196 = arith.constant 0 : index
    %swap3A_197 = vector.load %arg15[%swap3A, %swap3A_196] : memref<2000x40xf32, #tpu.memory_space<vmem>>, vector<2000x40xf32>
    tpu.vector_store %arg15[%swap3A, %swap3A_196], %concatenate3A {strides = array<i32>} : memref<2000x40xf32, #tpu.memory_space<vmem>>, vector<2000x40xf32>,
    return
  }
  func.func @transform_0(%arg0: i32) -> (i32, i32) {
    %c0_i32 = arith.constant 0 : i32
    %c0_i32_0 = arith.constant 0 : i32
    return %arg0, %c0_i32 : i32, i32
  }
  func.func @transform_1(%arg0: i32) -> (i32, i32) {
    %c0_i32 = arith.constant 0 : i32
    %c0_i32_0 = arith.constant 0 : i32
    return %arg0, %c0_i32 : i32, i32
  }
  func.func @transform_2(%arg0: i32) -> (i32, i32, i32) {
    %c0_i32 = arith.constant 0 : i32
    %c0_i32_0 = arith.constant 0 : i32
    %c0_i32_1 = arith.constant 0 : i32
    return %c0_i32, %arg0, %c0_i32_0 : i32, i32, i32
  }
  func.func @transform_3(%arg0: i32) -> (i32, i32) {
    %c0_i32 = arith.constant 0 : i32
    %c0_i32_0 = arith.constant 0 : i32
    %c0_i32_1 = arith.constant 0 : i32
    return %c0_i32, %c0_i32_0 : i32, i32
  }
  func.func @transform_4(%arg0: i32) -> (i32, i32) {
    %c0_i32 = arith.constant 0 : i32
    %c0_i32_0 = arith.constant 0 : i32
    %c0_i32_1 = arith.constant 0 : i32
    return %c0_i32, %c0_i32_0 : i32, i32
  }
  func.func @transform_5(%arg0: i32) -> (i32, i32) {
    %c0_i32 = arith.constant 0 : i32
    %c0_i32_0 = arith.constant 0 : i32
    %c0_i32_1 = arith.constant 0 : i32
    return %c0_i32, %c0_i32_0 : i32, i32
  }
  func.func @transform_6(%arg0: i32) -> (i32, i32) {
    %c0_i32 = arith.constant 0 : i32
    %c0_i32_0 = arith.constant 0 : i32
    %c0_i32_1 = arith.constant 0 : i32
    return %c0_i32, %c0_i32_0 : i32, i32
  }
  func.func @transform_7(%arg0: i32) -> (i32, i32) {
    %c0_i32 = arith.constant 0 : i32
    %c0_i32_0 = arith.constant 0 : i32
    %c0_i32_1 = arith.constant 0 : i32
    return %c0_i32, %c0_i32_0 : i32, i32
  }
  func.func @transform_8(%arg0: i32) -> (i32, i32) {
    %c0_i32 = arith.constant 0 : i32
    %c0_i32_0 = arith.constant 0 : i32
    %c0_i32_1 = arith.constant 0 : i32
    return %c0_i32, %c0_i32_0 : i32, i32
  }
  func.func @transform_9(%arg0: i32) -> (i32, i32) {
    %c0_i32 = arith.constant 0 : i32
    %c0_i32_0 = arith.constant 0 : i32
    %c0_i32_1 = arith.constant 0 : i32
    return %c0_i32, %c0_i32_0 : i32, i32
  }
  func.func @transform_10(%arg0: i32) -> (i32, i32) {
    %c0_i32 = arith.constant 0 : i32
    %c0_i32_0 = arith.constant 0 : i32
    %c0_i32_1 = arith.constant 0 : i32
    return %c0_i32, %c0_i32_0 : i32, i32
  }
  func.func @transform_11(%arg0: i32) -> (i32, i32) {
    %c0_i32 = arith.constant 0 : i32
    %c0_i32_0 = arith.constant 0 : i32
    %c0_i32_1 = arith.constant 0 : i32
    return %c0_i32, %c0_i32_0 : i32, i32
  }
  func.func @transform_12(%arg0: i32) -> (i32, i32) {
    %c0_i32 = arith.constant 0 : i32
    %c0_i32_0 = arith.constant 0 : i32
    %c0_i32_1 = arith.constant 0 : i32
    return %c0_i32, %c0_i32_0 : i32, i32
  }
  func.func @transform_13(%arg0: i32) -> (i32, i32) {
    %c0_i32 = arith.constant 0 : i32
    %c0_i32_0 = arith.constant 0 : i32
    %c0_i32_1 = arith.constant 0 : i32
    return %c0_i32, %c0_i32_0 : i32, i32
  }
  func.func @transform_14(%arg0: i32) -> (i32, i32) {
    %c0_i32 = arith.constant 0 : i32
    %c0_i32_0 = arith.constant 0 : i32
    return %arg0, %c0_i32 : i32, i32
  }
}

module attributes {stable_mosaic.version = 14 : i64} {
  func.func @_out_body(%arg0: i32, %arg1: memref<2000x40xf32, #tpu.memory_space<vmem>>, %arg2: memref<2000x1xi32, #tpu.memory_space<vmem>>, %arg3: memref<1x16xf32, #tpu.memory_space<vmem>>, %arg4: memref<1x16xf32, #tpu.memory_space<vmem>>, %arg5: memref<24x24xf32, #tpu.memory_space<vmem>>, %arg6: memref<16x2xf32, #tpu.memory_space<vmem>>, %arg7: memref<8x2xf32, #tpu.memory_space<vmem>>, %arg8: memref<1x2xf32, #tpu.memory_space<vmem>>, %arg9: memref<64x2xf32, #tpu.memory_space<vmem>>, %arg10: memref<64x2xf32, #tpu.memory_space<vmem>>, %arg11: memref<1x64xf32, #tpu.memory_space<vmem>>) attributes {dimension_semantics = [#tpu.dimension_semantics<arbitrary>], iteration_bounds = array<i64: 25>, scalar_prefetch = 0 : i64, scratch_operands = 2 : i64, tpu.core_type = #tpu.core_type<tc>, window_params = [{transform_indices = @transform_0, window_bounds = array<i64: 2000, 40>}, {transform_indices = @transform_1, window_bounds = array<i64: 2000, 1>}, {pipeline_mode = #tpu.pipeline_mode<synchronous>, transform_indices = @transform_2, window_bounds = array<i64: 1, 16>}, {pipeline_mode = #tpu.pipeline_mode<synchronous>, transform_indices = @transform_3, window_bounds = array<i64: 1, 16>}, {pipeline_mode = #tpu.pipeline_mode<synchronous>, transform_indices = @transform_4, window_bounds = array<i64: 24, 24>}, {pipeline_mode = #tpu.pipeline_mode<synchronous>, transform_indices = @transform_5, window_bounds = array<i64: 16, 2>}, {pipeline_mode = #tpu.pipeline_mode<synchronous>, transform_indices = @transform_6, window_bounds = array<i64: 8, 2>}, {pipeline_mode = #tpu.pipeline_mode<synchronous>, transform_indices = @transform_7, window_bounds = array<i64: 1, 2>}, {pipeline_mode = #tpu.pipeline_mode<synchronous>, transform_indices = @transform_8, window_bounds = array<i64: 64, 2>}]} {
    %eq3A = arith.constant 0 : i32
    %eq3A_0 = arith.cmpi eq, %arg0, %eq3A : i32
    %convert_element_type3A = arith.extui %eq3A_0 : i1 to i32
    %cond3A = arith.constant 0 : i32
    %cond3A_1 = arith.cmpi ne, %convert_element_type3A, %cond3A : i32
    scf.if %cond3A_1 {
      %broadcast_in_dim3A_125 = arith.constant 0.000000e+00 : f32
      %broadcast_in_dim3A_126 = vector.broadcast %broadcast_in_dim3A_125 : f32 to vector<64x2xf32>
      %swap3A_127 = arith.constant 0 : index
      %swap3A_128 = arith.constant 0 : index
      %swap3A_129 = vector.load %arg10[%swap3A_127, %swap3A_128] : memref<64x2xf32, #tpu.memory_space<vmem>>, vector<64x2xf32>
      tpu.vector_store %arg10[%swap3A_127, %swap3A_128], %broadcast_in_dim3A_126 {strides = array<i32>} : memref<64x2xf32, #tpu.memory_space<vmem>>, vector<64x2xf32>,
      %broadcast_in_dim3A_130 = arith.constant 0.000000e+00 : f32
      %broadcast_in_dim3A_131 = vector.broadcast %broadcast_in_dim3A_130 : f32 to vector<1x64xf32>
      %swap3A_132 = arith.constant 0 : index
      %swap3A_133 = arith.constant 0 : index
      %swap3A_134 = vector.load %arg11[%swap3A_132, %swap3A_133] : memref<1x64xf32, #tpu.memory_space<vmem>>, vector<1x64xf32>
      tpu.vector_store %arg11[%swap3A_132, %swap3A_133], %broadcast_in_dim3A_131 {strides = array<i32>} : memref<1x64xf32, #tpu.memory_space<vmem>>, vector<1x64xf32>,
    } else {
    }
    %get3A = arith.constant 0 : index
    %get3A_2 = arith.constant 0 : index
    %get3A_3 = vector.load %arg1[%get3A, %get3A_2] : memref<2000x40xf32, #tpu.memory_space<vmem>>, vector<2000x40xf32>
    %slice3A = vector.extract_strided_slice %get3A_3 {offsets = [0, 16], sizes = [2000, 24], strides = [1, 1]} : vector<2000x40xf32> to vector<2000x24xf32>
    %slice3A_4 = vector.extract_strided_slice %slice3A {offsets = [0, 0], sizes = [2000, 8], strides = [1, 1]} : vector<2000x24xf32> to vector<2000x8xf32>
    %slice3A_5 = vector.extract_strided_slice %slice3A {offsets = [0, 0], sizes = [2000, 8], strides = [1, 1]} : vector<2000x24xf32> to vector<2000x8xf32>
    %mul3A = arith.mulf %slice3A_4, %slice3A_5 : vector<2000x8xf32>
    %slice3A_6 = vector.extract_strided_slice %slice3A {offsets = [0, 8], sizes = [2000, 8], strides = [1, 1]} : vector<2000x24xf32> to vector<2000x8xf32>
    %slice3A_7 = vector.extract_strided_slice %slice3A {offsets = [0, 8], sizes = [2000, 8], strides = [1, 1]} : vector<2000x24xf32> to vector<2000x8xf32>
    %mul3A_8 = arith.mulf %slice3A_6, %slice3A_7 : vector<2000x8xf32>
    %add3A = arith.addf %mul3A, %mul3A_8 : vector<2000x8xf32>
    %slice3A_9 = vector.extract_strided_slice %slice3A {offsets = [0, 16], sizes = [2000, 8], strides = [1, 1]} : vector<2000x24xf32> to vector<2000x8xf32>
    %slice3A_10 = vector.extract_strided_slice %slice3A {offsets = [0, 16], sizes = [2000, 8], strides = [1, 1]} : vector<2000x24xf32> to vector<2000x8xf32>
    %mul3A_11 = arith.mulf %slice3A_9, %slice3A_10 : vector<2000x8xf32>
    %add3A_12 = arith.addf %add3A, %mul3A_11 : vector<2000x8xf32>
    %max3A = arith.constant 9.99999993E-9 : f32
    %max3A_13 = vector.broadcast %max3A : f32 to vector<2000x8xf32>
    %max3A_14 = arith.maximumf %add3A_12, %max3A_13 : vector<2000x8xf32>
    %reduce_sum3A = arith.constant dense<0.000000e+00> : vector<2000xf32>
    %reduce_sum3A_15 = vector.multi_reduction <add>, %max3A_14, %reduce_sum3A [1] : vector<2000x8xf32> to vector<2000xf32>
    %broadcast_in_dim3A = vector.shape_cast %reduce_sum3A_15 : vector<2000xf32> to vector<2000x1xf32>
    %div3A = arith.constant 8.000000e+00 : f32
    %div3A_16 = vector.broadcast %div3A : f32 to vector<2000x1xf32>
    %div3A_17 = arith.divf %broadcast_in_dim3A, %div3A_16 : vector<2000x1xf32>
    %rsqrt3A = math.rsqrt %div3A_17 : vector<2000x1xf32>
    %mul3A_18 = vector.broadcast %rsqrt3A : vector<2000x1xf32> to vector<2000x24xf32>
    %mul3A_19 = arith.mulf %slice3A, %mul3A_18 : vector<2000x24xf32>
    %slice3A_20 = vector.extract_strided_slice %get3A_3 {offsets = [0, 0], sizes = [2000, 16], strides = [1, 1]} : vector<2000x40xf32> to vector<2000x16xf32>
    %get3A_21 = arith.constant 0 : index
    %get3A_22 = arith.constant 0 : index
    %get3A_23 = vector.load %arg3[%get3A_21, %get3A_22] : memref<1x16xf32, #tpu.memory_space<vmem>>, vector<1x16xf32>
    %get3A_24 = arith.constant 0 : index
    %get3A_25 = arith.constant 0 : index
    %get3A_26 = vector.load %arg4[%get3A_24, %get3A_25] : memref<1x16xf32, #tpu.memory_space<vmem>>, vector<1x16xf32>
    %reduce_sum3A_27 = arith.constant dense<0.000000e+00> : vector<2000xf32>
    %reduce_sum3A_28 = vector.multi_reduction <add>, %slice3A_20, %reduce_sum3A_27 [1] : vector<2000x16xf32> to vector<2000xf32>
    %broadcast_in_dim3A_29 = vector.shape_cast %reduce_sum3A_28 : vector<2000xf32> to vector<2000x1xf32>
    %div3A_30 = arith.constant 1.600000e+01 : f32
    %div3A_31 = vector.broadcast %div3A_30 : f32 to vector<2000x1xf32>
    %div3A_32 = arith.divf %broadcast_in_dim3A_29, %div3A_31 : vector<2000x1xf32>
    %sub3A = vector.broadcast %div3A_32 : vector<2000x1xf32> to vector<2000x16xf32>
    %sub3A_33 = arith.subf %slice3A_20, %sub3A : vector<2000x16xf32>
    %sub3A_34 = vector.broadcast %div3A_32 : vector<2000x1xf32> to vector<2000x16xf32>
    %sub3A_35 = arith.subf %slice3A_20, %sub3A_34 : vector<2000x16xf32>
    %mul3A_36 = arith.mulf %sub3A_33, %sub3A_35 : vector<2000x16xf32>
    %reduce_sum3A_37 = arith.constant dense<0.000000e+00> : vector<2000xf32>
    %reduce_sum3A_38 = vector.multi_reduction <add>, %mul3A_36, %reduce_sum3A_37 [1] : vector<2000x16xf32> to vector<2000xf32>
    %broadcast_in_dim3A_39 = vector.shape_cast %reduce_sum3A_38 : vector<2000xf32> to vector<2000x1xf32>
    %div3A_40 = arith.constant 1.600000e+01 : f32
    %div3A_41 = vector.broadcast %div3A_40 : f32 to vector<2000x1xf32>
    %div3A_42 = arith.divf %broadcast_in_dim3A_39, %div3A_41 : vector<2000x1xf32>
    %sub3A_43 = vector.broadcast %div3A_32 : vector<2000x1xf32> to vector<2000x16xf32>
    %sub3A_44 = arith.subf %slice3A_20, %sub3A_43 : vector<2000x16xf32>
    %add3A_45 = arith.constant 9.99999974E-6 : f32
    %add3A_46 = vector.broadcast %add3A_45 : f32 to vector<2000x1xf32>
    %add3A_47 = arith.addf %div3A_42, %add3A_46 : vector<2000x1xf32>
    %rsqrt3A_48 = math.rsqrt %add3A_47 : vector<2000x1xf32>
    %mul3A_49 = vector.broadcast %rsqrt3A_48 : vector<2000x1xf32> to vector<2000x16xf32>
    %mul3A_50 = arith.mulf %sub3A_44, %mul3A_49 : vector<2000x16xf32>
    %mul3A_51 = vector.broadcast %get3A_23 : vector<1x16xf32> to vector<2000x16xf32>
    %mul3A_52 = arith.mulf %mul3A_50, %mul3A_51 : vector<2000x16xf32>
    %add3A_53 = vector.broadcast %get3A_26 : vector<1x16xf32> to vector<2000x16xf32>
    %add3A_54 = arith.addf %mul3A_52, %add3A_53 : vector<2000x16xf32>
    %get3A_55 = arith.constant 0 : index
    %get3A_56 = arith.constant 0 : index
    %get3A_57 = vector.load %arg5[%get3A_55, %get3A_56] : memref<24x24xf32, #tpu.memory_space<vmem>>, vector<24x24xf32>
    %dot_general3A = arith.constant dense<0.000000e+00> : vector<2000x24xf32>
    %dot_general3A_58 = tpu.matmul %mul3A_19, %get3A_57, %dot_general3A {dimension_numbers = #tpu.dot_dimension_numbers<[1], [0], [0], [1], [0, 0, 1, 1], [], []>, transpose_lhs_hint = false} : vector<2000x24xf32>, vector<24x24xf32>, vector<2000x24xf32> -> vector<2000x24xf32>
    %slice3A_59 = vector.extract_strided_slice %dot_general3A_58 {offsets = [0, 0], sizes = [2000, 8], strides = [1, 1]} : vector<2000x24xf32> to vector<2000x8xf32>
    %slice3A_60 = vector.extract_strided_slice %dot_general3A_58 {offsets = [0, 0], sizes = [2000, 8], strides = [1, 1]} : vector<2000x24xf32> to vector<2000x8xf32>
    %mul3A_61 = arith.mulf %slice3A_59, %slice3A_60 : vector<2000x8xf32>
    %slice3A_62 = vector.extract_strided_slice %dot_general3A_58 {offsets = [0, 8], sizes = [2000, 8], strides = [1, 1]} : vector<2000x24xf32> to vector<2000x8xf32>
    %slice3A_63 = vector.extract_strided_slice %dot_general3A_58 {offsets = [0, 8], sizes = [2000, 8], strides = [1, 1]} : vector<2000x24xf32> to vector<2000x8xf32>
    %mul3A_64 = arith.mulf %slice3A_62, %slice3A_63 : vector<2000x8xf32>
    %add3A_65 = arith.addf %mul3A_61, %mul3A_64 : vector<2000x8xf32>
    %slice3A_66 = vector.extract_strided_slice %dot_general3A_58 {offsets = [0, 16], sizes = [2000, 8], strides = [1, 1]} : vector<2000x24xf32> to vector<2000x8xf32>
    %slice3A_67 = vector.extract_strided_slice %dot_general3A_58 {offsets = [0, 16], sizes = [2000, 8], strides = [1, 1]} : vector<2000x24xf32> to vector<2000x8xf32>
    %mul3A_68 = arith.mulf %slice3A_66, %slice3A_67 : vector<2000x8xf32>
    %add3A_69 = arith.addf %add3A_65, %mul3A_68 : vector<2000x8xf32>
    %max3A_70 = arith.constant 9.99999993E-9 : f32
    %max3A_71 = vector.broadcast %max3A_70 : f32 to vector<2000x8xf32>
    %max3A_72 = arith.maximumf %add3A_69, %max3A_71 : vector<2000x8xf32>
    %sqrt3A = math.sqrt %max3A_72 : vector<2000x8xf32>
    %get3A_73 = arith.constant 0 : index
    %get3A_74 = arith.constant 0 : index
    %get3A_75 = vector.load %arg6[%get3A_73, %get3A_74] : memref<16x2xf32, #tpu.memory_space<vmem>>, vector<16x2xf32>
    %dot_general3A_76 = arith.constant dense<0.000000e+00> : vector<2000x2xf32>
    %dot_general3A_77 = tpu.matmul %add3A_54, %get3A_75, %dot_general3A_76 {dimension_numbers = #tpu.dot_dimension_numbers<[1], [0], [0], [1], [0, 0, 1, 1], [], []>, transpose_lhs_hint = false} : vector<2000x16xf32>, vector<16x2xf32>, vector<2000x2xf32> -> vector<2000x2xf32>
    %get3A_78 = arith.constant 0 : index
    %get3A_79 = arith.constant 0 : index
    %get3A_80 = vector.load %arg7[%get3A_78, %get3A_79] : memref<8x2xf32, #tpu.memory_space<vmem>>, vector<8x2xf32>
    %dot_general3A_81 = arith.constant dense<0.000000e+00> : vector<2000x2xf32>
    %dot_general3A_82 = tpu.matmul %sqrt3A, %get3A_80, %dot_general3A_81 {dimension_numbers = #tpu.dot_dimension_numbers<[1], [0], [0], [1], [0, 0, 1, 1], [], []>, transpose_lhs_hint = false} : vector<2000x8xf32>, vector<8x2xf32>, vector<2000x2xf32> -> vector<2000x2xf32>
    %add3A_83 = arith.addf %dot_general3A_77, %dot_general3A_82 : vector<2000x2xf32>
    %get3A_84 = arith.constant 0 : index
    %get3A_85 = arith.constant 0 : index
    %get3A_86 = vector.load %arg8[%get3A_84, %get3A_85] : memref<1x2xf32, #tpu.memory_space<vmem>>, vector<1x2xf32>
    %add3A_87 = vector.broadcast %get3A_86 : vector<1x2xf32> to vector<2000x2xf32>
    %add3A_88 = arith.addf %add3A_83, %add3A_87 : vector<2000x2xf32>
    %logistic3A = arith.negf %add3A_88 : vector<2000x2xf32>
    %logistic3A_89 = math.exp %logistic3A : vector<2000x2xf32>
    %logistic3A_90 = arith.constant 1.000000e+00 : f32
    %logistic3A_91 = vector.broadcast %logistic3A_90 : f32 to vector<2000x2xf32>
    %logistic3A_92 = arith.addf %logistic3A_91, %logistic3A_89 : vector<2000x2xf32>
    %logistic3A_93 = arith.divf %logistic3A_91, %logistic3A_92 : vector<2000x2xf32>
    %mul3A_94 = arith.mulf %add3A_88, %logistic3A_93 : vector<2000x2xf32>
    %iota3A = tpu.iota {dimensions = array<i32: 1>} : vector<2000x64xi32>
    %get3A_95 = arith.constant 0 : index
    %get3A_96 = arith.constant 0 : index
    %get3A_97 = vector.load %arg2[%get3A_95, %get3A_96] : memref<2000x1xi32, #tpu.memory_space<vmem>>, vector<2000x1xi32>
    %eq3A_98 = vector.broadcast %get3A_97 : vector<2000x1xi32> to vector<2000x64xi32>
    %eq3A_99 = arith.cmpi eq, %eq3A_98, %iota3A : vector<2000x64xi32>
    %convert_element_type3A_100 = arith.extui %eq3A_99 : vector<2000x64xi1> to vector<2000x64xi32>
    %convert_element_type3A_101 = arith.sitofp %convert_element_type3A_100 : vector<2000x64xi32> to vector<2000x64xf32>
    %get3A_102 = arith.constant 0 : index
    %get3A_103 = arith.constant 0 : index
    %get3A_104 = vector.load %arg10[%get3A_102, %get3A_103] : memref<64x2xf32, #tpu.memory_space<vmem>>, vector<64x2xf32>
    %dot_general3A_105 = arith.constant dense<0.000000e+00> : vector<64x2xf32>
    %dot_general3A_106 = tpu.matmul %convert_element_type3A_101, %mul3A_94, %dot_general3A_105 {dimension_numbers = #tpu.dot_dimension_numbers<[0], [0], [1], [1], [0, 1, 1, 1], [], []>, transpose_lhs_hint = false} : vector<2000x64xf32>, vector<2000x2xf32>, vector<64x2xf32> -> vector<64x2xf32>
    %add3A_107 = arith.addf %get3A_104, %dot_general3A_106 : vector<64x2xf32>
    %swap3A = arith.constant 0 : index
    %swap3A_108 = arith.constant 0 : index
    %swap3A_109 = vector.load %arg10[%swap3A, %swap3A_108] : memref<64x2xf32, #tpu.memory_space<vmem>>, vector<64x2xf32>
    tpu.vector_store %arg10[%swap3A, %swap3A_108], %add3A_107 {strides = array<i32>} : memref<64x2xf32, #tpu.memory_space<vmem>>, vector<64x2xf32>,
    %get3A_110 = arith.constant 0 : index
    %get3A_111 = arith.constant 0 : index
    %get3A_112 = vector.load %arg11[%get3A_110, %get3A_111] : memref<1x64xf32, #tpu.memory_space<vmem>>, vector<1x64xf32>
    %reduce_sum3A_113 = arith.constant dense<0.000000e+00> : vector<64xf32>
    %reduce_sum3A_114 = vector.multi_reduction <add>, %convert_element_type3A_101, %reduce_sum3A_113 [0] : vector<2000x64xf32> to vector<64xf32>
    %broadcast_in_dim3A_115 = vector.shape_cast %reduce_sum3A_114 : vector<64xf32> to vector<1x64xf32>
    %add3A_116 = arith.addf %get3A_112, %broadcast_in_dim3A_115 : vector<1x64xf32>
    %swap3A_117 = arith.constant 0 : index
    %swap3A_118 = arith.constant 0 : index
    %swap3A_119 = vector.load %arg11[%swap3A_117, %swap3A_118] : memref<1x64xf32, #tpu.memory_space<vmem>>, vector<1x64xf32>
    tpu.vector_store %arg11[%swap3A_117, %swap3A_118], %add3A_116 {strides = array<i32>} : memref<1x64xf32, #tpu.memory_space<vmem>>, vector<1x64xf32>,
    %eq3A_120 = arith.constant 24 : i32
    %eq3A_121 = arith.cmpi eq, %arg0, %eq3A_120 : i32
    %convert_element_type3A_122 = arith.extui %eq3A_121 : i1 to i32
    %cond3A_123 = arith.constant 0 : i32
    %cond3A_124 = arith.cmpi ne, %convert_element_type3A_122, %cond3A_123 : i32
    scf.if %cond3A_124 {
      %get3A_125 = arith.constant 0 : index
      %get3A_126 = arith.constant 0 : index
      %get3A_127 = vector.load %arg10[%get3A_125, %get3A_126] : memref<64x2xf32, #tpu.memory_space<vmem>>, vector<64x2xf32>
      %get3A_128 = arith.constant 0 : index
      %get3A_129 = arith.constant 0 : index
      %get3A_130 = vector.load %arg11[%get3A_128, %get3A_129] : memref<1x64xf32, #tpu.memory_space<vmem>>, vector<1x64xf32>
      %reshape3A = vector.shape_cast %get3A_130 : vector<1x64xf32> to vector<64x1xf32>
      %max3A_131 = arith.constant 1.000000e+00 : f32
      %max3A_132 = vector.broadcast %max3A_131 : f32 to vector<64x1xf32>
      %max3A_133 = arith.maximumf %reshape3A, %max3A_132 : vector<64x1xf32>
      %div3A_134 = vector.broadcast %max3A_133 : vector<64x1xf32> to vector<64x2xf32>
      %div3A_135 = arith.divf %get3A_127, %div3A_134 : vector<64x2xf32>
      %swap3A_136 = arith.constant 0 : index
      %swap3A_137 = arith.constant 0 : index
      %swap3A_138 = vector.load %arg9[%swap3A_136, %swap3A_137] : memref<64x2xf32, #tpu.memory_space<vmem>>, vector<64x2xf32>
      tpu.vector_store %arg9[%swap3A_136, %swap3A_137], %div3A_135 {strides = array<i32>} : memref<64x2xf32, #tpu.memory_space<vmem>>, vector<64x2xf32>,
    } else {
    }
    return
  }
  func.func @transform_0(%arg0: i32) -> (i32, i32) {
    %c0_i32 = arith.constant 0 : i32
    %c0_i32_0 = arith.constant 0 : i32
    return %arg0, %c0_i32 : i32, i32
  }
  func.func @transform_1(%arg0: i32) -> (i32, i32) {
    %c0_i32 = arith.constant 0 : i32
    %c0_i32_0 = arith.constant 0 : i32
    return %arg0, %c0_i32 : i32, i32
  }
  func.func @transform_2(%arg0: i32) -> (i32, i32) {
    %c0_i32 = arith.constant 0 : i32
    %c0_i32_0 = arith.constant 0 : i32
    %c0_i32_1 = arith.constant 0 : i32
    return %c0_i32, %c0_i32_0 : i32, i32
  }
  func.func @transform_3(%arg0: i32) -> (i32, i32) {
    %c0_i32 = arith.constant 0 : i32
    %c0_i32_0 = arith.constant 0 : i32
    %c0_i32_1 = arith.constant 0 : i32
    return %c0_i32, %c0_i32_0 : i32, i32
  }
  func.func @transform_4(%arg0: i32) -> (i32, i32) {
    %c0_i32 = arith.constant 0 : i32
    %c0_i32_0 = arith.constant 0 : i32
    %c0_i32_1 = arith.constant 0 : i32
    return %c0_i32, %c0_i32_0 : i32, i32
  }
  func.func @transform_5(%arg0: i32) -> (i32, i32) {
    %c0_i32 = arith.constant 0 : i32
    %c0_i32_0 = arith.constant 0 : i32
    %c0_i32_1 = arith.constant 0 : i32
    return %c0_i32, %c0_i32_0 : i32, i32
  }
  func.func @transform_6(%arg0: i32) -> (i32, i32) {
    %c0_i32 = arith.constant 0 : i32
    %c0_i32_0 = arith.constant 0 : i32
    %c0_i32_1 = arith.constant 0 : i32
    return %c0_i32, %c0_i32_0 : i32, i32
  }
  func.func @transform_7(%arg0: i32) -> (i32, i32) {
    %c0_i32 = arith.constant 0 : i32
    %c0_i32_0 = arith.constant 0 : i32
    %c0_i32_1 = arith.constant 0 : i32
    return %c0_i32, %c0_i32_0 : i32, i32
  }
  func.func @transform_8(%arg0: i32) -> (i32, i32) {
    %c0_i32 = arith.constant 0 : i32
    %c0_i32_0 = arith.constant 0 : i32
    %c0_i32_1 = arith.constant 0 : i32
    return %c0_i32, %c0_i32_0 : i32, i32
  }
}

</mosaic_0001>

<sc_bundles>
// kernel: kernel.13.cloned.1.call-start
scs
__scs_entry_jumppad:
0x0: {  	(pc) =	sbr.rel $0x88, $3  }
0x1: {  	(tag) =	ssettag $0x0;
	lr =	simm.s32 $0x1  }
0x2: {  	[smem:$0x3F60] =	sst lr;
	_ =	strace $0xD0000000  }
0x3: {  	_ = 	snop  }
0x4: {  	_ = 	snop  }
0x5: {  	_ = 	snop  }
0x6: {  	_ = 	snop  }
0x7: {  	_ = 	snop  }
__scs_overlays_trampoline_lowered:
0x8: {  	[smem:$0x3F6F] =	sst s0  }
0x9: {  	[smem:$0x3F70] =	sst s1  }
0xa: {  	[smem:$0x3F71] =	sst s2  }
0xb: {  	[smem:$0x3F72] =	sst s3  }
0xc: {  	[smem:$0x3F73] =	sst s4  }
0xd: {  	[smem:$0x3F74] =	sst s5  }
0xe: {  	[smem:$0x3F75] =	sst s6  }
0xf: {  	[smem:$0x3F76] =	sst s7  }
0x10: {  	[smem:$0x3F77] =	sst s8  }
0x11: {  	[smem:$0x3F78] =	sst s9;
	s0 =	simm.s32 @!p0 $0x0  }
0x12: {  	s1 =	sld [smem:$0x3F5E];
	s0 =	simm.s32 @p0 $0x1  }
0x13: {  	[smem:$0x3F79] =	sst s0;
	s0 =	simm.s32 @!p1 $0x0  }
0x14: {  	s2 =	sld [smem:$0x3F5D];
	s0 =	simm.s32 @p1 $0x1  }
0x15: {  	[smem:$0x3F7A] =	sst s0;
	s0 =	simm.s32 @!p2 $0x0  }
0x16: {  	s3 =	sld [smem:$0x3FDB];
	s0 =	simm.s32 @p2 $0x1  }
0x17: {  	s4 =	simm.s32 $0x1BF5;
	[smem:$0x3F7C] =	sst s0  }
0x18: {  	s0 =	sld [smem:$0x3F5F];
	_ =	swait.ge [sflag:s4], $0x0  }
0x19: {  	s7 =	sld [smem:$0x3F60]  }
0x1a: {  	s8 =	sadd.s32 $0xFFFFE003, lr  }
0x1b: {  	s9 =	sadd.s32 $0xFFFFFEF7, lr;
	s5 =	simm.s32 $0xFFFFFFFF;
	p2 =	slt.u32 s8, $0xFFFFF086  }
0x1c: {  	p1 =	slt.u32 s9, $0xF7A;
	s5 =	simm.s32 @!p2 $0x0  }
0x1d: {  	s5 =	simm.s32 @p1 $0x1;
	p0 =	seq.s32 s7, s2  }
0x1e: {  	s7 =	smul.u32 @!p0 $0xF7A, s2;
	p2 =	seq.s32 @!p0 s5, $0x0  }
0x1f: {  	s9 =	smul.u32 $0xF7A, s1;
	s8 =	simm.s32 @!p0 $0x1BF5;
	p2 =	por !p2, p0  }
0x20: {  	[sflag:s8] =	ssyncset.s32 @!p0 $0xFFFFF086;
	s6 =	sadd.s32 @!p0 s3, s7;
	s7 =	simm.s32 @!p0 $0x108  }
0x21: {  	s3 =	sadd.s32 s3, s9;
	s6 =	sadd.s32 @!p0 $0x88, s6;
	s7 =	simm.s32 @p2 $0x1082  }
0x22: {  	[simem:s7], [sflag:s8] =	dma.local @!p0 [hbm:s6], $0xF7A  }
0x23: {  	s9 =	sor.u32 $0xD0000000, s2;
	s6 =	simm.s32 $0x108;
	_ =	swait.ge @!p0 [sflag:s8], $0x0  }
0x24: {  	s3 =	sadd.s32 $0x88, s3;
	s6 =	simm.s32 @!p1 $0x1082;
	[sflag:s4] =	ssyncset.s32 $0xFFFFF086  }
0x25: {  	[simem:s6], [sflag:s4] =	dma.local [hbm:s3], $0xF7A  }
0x26: {  	[smem:$0x3F60] =	sst s1;
	(tag) =	ssettag s2;
	_ =	strace s9  }
0x27: {  	s1 =	sld [smem:$0x3F70]  }
0x28: {  	s2 =	sld [smem:$0x3F71]  }
0x29: {  	s4 =	sld [smem:$0x3F73]  }
0x2a: {  	p0 =	seq.s32 s5, $0x0;
	s5 =	sld [smem:$0x3F74]  }
0x2b: {  	s6 =	sld [smem:$0x3F75]  }
0x2c: {  	s7 =	sld [smem:$0x3F76]  }
0x2d: {  	s3 =	simm.s32 $0x108;
	s8 =	sld [smem:$0x3F77]  }
0x2e: {  	s3 =	simm.s32 @!p0 $0x1082;
	s9 =	sld [smem:$0x3F78]  }
0x2f: {  	lr =	sadd.s32 s0, s3;
	s0 =	sld [smem:$0x3F6F]  }
0x30: {  	s3 =	sld [smem:$0x3F72]  }
0x31: {  	[smem:$0x3F7B] =	sst s10  }
0x32: {  	s10 =	sld [smem:$0x3F79];
	_ =	sdelay $0x3  }
0x33: {  	p0 =	seq.s32 s10, $0x1;
	s10 =	sld [smem:$0x3F7B];
	_ =	sdelay $0x3  }
0x34: {  	[smem:$0x3F7B] =	sst s10  }
0x35: {  	s10 =	sld [smem:$0x3F7A];
	_ =	sdelay $0x3  }
0x36: {  	p1 =	seq.s32 s10, $0x1;
	s10 =	sld [smem:$0x3F7B];
	_ =	sdelay $0x3  }
0x37: {  	[smem:$0x3F7B] =	sst s10  }
0x38: {  	s10 =	sld [smem:$0x3F7C]  }
0x39: {  	_ = 	snop;
	(pc) =	sbr.ind lr, $3  }
0x3a: {  	_ = 	snop  }
0x3b: {  	_ = 	snop  }
0x3c: {  	p2 =	seq.s32 s10, $0x1;
	s10 =	sld [smem:$0x3F7B]  }
0x3d: {  	_ =	shalt  }
0x3e: {  	_ =	shalt  }
0x3f: {  	_ =	shalt  }
0x40: {  	_ =	shalt  }
0x41: {  	_ =	shalt  }
0x42: {  	_ =	shalt  }
0x43: {  	_ =	shalt  }
0x44: {  	_ =	shalt  }
0x45: {  	_ =	shalt  }
0x46: {  	_ =	shalt  }
0x47: {  	_ =	shalt  }
0x48: {  	_ =	shalt  }
0x49: {  	_ =	shalt  }
0x4a: {  	_ =	shalt  }
0x4b: {  	_ =	shalt  }
0x4c: {  	_ =	shalt  }
0x4d: {  	_ =	shalt  }
0x4e: {  	_ =	shalt  }
0x4f: {  	_ =	shalt  }
0x50: {  	_ =	shalt  }
0x51: {  	_ =	shalt  }
0x52: {  	_ =	shalt  }
0x53: {  	_ =	shalt  }
0x54: {  	_ =	shalt  }
0x55: {  	_ =	shalt  }
0x56: {  	_ =	shalt  }
0x57: {  	_ =	shalt  }
0x58: {  	_ =	shalt  }
0x59: {  	_ =	shalt  }
0x5a: {  	_ =	shalt  }
0x5b: {  	_ =	shalt  }
0x5c: {  	_ =	shalt  }
0x5d: {  	_ =	shalt  }
0x5e: {  	_ =	shalt  }
0x5f: {  	_ =	shalt  }
0x60: {  	_ =	shalt  }
0x61: {  	_ =	shalt  }
0x62: {  	_ =	shalt  }
0x63: {  	_ =	shalt  }
0x64: {  	_ =	shalt  }
0x65: {  	_ =	shalt  }
0x66: {  	_ =	shalt  }
0x67: {  	_ =	shalt  }
0x68: {  	_ =	shalt  }
0x69: {  	_ =	shalt  }
0x6a: {  	_ =	shalt  }
0x6b: {  	_ =	shalt  }
0x6c: {  	_ =	shalt  }
0x6d: {  	_ =	shalt  }
0x6e: {  	_ =	shalt  }
0x6f: {  	_ =	shalt  }
0x70: {  	_ =	shalt  }
0x71: {  	_ =	shalt  }
0x72: {  	_ =	shalt  }
0x73: {  	_ =	shalt  }
0x74: {  	_ =	shalt  }
0x75: {  	_ =	shalt  }
0x76: {  	_ =	shalt  }
0x77: {  	_ =	shalt  }
0x78: {  	_ =	shalt  }
0x79: {  	_ =	shalt  }
0x7a: {  	_ =	shalt  }
0x7b: {  	_ =	shalt  }
0x7c: {  	_ =	shalt  }
0x7d: {  	_ =	shalt  }
0x7e: {  	_ =	shalt  }
0x7f: {  	_ =	shalt  }
0x80: {  	_ =	shalt  }
0x81: {  	_ =	shalt  }
0x82: {  	_ =	shalt  }
0x83: {  	_ =	shalt  }
0x84: {  	_ =	shalt  }
0x85: {  	_ =	shalt  }
0x86: {  	_ =	shalt  }
0x87: {  	_ =	shalt  }
.Lfunc_end0:
.L_simem_size_0:
called_computation_lowered:
.L_overlay_start_0:
0x88: {  	s2 =	sld [smem:$0x3FD9]  }
0x89: {  	s3 =	sld [smem:$0x3FFE];
	_ =	sdelay $0x1  }
0x8a: {  	s1 =	srdreg.scid  }
0x8b: {  	s0 =	sand.u32 $0x1, s1  }
0x8c: {  	s16 =	sshll.u32 s0, $0xA;
	s2 =	sadd.s32 s3, s2  }
0x8d: {  	s2 =	sadd.s32 s2, s16  }
0x8e: {  	[smem:$0x3F87] =	sst s2  }
0x8f: {  	_ = 	snop  }
0x90: {  	(tm) =	ssettm $0x1  }
0x91: {  	s17 =	sld [smem:$0x3FFB];
	_ =	sdelay $0x3  }
0x92: {  	_ =	strace s17  }
0x93: {  	s2 =	sld [smem:$0x3FFC];
	_ =	sdelay $0x3  }
0x94: {  	_ =	strace s2  }
0x95: {  	s2 =	sld [smem:$0x3FFD];
	_ =	sdelay $0x3  }
0x96: {  	_ =	strace s2  }
0x97: {  	_ =	strace $0x8FFFFFFF  }
0x98: {  	s18 =	sld [smem:$0x3FDB];
	_ =	sdelay $0x1  }
0x99: {  	s19 =	simm.s32 $_scs_section_size  }
0x9a: {  	s4 =	simm.s32 $_size__tile_overlayer_lowered;
	s5 =	simm.s32 $_tile_overlayer_lowered  }
0x9b: {  	s22 =	simm.s32 $0x1BFF;
	s21 =	sshll.u32 s5, $0x1;
	s2 =	sadd.s32 s19, s18  }
0x9c: {  	s6 =	simm.s32 $0x0;
	s20 =	sshll.u32 s4, $0x1;
	s4 =	sadd.s32 s21, s2  }
0x9d: {  	[timem:s6], [sflag:s22] =	dma.local [hbm:s4], s20  }
0x9e: {  	_ =	swait.ge [sflag:s22], s20  }
0x9f: {  	s3 =	ssub.s32 $0x0, s20;
	[sflag:s22] =	ssyncset.done $0x0  }
0xa0: {  	[sflag:s22] =	ssyncadd.s32 s3;
	_ =	sdelay $0x1  }
0xa1: {  	s23 =	simm.s32 $0x1B8B  }
0xa2: {  	_ =	swait.ge [sflag:s23], $0x1  }
0xa3: {  	[sflag:s23] =	ssyncset.done $0x0  }
0xa4: {  	s25 =	simm.s32 $0x1B8E;
	s24 =	sld [smem:$0x3FFE];
	[sflag:s23] =	ssyncadd.s32 $0xFFFFFFFF  }
0xa5: {  	s26 =	simm.s32 $execute0_lowered;
	[smem:$0x3FD2] =	sst s25  }
0xa6: {  	s4 =	sshll.u32 s26, $0x1;
	_ =	strace $0x80000046;
	[dreg:$0x1] =	wrdreg $0xFFFFFFFF  }
0xa7: {  	s28 =	simm.s32 $_size_execute0_lowered;
	s2 =	sadd.s32 s2, s4;
	[dreg:$0x0] =	wrdreg $0x0  }
0xa8: {  	s4 =	sshll.u32 s28, $0x1;
	[dreg:$0x2] =	wrdreg s2  }
0xa9: {  	[dreg:$0x3] =	wrdreg s4  }
0xaa: {  	[dreg:$0x4] =	wrdreg $0xC0  }
0xab: {  	_ =	task [dreg:s6], $0x5FFFF  }
0xac: {  	[dreg:$0x1] =	wrdreg $0xFFFFFFFF  }
0xad: {  	[dreg:$0x0] =	wrdreg $0x60  }
0xae: {  	[dreg:$0x2] =	wrdreg s24  }
0xaf: {  	[dreg:$0x3] =	wrdreg $0xA  }
0xb0: {  	_ =	task.clear_ibuf [dreg:s6], $0x4FFFF;
	_ =	strace $0x90000046  }
0xb1: {  	s29 =	simm.s32 $0xA;
	_ =	strace $0x80000048  }
0xb2: {  	_ =	swait.ge [sflag:s29], $0x1  }
0xb3: {  	[sflag:s29] =	ssyncadd.s32 $0xFFFFFFFF  }
0xb4: {  	_ =	strace $0x90000048  }
0xb5: {  	_ =	sfence  }
0xb6: {  	s30 =	sld [smem:$0x0];
	_ =	sdelay $0x2  }
0xb7: {  	s31 =	sshll.u32 s1, $0xD;
	s1 =	sshrl.u32 s1, $0x2  }
0xb8: {  	s3 =	sand.u32 $0x4000, s31;
	s1 =	sadd.s32 s1, s30  }
0xb9: {  	s0 =	sor.u32 s3, s0;
	s1 =	sshll.u32 s1, $0x11  }
0xba: {  	s0 =	sor.u32 s1, s0  }
0xbb: {  	s0 =	sadd.s32 $0x8F2B, s0  }
0xbc: {  	[sflag:s0] =	ssyncadd.remote.s32 $0x1  }
0xbd: {  	_ =	sfence.sel $0xFFFF  }
0xbe: {  	[dreg:$0x0] =	wrdreg $0xFFFFFFFF;
	(pc) =	sbr.abs _section_cstart, $3  }
0xbf: {  	[dreg:$0x1] =	wrdreg $0xFFFFFFFF  }
0xc0: {  	_ =	task.clear_ibuf [dreg:s6], $0x2FFFF;
	_ =	strace $0x9FFFFFFF  }
0xc1: {  	(tm) =	ssettm $0x7FFFFFFF  }
tec
execute0_lowered:
.L_overlay_start_1:
0x0: {  	(tag) =	ssettag $0x1  }
0x1: {  	s4 =	rddreg [dreg:$0x0]  }
0x2: {  	s0 =	rddreg [dreg:$0x1];
	s3 =	srdreg.scid  }
0x3: {  	s1 =	stileid.u32;
	s2 =	simm.s32 $0x0;
	s11 =	simm.s32 $0x200  }
0x4: {  	s12 =	simm.s32 $0xE00;
	s13 =	simm.s32 $0x100;
	s14 =	simm.s32 $0x1A00  }
0x5: {  	s15 =	simm.s32 $0x180;
	s16 =	simm.s32 $0x2600;
	s6 =	smul.u32 $0xC400, s1  }
0x6: {  	s17 =	simm.s32 $0x1;
	s5 =	sand.u32 $0x1, s3;
	s8 =	smul.u32 $0x24C00, s1  }
0x7: {  	s18 =	simm.s32 $0x0;
	[smem:$0x7FF] =	sst s2;
	s7 =	smul.u32 $0x6200, s5  }
0x8: {  	s3 =	sadd.s32 $0x41400, s4;
	s29 =	ssub.s32 $0x2, s5;
	s5 =	smul.u32 $0x12600, s5  }
0x9: {  	_ =	strace $0x80000047;
	s8 =	sadd.s32 s8, s4;
	s9 =	sshrl.u32 s29, $0x1  }
0xa: {  	s6 =	sadd.s32 s7, s6;
	s30 =	ssub.s32 s29, s9;
	s31 =	sadd.s32 s5, s8  }
0xb: {  	s9 =	simm.s32 $0x2;
	s6 =	sshrl.u32 s6, $0x3;
	s5 =	sadd.s32 $0x4D7600, s31  }
0xc: {  	s10 =	sadd.s32 s6, s4;
	s4 =	smax.u32 s30, $0x1;
	s6 =	sadd.s32 $0x28B600, s31  }
0xd: {  	s7 =	sadd.s32 $0x10400, s10;
	s8 =	sadd.s32 $0x65E00, s10;
	s10 =	simm.s32 $0x80  }
.LBB2_1:
0xe: {  	s19 =	sadd.s32 $0x0, s8  }
0xf: {  	[tilespmem:s2], [sflag:$0x2] =	stream.linear.gather [hbm4b:s19+s2], $0x200, $0x38;
	[tilespmem:$0x3200] =	vst v63  }
0x10: {  	_ =	swait.ge [sflag:s9], $0x200  }
0x11: {  	[sflag:s9] =	ssyncset.done $0x0  }
0x12: {  	[sflag:s9] =	ssyncadd.s32 $0xFFFFFE00  }
0x13: {  	[tilespmem:s11], [sflag:$0x1] =	stream.indirect.gather [hbm4b:s3+s10], $0x18, s2, s10, $0xb8;
	[tilespmem:$0x3200] =	vst v63  }
0x14: {  	_ = 	snop  }
0x15: {  	[tilespmem:s12], [sflag:$0x1] =	stream.indirect.gather [hbm4b:s3+s10], $0x18, s10, s10, $0xb8;
	[tilespmem:$0x3200] =	vst v63  }
0x16: {  	_ = 	snop  }
0x17: {  	[tilespmem:s14], [sflag:$0x1] =	stream.indirect.gather [hbm4b:s3+s10], $0x18, s13, s10, $0xb8;
	[tilespmem:$0x3200] =	vst v63  }
0x18: {  	_ = 	snop  }
0x19: {  	[tilespmem:s16], [sflag:$0x1] =	stream.indirect.gather [hbm4b:s3+s10], $0x18, s15, s10, $0xb8;
	[tilespmem:$0x3200] =	vst v63  }
0x1a: {  	_ =	swait.ge [sflag:s17], $0xC00  }
0x1b: {  	[sflag:s17] =	ssyncset.done $0x0  }
0x1c: {  	[sflag:s17] =	ssyncadd.s32 $0xFFFFF400  }
0x1d: {  	_ =	swait.ge [sflag:s17], $0xC00  }
0x1e: {  	[sflag:s17] =	ssyncset.done $0x0  }
0x1f: {  	[sflag:s17] =	ssyncadd.s32 $0xFFFFF400  }
0x20: {  	_ =	swait.ge [sflag:s17], $0xC00  }
0x21: {  	[sflag:s17] =	ssyncset.done $0x0  }
0x22: {  	[sflag:s17] =	ssyncadd.s32 $0xFFFFF400  }
0x23: {  	_ =	swait.ge [sflag:s17], $0xC00  }
0x24: {  	[sflag:s17] =	ssyncset.done $0x0  }
0x25: {  	[sflag:s17] =	ssyncadd.s32 $0xFFFFF400  }
0x26: {  	[hbm4b:s5+s2] =	stream.linear.scatter [tilespmem:s11], [sflag:$0x2], $0x3000, $0x38;
	[tilespmem:$0x3200] =	vst v63  }
0x27: {  	_ =	swait.ge [sflag:s9], $0x3000  }
0x28: {  	[sflag:s9] =	ssyncset.done $0x0  }
0x29: {  	s31 =	sadd.s32 $0x0, s7;
	[sflag:s9] =	ssyncadd.s32 $0xFFFFD000  }
0x2a: {  	[tilespmem:s2], [sflag:$0x2] =	stream.linear.gather [hbm4b:s31+s2], $0x200, $0x38;
	[tilespmem:$0x3200] =	vst v63  }
0x2b: {  	_ =	swait.ge [sflag:s9], $0x200  }
0x2c: {  	[sflag:s9] =	ssyncset.done $0x0  }
0x2d: {  	[sflag:s9] =	ssyncadd.s32 $0xFFFFFE00  }
0x2e: {  	[tilespmem:s11], [sflag:$0x1] =	stream.indirect.gather [hbm4b:s3+s10], $0x18, s2, s10, $0xb8;
	[tilespmem:$0x3200] =	vst v63  }
0x2f: {  	_ = 	snop  }
0x30: {  	[tilespmem:s12], [sflag:$0x1] =	stream.indirect.gather [hbm4b:s3+s10], $0x18, s10, s10, $0xb8;
	[tilespmem:$0x3200] =	vst v63  }
0x31: {  	_ = 	snop  }
0x32: {  	[tilespmem:s14], [sflag:$0x1] =	stream.indirect.gather [hbm4b:s3+s10], $0x18, s13, s10, $0xb8;
	[tilespmem:$0x3200] =	vst v63  }
0x33: {  	_ = 	snop  }
0x34: {  	[tilespmem:s16], [sflag:$0x1] =	stream.indirect.gather [hbm4b:s3+s10], $0x18, s15, s10, $0xb8;
	[tilespmem:$0x3200] =	vst v63  }
0x35: {  	_ =	swait.ge [sflag:s17], $0xC00  }
0x36: {  	[sflag:s17] =	ssyncset.done $0x0  }
0x37: {  	[sflag:s17] =	ssyncadd.s32 $0xFFFFF400  }
0x38: {  	_ =	swait.ge [sflag:s17], $0xC00  }
0x39: {  	[sflag:s17] =	ssyncset.done $0x0  }
0x3a: {  	[sflag:s17] =	ssyncadd.s32 $0xFFFFF400  }
0x3b: {  	_ =	swait.ge [sflag:s17], $0xC00  }
0x3c: {  	[sflag:s17] =	ssyncset.done $0x0  }
0x3d: {  	[sflag:s17] =	ssyncadd.s32 $0xFFFFF400  }
0x3e: {  	_ =	swait.ge [sflag:s17], $0xC00  }
0x3f: {  	[sflag:s17] =	ssyncset.done $0x0  }
0x40: {  	[sflag:s17] =	ssyncadd.s32 $0xFFFFF400  }
0x41: {  	[hbm4b:s6+s2] =	stream.linear.scatter [tilespmem:s11], [sflag:$0x2], $0x3000, $0x38;
	[tilespmem:$0x3200] =	vst v63  }
0x42: {  	s20 =	simm.s32 $0x40;
	s23 =	simm.s32 $0x80;
	_ =	swait.ge [sflag:s9], $0x3000  }
0x43: {  	s21 =	sadd.s32 $0x600, s5;
	s19 =	sadd.s32 $0x600, s6;
	[sflag:s9] =	ssyncset.done $0x0  }
.LBB2_2:
0x44: {  	s24 =	sadd.s32 s20, s8  }
0x45: {  	[sflag:s9] =	ssyncadd.s32 $0xFFFFD000;
	s25 =	smov.u32 s23;
	s22 =	sadd.s32 $0x40, s23  }
0x46: {  	[tilespmem:s2], [sflag:$0x2] =	stream.linear.gather [hbm4b:s24+s2], $0x200, $0x38;
	[tilespmem:$0x3200] =	vst v63  }
0x47: {  	p0 =	sne.s32 s23, $0xC00;
	_ =	swait.ge [sflag:s9], $0x200  }
0x48: {  	[sflag:s9] =	ssyncset.done $0x0  }
0x49: {  	[sflag:s9] =	ssyncadd.s32 $0xFFFFFE00  }
0x4a: {  	[tilespmem:s11], [sflag:$0x1] =	stream.indirect.gather [hbm4b:s3+s10], $0x18, s2, s10, $0xb8;
	[tilespmem:$0x3200] =	vst v63  }
0x4b: {  	_ = 	snop  }
0x4c: {  	[tilespmem:s12], [sflag:$0x1] =	stream.indirect.gather [hbm4b:s3+s10], $0x18, s10, s10, $0xb8;
	[tilespmem:$0x3200] =	vst v63  }
0x4d: {  	_ = 	snop  }
0x4e: {  	[tilespmem:s14], [sflag:$0x1] =	stream.indirect.gather [hbm4b:s3+s10], $0x18, s13, s10, $0xb8;
	[tilespmem:$0x3200] =	vst v63  }
0x4f: {  	_ = 	snop  }
0x50: {  	[tilespmem:s16], [sflag:$0x1] =	stream.indirect.gather [hbm4b:s3+s10], $0x18, s15, s10, $0xb8;
	[tilespmem:$0x3200] =	vst v63  }
0x51: {  	_ =	swait.ge [sflag:s17], $0xC00  }
0x52: {  	[sflag:s17] =	ssyncset.done $0x0  }
0x53: {  	[sflag:s17] =	ssyncadd.s32 $0xFFFFF400  }
0x54: {  	_ =	swait.ge [sflag:s17], $0xC00  }
0x55: {  	[sflag:s17] =	ssyncset.done $0x0  }
0x56: {  	[sflag:s17] =	ssyncadd.s32 $0xFFFFF400  }
0x57: {  	_ =	swait.ge [sflag:s17], $0xC00  }
0x58: {  	[sflag:s17] =	ssyncset.done $0x0  }
0x59: {  	[sflag:s17] =	ssyncadd.s32 $0xFFFFF400  }
0x5a: {  	_ =	swait.ge [sflag:s17], $0xC00  }
0x5b: {  	[sflag:s17] =	ssyncset.done $0x0  }
0x5c: {  	[sflag:s17] =	ssyncadd.s32 $0xFFFFF400  }
0x5d: {  	[hbm4b:s21+s2] =	stream.linear.scatter [tilespmem:s11], [sflag:$0x2], $0x3000, $0x38;
	[tilespmem:$0x3200] =	vst v63  }
0x5e: {  	_ =	swait.ge [sflag:s9], $0x3000  }
0x5f: {  	[sflag:s9] =	ssyncset.done $0x0  }
0x60: {  	s23 =	sadd.s32 s20, s7;
	s20 =	smov.u32 s25;
	[sflag:s9] =	ssyncadd.s32 $0xFFFFD000  }
0x61: {  	[tilespmem:s2], [sflag:$0x2] =	stream.linear.gather [hbm4b:s23+s2], $0x200, $0x38;
	[tilespmem:$0x3200] =	vst v63  }
0x62: {  	_ =	swait.ge [sflag:s9], $0x200  }
0x63: {  	[sflag:s9] =	ssyncset.done $0x0  }
0x64: {  	[sflag:s9] =	ssyncadd.s32 $0xFFFFFE00  }
0x65: {  	[tilespmem:s11], [sflag:$0x1] =	stream.indirect.gather [hbm4b:s3+s10], $0x18, s2, s10, $0xb8;
	[tilespmem:$0x3200] =	vst v63  }
0x66: {  	_ = 	snop  }
0x67: {  	[tilespmem:s12], [sflag:$0x1] =	stream.indirect.gather [hbm4b:s3+s10], $0x18, s10, s10, $0xb8;
	[tilespmem:$0x3200] =	vst v63  }
0x68: {  	_ = 	snop  }
0x69: {  	[tilespmem:s14], [sflag:$0x1] =	stream.indirect.gather [hbm4b:s3+s10], $0x18, s13, s10, $0xb8;
	[tilespmem:$0x3200] =	vst v63  }
0x6a: {  	_ = 	snop  }
0x6b: {  	[tilespmem:s16], [sflag:$0x1] =	stream.indirect.gather [hbm4b:s3+s10], $0x18, s15, s10, $0xb8;
	[tilespmem:$0x3200] =	vst v63  }
0x6c: {  	_ =	swait.ge [sflag:s17], $0xC00  }
0x6d: {  	[sflag:s17] =	ssyncset.done $0x0  }
0x6e: {  	[sflag:s17] =	ssyncadd.s32 $0xFFFFF400  }
0x6f: {  	_ =	swait.ge [sflag:s17], $0xC00  }
0x70: {  	[sflag:s17] =	ssyncset.done $0x0  }
0x71: {  	[sflag:s17] =	ssyncadd.s32 $0xFFFFF400  }
0x72: {  	_ =	swait.ge [sflag:s17], $0xC00  }
0x73: {  	[sflag:s17] =	ssyncset.done $0x0  }
0x74: {  	[sflag:s17] =	ssyncadd.s32 $0xFFFFF400  }
0x75: {  	_ =	swait.ge [sflag:s17], $0xC00  }
.Ltmp0:
0x76: {  	[sflag:s17] =	ssyncset.done $0x0;
	(pc) =	sbr.rel @p0 .LBB2_2-.Ltmp0, $4  }
0x77: {  	[sflag:s17] =	ssyncadd.s32 $0xFFFFF400  }
0x78: {  	[hbm4b:s19+s2] =	stream.linear.scatter [tilespmem:s11], [sflag:$0x2], $0x3000, $0x38;
	[tilespmem:$0x3200] =	vst v63  }
0x79: {  	s21 =	sadd.s32 $0x600, s21;
	_ =	swait.ge [sflag:s9], $0x3000  }
0x7a: {  	s23 =	smov.u32 s22;
	s19 =	sadd.s32 $0x600, s19;
	[sflag:s9] =	ssyncset.done $0x0  }
0x7b: {  	s22 =	sadd.s32 s20, s8;
	[sflag:s9] =	ssyncadd.s32 $0xFFFFD000  }
0x7c: {  	[tilespmem:s2], [sflag:$0x2] =	stream.linear.gather [hbm4b:s22+s2], $0x200, $0x38;
	[tilespmem:$0x3200] =	vst v63  }
0x7d: {  	_ =	swait.ge [sflag:s9], $0x200  }
0x7e: {  	[sflag:s9] =	ssyncset.done $0x0  }
0x7f: {  	[sflag:s9] =	ssyncadd.s32 $0xFFFFFE00  }
0x80: {  	[tilespmem:s11], [sflag:$0x1] =	stream.indirect.gather [hbm4b:s3+s10], $0x18, s2, s10, $0xb8;
	[tilespmem:$0x3200] =	vst v63  }
0x81: {  	_ = 	snop  }
0x82: {  	[tilespmem:s12], [sflag:$0x1] =	stream.indirect.gather [hbm4b:s3+s10], $0x18, s10, s10, $0xb8;
	[tilespmem:$0x3200] =	vst v63  }
0x83: {  	_ = 	snop  }
0x84: {  	[tilespmem:s14], [sflag:$0x1] =	stream.indirect.gather [hbm4b:s3+s10], $0x18, s13, s10, $0xb8;
	[tilespmem:$0x3200] =	vst v63  }
0x85: {  	_ = 	snop  }
0x86: {  	[tilespmem:s16], [sflag:$0x1] =	stream.indirect.gather [hbm4b:s3+s10], $0x18, s15, s10, $0xb8;
	[tilespmem:$0x3200] =	vst v63  }
0x87: {  	_ =	swait.ge [sflag:s17], $0xC00  }
0x88: {  	[sflag:s17] =	ssyncset.done $0x0  }
0x89: {  	[sflag:s17] =	ssyncadd.s32 $0xFFFFF400  }
0x8a: {  	_ =	swait.ge [sflag:s17], $0xC00  }
0x8b: {  	[sflag:s17] =	ssyncset.done $0x0  }
0x8c: {  	[sflag:s17] =	ssyncadd.s32 $0xFFFFF400  }
0x8d: {  	_ =	swait.ge [sflag:s17], $0xC00  }
0x8e: {  	[sflag:s17] =	ssyncset.done $0x0  }
0x8f: {  	[sflag:s17] =	ssyncadd.s32 $0xFFFFF400  }
0x90: {  	_ =	swait.ge [sflag:s17], $0xC00  }
0x91: {  	[sflag:s17] =	ssyncset.done $0x0  }
0x92: {  	[sflag:s17] =	ssyncadd.s32 $0xFFFFF400  }
0x93: {  	[hbm4b:s21+s2] =	stream.linear.scatter [tilespmem:s11], [sflag:$0x2], $0x3000, $0x38;
	[tilespmem:$0x3200] =	vst v63  }
0x94: {  	_ =	swait.ge [sflag:s9], $0x3000  }
0x95: {  	[sflag:s9] =	ssyncset.done $0x0  }
0x96: {  	s31 =	sadd.s32 s20, s7;
	[sflag:s9] =	ssyncadd.s32 $0xFFFFD000  }
0x97: {  	[tilespmem:s2], [sflag:$0x2] =	stream.linear.gather [hbm4b:s31+s2], $0x200, $0x38;
	[tilespmem:$0x3200] =	vst v63  }
0x98: {  	_ =	swait.ge [sflag:s9], $0x200  }
0x99: {  	[sflag:s9] =	ssyncset.done $0x0  }
0x9a: {  	[sflag:s9] =	ssyncadd.s32 $0xFFFFFE00  }
0x9b: {  	[tilespmem:s11], [sflag:$0x1] =	stream.indirect.gather [hbm4b:s3+s10], $0x18, s2, s10, $0xb8;
	[tilespmem:$0x3200] =	vst v63  }
0x9c: {  	_ = 	snop  }
0x9d: {  	[tilespmem:s12], [sflag:$0x1] =	stream.indirect.gather [hbm4b:s3+s10], $0x18, s10, s10, $0xb8;
	[tilespmem:$0x3200] =	vst v63  }
0x9e: {  	_ = 	snop  }
0x9f: {  	[tilespmem:s14], [sflag:$0x1] =	stream.indirect.gather [hbm4b:s3+s10], $0x18, s13, s10, $0xb8;
	[tilespmem:$0x3200] =	vst v63  }
0xa0: {  	_ = 	snop  }
0xa1: {  	[tilespmem:s16], [sflag:$0x1] =	stream.indirect.gather [hbm4b:s3+s10], $0x18, s15, s10, $0xb8;
	[tilespmem:$0x3200] =	vst v63  }
0xa2: {  	_ =	swait.ge [sflag:s17], $0xC00  }
0xa3: {  	[sflag:s17] =	ssyncset.done $0x0  }
0xa4: {  	[sflag:s17] =	ssyncadd.s32 $0xFFFFF400  }
0xa5: {  	_ =	swait.ge [sflag:s17], $0xC00  }
0xa6: {  	[sflag:s17] =	ssyncset.done $0x0  }
0xa7: {  	[sflag:s17] =	ssyncadd.s32 $0xFFFFF400  }
0xa8: {  	_ =	swait.ge [sflag:s17], $0xC00  }
0xa9: {  	[sflag:s17] =	ssyncset.done $0x0  }
0xaa: {  	[sflag:s17] =	ssyncadd.s32 $0xFFFFF400  }
0xab: {  	s18 =	sadd.s32 $0x1, s18;
	_ =	swait.ge [sflag:s17], $0xC00  }
0xac: {  	p0 =	sne.s32 s18, s4;
	[sflag:s17] =	ssyncset.done $0x0  }
.Ltmp1:
0xad: {  	[sflag:s17] =	ssyncadd.s32 $0xFFFFF400;
	(pc) =	sbr.rel @p0 .LBB2_1-.Ltmp1, $4  }
0xae: {  	[hbm4b:s19+s2] =	stream.linear.scatter [tilespmem:s11], [sflag:$0x2], $0x3000, $0x38;
	[tilespmem:$0x3200] =	vst v63  }
0xaf: {  	_ =	swait.ge [sflag:s9], $0x3000  }
0xb0: {  	[sflag:s9] =	ssyncset.done $0x0  }
0xb1: {  	[sflag:s9] =	ssyncadd.s32 $0xFFFFD000  }
0xb2: {  	_ =	sfence.sel $0x180000  }
0xb3: {  	[bflag:$0x0] =	sbarrier.arrive $0xFFFF  }
0xb4: {  	p0 =	sne.s32 s1, $0x0;
	_ =	strace $0x90000047  }
0xb5: {  	s0 =	sadd.s32 @!p0 $0x100000, s0;
	[bflag:$0x2] =	sbarrier.arrive $0xFFFF  }
0xb6: {  	[sflag:s0] =	ssyncadd.tile.s32 @!p0 $0x1;
	_ =	shalt  }
.Lfunc_end2:
_tile_overlayer_lowered:
.L_overlay_start_2:
0xb7: {  	(tag) =	ssettag $0x2  }
0xb8: {  	s0 =	rddreg [dreg:$0x0];
	s2 =	stileid.u32  }
0xb9: {  	s1 =	rddreg [dreg:$0x1];
	p0 =	sne.s32 s2, $0x0  }
0xba: {  	s3 =	rddreg [dreg:$0x2];
	[bflag:$0x3] =	sbarrier.arrive $0xFFFF;
	s2 =	simm.s32 @!p0 $0x1C02  }
0xbb: {  	[timem:s3], [sflag:s2] =	dma.local @!p0 [hbm:s0], s1  }
0xbc: {  	s0 =	simm.s32 @!p0 $0x2  }
0xbd: {  	_ =	swait.ge @!p0 [sflag:s0], s1  }
0xbe: {  	s1 =	ssub.s32 @!p0 $0x0, s1;
	[sflag:s0] =	ssyncset.done @!p0 $0x0  }
0xbf: {  	[sflag:s0] =	ssyncadd.s32 @!p0 s1  }
0xc0: {  	[bflag:$0x3] =	sbarrier.arrive $0xFFFF  }
0xc1: {  	_ =	shalt  }

// kernel: kernel.16.cloned.1.call-start
scs
__scs_entry_jumppad:
0x0: {  	(pc) =	sbr.rel $0x88, $3  }
0x1: {  	(tag) =	ssettag $0x0;
	lr =	simm.s32 $0x1  }
0x2: {  	[smem:$0x3F60] =	sst lr;
	_ =	strace $0xD0000000  }
0x3: {  	_ = 	snop  }
0x4: {  	_ = 	snop  }
0x5: {  	_ = 	snop  }
0x6: {  	_ = 	snop  }
0x7: {  	_ = 	snop  }
__scs_overlays_trampoline_lowered:
0x8: {  	[smem:$0x3F6F] =	sst s0  }
0x9: {  	[smem:$0x3F70] =	sst s1  }
0xa: {  	[smem:$0x3F71] =	sst s2  }
0xb: {  	[smem:$0x3F72] =	sst s3  }
0xc: {  	[smem:$0x3F73] =	sst s4  }
0xd: {  	[smem:$0x3F74] =	sst s5  }
0xe: {  	[smem:$0x3F75] =	sst s6  }
0xf: {  	[smem:$0x3F76] =	sst s7  }
0x10: {  	[smem:$0x3F77] =	sst s8  }
0x11: {  	[smem:$0x3F78] =	sst s9;
	s0 =	simm.s32 @!p0 $0x0  }
0x12: {  	s1 =	sld [smem:$0x3F5E];
	s0 =	simm.s32 @p0 $0x1  }
0x13: {  	[smem:$0x3F79] =	sst s0;
	s0 =	simm.s32 @!p1 $0x0  }
0x14: {  	s2 =	sld [smem:$0x3F5D];
	s0 =	simm.s32 @p1 $0x1  }
0x15: {  	[smem:$0x3F7A] =	sst s0;
	s0 =	simm.s32 @!p2 $0x0  }
0x16: {  	s3 =	sld [smem:$0x3FDB];
	s0 =	simm.s32 @p2 $0x1  }
0x17: {  	s4 =	simm.s32 $0x1BF5;
	[smem:$0x3F7C] =	sst s0  }
0x18: {  	s0 =	sld [smem:$0x3F5F];
	_ =	swait.ge [sflag:s4], $0x0  }
0x19: {  	s7 =	sld [smem:$0x3F60]  }
0x1a: {  	s8 =	sadd.s32 $0xFFFFE003, lr  }
0x1b: {  	s9 =	sadd.s32 $0xFFFFFEF7, lr;
	s5 =	simm.s32 $0xFFFFFFFF;
	p2 =	slt.u32 s8, $0xFFFFF086  }
0x1c: {  	p1 =	slt.u32 s9, $0xF7A;
	s5 =	simm.s32 @!p2 $0x0  }
0x1d: {  	s5 =	simm.s32 @p1 $0x1;
	p0 =	seq.s32 s7, s2  }
0x1e: {  	s7 =	smul.u32 @!p0 $0xF7A, s2;
	p2 =	seq.s32 @!p0 s5, $0x0  }
0x1f: {  	s9 =	smul.u32 $0xF7A, s1;
	s8 =	simm.s32 @!p0 $0x1BF5;
	p2 =	por !p2, p0  }
0x20: {  	[sflag:s8] =	ssyncset.s32 @!p0 $0xFFFFF086;
	s6 =	sadd.s32 @!p0 s3, s7;
	s7 =	simm.s32 @!p0 $0x108  }
0x21: {  	s3 =	sadd.s32 s3, s9;
	s6 =	sadd.s32 @!p0 $0x88, s6;
	s7 =	simm.s32 @p2 $0x1082  }
0x22: {  	[simem:s7], [sflag:s8] =	dma.local @!p0 [hbm:s6], $0xF7A  }
0x23: {  	s9 =	sor.u32 $0xD0000000, s2;
	s6 =	simm.s32 $0x108;
	_ =	swait.ge @!p0 [sflag:s8], $0x0  }
0x24: {  	s3 =	sadd.s32 $0x88, s3;
	s6 =	simm.s32 @!p1 $0x1082;
	[sflag:s4] =	ssyncset.s32 $0xFFFFF086  }
0x25: {  	[simem:s6], [sflag:s4] =	dma.local [hbm:s3], $0xF7A  }
0x26: {  	[smem:$0x3F60] =	sst s1;
	(tag) =	ssettag s2;
	_ =	strace s9  }
0x27: {  	s1 =	sld [smem:$0x3F70]  }
0x28: {  	s2 =	sld [smem:$0x3F71]  }
0x29: {  	s4 =	sld [smem:$0x3F73]  }
0x2a: {  	p0 =	seq.s32 s5, $0x0;
	s5 =	sld [smem:$0x3F74]  }
0x2b: {  	s6 =	sld [smem:$0x3F75]  }
0x2c: {  	s7 =	sld [smem:$0x3F76]  }
0x2d: {  	s3 =	simm.s32 $0x108;
	s8 =	sld [smem:$0x3F77]  }
0x2e: {  	s3 =	simm.s32 @!p0 $0x1082;
	s9 =	sld [smem:$0x3F78]  }
0x2f: {  	lr =	sadd.s32 s0, s3;
	s0 =	sld [smem:$0x3F6F]  }
0x30: {  	s3 =	sld [smem:$0x3F72]  }
0x31: {  	[smem:$0x3F7B] =	sst s10  }
0x32: {  	s10 =	sld [smem:$0x3F79];
	_ =	sdelay $0x3  }
0x33: {  	p0 =	seq.s32 s10, $0x1;
	s10 =	sld [smem:$0x3F7B];
	_ =	sdelay $0x3  }
0x34: {  	[smem:$0x3F7B] =	sst s10  }
0x35: {  	s10 =	sld [smem:$0x3F7A];
	_ =	sdelay $0x3  }
0x36: {  	p1 =	seq.s32 s10, $0x1;
	s10 =	sld [smem:$0x3F7B];
	_ =	sdelay $0x3  }
0x37: {  	[smem:$0x3F7B] =	sst s10  }
0x38: {  	s10 =	sld [smem:$0x3F7C]  }
0x39: {  	_ = 	snop;
	(pc) =	sbr.ind lr, $3  }
0x3a: {  	_ = 	snop  }
0x3b: {  	_ = 	snop  }
0x3c: {  	p2 =	seq.s32 s10, $0x1;
	s10 =	sld [smem:$0x3F7B]  }
0x3d: {  	_ =	shalt  }
0x3e: {  	_ =	shalt  }
0x3f: {  	_ =	shalt  }
0x40: {  	_ =	shalt  }
0x41: {  	_ =	shalt  }
0x42: {  	_ =	shalt  }
0x43: {  	_ =	shalt  }
0x44: {  	_ =	shalt  }
0x45: {  	_ =	shalt  }
0x46: {  	_ =	shalt  }
0x47: {  	_ =	shalt  }
0x48: {  	_ =	shalt  }
0x49: {  	_ =	shalt  }
0x4a: {  	_ =	shalt  }
0x4b: {  	_ =	shalt  }
0x4c: {  	_ =	shalt  }
0x4d: {  	_ =	shalt  }
0x4e: {  	_ =	shalt  }
0x4f: {  	_ =	shalt  }
0x50: {  	_ =	shalt  }
0x51: {  	_ =	shalt  }
0x52: {  	_ =	shalt  }
0x53: {  	_ =	shalt  }
0x54: {  	_ =	shalt  }
0x55: {  	_ =	shalt  }
0x56: {  	_ =	shalt  }
0x57: {  	_ =	shalt  }
0x58: {  	_ =	shalt  }
0x59: {  	_ =	shalt  }
0x5a: {  	_ =	shalt  }
0x5b: {  	_ =	shalt  }
0x5c: {  	_ =	shalt  }
0x5d: {  	_ =	shalt  }
0x5e: {  	_ =	shalt  }
0x5f: {  	_ =	shalt  }
0x60: {  	_ =	shalt  }
0x61: {  	_ =	shalt  }
0x62: {  	_ =	shalt  }
0x63: {  	_ =	shalt  }
0x64: {  	_ =	shalt  }
0x65: {  	_ =	shalt  }
0x66: {  	_ =	shalt  }
0x67: {  	_ =	shalt  }
0x68: {  	_ =	shalt  }
0x69: {  	_ =	shalt  }
0x6a: {  	_ =	shalt  }
0x6b: {  	_ =	shalt  }
0x6c: {  	_ =	shalt  }
0x6d: {  	_ =	shalt  }
0x6e: {  	_ =	shalt  }
0x6f: {  	_ =	shalt  }
0x70: {  	_ =	shalt  }
0x71: {  	_ =	shalt  }
0x72: {  	_ =	shalt  }
0x73: {  	_ =	shalt  }
0x74: {  	_ =	shalt  }
0x75: {  	_ =	shalt  }
0x76: {  	_ =	shalt  }
0x77: {  	_ =	shalt  }
0x78: {  	_ =	shalt  }
0x79: {  	_ =	shalt  }
0x7a: {  	_ =	shalt  }
0x7b: {  	_ =	shalt  }
0x7c: {  	_ =	shalt  }
0x7d: {  	_ =	shalt  }
0x7e: {  	_ =	shalt  }
0x7f: {  	_ =	shalt  }
0x80: {  	_ =	shalt  }
0x81: {  	_ =	shalt  }
0x82: {  	_ =	shalt  }
0x83: {  	_ =	shalt  }
0x84: {  	_ =	shalt  }
0x85: {  	_ =	shalt  }
0x86: {  	_ =	shalt  }
0x87: {  	_ =	shalt  }
.Lfunc_end0:
.L_simem_size_0:
called_computation.1_lowered:
.L_overlay_start_0:
0x88: {  	s2 =	sld [smem:$0x3FD9]  }
0x89: {  	s3 =	sld [smem:$0x3FFE];
	_ =	sdelay $0x1  }
0x8a: {  	s1 =	srdreg.scid  }
0x8b: {  	s0 =	sand.u32 $0x1, s1  }
0x8c: {  	s17 =	sshll.u32 s0, $0xA;
	s2 =	sadd.s32 s3, s2  }
0x8d: {  	s2 =	sadd.s32 s2, s17  }
0x8e: {  	[smem:$0x3F87] =	sst s2  }
0x8f: {  	_ = 	snop  }
0x90: {  	(tm) =	ssettm $0x1  }
0x91: {  	s18 =	sld [smem:$0x3FFB];
	_ =	sdelay $0x3  }
0x92: {  	_ =	strace s18  }
0x93: {  	s2 =	sld [smem:$0x3FFC];
	_ =	sdelay $0x3  }
0x94: {  	_ =	strace s2  }
0x95: {  	s2 =	sld [smem:$0x3FFD];
	_ =	sdelay $0x3  }
0x96: {  	_ =	strace s2  }
0x97: {  	_ =	strace $0x8FFFFFFF  }
0x98: {  	s19 =	sld [smem:$0x3FDB];
	_ =	sdelay $0x1  }
0x99: {  	s20 =	simm.s32 $_scs_section_size  }
0x9a: {  	s4 =	simm.s32 $_size__tile_overlayer_lowered;
	s5 =	simm.s32 $_tile_overlayer_lowered  }
0x9b: {  	s6 =	simm.s32 $0x1BFF;
	s21 =	sshll.u32 s5, $0x1;
	s3 =	sadd.s32 s20, s19  }
0x9c: {  	s22 =	simm.s32 $0x0;
	s4 =	sshll.u32 s4, $0x1;
	s5 =	sadd.s32 s21, s3  }
0x9d: {  	[timem:s22], [sflag:s6] =	dma.local [hbm:s5], s4  }
0x9e: {  	_ =	swait.ge [sflag:s6], s4  }
0x9f: {  	s4 =	ssub.s32 $0x0, s4;
	[sflag:s6] =	ssyncset.done $0x0  }
0xa0: {  	[sflag:s6] =	ssyncadd.s32 s4;
	_ =	sdelay $0x1  }
0xa1: {  	s23 =	simm.s32 $0x1B8B  }
0xa2: {  	_ =	swait.ge [sflag:s23], $0x1  }
0xa3: {  	[sflag:s23] =	ssyncset.done $0x0  }
0xa4: {  	[sflag:s23] =	ssyncadd.s32 $0xFFFFFFFF  }
0xa5: {  	s4 =	sld [smem:$0x0]  }
0xa6: {  	s5 =	sand.u32 $0xFFFFFFFE, s1  }
0xa7: {  	p0 =	sne.s32 s1, s5  }
0xa8: {  	s5 =	sshll.u32 @p0 s5, $0xE  }
0xa9: {  	s5 =	sadd.s32 @p0 $0x11B8D, s5;
	s6 =	sshll.u32 @p0 s4, $0x11  }
0xaa: {  	s5 =	sor.u32 @p0 s6, s5  }
0xab: {  	[sflag:s5] =	ssyncadd.remote.s32 @p0 $0x1;
	_ =	sdelay $0x1  }
0xac: {  	s5 =	simm.s32 @p0 $0x1B8D  }
0xad: {  	_ =	swait.eq @p0 [sflag:s5], $0x1  }
0xae: {  	[sflag:s5] =	ssyncadd.s32 @p0 $0xFFFFFFFF  }
0xaf: {  	s6 =	sshll.u32 @!p0 s1, $0xE  }
0xb0: {  	s6 =	sor.u32 @!p0 $0x4000, s6;
	s5 =	simm.s32 @!p0 $0x1B8D  }
0xb1: {  	s4 =	sshll.u32 @!p0 s4, $0x11;
	s6 =	sadd.s32 @!p0 $0x11B8D, s6;
	_ =	swait.eq @!p0 [sflag:s5], $0x1  }
0xb2: {  	s4 =	sor.u32 @!p0 s4, s6;
	[sflag:s5] =	ssyncadd.s32 @!p0 $0xFFFFFFFF  }
0xb3: {  	s25 =	simm.s32 $0x1B8E;
	s24 =	sld [smem:$0x3FFE];
	[sflag:s4] =	ssyncadd.remote.s32 @!p0 $0x1  }
0xb4: {  	s26 =	simm.s32 $execute0_lowered;
	[smem:$0x3FD2] =	sst s25  }
0xb5: {  	s5 =	sshll.u32 s26, $0x1;
	_ =	strace $0x80000049;
	[dreg:$0x1] =	wrdreg $0xFFFFFFFF  }
0xb6: {  	s28 =	simm.s32 $_size_execute0_lowered;
	s3 =	sadd.s32 s3, s5;
	[dreg:$0x0] =	wrdreg $0x0  }
0xb7: {  	s5 =	sshll.u32 s28, $0x1;
	[dreg:$0x2] =	wrdreg s3  }
0xb8: {  	[dreg:$0x3] =	wrdreg s5  }
0xb9: {  	[dreg:$0x4] =	wrdreg $0xC0  }
0xba: {  	_ =	task [dreg:s22], $0x5FFFF  }
0xbb: {  	[dreg:$0x1] =	wrdreg $0xFFFFFFFF  }
0xbc: {  	[dreg:$0x0] =	wrdreg $0x60  }
0xbd: {  	[dreg:$0x2] =	wrdreg s24  }
0xbe: {  	[dreg:$0x3] =	wrdreg $0x12000  }
0xbf: {  	[dreg:$0x4] =	wrdreg $0x9  }
0xc0: {  	_ =	task.clear_ibuf [dreg:s22], $0x5FFFF;
	_ =	strace $0x90000049  }
0xc1: {  	s29 =	simm.s32 $0x9;
	_ =	strace $0x8000004B  }
0xc2: {  	_ =	swait.ge [sflag:s29], $0x1  }
0xc3: {  	[sflag:s29] =	ssyncadd.s32 $0xFFFFFFFF  }
0xc4: {  	_ =	strace $0x9000004B  }
0xc5: {  	_ =	sfence  }
0xc6: {  	s30 =	sld [smem:$0x0];
	_ =	sdelay $0x2  }
0xc7: {  	s31 =	sshll.u32 s1, $0xD;
	s1 =	sshrl.u32 s1, $0x2  }
0xc8: {  	s4 =	sand.u32 $0x4000, s31;
	s1 =	sadd.s32 s1, s30  }
0xc9: {  	s0 =	sor.u32 s4, s0;
	s1 =	sshll.u32 s1, $0x11  }
0xca: {  	s0 =	sor.u32 s1, s0  }
0xcb: {  	s0 =	sadd.s32 $0x8F2B, s0  }
0xcc: {  	[sflag:s0] =	ssyncadd.remote.s32 $0x1  }
0xcd: {  	_ =	sfence.sel $0xFFFF  }
0xce: {  	[dreg:$0x0] =	wrdreg $0xFFFFFFFF;
	(pc) =	sbr.abs _section_cstart, $3  }
0xcf: {  	[dreg:$0x1] =	wrdreg $0xFFFFFFFF  }
0xd0: {  	_ =	task.clear_ibuf [dreg:s22], $0x2FFFF;
	_ =	strace $0x9FFFFFFF  }
0xd1: {  	(tm) =	ssettm $0x7FFFFFFF  }
tec
execute0_lowered:
.L_overlay_start_1:
0x0: {  	(tag) =	ssettag $0x1  }
0x1: {  	s7 =	rddreg [dreg:$0x0]  }
0x2: {  	s2 =	rddreg [dreg:$0x1]  }
0x3: {  	s0 =	rddreg [dreg:$0x2];
	s3 =	simm.s32 $0x0  }
0x4: {  	s1 =	stileid.u32;
	s5 =	srdreg.scid;
	s14 =	simm.s32 $0x1  }
0x5: {  	s15 =	simm.s32 $0x200;
	s16 =	simm.s32 $0x80;
	s17 =	simm.s32 $0x600  }
0x6: {  	s18 =	simm.s32 $0x100;
	s19 =	simm.s32 $0xA00;
	s20 =	simm.s32 $0x180  }
0x7: {  	s21 =	simm.s32 $0xE00;
	s22 =	simm.s32 $0x0;
	[smem:$0x7FF] =	sst s3  }
0x8: {  	s4 =	smul.u32 $0xC40, s1;
	s9 =	sand.u32 $0x1, s5;
	s5 =	sadd.s32 $0x7F400, s7  }
0x9: {  	s6 =	smul.u32 $0x61B0, s1;
	s11 =	sshll.u32 s1, $0x6;
	_ =	strace $0x8000004A  }
.Ltmp0:
0xa: {  	s8 =	ssub.s32 $0x2, s9;
	p0 =	seq.s32 s9, $0x1;
	(pc) =	sbr.rel .LBB2_1-.Ltmp0, $4  }
0xb: {  	s12 =	sadd.s32 s4, s7;
	s4 =	sadd.s32 $0x7E600, s7;
	s7 =	sadd.s32 $0x7F600, s7  }
0xc: {  	s10 =	sshrl.u32 s8, $0x1;
	s13 =	sadd.s32 s6, s2;
	s9 =	sadd.s32 $0x61B00, s6  }
0xd: {  	s10 =	ssub.s32 s8, s10;
	s8 =	sor.u32 $0x1C01, s11;
	s11 =	sadd.s32 $0x28C00, s12  }
0xe: {  	s12 =	sadd.s32 $0x35000, s12;
	s13 =	sshrl.u32 s13, $0x3;
	s10 =	smax.u32 s10, $0x1  }
.LBB2_7:
0xf: {  	s23 =	sadd.s32 s23, s12;
	[sflag:s14] =	ssyncadd.s32 $0xFFFFFC00  }
0x10: {  	[tilespmem:s3], [sflag:$0x1] =	stream.linear.gather [hbm4b:s23+s3], $0x200, $0x38;
	[tilespmem:$0x73B0] =	vst v63  }
0x11: {  	_ =	swait.ge [sflag:s14], $0x200  }
0x12: {  	[sflag:s14] =	ssyncset.done $0x0  }
0x13: {  	[sflag:s14] =	ssyncadd.s32 $0xFFFFFE00  }
0x14: {  	[spmem:s2] =	stream.indirect.scatter.add.f32 [tilespmem:s15], [sflag:$0x1], $0x8, s3, s16, $0xb8;
	[tilespmem:$0x73B0] =	vst v63  }
0x15: {  	_ =	swait.ge [sflag:s14], $0x400  }
0x16: {  	[sflag:s14] =	ssyncset.done $0x0  }
0x17: {  	[sflag:s14] =	ssyncadd.s32 $0xFFFFFC00  }
0x18: {  	[spmem:s2] =	stream.indirect.scatter.add.f32 [tilespmem:s17], [sflag:$0x1], $0x8, s16, s16, $0xb8;
	[tilespmem:$0x73B0] =	vst v63  }
0x19: {  	_ =	swait.ge [sflag:s14], $0x400  }
0x1a: {  	[sflag:s14] =	ssyncset.done $0x0  }
0x1b: {  	[sflag:s14] =	ssyncadd.s32 $0xFFFFFC00  }
0x1c: {  	[spmem:s2] =	stream.indirect.scatter.add.f32 [tilespmem:s19], [sflag:$0x1], $0x8, s18, s16, $0xb8;
	[tilespmem:$0x73B0] =	vst v63  }
0x1d: {  	_ =	swait.ge [sflag:s14], $0x400  }
0x1e: {  	[sflag:s14] =	ssyncset.done $0x0  }
0x1f: {  	[sflag:s14] =	ssyncadd.s32 $0xFFFFFC00  }
0x20: {  	[spmem:s2] =	stream.indirect.scatter.add.f32 [tilespmem:s21], [sflag:$0x1], $0x8, s20, s16, $0xb8;
	[tilespmem:$0x73B0] =	vst v63  }
0x21: {  	_ =	swait.ge [sflag:s14], $0x400  }
0x22: {  	[sflag:s14] =	ssyncset.done $0x0  }
0x23: {  	s23 =	smov.u32 s9;
	[sflag:s14] =	ssyncadd.s32 $0xFFFFFC00  }
.LBB2_8:
0x24: {  	s22 =	sadd.s32 $0x1, s22  }
0x25: {  	s23 =	sshrl.u32 s23, $0x3;
	p1 =	sne.s32 s22, s10  }
.Ltmp1:
0x26: {  	[bflag:$0x0] =	sbarrier.arrive $0xFFFF;
	s23 =	sadd.s32 s7, s23;
	(pc) =	sbr.rel @!p1 .LBB2_9-.Ltmp1, $4  }
0x27: {  	[hbm:s23], [sflag:s8] =	dma.local [spmem:s13], $0xC36  }
0x28: {  	_ =	swait.ge [sflag:s14], $0xC36  }
0x29: {  	[sflag:s14] =	ssyncset.done $0x0  }
0x2a: {  	[sflag:s14] =	ssyncadd.s32 $0xFFFFF3CA  }
.LBB2_1:
0x2b: {  	[spmem:s13], [sflag:s8] =	dma.local [hbm:s4], $0xC36  }
0x2c: {  	_ =	swait.ge [sflag:s14], $0xC36  }
0x2d: {  	[sflag:s14] =	ssyncset.done $0x0  }
0x2e: {  	[sflag:s14] =	ssyncadd.s32 $0xFFFFF3CA  }
0x2f: {  	[tilespmem:s15], [sflag:$0x1] =	stream.linear.gather [hbm4b:s5+s3], $0x1000, $0x38;
	[tilespmem:$0x73B0] =	vst v63  }
.Ltmp2:
0x30: {  	_ =	swait.ge [sflag:s14], $0x1000;
	(pc) =	sbr.rel @!p0 .LBB2_2-.Ltmp2, $3  }
0x31: {  	[sflag:s14] =	ssyncset.done $0x0  }
0x32: {  	[sflag:s14] =	ssyncadd.s32 $0xFFFFF000  }
0x33: {  	[bflag:$0x0] =	sbarrier.arrive $0xFFFF;
	_ =	sdelay $0x1  }
0x34: {  	s23 =	sadd.s32 $0x0, s12  }
0x35: {  	[tilespmem:s3], [sflag:$0x1] =	stream.linear.gather [hbm4b:s23+s3], $0x200, $0x38;
	[tilespmem:$0x73B0] =	vst v63  }
0x36: {  	_ =	swait.ge [sflag:s14], $0x200  }
0x37: {  	[sflag:s14] =	ssyncset.done $0x0  }
0x38: {  	[sflag:s14] =	ssyncadd.s32 $0xFFFFFE00  }
0x39: {  	[spmem:s2] =	stream.indirect.scatter.add.f32 [tilespmem:s15], [sflag:$0x1], $0x8, s3, s16, $0xb8;
	[tilespmem:$0x73B0] =	vst v63  }
0x3a: {  	_ =	swait.ge [sflag:s14], $0x400  }
0x3b: {  	[sflag:s14] =	ssyncset.done $0x0  }
0x3c: {  	[sflag:s14] =	ssyncadd.s32 $0xFFFFFC00  }
0x3d: {  	[spmem:s2] =	stream.indirect.scatter.add.f32 [tilespmem:s17], [sflag:$0x1], $0x8, s16, s16, $0xb8;
	[tilespmem:$0x73B0] =	vst v63  }
0x3e: {  	_ =	swait.ge [sflag:s14], $0x400  }
0x3f: {  	[sflag:s14] =	ssyncset.done $0x0  }
0x40: {  	[sflag:s14] =	ssyncadd.s32 $0xFFFFFC00  }
0x41: {  	[spmem:s2] =	stream.indirect.scatter.add.f32 [tilespmem:s19], [sflag:$0x1], $0x8, s18, s16, $0xb8;
	[tilespmem:$0x73B0] =	vst v63  }
0x42: {  	_ =	swait.ge [sflag:s14], $0x400  }
0x43: {  	[sflag:s14] =	ssyncset.done $0x0  }
0x44: {  	[sflag:s14] =	ssyncadd.s32 $0xFFFFFC00  }
0x45: {  	[spmem:s2] =	stream.indirect.scatter.add.f32 [tilespmem:s21], [sflag:$0x1], $0x8, s20, s16, $0xb8;
	[tilespmem:$0x73B0] =	vst v63  }
0x46: {  	_ =	swait.ge [sflag:s14], $0x400  }
0x47: {  	s24 =	simm.s32 $0x80;
	s23 =	simm.s32 $0x40;
	[sflag:s14] =	ssyncset.done $0x0  }
.LBB2_6:
0x48: {  	s25 =	sadd.s32 s23, s12  }
0x49: {  	[sflag:s14] =	ssyncadd.s32 $0xFFFFFC00;
	s23 =	smov.u32 s24;
	s26 =	sadd.s32 $0x40, s24  }
0x4a: {  	[tilespmem:s3], [sflag:$0x1] =	stream.linear.gather [hbm4b:s25+s3], $0x200, $0x38;
	[tilespmem:$0x73B0] =	vst v63  }
0x4b: {  	p1 =	sne.s32 s24, $0xC00;
	_ =	swait.ge [sflag:s14], $0x200  }
0x4c: {  	[sflag:s14] =	ssyncset.done $0x0  }
0x4d: {  	[sflag:s14] =	ssyncadd.s32 $0xFFFFFE00  }
0x4e: {  	[spmem:s2] =	stream.indirect.scatter.add.f32 [tilespmem:s15], [sflag:$0x1], $0x8, s3, s16, $0xb8;
	[tilespmem:$0x73B0] =	vst v63  }
0x4f: {  	_ =	swait.ge [sflag:s14], $0x400  }
0x50: {  	[sflag:s14] =	ssyncset.done $0x0  }
0x51: {  	[sflag:s14] =	ssyncadd.s32 $0xFFFFFC00  }
0x52: {  	[spmem:s2] =	stream.indirect.scatter.add.f32 [tilespmem:s17], [sflag:$0x1], $0x8, s16, s16, $0xb8;
	[tilespmem:$0x73B0] =	vst v63  }
0x53: {  	_ =	swait.ge [sflag:s14], $0x400  }
0x54: {  	[sflag:s14] =	ssyncset.done $0x0  }
0x55: {  	[sflag:s14] =	ssyncadd.s32 $0xFFFFFC00  }
0x56: {  	[spmem:s2] =	stream.indirect.scatter.add.f32 [tilespmem:s19], [sflag:$0x1], $0x8, s18, s16, $0xb8;
	[tilespmem:$0x73B0] =	vst v63  }
0x57: {  	_ =	swait.ge [sflag:s14], $0x400  }
.Ltmp3:
0x58: {  	[sflag:s14] =	ssyncset.done $0x0;
	(pc) =	sbr.rel @p1 .LBB2_6-.Ltmp3, $4  }
0x59: {  	[sflag:s14] =	ssyncadd.s32 $0xFFFFFC00  }
0x5a: {  	[spmem:s2] =	stream.indirect.scatter.add.f32 [tilespmem:s21], [sflag:$0x1], $0x8, s20, s16, $0xb8;
	[tilespmem:$0x73B0] =	vst v63  }
0x5b: {  	_ =	swait.ge [sflag:s14], $0x400  }
0x5c: {  	s24 =	smov.u32 s26;
	[sflag:s14] =	ssyncset.done $0x0  }
.Ltmp4:
0x5d: {  	_ = 	snop;
	(pc) =	sbr.rel .LBB2_7-.Ltmp4, $1  }
0x5e: {  	_ =	sdelay $0x3  }
.LBB2_2:
0x5f: {  	s23 =	sadd.s32 $0x0, s11  }
0x60: {  	[tilespmem:s3], [sflag:$0x1] =	stream.linear.gather [hbm4b:s23+s3], $0x200, $0x38;
	[tilespmem:$0x73B0] =	vst v63  }
0x61: {  	_ =	swait.ge [sflag:s14], $0x200  }
0x62: {  	[sflag:s14] =	ssyncset.done $0x0  }
0x63: {  	[sflag:s14] =	ssyncadd.s32 $0xFFFFFE00  }
0x64: {  	[spmem:s2] =	stream.indirect.scatter.add.f32 [tilespmem:s15], [sflag:$0x1], $0x8, s3, s16, $0xb8;
	[tilespmem:$0x73B0] =	vst v63  }
0x65: {  	_ =	swait.ge [sflag:s14], $0x400  }
0x66: {  	[sflag:s14] =	ssyncset.done $0x0  }
0x67: {  	[sflag:s14] =	ssyncadd.s32 $0xFFFFFC00  }
0x68: {  	[spmem:s2] =	stream.indirect.scatter.add.f32 [tilespmem:s17], [sflag:$0x1], $0x8, s16, s16, $0xb8;
	[tilespmem:$0x73B0] =	vst v63  }
0x69: {  	_ =	swait.ge [sflag:s14], $0x400  }
0x6a: {  	[sflag:s14] =	ssyncset.done $0x0  }
0x6b: {  	[sflag:s14] =	ssyncadd.s32 $0xFFFFFC00  }
0x6c: {  	[spmem:s2] =	stream.indirect.scatter.add.f32 [tilespmem:s19], [sflag:$0x1], $0x8, s18, s16, $0xb8;
	[tilespmem:$0x73B0] =	vst v63  }
0x6d: {  	_ =	swait.ge [sflag:s14], $0x400  }
0x6e: {  	[sflag:s14] =	ssyncset.done $0x0  }
0x6f: {  	[sflag:s14] =	ssyncadd.s32 $0xFFFFFC00  }
0x70: {  	[spmem:s2] =	stream.indirect.scatter.add.f32 [tilespmem:s21], [sflag:$0x1], $0x8, s20, s16, $0xb8;
	[tilespmem:$0x73B0] =	vst v63  }
0x71: {  	_ =	swait.ge [sflag:s14], $0x400  }
0x72: {  	s24 =	simm.s32 $0x80;
	s23 =	simm.s32 $0x40;
	[sflag:s14] =	ssyncset.done $0x0  }
.LBB2_3:
0x73: {  	s25 =	sadd.s32 s23, s11  }
0x74: {  	[sflag:s14] =	ssyncadd.s32 $0xFFFFFC00;
	s23 =	smov.u32 s24;
	s26 =	sadd.s32 $0x40, s24  }
0x75: {  	[tilespmem:s3], [sflag:$0x1] =	stream.linear.gather [hbm4b:s25+s3], $0x200, $0x38;
	[tilespmem:$0x73B0] =	vst v63  }
0x76: {  	p1 =	seq.s32 s24, $0xC00;
	_ =	swait.ge [sflag:s14], $0x200  }
0x77: {  	[sflag:s14] =	ssyncset.done $0x0  }
0x78: {  	[sflag:s14] =	ssyncadd.s32 $0xFFFFFE00  }
0x79: {  	[spmem:s2] =	stream.indirect.scatter.add.f32 [tilespmem:s15], [sflag:$0x1], $0x8, s3, s16, $0xb8;
	[tilespmem:$0x73B0] =	vst v63  }
0x7a: {  	_ =	swait.ge [sflag:s14], $0x400  }
0x7b: {  	[sflag:s14] =	ssyncset.done $0x0  }
0x7c: {  	[sflag:s14] =	ssyncadd.s32 $0xFFFFFC00  }
0x7d: {  	[spmem:s2] =	stream.indirect.scatter.add.f32 [tilespmem:s17], [sflag:$0x1], $0x8, s16, s16, $0xb8;
	[tilespmem:$0x73B0] =	vst v63  }
0x7e: {  	_ =	swait.ge [sflag:s14], $0x400  }
0x7f: {  	[sflag:s14] =	ssyncset.done $0x0  }
0x80: {  	[sflag:s14] =	ssyncadd.s32 $0xFFFFFC00  }
0x81: {  	[spmem:s2] =	stream.indirect.scatter.add.f32 [tilespmem:s19], [sflag:$0x1], $0x8, s18, s16, $0xb8;
	[tilespmem:$0x73B0] =	vst v63  }
0x82: {  	_ =	swait.ge [sflag:s14], $0x400  }
.Ltmp5:
0x83: {  	[sflag:s14] =	ssyncset.done $0x0;
	(pc) =	sbr.rel @!p1 .LBB2_3-.Ltmp5, $4  }
0x84: {  	[sflag:s14] =	ssyncadd.s32 $0xFFFFFC00  }
0x85: {  	[spmem:s2] =	stream.indirect.scatter.add.f32 [tilespmem:s21], [sflag:$0x1], $0x8, s20, s16, $0xb8;
	[tilespmem:$0x73B0] =	vst v63  }
0x86: {  	_ =	swait.ge [sflag:s14], $0x400  }
0x87: {  	s24 =	smov.u32 s26;
	[sflag:s14] =	ssyncset.done $0x0  }
0x88: {  	s23 =	sadd.s32 s23, s11;
	[sflag:s14] =	ssyncadd.s32 $0xFFFFFC00  }
0x89: {  	[tilespmem:s3], [sflag:$0x1] =	stream.linear.gather [hbm4b:s23+s3], $0x200, $0x38;
	[tilespmem:$0x73B0] =	vst v63  }
0x8a: {  	_ =	swait.ge [sflag:s14], $0x200  }
0x8b: {  	[sflag:s14] =	ssyncset.done $0x0  }
0x8c: {  	[sflag:s14] =	ssyncadd.s32 $0xFFFFFE00  }
0x8d: {  	[spmem:s2] =	stream.indirect.scatter.add.f32 [tilespmem:s15], [sflag:$0x1], $0x8, s3, s16, $0xb8;
	[tilespmem:$0x73B0] =	vst v63  }
0x8e: {  	_ =	swait.ge [sflag:s14], $0x400  }
0x8f: {  	[sflag:s14] =	ssyncset.done $0x0  }
0x90: {  	[sflag:s14] =	ssyncadd.s32 $0xFFFFFC00  }
0x91: {  	[spmem:s2] =	stream.indirect.scatter.add.f32 [tilespmem:s17], [sflag:$0x1], $0x8, s16, s16, $0xb8;
	[tilespmem:$0x73B0] =	vst v63  }
0x92: {  	_ =	swait.ge [sflag:s14], $0x400  }
0x93: {  	[sflag:s14] =	ssyncset.done $0x0  }
0x94: {  	[sflag:s14] =	ssyncadd.s32 $0xFFFFFC00  }
0x95: {  	[spmem:s2] =	stream.indirect.scatter.add.f32 [tilespmem:s19], [sflag:$0x1], $0x8, s18, s16, $0xb8;
	[tilespmem:$0x73B0] =	vst v63  }
0x96: {  	_ =	swait.ge [sflag:s14], $0x400  }
0x97: {  	[sflag:s14] =	ssyncset.done $0x0  }
.Ltmp6:
0x98: {  	[sflag:s14] =	ssyncadd.s32 $0xFFFFFC00;
	(pc) =	sbr.rel .LBB2_8-.Ltmp6, $4  }
0x99: {  	[spmem:s2] =	stream.indirect.scatter.add.f32 [tilespmem:s21], [sflag:$0x1], $0x8, s20, s16, $0xb8;
	[tilespmem:$0x73B0] =	vst v63  }
0x9a: {  	_ =	swait.ge [sflag:s14], $0x400  }
0x9b: {  	[sflag:s14] =	ssyncset.done $0x0  }
0x9c: {  	s23 =	smov.u32 s6;
	[sflag:s14] =	ssyncadd.s32 $0xFFFFFC00  }
.LBB2_9:
0x9d: {  	_ =	sfence.sel $0x180000  }
0x9e: {  	[bflag:$0x0] =	sbarrier.arrive $0xFFFF  }
0x9f: {  	p0 =	sne.s32 s1, $0x0;
	_ =	strace $0x9000004A  }
0xa0: {  	s0 =	sadd.s32 @!p0 $0x100000, s0;
	[bflag:$0x2] =	sbarrier.arrive $0xFFFF  }
0xa1: {  	[sflag:s0] =	ssyncadd.tile.s32 @!p0 $0x1;
	_ =	shalt  }
.Lfunc_end2:
_tile_overlayer_lowered:
.L_overlay_start_2:
0xa2: {  	(tag) =	ssettag $0x2  }
0xa3: {  	s0 =	rddreg [dreg:$0x0];
	s2 =	stileid.u32  }
0xa4: {  	s1 =	rddreg [dreg:$0x1];
	p0 =	sne.s32 s2, $0x0  }
0xa5: {  	s3 =	rddreg [dreg:$0x2];
	[bflag:$0x3] =	sbarrier.arrive $0xFFFF;
	s2 =	simm.s32 @!p0 $0x1C01  }
0xa6: {  	[timem:s3], [sflag:s2] =	dma.local @!p0 [hbm:s0], s1  }
0xa7: {  	s0 =	simm.s32 @!p0 $0x1  }
0xa8: {  	_ =	swait.ge @!p0 [sflag:s0], s1  }
0xa9: {  	s1 =	ssub.s32 @!p0 $0x0, s1;
	[sflag:s0] =	ssyncset.done @!p0 $0x0  }
0xaa: {  	[sflag:s0] =	ssyncadd.s32 @!p0 s1  }
0xab: {  	[bflag:$0x3] =	sbarrier.arrive $0xFFFF  }
0xac: {  	_ =	shalt  }

// kernel: kernel.19.cloned.1.call-start
scs
__scs_entry_jumppad:
0x0: {  	(pc) =	sbr.rel $0x88, $3  }
0x1: {  	(tag) =	ssettag $0x0;
	lr =	simm.s32 $0x1  }
0x2: {  	[smem:$0x3F60] =	sst lr;
	_ =	strace $0xD0000000  }
0x3: {  	_ = 	snop  }
0x4: {  	_ = 	snop  }
0x5: {  	_ = 	snop  }
0x6: {  	_ = 	snop  }
0x7: {  	_ = 	snop  }
__scs_overlays_trampoline_lowered:
0x8: {  	[smem:$0x3F6F] =	sst s0  }
0x9: {  	[smem:$0x3F70] =	sst s1  }
0xa: {  	[smem:$0x3F71] =	sst s2  }
0xb: {  	[smem:$0x3F72] =	sst s3  }
0xc: {  	[smem:$0x3F73] =	sst s4  }
0xd: {  	[smem:$0x3F74] =	sst s5  }
0xe: {  	[smem:$0x3F75] =	sst s6  }
0xf: {  	[smem:$0x3F76] =	sst s7  }
0x10: {  	[smem:$0x3F77] =	sst s8  }
0x11: {  	[smem:$0x3F78] =	sst s9;
	s0 =	simm.s32 @!p0 $0x0  }
0x12: {  	s1 =	sld [smem:$0x3F5E];
	s0 =	simm.s32 @p0 $0x1  }
0x13: {  	[smem:$0x3F79] =	sst s0;
	s0 =	simm.s32 @!p1 $0x0  }
0x14: {  	s2 =	sld [smem:$0x3F5D];
	s0 =	simm.s32 @p1 $0x1  }
0x15: {  	[smem:$0x3F7A] =	sst s0;
	s0 =	simm.s32 @!p2 $0x0  }
0x16: {  	s3 =	sld [smem:$0x3FDB];
	s0 =	simm.s32 @p2 $0x1  }
0x17: {  	s4 =	simm.s32 $0x1BF5;
	[smem:$0x3F7C] =	sst s0  }
0x18: {  	s0 =	sld [smem:$0x3F5F];
	_ =	swait.ge [sflag:s4], $0x0  }
0x19: {  	s7 =	sld [smem:$0x3F60]  }
0x1a: {  	s8 =	sadd.s32 $0xFFFFE003, lr  }
0x1b: {  	s9 =	sadd.s32 $0xFFFFFEF7, lr;
	s5 =	simm.s32 $0xFFFFFFFF;
	p2 =	slt.u32 s8, $0xFFFFF086  }
0x1c: {  	p1 =	slt.u32 s9, $0xF7A;
	s5 =	simm.s32 @!p2 $0x0  }
0x1d: {  	s5 =	simm.s32 @p1 $0x1;
	p0 =	seq.s32 s7, s2  }
0x1e: {  	s7 =	smul.u32 @!p0 $0xF7A, s2;
	p2 =	seq.s32 @!p0 s5, $0x0  }
0x1f: {  	s9 =	smul.u32 $0xF7A, s1;
	s8 =	simm.s32 @!p0 $0x1BF5;
	p2 =	por !p2, p0  }
0x20: {  	[sflag:s8] =	ssyncset.s32 @!p0 $0xFFFFF086;
	s6 =	sadd.s32 @!p0 s3, s7;
	s7 =	simm.s32 @!p0 $0x108  }
0x21: {  	s3 =	sadd.s32 s3, s9;
	s6 =	sadd.s32 @!p0 $0x88, s6;
	s7 =	simm.s32 @p2 $0x1082  }
0x22: {  	[simem:s7], [sflag:s8] =	dma.local @!p0 [hbm:s6], $0xF7A  }
0x23: {  	s9 =	sor.u32 $0xD0000000, s2;
	s6 =	simm.s32 $0x108;
	_ =	swait.ge @!p0 [sflag:s8], $0x0  }
0x24: {  	s3 =	sadd.s32 $0x88, s3;
	s6 =	simm.s32 @!p1 $0x1082;
	[sflag:s4] =	ssyncset.s32 $0xFFFFF086  }
0x25: {  	[simem:s6], [sflag:s4] =	dma.local [hbm:s3], $0xF7A  }
0x26: {  	[smem:$0x3F60] =	sst s1;
	(tag) =	ssettag s2;
	_ =	strace s9  }
0x27: {  	s1 =	sld [smem:$0x3F70]  }
0x28: {  	s2 =	sld [smem:$0x3F71]  }
0x29: {  	s4 =	sld [smem:$0x3F73]  }
0x2a: {  	p0 =	seq.s32 s5, $0x0;
	s5 =	sld [smem:$0x3F74]  }
0x2b: {  	s6 =	sld [smem:$0x3F75]  }
0x2c: {  	s7 =	sld [smem:$0x3F76]  }
0x2d: {  	s3 =	simm.s32 $0x108;
	s8 =	sld [smem:$0x3F77]  }
0x2e: {  	s3 =	simm.s32 @!p0 $0x1082;
	s9 =	sld [smem:$0x3F78]  }
0x2f: {  	lr =	sadd.s32 s0, s3;
	s0 =	sld [smem:$0x3F6F]  }
0x30: {  	s3 =	sld [smem:$0x3F72]  }
0x31: {  	[smem:$0x3F7B] =	sst s10  }
0x32: {  	s10 =	sld [smem:$0x3F79];
	_ =	sdelay $0x3  }
0x33: {  	p0 =	seq.s32 s10, $0x1;
	s10 =	sld [smem:$0x3F7B];
	_ =	sdelay $0x3  }
0x34: {  	[smem:$0x3F7B] =	sst s10  }
0x35: {  	s10 =	sld [smem:$0x3F7A];
	_ =	sdelay $0x3  }
0x36: {  	p1 =	seq.s32 s10, $0x1;
	s10 =	sld [smem:$0x3F7B];
	_ =	sdelay $0x3  }
0x37: {  	[smem:$0x3F7B] =	sst s10  }
0x38: {  	s10 =	sld [smem:$0x3F7C]  }
0x39: {  	_ = 	snop;
	(pc) =	sbr.ind lr, $3  }
0x3a: {  	_ = 	snop  }
0x3b: {  	_ = 	snop  }
0x3c: {  	p2 =	seq.s32 s10, $0x1;
	s10 =	sld [smem:$0x3F7B]  }
0x3d: {  	_ =	shalt  }
0x3e: {  	_ =	shalt  }
0x3f: {  	_ =	shalt  }
0x40: {  	_ =	shalt  }
0x41: {  	_ =	shalt  }
0x42: {  	_ =	shalt  }
0x43: {  	_ =	shalt  }
0x44: {  	_ =	shalt  }
0x45: {  	_ =	shalt  }
0x46: {  	_ =	shalt  }
0x47: {  	_ =	shalt  }
0x48: {  	_ =	shalt  }
0x49: {  	_ =	shalt  }
0x4a: {  	_ =	shalt  }
0x4b: {  	_ =	shalt  }
0x4c: {  	_ =	shalt  }
0x4d: {  	_ =	shalt  }
0x4e: {  	_ =	shalt  }
0x4f: {  	_ =	shalt  }
0x50: {  	_ =	shalt  }
0x51: {  	_ =	shalt  }
0x52: {  	_ =	shalt  }
0x53: {  	_ =	shalt  }
0x54: {  	_ =	shalt  }
0x55: {  	_ =	shalt  }
0x56: {  	_ =	shalt  }
0x57: {  	_ =	shalt  }
0x58: {  	_ =	shalt  }
0x59: {  	_ =	shalt  }
0x5a: {  	_ =	shalt  }
0x5b: {  	_ =	shalt  }
0x5c: {  	_ =	shalt  }
0x5d: {  	_ =	shalt  }
0x5e: {  	_ =	shalt  }
0x5f: {  	_ =	shalt  }
0x60: {  	_ =	shalt  }
0x61: {  	_ =	shalt  }
0x62: {  	_ =	shalt  }
0x63: {  	_ =	shalt  }
0x64: {  	_ =	shalt  }
0x65: {  	_ =	shalt  }
0x66: {  	_ =	shalt  }
0x67: {  	_ =	shalt  }
0x68: {  	_ =	shalt  }
0x69: {  	_ =	shalt  }
0x6a: {  	_ =	shalt  }
0x6b: {  	_ =	shalt  }
0x6c: {  	_ =	shalt  }
0x6d: {  	_ =	shalt  }
0x6e: {  	_ =	shalt  }
0x6f: {  	_ =	shalt  }
0x70: {  	_ =	shalt  }
0x71: {  	_ =	shalt  }
0x72: {  	_ =	shalt  }
0x73: {  	_ =	shalt  }
0x74: {  	_ =	shalt  }
0x75: {  	_ =	shalt  }
0x76: {  	_ =	shalt  }
0x77: {  	_ =	shalt  }
0x78: {  	_ =	shalt  }
0x79: {  	_ =	shalt  }
0x7a: {  	_ =	shalt  }
0x7b: {  	_ =	shalt  }
0x7c: {  	_ =	shalt  }
0x7d: {  	_ =	shalt  }
0x7e: {  	_ =	shalt  }
0x7f: {  	_ =	shalt  }
0x80: {  	_ =	shalt  }
0x81: {  	_ =	shalt  }
0x82: {  	_ =	shalt  }
0x83: {  	_ =	shalt  }
0x84: {  	_ =	shalt  }
0x85: {  	_ =	shalt  }
0x86: {  	_ =	shalt  }
0x87: {  	_ =	shalt  }
.Lfunc_end0:
.L_simem_size_0:
called_computation.2_lowered:
.L_overlay_start_0:
0x88: {  	s2 =	sld [smem:$0x3FD9]  }
0x89: {  	s3 =	sld [smem:$0x3FFE];
	_ =	sdelay $0x1  }
0x8a: {  	s1 =	srdreg.scid  }
0x8b: {  	s0 =	sand.u32 $0x1, s1  }
0x8c: {  	s17 =	sshll.u32 s0, $0xA;
	s2 =	sadd.s32 s3, s2  }
0x8d: {  	s2 =	sadd.s32 s2, s17  }
0x8e: {  	[smem:$0x3F87] =	sst s2  }
0x8f: {  	_ = 	snop  }
0x90: {  	(tm) =	ssettm $0x1  }
0x91: {  	s18 =	sld [smem:$0x3FFB];
	_ =	sdelay $0x3  }
0x92: {  	_ =	strace s18  }
0x93: {  	s2 =	sld [smem:$0x3FFC];
	_ =	sdelay $0x3  }
0x94: {  	_ =	strace s2  }
0x95: {  	s2 =	sld [smem:$0x3FFD];
	_ =	sdelay $0x3  }
0x96: {  	_ =	strace s2  }
0x97: {  	_ =	strace $0x8FFFFFFF  }
0x98: {  	s19 =	sld [smem:$0x3FDB];
	_ =	sdelay $0x1  }
0x99: {  	s20 =	simm.s32 $_scs_section_size  }
0x9a: {  	s4 =	simm.s32 $_size__tile_overlayer_lowered;
	s5 =	simm.s32 $_tile_overlayer_lowered  }
0x9b: {  	s6 =	simm.s32 $0x1BFF;
	s21 =	sshll.u32 s5, $0x1;
	s3 =	sadd.s32 s20, s19  }
0x9c: {  	s22 =	simm.s32 $0x0;
	s4 =	sshll.u32 s4, $0x1;
	s5 =	sadd.s32 s21, s3  }
0x9d: {  	[timem:s22], [sflag:s6] =	dma.local [hbm:s5], s4  }
0x9e: {  	_ =	swait.ge [sflag:s6], s4  }
0x9f: {  	s4 =	ssub.s32 $0x0, s4;
	[sflag:s6] =	ssyncset.done $0x0  }
0xa0: {  	[sflag:s6] =	ssyncadd.s32 s4;
	_ =	sdelay $0x1  }
0xa1: {  	s23 =	simm.s32 $0x1B8B  }
0xa2: {  	_ =	swait.ge [sflag:s23], $0x1  }
0xa3: {  	[sflag:s23] =	ssyncset.done $0x0  }
0xa4: {  	[sflag:s23] =	ssyncadd.s32 $0xFFFFFFFF  }
0xa5: {  	s4 =	sld [smem:$0x0]  }
0xa6: {  	s5 =	sand.u32 $0xFFFFFFFE, s1  }
0xa7: {  	p0 =	sne.s32 s1, s5  }
0xa8: {  	s5 =	sshll.u32 @p0 s5, $0xE  }
0xa9: {  	s5 =	sadd.s32 @p0 $0x11B8D, s5;
	s6 =	sshll.u32 @p0 s4, $0x11  }
0xaa: {  	s5 =	sor.u32 @p0 s6, s5  }
0xab: {  	[sflag:s5] =	ssyncadd.remote.s32 @p0 $0x1;
	_ =	sdelay $0x1  }
0xac: {  	s5 =	simm.s32 @p0 $0x1B8D  }
0xad: {  	_ =	swait.eq @p0 [sflag:s5], $0x1  }
0xae: {  	[sflag:s5] =	ssyncadd.s32 @p0 $0xFFFFFFFF  }
0xaf: {  	s6 =	sshll.u32 @!p0 s1, $0xE  }
0xb0: {  	s6 =	sor.u32 @!p0 $0x4000, s6;
	s5 =	simm.s32 @!p0 $0x1B8D  }
0xb1: {  	s4 =	sshll.u32 @!p0 s4, $0x11;
	s6 =	sadd.s32 @!p0 $0x11B8D, s6;
	_ =	swait.eq @!p0 [sflag:s5], $0x1  }
0xb2: {  	s4 =	sor.u32 @!p0 s4, s6;
	[sflag:s5] =	ssyncadd.s32 @!p0 $0xFFFFFFFF  }
0xb3: {  	s25 =	simm.s32 $0x1B8E;
	s24 =	sld [smem:$0x3FFE];
	[sflag:s4] =	ssyncadd.remote.s32 @!p0 $0x1  }
0xb4: {  	s26 =	simm.s32 $execute0_lowered;
	[smem:$0x3FD2] =	sst s25  }
0xb5: {  	s5 =	sshll.u32 s26, $0x1;
	_ =	strace $0x8000004C;
	[dreg:$0x1] =	wrdreg $0xFFFFFFFF  }
0xb6: {  	s28 =	simm.s32 $_size_execute0_lowered;
	s3 =	sadd.s32 s3, s5;
	[dreg:$0x0] =	wrdreg $0x0  }
0xb7: {  	s5 =	sshll.u32 s28, $0x1;
	[dreg:$0x2] =	wrdreg s3  }
0xb8: {  	[dreg:$0x3] =	wrdreg s5  }
0xb9: {  	[dreg:$0x4] =	wrdreg $0xC0  }
0xba: {  	_ =	task [dreg:s22], $0x5FFFF  }
0xbb: {  	[dreg:$0x1] =	wrdreg $0xFFFFFFFF  }
0xbc: {  	[dreg:$0x0] =	wrdreg $0x60  }
0xbd: {  	[dreg:$0x2] =	wrdreg s24  }
0xbe: {  	[dreg:$0x3] =	wrdreg $0x32000  }
0xbf: {  	[dreg:$0x4] =	wrdreg $0xA  }
0xc0: {  	_ =	task.clear_ibuf [dreg:s22], $0x5FFFF;
	_ =	strace $0x9000004C  }
0xc1: {  	s29 =	simm.s32 $0xA;
	_ =	strace $0x8000004E  }
0xc2: {  	_ =	swait.ge [sflag:s29], $0x1  }
0xc3: {  	[sflag:s29] =	ssyncadd.s32 $0xFFFFFFFF  }
0xc4: {  	_ =	strace $0x9000004E  }
0xc5: {  	_ =	sfence  }
0xc6: {  	s30 =	sld [smem:$0x0];
	_ =	sdelay $0x2  }
0xc7: {  	s31 =	sshll.u32 s1, $0xD;
	s1 =	sshrl.u32 s1, $0x2  }
0xc8: {  	s4 =	sand.u32 $0x4000, s31;
	s1 =	sadd.s32 s1, s30  }
0xc9: {  	s0 =	sor.u32 s4, s0;
	s1 =	sshll.u32 s1, $0x11  }
0xca: {  	s0 =	sor.u32 s1, s0  }
0xcb: {  	s0 =	sadd.s32 $0x8F2B, s0  }
0xcc: {  	[sflag:s0] =	ssyncadd.remote.s32 $0x1  }
0xcd: {  	_ =	sfence.sel $0xFFFF  }
0xce: {  	[dreg:$0x0] =	wrdreg $0xFFFFFFFF;
	(pc) =	sbr.abs _section_cstart, $3  }
0xcf: {  	[dreg:$0x1] =	wrdreg $0xFFFFFFFF  }
0xd0: {  	_ =	task.clear_ibuf [dreg:s22], $0x2FFFF;
	_ =	strace $0x9FFFFFFF  }
0xd1: {  	(tm) =	ssettm $0x7FFFFFFF  }
tec
execute0_lowered:
.L_overlay_start_1:
0x0: {  	(tag) =	ssettag $0x1  }
0x1: {  	s5 =	rddreg [dreg:$0x0]  }
0x2: {  	s2 =	rddreg [dreg:$0x1]  }
0x3: {  	s0 =	rddreg [dreg:$0x2];
	s3 =	simm.s32 $0x0  }
0x4: {  	s1 =	stileid.u32;
	s29 =	srdreg.scid;
	s14 =	simm.s32 $0x18  }
0x5: {  	s15 =	simm.s32 $0x30;
	s16 =	simm.s32 $0x200;
	s17 =	simm.s32 $0x80  }
0x6: {  	s18 =	simm.s32 $0xE00;
	s19 =	simm.s32 $0x100;
	s20 =	simm.s32 $0x1A00  }
0x7: {  	s21 =	simm.s32 $0x180;
	s22 =	simm.s32 $0x2600;
	s4 =	smul.u32 $0x49800, s1  }
0x8: {  	s23 =	simm.s32 $0x6;
	s24 =	simm.s32 $0x3;
	s6 =	smul.u32 $0x1880, s1  }
0x9: {  	s25 =	simm.s32 $0x0;
	[smem:$0x7FF] =	sst s3;
	s7 =	smul.u32 $0x4944, s1  }
0xa: {  	s30 =	sand.u32 $0x1, s29;
	s8 =	smul.u32 $0x49440, s1;
	s12 =	sshll.u32 s1, $0x6  }
0xb: {  	_ =	strace $0x8000004D;
	s31 =	ssub.s32 $0x2, s30;
	p0 =	seq.s32 s30, $0x1  }
0xc: {  	s11 =	sadd.s32 s4, s5;
	s10 =	sadd.s32 s6, s5;
	s4 =	sadd.s32 $0x41400, s5  }
.Ltmp0:
0xd: {  	s7 =	sadd.s32 s7, s5;
	s9 =	sshrl.u32 s31, $0x1;
	(pc) =	sbr.rel .LBB2_1-.Ltmp0, $4  }
0xe: {  	s8 =	sshrl.u32 s8, $0x2;
	s5 =	sor.u32 $0x1C01, s12;
	s9 =	ssub.s32 s31, s9  }
0xf: {  	s13 =	sadd.s32 s8, s2;
	s6 =	sadd.s32 $0x9CC00, s7;
	s7 =	sadd.s32 $0x9CC03, s7  }
0x10: {  	s10 =	sadd.s32 $0x28C00, s10;
	s8 =	smax.u32 s9, $0x1;
	s9 =	sadd.s32 $0x28B600, s11  }
0x11: {  	s11 =	sadd.s32 $0x28B603, s11;
	s12 =	sshrl.u32 s13, $0x3;
	s13 =	simm.s32 $0x1  }
.LBB2_7:
0x12: {  	s28 =	sadd.s32 s28, s10;
	[sflag:s13] =	ssyncadd.s32 $0xFFFFF400  }
0x13: {  	[tilespmem:s3], [sflag:$0x1] =	stream.linear.gather [hbm4b:s28+s3], $0x200, $0x38;
	[tilespmem:$0x15710] =	vst v63  }
0x14: {  	_ =	swait.ge [sflag:s13], $0x200  }
0x15: {  	[sflag:s13] =	ssyncset.done $0x0  }
0x16: {  	[sflag:s13] =	ssyncadd.s32 $0xFFFFFE00  }
0x17: {  	[tilespmem:s16], [sflag:$0x1] =	stream.strided.gather [hbm4b:s26+s14], $0x3000, s15, s14, $0x38;
	[tilespmem:$0x15710] =	vst v63  }
0x18: {  	_ =	swait.ge [sflag:s13], $0x3000  }
0x19: {  	[sflag:s13] =	ssyncset.done $0x0  }
0x1a: {  	[sflag:s13] =	ssyncadd.s32 $0xFFFFD000  }
0x1b: {  	[spmem:s2] =	stream.indirect.scatter.add.f32 [tilespmem:s16], [sflag:$0x1], $0x18, s3, s17, $0xb8;
	[tilespmem:$0x15710] =	vst v63  }
0x1c: {  	_ =	swait.ge [sflag:s13], $0xC00  }
0x1d: {  	[sflag:s13] =	ssyncset.done $0x0  }
0x1e: {  	[sflag:s13] =	ssyncadd.s32 $0xFFFFF400  }
0x1f: {  	[spmem:s2] =	stream.indirect.scatter.add.f32 [tilespmem:s18], [sflag:$0x1], $0x18, s17, s17, $0xb8;
	[tilespmem:$0x15710] =	vst v63  }
0x20: {  	_ =	swait.ge [sflag:s13], $0xC00  }
0x21: {  	[sflag:s13] =	ssyncset.done $0x0  }
0x22: {  	[sflag:s13] =	ssyncadd.s32 $0xFFFFF400  }
0x23: {  	[spmem:s2] =	stream.indirect.scatter.add.f32 [tilespmem:s20], [sflag:$0x1], $0x18, s19, s17, $0xb8;
	[tilespmem:$0x15710] =	vst v63  }
0x24: {  	_ =	swait.ge [sflag:s13], $0xC00  }
0x25: {  	[sflag:s13] =	ssyncset.done $0x0  }
0x26: {  	[sflag:s13] =	ssyncadd.s32 $0xFFFFF400  }
0x27: {  	[spmem:s2] =	stream.indirect.scatter.add.f32 [tilespmem:s22], [sflag:$0x1], $0x18, s21, s17, $0xb8;
	[tilespmem:$0x15710] =	vst v63  }
0x28: {  	_ =	swait.ge [sflag:s13], $0xC00  }
0x29: {  	[sflag:s13] =	ssyncset.done $0x0  }
0x2a: {  	s26 =	smov.u32 s7;
	[sflag:s13] =	ssyncadd.s32 $0xFFFFF400  }
.LBB2_8:
0x2b: {  	s25 =	sadd.s32 $0x1, s25  }
0x2c: {  	p1 =	sne.s32 s25, s8  }
.Ltmp1:
0x2d: {  	[bflag:$0x0] =	sbarrier.arrive $0xFFFF;
	(pc) =	sbr.rel @!p1 .LBB2_9-.Ltmp1, $4  }
0x2e: {  	[hbm:s26@s23], [sflag:s5] =	dma.strided [spmem:s12@s24], $0x24A2, s13, $0x3   }
0x2f: {  	_ =	swait.ge [sflag:s13], $0x24A2  }
0x30: {  	[sflag:s13] =	ssyncset.done $0x0  }
0x31: {  	[sflag:s13] =	ssyncadd.s32 $0xFFFFDB5E  }
.LBB2_1:
0x32: {  	[spmem:s12], [sflag:s5] =	dma.local [hbm:s4], $0x24A2  }
.Ltmp2:
0x33: {  	_ =	swait.ge [sflag:s13], $0x24A2;
	(pc) =	sbr.rel @!p0 .LBB2_2-.Ltmp2, $4  }
0x34: {  	[sflag:s13] =	ssyncset.done $0x0  }
0x35: {  	[sflag:s13] =	ssyncadd.s32 $0xFFFFDB5E  }
0x36: {  	[bflag:$0x0] =	sbarrier.arrive $0xFFFF  }
0x37: {  	s26 =	sadd.s32 $0x0, s10  }
0x38: {  	[tilespmem:s3], [sflag:$0x1] =	stream.linear.gather [hbm4b:s26+s3], $0x200, $0x38;
	[tilespmem:$0x15710] =	vst v63  }
0x39: {  	_ =	swait.ge [sflag:s13], $0x200  }
0x3a: {  	[sflag:s13] =	ssyncset.done $0x0  }
0x3b: {  	[sflag:s13] =	ssyncadd.s32 $0xFFFFFE00  }
0x3c: {  	[tilespmem:s16], [sflag:$0x1] =	stream.strided.gather [hbm4b:s11+s14], $0x3000, s15, s14, $0x38;
	[tilespmem:$0x15710] =	vst v63  }
0x3d: {  	_ =	swait.ge [sflag:s13], $0x3000  }
0x3e: {  	[sflag:s13] =	ssyncset.done $0x0  }
0x3f: {  	[sflag:s13] =	ssyncadd.s32 $0xFFFFD000  }
0x40: {  	[spmem:s2] =	stream.indirect.scatter.add.f32 [tilespmem:s16], [sflag:$0x1], $0x18, s3, s17, $0xb8;
	[tilespmem:$0x15710] =	vst v63  }
0x41: {  	_ =	swait.ge [sflag:s13], $0xC00  }
0x42: {  	[sflag:s13] =	ssyncset.done $0x0  }
0x43: {  	[sflag:s13] =	ssyncadd.s32 $0xFFFFF400  }
0x44: {  	[spmem:s2] =	stream.indirect.scatter.add.f32 [tilespmem:s18], [sflag:$0x1], $0x18, s17, s17, $0xb8;
	[tilespmem:$0x15710] =	vst v63  }
0x45: {  	_ =	swait.ge [sflag:s13], $0xC00  }
0x46: {  	[sflag:s13] =	ssyncset.done $0x0  }
0x47: {  	[sflag:s13] =	ssyncadd.s32 $0xFFFFF400  }
0x48: {  	[spmem:s2] =	stream.indirect.scatter.add.f32 [tilespmem:s20], [sflag:$0x1], $0x18, s19, s17, $0xb8;
	[tilespmem:$0x15710] =	vst v63  }
0x49: {  	_ =	swait.ge [sflag:s13], $0xC00  }
0x4a: {  	[sflag:s13] =	ssyncset.done $0x0  }
0x4b: {  	[sflag:s13] =	ssyncadd.s32 $0xFFFFF400  }
0x4c: {  	[spmem:s2] =	stream.indirect.scatter.add.f32 [tilespmem:s22], [sflag:$0x1], $0x18, s21, s17, $0xb8;
	[tilespmem:$0x15710] =	vst v63  }
0x4d: {  	s28 =	simm.s32 $0x40;
	_ =	swait.ge [sflag:s13], $0xC00  }
0x4e: {  	s29 =	simm.s32 $0x80;
	s26 =	sadd.s32 $0xC00, s11;
	[sflag:s13] =	ssyncset.done $0x0  }
.LBB2_6:
0x4f: {  	s30 =	sadd.s32 s28, s10  }
0x50: {  	[sflag:s13] =	ssyncadd.s32 $0xFFFFF400;
	s28 =	smov.u32 s29;
	s31 =	sadd.s32 $0x40, s29  }
0x51: {  	[tilespmem:s3], [sflag:$0x1] =	stream.linear.gather [hbm4b:s30+s3], $0x200, $0x38;
	[tilespmem:$0x15710] =	vst v63  }
0x52: {  	p1 =	sne.s32 s29, $0x1840;
	_ =	swait.ge [sflag:s13], $0x200  }
0x53: {  	[sflag:s13] =	ssyncset.done $0x0  }
0x54: {  	[sflag:s13] =	ssyncadd.s32 $0xFFFFFE00  }
0x55: {  	[tilespmem:s16], [sflag:$0x1] =	stream.strided.gather [hbm4b:s26+s14], $0x3000, s15, s14, $0x38;
	[tilespmem:$0x15710] =	vst v63  }
0x56: {  	_ =	swait.ge [sflag:s13], $0x3000  }
0x57: {  	[sflag:s13] =	ssyncset.done $0x0  }
0x58: {  	[sflag:s13] =	ssyncadd.s32 $0xFFFFD000  }
0x59: {  	[spmem:s2] =	stream.indirect.scatter.add.f32 [tilespmem:s16], [sflag:$0x1], $0x18, s3, s17, $0xb8;
	[tilespmem:$0x15710] =	vst v63  }
0x5a: {  	_ =	swait.ge [sflag:s13], $0xC00  }
0x5b: {  	[sflag:s13] =	ssyncset.done $0x0  }
0x5c: {  	[sflag:s13] =	ssyncadd.s32 $0xFFFFF400  }
0x5d: {  	[spmem:s2] =	stream.indirect.scatter.add.f32 [tilespmem:s18], [sflag:$0x1], $0x18, s17, s17, $0xb8;
	[tilespmem:$0x15710] =	vst v63  }
0x5e: {  	_ =	swait.ge [sflag:s13], $0xC00  }
0x5f: {  	[sflag:s13] =	ssyncset.done $0x0  }
0x60: {  	[sflag:s13] =	ssyncadd.s32 $0xFFFFF400  }
0x61: {  	[spmem:s2] =	stream.indirect.scatter.add.f32 [tilespmem:s20], [sflag:$0x1], $0x18, s19, s17, $0xb8;
	[tilespmem:$0x15710] =	vst v63  }
0x62: {  	_ =	swait.ge [sflag:s13], $0xC00  }
.Ltmp3:
0x63: {  	[sflag:s13] =	ssyncset.done $0x0;
	(pc) =	sbr.rel @p1 .LBB2_6-.Ltmp3, $4  }
0x64: {  	[sflag:s13] =	ssyncadd.s32 $0xFFFFF400  }
0x65: {  	[spmem:s2] =	stream.indirect.scatter.add.f32 [tilespmem:s22], [sflag:$0x1], $0x18, s21, s17, $0xb8;
	[tilespmem:$0x15710] =	vst v63  }
0x66: {  	_ =	swait.ge [sflag:s13], $0xC00  }
0x67: {  	s29 =	smov.u32 s31;
	s26 =	sadd.s32 $0xC00, s26;
	[sflag:s13] =	ssyncset.done $0x0  }
.Ltmp4:
0x68: {  	_ = 	snop;
	(pc) =	sbr.rel .LBB2_7-.Ltmp4, $1  }
0x69: {  	_ =	sdelay $0x3  }
.LBB2_2:
0x6a: {  	[tilespmem:s3], [sflag:$0x1] =	stream.linear.gather [hbm4b:s26+s3], $0x200, $0x38;
	[tilespmem:$0x15710] =	vst v63  }
0x6b: {  	_ =	swait.ge [sflag:s13], $0x200  }
0x6c: {  	[sflag:s13] =	ssyncset.done $0x0  }
0x6d: {  	[sflag:s13] =	ssyncadd.s32 $0xFFFFFE00  }
0x6e: {  	[tilespmem:s16], [sflag:$0x1] =	stream.strided.gather [hbm4b:s9+s14], $0x3000, s15, s14, $0x38;
	[tilespmem:$0x15710] =	vst v63  }
0x6f: {  	_ =	swait.ge [sflag:s13], $0x3000  }
0x70: {  	[sflag:s13] =	ssyncset.done $0x0  }
0x71: {  	[sflag:s13] =	ssyncadd.s32 $0xFFFFD000  }
0x72: {  	[spmem:s2] =	stream.indirect.scatter.add.f32 [tilespmem:s16], [sflag:$0x1], $0x18, s3, s17, $0xb8;
	[tilespmem:$0x15710] =	vst v63  }
0x73: {  	_ =	swait.ge [sflag:s13], $0xC00  }
0x74: {  	[sflag:s13] =	ssyncset.done $0x0  }
0x75: {  	[sflag:s13] =	ssyncadd.s32 $0xFFFFF400  }
0x76: {  	[spmem:s2] =	stream.indirect.scatter.add.f32 [tilespmem:s18], [sflag:$0x1], $0x18, s17, s17, $0xb8;
	[tilespmem:$0x15710] =	vst v63  }
0x77: {  	_ =	swait.ge [sflag:s13], $0xC00  }
0x78: {  	[sflag:s13] =	ssyncset.done $0x0  }
0x79: {  	[sflag:s13] =	ssyncadd.s32 $0xFFFFF400  }
0x7a: {  	[spmem:s2] =	stream.indirect.scatter.add.f32 [tilespmem:s20], [sflag:$0x1], $0x18, s19, s17, $0xb8;
	[tilespmem:$0x15710] =	vst v63  }
0x7b: {  	_ =	swait.ge [sflag:s13], $0xC00  }
0x7c: {  	[sflag:s13] =	ssyncset.done $0x0  }
0x7d: {  	[sflag:s13] =	ssyncadd.s32 $0xFFFFF400  }
0x7e: {  	[spmem:s2] =	stream.indirect.scatter.add.f32 [tilespmem:s22], [sflag:$0x1], $0x18, s21, s17, $0xb8;
	[tilespmem:$0x15710] =	vst v63  }
0x7f: {  	s28 =	simm.s32 $0x40;
	_ =	swait.ge [sflag:s13], $0xC00  }
0x80: {  	s29 =	simm.s32 $0x80;
	s26 =	sadd.s32 $0xC00, s9;
	[sflag:s13] =	ssyncset.done $0x0  }
.LBB2_3:
0x81: {  	s30 =	sadd.s32 s28, s10  }
0x82: {  	[sflag:s13] =	ssyncadd.s32 $0xFFFFF400;
	s28 =	smov.u32 s29;
	s31 =	sadd.s32 $0x40, s29  }
0x83: {  	[tilespmem:s3], [sflag:$0x1] =	stream.linear.gather [hbm4b:s30+s3], $0x200, $0x38;
	[tilespmem:$0x15710] =	vst v63  }
0x84: {  	p1 =	seq.s32 s29, $0x1840;
	_ =	swait.ge [sflag:s13], $0x200  }
0x85: {  	[sflag:s13] =	ssyncset.done $0x0  }
0x86: {  	[sflag:s13] =	ssyncadd.s32 $0xFFFFFE00  }
0x87: {  	[tilespmem:s16], [sflag:$0x1] =	stream.strided.gather [hbm4b:s26+s14], $0x3000, s15, s14, $0x38;
	[tilespmem:$0x15710] =	vst v63  }
0x88: {  	_ =	swait.ge [sflag:s13], $0x3000  }
0x89: {  	[sflag:s13] =	ssyncset.done $0x0  }
0x8a: {  	[sflag:s13] =	ssyncadd.s32 $0xFFFFD000  }
0x8b: {  	[spmem:s2] =	stream.indirect.scatter.add.f32 [tilespmem:s16], [sflag:$0x1], $0x18, s3, s17, $0xb8;
	[tilespmem:$0x15710] =	vst v63  }
0x8c: {  	_ =	swait.ge [sflag:s13], $0xC00  }
0x8d: {  	[sflag:s13] =	ssyncset.done $0x0  }
0x8e: {  	[sflag:s13] =	ssyncadd.s32 $0xFFFFF400  }
0x8f: {  	[spmem:s2] =	stream.indirect.scatter.add.f32 [tilespmem:s18], [sflag:$0x1], $0x18, s17, s17, $0xb8;
	[tilespmem:$0x15710] =	vst v63  }
0x90: {  	_ =	swait.ge [sflag:s13], $0xC00  }
0x91: {  	[sflag:s13] =	ssyncset.done $0x0  }
0x92: {  	[sflag:s13] =	ssyncadd.s32 $0xFFFFF400  }
0x93: {  	[spmem:s2] =	stream.indirect.scatter.add.f32 [tilespmem:s20], [sflag:$0x1], $0x18, s19, s17, $0xb8;
	[tilespmem:$0x15710] =	vst v63  }
0x94: {  	_ =	swait.ge [sflag:s13], $0xC00  }
.Ltmp5:
0x95: {  	[sflag:s13] =	ssyncset.done $0x0;
	(pc) =	sbr.rel @!p1 .LBB2_3-.Ltmp5, $4  }
0x96: {  	[sflag:s13] =	ssyncadd.s32 $0xFFFFF400  }
0x97: {  	[spmem:s2] =	stream.indirect.scatter.add.f32 [tilespmem:s22], [sflag:$0x1], $0x18, s21, s17, $0xb8;
	[tilespmem:$0x15710] =	vst v63  }
0x98: {  	_ =	swait.ge [sflag:s13], $0xC00  }
0x99: {  	s29 =	smov.u32 s31;
	s26 =	sadd.s32 $0xC00, s26;
	[sflag:s13] =	ssyncset.done $0x0  }
0x9a: {  	s28 =	sadd.s32 s28, s10;
	[sflag:s13] =	ssyncadd.s32 $0xFFFFF400  }
0x9b: {  	[tilespmem:s3], [sflag:$0x1] =	stream.linear.gather [hbm4b:s28+s3], $0x200, $0x38;
	[tilespmem:$0x15710] =	vst v63  }
0x9c: {  	_ =	swait.ge [sflag:s13], $0x200  }
0x9d: {  	[sflag:s13] =	ssyncset.done $0x0  }
0x9e: {  	[sflag:s13] =	ssyncadd.s32 $0xFFFFFE00  }
0x9f: {  	[tilespmem:s16], [sflag:$0x1] =	stream.strided.gather [hbm4b:s26+s14], $0x3000, s15, s14, $0x38;
	[tilespmem:$0x15710] =	vst v63  }
0xa0: {  	_ =	swait.ge [sflag:s13], $0x3000  }
0xa1: {  	[sflag:s13] =	ssyncset.done $0x0  }
0xa2: {  	[sflag:s13] =	ssyncadd.s32 $0xFFFFD000  }
0xa3: {  	[spmem:s2] =	stream.indirect.scatter.add.f32 [tilespmem:s16], [sflag:$0x1], $0x18, s3, s17, $0xb8;
	[tilespmem:$0x15710] =	vst v63  }
0xa4: {  	_ =	swait.ge [sflag:s13], $0xC00  }
0xa5: {  	[sflag:s13] =	ssyncset.done $0x0  }
0xa6: {  	[sflag:s13] =	ssyncadd.s32 $0xFFFFF400  }
0xa7: {  	[spmem:s2] =	stream.indirect.scatter.add.f32 [tilespmem:s18], [sflag:$0x1], $0x18, s17, s17, $0xb8;
	[tilespmem:$0x15710] =	vst v63  }
0xa8: {  	_ =	swait.ge [sflag:s13], $0xC00  }
0xa9: {  	[sflag:s13] =	ssyncset.done $0x0  }
0xaa: {  	[sflag:s13] =	ssyncadd.s32 $0xFFFFF400  }
0xab: {  	[spmem:s2] =	stream.indirect.scatter.add.f32 [tilespmem:s20], [sflag:$0x1], $0x18, s19, s17, $0xb8;
	[tilespmem:$0x15710] =	vst v63  }
0xac: {  	_ =	swait.ge [sflag:s13], $0xC00  }
0xad: {  	[sflag:s13] =	ssyncset.done $0x0  }
.Ltmp6:
0xae: {  	[sflag:s13] =	ssyncadd.s32 $0xFFFFF400;
	(pc) =	sbr.rel .LBB2_8-.Ltmp6, $4  }
0xaf: {  	[spmem:s2] =	stream.indirect.scatter.add.f32 [tilespmem:s22], [sflag:$0x1], $0x18, s21, s17, $0xb8;
	[tilespmem:$0x15710] =	vst v63  }
0xb0: {  	_ =	swait.ge [sflag:s13], $0xC00  }
0xb1: {  	[sflag:s13] =	ssyncset.done $0x0  }
0xb2: {  	s26 =	smov.u32 s6;
	[sflag:s13] =	ssyncadd.s32 $0xFFFFF400  }
.LBB2_9:
0xb3: {  	_ =	sfence.sel $0x180000  }
0xb4: {  	[bflag:$0x0] =	sbarrier.arrive $0xFFFF  }
0xb5: {  	p0 =	sne.s32 s1, $0x0;
	_ =	strace $0x9000004D  }
0xb6: {  	s0 =	sadd.s32 @!p0 $0x100000, s0;
	[bflag:$0x2] =	sbarrier.arrive $0xFFFF  }
0xb7: {  	[sflag:s0] =	ssyncadd.tile.s32 @!p0 $0x1;
	_ =	shalt  }
.Lfunc_end2:
_tile_overlayer_lowered:
.L_overlay_start_2:
0xb8: {  	(tag) =	ssettag $0x2  }
0xb9: {  	s0 =	rddreg [dreg:$0x0];
	s2 =	stileid.u32  }
0xba: {  	s1 =	rddreg [dreg:$0x1];
	p0 =	sne.s32 s2, $0x0  }
0xbb: {  	s3 =	rddreg [dreg:$0x2];
	[bflag:$0x3] =	sbarrier.arrive $0xFFFF;
	s2 =	simm.s32 @!p0 $0x1C01  }
0xbc: {  	[timem:s3], [sflag:s2] =	dma.local @!p0 [hbm:s0], s1  }
0xbd: {  	s0 =	simm.s32 @!p0 $0x1  }
0xbe: {  	_ =	swait.ge @!p0 [sflag:s0], s1  }
0xbf: {  	s1 =	ssub.s32 @!p0 $0x0, s1;
	[sflag:s0] =	ssyncset.done @!p0 $0x0  }
0xc0: {  	[sflag:s0] =	ssyncadd.s32 @!p0 s1  }
0xc1: {  	[bflag:$0x3] =	sbarrier.arrive $0xFFFF  }
0xc2: {  	_ =	shalt  }

// kernel: kernel.22.cloned.1.call-start
scs
__scs_entry_jumppad:
0x0: {  	(pc) =	sbr.rel $0x88, $3  }
0x1: {  	(tag) =	ssettag $0x0;
	lr =	simm.s32 $0x1  }
0x2: {  	[smem:$0x3F60] =	sst lr;
	_ =	strace $0xD0000000  }
0x3: {  	_ = 	snop  }
0x4: {  	_ = 	snop  }
0x5: {  	_ = 	snop  }
0x6: {  	_ = 	snop  }
0x7: {  	_ = 	snop  }
__scs_overlays_trampoline_lowered:
0x8: {  	[smem:$0x3F6F] =	sst s0  }
0x9: {  	[smem:$0x3F70] =	sst s1  }
0xa: {  	[smem:$0x3F71] =	sst s2  }
0xb: {  	[smem:$0x3F72] =	sst s3  }
0xc: {  	[smem:$0x3F73] =	sst s4  }
0xd: {  	[smem:$0x3F74] =	sst s5  }
0xe: {  	[smem:$0x3F75] =	sst s6  }
0xf: {  	[smem:$0x3F76] =	sst s7  }
0x10: {  	[smem:$0x3F77] =	sst s8  }
0x11: {  	[smem:$0x3F78] =	sst s9;
	s0 =	simm.s32 @!p0 $0x0  }
0x12: {  	s1 =	sld [smem:$0x3F5E];
	s0 =	simm.s32 @p0 $0x1  }
0x13: {  	[smem:$0x3F79] =	sst s0;
	s0 =	simm.s32 @!p1 $0x0  }
0x14: {  	s2 =	sld [smem:$0x3F5D];
	s0 =	simm.s32 @p1 $0x1  }
0x15: {  	[smem:$0x3F7A] =	sst s0;
	s0 =	simm.s32 @!p2 $0x0  }
0x16: {  	s3 =	sld [smem:$0x3FDB];
	s0 =	simm.s32 @p2 $0x1  }
0x17: {  	s4 =	simm.s32 $0x1BF5;
	[smem:$0x3F7C] =	sst s0  }
0x18: {  	s0 =	sld [smem:$0x3F5F];
	_ =	swait.ge [sflag:s4], $0x0  }
0x19: {  	s7 =	sld [smem:$0x3F60]  }
0x1a: {  	s8 =	sadd.s32 $0xFFFFE003, lr  }
0x1b: {  	s9 =	sadd.s32 $0xFFFFFEF7, lr;
	s5 =	simm.s32 $0xFFFFFFFF;
	p2 =	slt.u32 s8, $0xFFFFF086  }
0x1c: {  	p1 =	slt.u32 s9, $0xF7A;
	s5 =	simm.s32 @!p2 $0x0  }
0x1d: {  	s5 =	simm.s32 @p1 $0x1;
	p0 =	seq.s32 s7, s2  }
0x1e: {  	s7 =	smul.u32 @!p0 $0xF7A, s2;
	p2 =	seq.s32 @!p0 s5, $0x0  }
0x1f: {  	s9 =	smul.u32 $0xF7A, s1;
	s8 =	simm.s32 @!p0 $0x1BF5;
	p2 =	por !p2, p0  }
0x20: {  	[sflag:s8] =	ssyncset.s32 @!p0 $0xFFFFF086;
	s6 =	sadd.s32 @!p0 s3, s7;
	s7 =	simm.s32 @!p0 $0x108  }
0x21: {  	s3 =	sadd.s32 s3, s9;
	s6 =	sadd.s32 @!p0 $0x88, s6;
	s7 =	simm.s32 @p2 $0x1082  }
0x22: {  	[simem:s7], [sflag:s8] =	dma.local @!p0 [hbm:s6], $0xF7A  }
0x23: {  	s9 =	sor.u32 $0xD0000000, s2;
	s6 =	simm.s32 $0x108;
	_ =	swait.ge @!p0 [sflag:s8], $0x0  }
0x24: {  	s3 =	sadd.s32 $0x88, s3;
	s6 =	simm.s32 @!p1 $0x1082;
	[sflag:s4] =	ssyncset.s32 $0xFFFFF086  }
0x25: {  	[simem:s6], [sflag:s4] =	dma.local [hbm:s3], $0xF7A  }
0x26: {  	[smem:$0x3F60] =	sst s1;
	(tag) =	ssettag s2;
	_ =	strace s9  }
0x27: {  	s1 =	sld [smem:$0x3F70]  }
0x28: {  	s2 =	sld [smem:$0x3F71]  }
0x29: {  	s4 =	sld [smem:$0x3F73]  }
0x2a: {  	p0 =	seq.s32 s5, $0x0;
	s5 =	sld [smem:$0x3F74]  }
0x2b: {  	s6 =	sld [smem:$0x3F75]  }
0x2c: {  	s7 =	sld [smem:$0x3F76]  }
0x2d: {  	s3 =	simm.s32 $0x108;
	s8 =	sld [smem:$0x3F77]  }
0x2e: {  	s3 =	simm.s32 @!p0 $0x1082;
	s9 =	sld [smem:$0x3F78]  }
0x2f: {  	lr =	sadd.s32 s0, s3;
	s0 =	sld [smem:$0x3F6F]  }
0x30: {  	s3 =	sld [smem:$0x3F72]  }
0x31: {  	[smem:$0x3F7B] =	sst s10  }
0x32: {  	s10 =	sld [smem:$0x3F79];
	_ =	sdelay $0x3  }
0x33: {  	p0 =	seq.s32 s10, $0x1;
	s10 =	sld [smem:$0x3F7B];
	_ =	sdelay $0x3  }
0x34: {  	[smem:$0x3F7B] =	sst s10  }
0x35: {  	s10 =	sld [smem:$0x3F7A];
	_ =	sdelay $0x3  }
0x36: {  	p1 =	seq.s32 s10, $0x1;
	s10 =	sld [smem:$0x3F7B];
	_ =	sdelay $0x3  }
0x37: {  	[smem:$0x3F7B] =	sst s10  }
0x38: {  	s10 =	sld [smem:$0x3F7C]  }
0x39: {  	_ = 	snop;
	(pc) =	sbr.ind lr, $3  }
0x3a: {  	_ = 	snop  }
0x3b: {  	_ = 	snop  }
0x3c: {  	p2 =	seq.s32 s10, $0x1;
	s10 =	sld [smem:$0x3F7B]  }
0x3d: {  	_ =	shalt  }
0x3e: {  	_ =	shalt  }
0x3f: {  	_ =	shalt  }
0x40: {  	_ =	shalt  }
0x41: {  	_ =	shalt  }
0x42: {  	_ =	shalt  }
0x43: {  	_ =	shalt  }
0x44: {  	_ =	shalt  }
0x45: {  	_ =	shalt  }
0x46: {  	_ =	shalt  }
0x47: {  	_ =	shalt  }
0x48: {  	_ =	shalt  }
0x49: {  	_ =	shalt  }
0x4a: {  	_ =	shalt  }
0x4b: {  	_ =	shalt  }
0x4c: {  	_ =	shalt  }
0x4d: {  	_ =	shalt  }
0x4e: {  	_ =	shalt  }
0x4f: {  	_ =	shalt  }
0x50: {  	_ =	shalt  }
0x51: {  	_ =	shalt  }
0x52: {  	_ =	shalt  }
0x53: {  	_ =	shalt  }
0x54: {  	_ =	shalt  }
0x55: {  	_ =	shalt  }
0x56: {  	_ =	shalt  }
0x57: {  	_ =	shalt  }
0x58: {  	_ =	shalt  }
0x59: {  	_ =	shalt  }
0x5a: {  	_ =	shalt  }
0x5b: {  	_ =	shalt  }
0x5c: {  	_ =	shalt  }
0x5d: {  	_ =	shalt  }
0x5e: {  	_ =	shalt  }
0x5f: {  	_ =	shalt  }
0x60: {  	_ =	shalt  }
0x61: {  	_ =	shalt  }
0x62: {  	_ =	shalt  }
0x63: {  	_ =	shalt  }
0x64: {  	_ =	shalt  }
0x65: {  	_ =	shalt  }
0x66: {  	_ =	shalt  }
0x67: {  	_ =	shalt  }
0x68: {  	_ =	shalt  }
0x69: {  	_ =	shalt  }
0x6a: {  	_ =	shalt  }
0x6b: {  	_ =	shalt  }
0x6c: {  	_ =	shalt  }
0x6d: {  	_ =	shalt  }
0x6e: {  	_ =	shalt  }
0x6f: {  	_ =	shalt  }
0x70: {  	_ =	shalt  }
0x71: {  	_ =	shalt  }
0x72: {  	_ =	shalt  }
0x73: {  	_ =	shalt  }
0x74: {  	_ =	shalt  }
0x75: {  	_ =	shalt  }
0x76: {  	_ =	shalt  }
0x77: {  	_ =	shalt  }
0x78: {  	_ =	shalt  }
0x79: {  	_ =	shalt  }
0x7a: {  	_ =	shalt  }
0x7b: {  	_ =	shalt  }
0x7c: {  	_ =	shalt  }
0x7d: {  	_ =	shalt  }
0x7e: {  	_ =	shalt  }
0x7f: {  	_ =	shalt  }
0x80: {  	_ =	shalt  }
0x81: {  	_ =	shalt  }
0x82: {  	_ =	shalt  }
0x83: {  	_ =	shalt  }
0x84: {  	_ =	shalt  }
0x85: {  	_ =	shalt  }
0x86: {  	_ =	shalt  }
0x87: {  	_ =	shalt  }
.Lfunc_end0:
.L_simem_size_0:
called_computation.3_lowered:
.L_overlay_start_0:
0x88: {  	s2 =	sld [smem:$0x3FD9]  }
0x89: {  	s3 =	sld [smem:$0x3FFE];
	_ =	sdelay $0x1  }
0x8a: {  	s1 =	srdreg.scid  }
0x8b: {  	s0 =	sand.u32 $0x1, s1  }
0x8c: {  	s16 =	sshll.u32 s0, $0xA;
	s2 =	sadd.s32 s3, s2  }
0x8d: {  	s2 =	sadd.s32 s2, s16  }
0x8e: {  	[smem:$0x3F87] =	sst s2  }
0x8f: {  	_ = 	snop  }
0x90: {  	(tm) =	ssettm $0x1  }
0x91: {  	s17 =	sld [smem:$0x3FFB];
	_ =	sdelay $0x3  }
0x92: {  	_ =	strace s17  }
0x93: {  	s2 =	sld [smem:$0x3FFC];
	_ =	sdelay $0x3  }
0x94: {  	_ =	strace s2  }
0x95: {  	s2 =	sld [smem:$0x3FFD];
	_ =	sdelay $0x3  }
0x96: {  	_ =	strace s2  }
0x97: {  	_ =	strace $0x8FFFFFFF  }
0x98: {  	s18 =	sld [smem:$0x3FDB];
	_ =	sdelay $0x1  }
0x99: {  	s19 =	simm.s32 $_scs_section_size  }
0x9a: {  	s4 =	simm.s32 $_size__tile_overlayer_lowered;
	s5 =	simm.s32 $_tile_overlayer_lowered  }
0x9b: {  	s22 =	simm.s32 $0x1BFF;
	s21 =	sshll.u32 s5, $0x1;
	s2 =	sadd.s32 s19, s18  }
0x9c: {  	s6 =	simm.s32 $0x0;
	s20 =	sshll.u32 s4, $0x1;
	s4 =	sadd.s32 s21, s2  }
0x9d: {  	[timem:s6], [sflag:s22] =	dma.local [hbm:s4], s20  }
0x9e: {  	_ =	swait.ge [sflag:s22], s20  }
0x9f: {  	s3 =	ssub.s32 $0x0, s20;
	[sflag:s22] =	ssyncset.done $0x0  }
0xa0: {  	[sflag:s22] =	ssyncadd.s32 s3;
	_ =	sdelay $0x1  }
0xa1: {  	s23 =	simm.s32 $0x1B8B  }
0xa2: {  	_ =	swait.ge [sflag:s23], $0x1  }
0xa3: {  	[sflag:s23] =	ssyncset.done $0x0  }
0xa4: {  	s25 =	simm.s32 $0x1B8E;
	s24 =	sld [smem:$0x3FFE];
	[sflag:s23] =	ssyncadd.s32 $0xFFFFFFFF  }
0xa5: {  	s26 =	simm.s32 $execute0_lowered;
	[smem:$0x3FD2] =	sst s25  }
0xa6: {  	s4 =	sshll.u32 s26, $0x1;
	_ =	strace $0x8000004F;
	[dreg:$0x1] =	wrdreg $0xFFFFFFFF  }
0xa7: {  	s28 =	simm.s32 $_size_execute0_lowered;
	s2 =	sadd.s32 s2, s4;
	[dreg:$0x0] =	wrdreg $0x0  }
0xa8: {  	s4 =	sshll.u32 s28, $0x1;
	[dreg:$0x2] =	wrdreg s2  }
0xa9: {  	[dreg:$0x3] =	wrdreg s4  }
0xaa: {  	[dreg:$0x4] =	wrdreg $0xC0  }
0xab: {  	_ =	task [dreg:s6], $0x5FFFF  }
0xac: {  	[dreg:$0x1] =	wrdreg $0xFFFFFFFF  }
0xad: {  	[dreg:$0x0] =	wrdreg $0x60  }
0xae: {  	[dreg:$0x2] =	wrdreg s24  }
0xaf: {  	[dreg:$0x3] =	wrdreg $0x9  }
0xb0: {  	_ =	task.clear_ibuf [dreg:s6], $0x4FFFF;
	_ =	strace $0x9000004F  }
0xb1: {  	s29 =	simm.s32 $0x9;
	_ =	strace $0x80000051  }
0xb2: {  	_ =	swait.ge [sflag:s29], $0x1  }
0xb3: {  	[sflag:s29] =	ssyncadd.s32 $0xFFFFFFFF  }
0xb4: {  	_ =	strace $0x90000051  }
0xb5: {  	_ =	sfence  }
0xb6: {  	s30 =	sld [smem:$0x0];
	_ =	sdelay $0x2  }
0xb7: {  	s31 =	sshll.u32 s1, $0xD;
	s1 =	sshrl.u32 s1, $0x2  }
0xb8: {  	s3 =	sand.u32 $0x4000, s31;
	s1 =	sadd.s32 s1, s30  }
0xb9: {  	s0 =	sor.u32 s3, s0;
	s1 =	sshll.u32 s1, $0x11  }
0xba: {  	s0 =	sor.u32 s1, s0  }
0xbb: {  	s0 =	sadd.s32 $0x8F2B, s0  }
0xbc: {  	[sflag:s0] =	ssyncadd.remote.s32 $0x1  }
0xbd: {  	_ =	sfence.sel $0xFFFF  }
0xbe: {  	[dreg:$0x0] =	wrdreg $0xFFFFFFFF;
	(pc) =	sbr.abs _section_cstart, $3  }
0xbf: {  	[dreg:$0x1] =	wrdreg $0xFFFFFFFF  }
0xc0: {  	_ =	task.clear_ibuf [dreg:s6], $0x2FFFF;
	_ =	strace $0x9FFFFFFF  }
0xc1: {  	(tm) =	ssettm $0x7FFFFFFF  }
tec
execute0_lowered:
.L_overlay_start_1:
0x0: {  	(tag) =	ssettag $0x1  }
0x1: {  	s4 =	rddreg [dreg:$0x0]  }
0x2: {  	s0 =	rddreg [dreg:$0x1];
	s3 =	srdreg.scid  }
0x3: {  	s1 =	stileid.u32;
	s2 =	simm.s32 $0x0;
	s11 =	simm.s32 $0x200  }
0x4: {  	s12 =	simm.s32 $0x1600;
	s13 =	simm.s32 $0x100;
	s14 =	simm.s32 $0x2A00  }
0x5: {  	s15 =	simm.s32 $0x180;
	s16 =	simm.s32 $0x3E00;
	s6 =	smul.u32 $0xC400, s1  }
0x6: {  	s17 =	simm.s32 $0x1;
	s5 =	sand.u32 $0x1, s3;
	s8 =	smul.u32 $0x3D400, s1  }
0x7: {  	s18 =	simm.s32 $0x0;
	[smem:$0x7FF] =	sst s2;
	s7 =	smul.u32 $0x6200, s5  }
0x8: {  	s3 =	sadd.s32 $0x9CC00, s4;
	s29 =	ssub.s32 $0x2, s5;
	s5 =	smul.u32 $0x1EA00, s5  }
0x9: {  	_ =	strace $0x80000050;
	s8 =	sadd.s32 s8, s4;
	s9 =	sshrl.u32 s29, $0x1  }
0xa: {  	s6 =	sadd.s32 s7, s6;
	s30 =	ssub.s32 s29, s9;
	s31 =	sadd.s32 s5, s8  }
0xb: {  	s9 =	simm.s32 $0x2;
	s6 =	sshrl.u32 s6, $0x3;
	s5 =	sadd.s32 $0x8AA200, s31  }
0xc: {  	s10 =	sadd.s32 s6, s4;
	s4 =	smax.u32 s30, $0x1;
	s6 =	sadd.s32 $0x34EC00, s31  }
0xd: {  	s7 =	sadd.s32 $0x10400, s10;
	s8 =	sadd.s32 $0x65E00, s10;
	s10 =	simm.s32 $0x80  }
.LBB2_1:
0xe: {  	s19 =	sadd.s32 $0x0, s8  }
0xf: {  	[tilespmem:s2], [sflag:$0x2] =	stream.linear.gather [hbm4b:s19+s2], $0x200, $0x38;
	[tilespmem:$0x5200] =	vst v63  }
0x10: {  	_ =	swait.ge [sflag:s9], $0x200  }
0x11: {  	[sflag:s9] =	ssyncset.done $0x0  }
0x12: {  	[sflag:s9] =	ssyncadd.s32 $0xFFFFFE00  }
0x13: {  	[tilespmem:s11], [sflag:$0x1] =	stream.indirect.gather [hbm4b:s3+s10], $0x28, s2, s10, $0xb8;
	[tilespmem:$0x5200] =	vst v63  }
0x14: {  	_ = 	snop  }
0x15: {  	[tilespmem:s12], [sflag:$0x1] =	stream.indirect.gather [hbm4b:s3+s10], $0x28, s10, s10, $0xb8;
	[tilespmem:$0x5200] =	vst v63  }
0x16: {  	_ = 	snop  }
0x17: {  	[tilespmem:s14], [sflag:$0x1] =	stream.indirect.gather [hbm4b:s3+s10], $0x28, s13, s10, $0xb8;
	[tilespmem:$0x5200] =	vst v63  }
0x18: {  	_ = 	snop  }
0x19: {  	[tilespmem:s16], [sflag:$0x1] =	stream.indirect.gather [hbm4b:s3+s10], $0x28, s15, s10, $0xb8;
	[tilespmem:$0x5200] =	vst v63  }
0x1a: {  	_ =	swait.ge [sflag:s17], $0x1400  }
0x1b: {  	[sflag:s17] =	ssyncset.done $0x0  }
0x1c: {  	[sflag:s17] =	ssyncadd.s32 $0xFFFFEC00  }
0x1d: {  	_ =	swait.ge [sflag:s17], $0x1400  }
0x1e: {  	[sflag:s17] =	ssyncset.done $0x0  }
0x1f: {  	[sflag:s17] =	ssyncadd.s32 $0xFFFFEC00  }
0x20: {  	_ =	swait.ge [sflag:s17], $0x1400  }
0x21: {  	[sflag:s17] =	ssyncset.done $0x0  }
0x22: {  	[sflag:s17] =	ssyncadd.s32 $0xFFFFEC00  }
0x23: {  	_ =	swait.ge [sflag:s17], $0x1400  }
0x24: {  	[sflag:s17] =	ssyncset.done $0x0  }
0x25: {  	[sflag:s17] =	ssyncadd.s32 $0xFFFFEC00  }
0x26: {  	[hbm4b:s5+s2] =	stream.linear.scatter [tilespmem:s11], [sflag:$0x2], $0x5000, $0x38;
	[tilespmem:$0x5200] =	vst v63  }
0x27: {  	_ =	swait.ge [sflag:s9], $0x5000  }
0x28: {  	[sflag:s9] =	ssyncset.done $0x0  }
0x29: {  	s31 =	sadd.s32 $0x0, s7;
	[sflag:s9] =	ssyncadd.s32 $0xFFFFB000  }
0x2a: {  	[tilespmem:s2], [sflag:$0x2] =	stream.linear.gather [hbm4b:s31+s2], $0x200, $0x38;
	[tilespmem:$0x5200] =	vst v63  }
0x2b: {  	_ =	swait.ge [sflag:s9], $0x200  }
0x2c: {  	[sflag:s9] =	ssyncset.done $0x0  }
0x2d: {  	[sflag:s9] =	ssyncadd.s32 $0xFFFFFE00  }
0x2e: {  	[tilespmem:s11], [sflag:$0x1] =	stream.indirect.gather [hbm4b:s3+s10], $0x28, s2, s10, $0xb8;
	[tilespmem:$0x5200] =	vst v63  }
0x2f: {  	_ = 	snop  }
0x30: {  	[tilespmem:s12], [sflag:$0x1] =	stream.indirect.gather [hbm4b:s3+s10], $0x28, s10, s10, $0xb8;
	[tilespmem:$0x5200] =	vst v63  }
0x31: {  	_ = 	snop  }
0x32: {  	[tilespmem:s14], [sflag:$0x1] =	stream.indirect.gather [hbm4b:s3+s10], $0x28, s13, s10, $0xb8;
	[tilespmem:$0x5200] =	vst v63  }
0x33: {  	_ = 	snop  }
0x34: {  	[tilespmem:s16], [sflag:$0x1] =	stream.indirect.gather [hbm4b:s3+s10], $0x28, s15, s10, $0xb8;
	[tilespmem:$0x5200] =	vst v63  }
0x35: {  	_ =	swait.ge [sflag:s17], $0x1400  }
0x36: {  	[sflag:s17] =	ssyncset.done $0x0  }
0x37: {  	[sflag:s17] =	ssyncadd.s32 $0xFFFFEC00  }
0x38: {  	_ =	swait.ge [sflag:s17], $0x1400  }
0x39: {  	[sflag:s17] =	ssyncset.done $0x0  }
0x3a: {  	[sflag:s17] =	ssyncadd.s32 $0xFFFFEC00  }
0x3b: {  	_ =	swait.ge [sflag:s17], $0x1400  }
0x3c: {  	[sflag:s17] =	ssyncset.done $0x0  }
0x3d: {  	[sflag:s17] =	ssyncadd.s32 $0xFFFFEC00  }
0x3e: {  	_ =	swait.ge [sflag:s17], $0x1400  }
0x3f: {  	[sflag:s17] =	ssyncset.done $0x0  }
0x40: {  	[sflag:s17] =	ssyncadd.s32 $0xFFFFEC00  }
0x41: {  	[hbm4b:s6+s2] =	stream.linear.scatter [tilespmem:s11], [sflag:$0x2], $0x5000, $0x38;
	[tilespmem:$0x5200] =	vst v63  }
0x42: {  	s20 =	simm.s32 $0x40;
	s23 =	simm.s32 $0x80;
	_ =	swait.ge [sflag:s9], $0x5000  }
0x43: {  	s21 =	sadd.s32 $0xA00, s5;
	s19 =	sadd.s32 $0xA00, s6;
	[sflag:s9] =	ssyncset.done $0x0  }
.LBB2_2:
0x44: {  	s24 =	sadd.s32 s20, s8  }
0x45: {  	[sflag:s9] =	ssyncadd.s32 $0xFFFFB000;
	s25 =	smov.u32 s23;
	s22 =	sadd.s32 $0x40, s23  }
0x46: {  	[tilespmem:s2], [sflag:$0x2] =	stream.linear.gather [hbm4b:s24+s2], $0x200, $0x38;
	[tilespmem:$0x5200] =	vst v63  }
0x47: {  	p0 =	sne.s32 s23, $0xC00;
	_ =	swait.ge [sflag:s9], $0x200  }
0x48: {  	[sflag:s9] =	ssyncset.done $0x0  }
0x49: {  	[sflag:s9] =	ssyncadd.s32 $0xFFFFFE00  }
0x4a: {  	[tilespmem:s11], [sflag:$0x1] =	stream.indirect.gather [hbm4b:s3+s10], $0x28, s2, s10, $0xb8;
	[tilespmem:$0x5200] =	vst v63  }
0x4b: {  	_ = 	snop  }
0x4c: {  	[tilespmem:s12], [sflag:$0x1] =	stream.indirect.gather [hbm4b:s3+s10], $0x28, s10, s10, $0xb8;
	[tilespmem:$0x5200] =	vst v63  }
0x4d: {  	_ = 	snop  }
0x4e: {  	[tilespmem:s14], [sflag:$0x1] =	stream.indirect.gather [hbm4b:s3+s10], $0x28, s13, s10, $0xb8;
	[tilespmem:$0x5200] =	vst v63  }
0x4f: {  	_ = 	snop  }
0x50: {  	[tilespmem:s16], [sflag:$0x1] =	stream.indirect.gather [hbm4b:s3+s10], $0x28, s15, s10, $0xb8;
	[tilespmem:$0x5200] =	vst v63  }
0x51: {  	_ =	swait.ge [sflag:s17], $0x1400  }
0x52: {  	[sflag:s17] =	ssyncset.done $0x0  }
0x53: {  	[sflag:s17] =	ssyncadd.s32 $0xFFFFEC00  }
0x54: {  	_ =	swait.ge [sflag:s17], $0x1400  }
0x55: {  	[sflag:s17] =	ssyncset.done $0x0  }
0x56: {  	[sflag:s17] =	ssyncadd.s32 $0xFFFFEC00  }
0x57: {  	_ =	swait.ge [sflag:s17], $0x1400  }
0x58: {  	[sflag:s17] =	ssyncset.done $0x0  }
0x59: {  	[sflag:s17] =	ssyncadd.s32 $0xFFFFEC00  }
0x5a: {  	_ =	swait.ge [sflag:s17], $0x1400  }
0x5b: {  	[sflag:s17] =	ssyncset.done $0x0  }
0x5c: {  	[sflag:s17] =	ssyncadd.s32 $0xFFFFEC00  }
0x5d: {  	[hbm4b:s21+s2] =	stream.linear.scatter [tilespmem:s11], [sflag:$0x2], $0x5000, $0x38;
	[tilespmem:$0x5200] =	vst v63  }
0x5e: {  	_ =	swait.ge [sflag:s9], $0x5000  }
0x5f: {  	[sflag:s9] =	ssyncset.done $0x0  }
0x60: {  	s23 =	sadd.s32 s20, s7;
	s20 =	smov.u32 s25;
	[sflag:s9] =	ssyncadd.s32 $0xFFFFB000  }
0x61: {  	[tilespmem:s2], [sflag:$0x2] =	stream.linear.gather [hbm4b:s23+s2], $0x200, $0x38;
	[tilespmem:$0x5200] =	vst v63  }
0x62: {  	_ =	swait.ge [sflag:s9], $0x200  }
0x63: {  	[sflag:s9] =	ssyncset.done $0x0  }
0x64: {  	[sflag:s9] =	ssyncadd.s32 $0xFFFFFE00  }
0x65: {  	[tilespmem:s11], [sflag:$0x1] =	stream.indirect.gather [hbm4b:s3+s10], $0x28, s2, s10, $0xb8;
	[tilespmem:$0x5200] =	vst v63  }
0x66: {  	_ = 	snop  }
0x67: {  	[tilespmem:s12], [sflag:$0x1] =	stream.indirect.gather [hbm4b:s3+s10], $0x28, s10, s10, $0xb8;
	[tilespmem:$0x5200] =	vst v63  }
0x68: {  	_ = 	snop  }
0x69: {  	[tilespmem:s14], [sflag:$0x1] =	stream.indirect.gather [hbm4b:s3+s10], $0x28, s13, s10, $0xb8;
	[tilespmem:$0x5200] =	vst v63  }
0x6a: {  	_ = 	snop  }
0x6b: {  	[tilespmem:s16], [sflag:$0x1] =	stream.indirect.gather [hbm4b:s3+s10], $0x28, s15, s10, $0xb8;
	[tilespmem:$0x5200] =	vst v63  }
0x6c: {  	_ =	swait.ge [sflag:s17], $0x1400  }
0x6d: {  	[sflag:s17] =	ssyncset.done $0x0  }
0x6e: {  	[sflag:s17] =	ssyncadd.s32 $0xFFFFEC00  }
0x6f: {  	_ =	swait.ge [sflag:s17], $0x1400  }
0x70: {  	[sflag:s17] =	ssyncset.done $0x0  }
0x71: {  	[sflag:s17] =	ssyncadd.s32 $0xFFFFEC00  }
0x72: {  	_ =	swait.ge [sflag:s17], $0x1400  }
0x73: {  	[sflag:s17] =	ssyncset.done $0x0  }
0x74: {  	[sflag:s17] =	ssyncadd.s32 $0xFFFFEC00  }
0x75: {  	_ =	swait.ge [sflag:s17], $0x1400  }
.Ltmp0:
0x76: {  	[sflag:s17] =	ssyncset.done $0x0;
	(pc) =	sbr.rel @p0 .LBB2_2-.Ltmp0, $4  }
0x77: {  	[sflag:s17] =	ssyncadd.s32 $0xFFFFEC00  }
0x78: {  	[hbm4b:s19+s2] =	stream.linear.scatter [tilespmem:s11], [sflag:$0x2], $0x5000, $0x38;
	[tilespmem:$0x5200] =	vst v63  }
0x79: {  	s21 =	sadd.s32 $0xA00, s21;
	_ =	swait.ge [sflag:s9], $0x5000  }
0x7a: {  	s23 =	smov.u32 s22;
	s19 =	sadd.s32 $0xA00, s19;
	[sflag:s9] =	ssyncset.done $0x0  }
0x7b: {  	s22 =	sadd.s32 s20, s8;
	[sflag:s9] =	ssyncadd.s32 $0xFFFFB000  }
0x7c: {  	[tilespmem:s2], [sflag:$0x2] =	stream.linear.gather [hbm4b:s22+s2], $0x200, $0x38;
	[tilespmem:$0x5200] =	vst v63  }
0x7d: {  	_ =	swait.ge [sflag:s9], $0x200  }
0x7e: {  	[sflag:s9] =	ssyncset.done $0x0  }
0x7f: {  	[sflag:s9] =	ssyncadd.s32 $0xFFFFFE00  }
0x80: {  	[tilespmem:s11], [sflag:$0x1] =	stream.indirect.gather [hbm4b:s3+s10], $0x28, s2, s10, $0xb8;
	[tilespmem:$0x5200] =	vst v63  }
0x81: {  	_ = 	snop  }
0x82: {  	[tilespmem:s12], [sflag:$0x1] =	stream.indirect.gather [hbm4b:s3+s10], $0x28, s10, s10, $0xb8;
	[tilespmem:$0x5200] =	vst v63  }
0x83: {  	_ = 	snop  }
0x84: {  	[tilespmem:s14], [sflag:$0x1] =	stream.indirect.gather [hbm4b:s3+s10], $0x28, s13, s10, $0xb8;
	[tilespmem:$0x5200] =	vst v63  }
0x85: {  	_ = 	snop  }
0x86: {  	[tilespmem:s16], [sflag:$0x1] =	stream.indirect.gather [hbm4b:s3+s10], $0x28, s15, s10, $0xb8;
	[tilespmem:$0x5200] =	vst v63  }
0x87: {  	_ =	swait.ge [sflag:s17], $0x1400  }
0x88: {  	[sflag:s17] =	ssyncset.done $0x0  }
0x89: {  	[sflag:s17] =	ssyncadd.s32 $0xFFFFEC00  }
0x8a: {  	_ =	swait.ge [sflag:s17], $0x1400  }
0x8b: {  	[sflag:s17] =	ssyncset.done $0x0  }
0x8c: {  	[sflag:s17] =	ssyncadd.s32 $0xFFFFEC00  }
0x8d: {  	_ =	swait.ge [sflag:s17], $0x1400  }
0x8e: {  	[sflag:s17] =	ssyncset.done $0x0  }
0x8f: {  	[sflag:s17] =	ssyncadd.s32 $0xFFFFEC00  }
0x90: {  	_ =	swait.ge [sflag:s17], $0x1400  }
0x91: {  	[sflag:s17] =	ssyncset.done $0x0  }
0x92: {  	[sflag:s17] =	ssyncadd.s32 $0xFFFFEC00  }
0x93: {  	[hbm4b:s21+s2] =	stream.linear.scatter [tilespmem:s11], [sflag:$0x2], $0x5000, $0x38;
	[tilespmem:$0x5200] =	vst v63  }
0x94: {  	_ =	swait.ge [sflag:s9], $0x5000  }
0x95: {  	[sflag:s9] =	ssyncset.done $0x0  }
0x96: {  	s31 =	sadd.s32 s20, s7;
	[sflag:s9] =	ssyncadd.s32 $0xFFFFB000  }
0x97: {  	[tilespmem:s2], [sflag:$0x2] =	stream.linear.gather [hbm4b:s31+s2], $0x200, $0x38;
	[tilespmem:$0x5200] =	vst v63  }
0x98: {  	_ =	swait.ge [sflag:s9], $0x200  }
0x99: {  	[sflag:s9] =	ssyncset.done $0x0  }
0x9a: {  	[sflag:s9] =	ssyncadd.s32 $0xFFFFFE00  }
0x9b: {  	[tilespmem:s11], [sflag:$0x1] =	stream.indirect.gather [hbm4b:s3+s10], $0x28, s2, s10, $0xb8;
	[tilespmem:$0x5200] =	vst v63  }
0x9c: {  	_ = 	snop  }
0x9d: {  	[tilespmem:s12], [sflag:$0x1] =	stream.indirect.gather [hbm4b:s3+s10], $0x28, s10, s10, $0xb8;
	[tilespmem:$0x5200] =	vst v63  }
0x9e: {  	_ = 	snop  }
0x9f: {  	[tilespmem:s14], [sflag:$0x1] =	stream.indirect.gather [hbm4b:s3+s10], $0x28, s13, s10, $0xb8;
	[tilespmem:$0x5200] =	vst v63  }
0xa0: {  	_ = 	snop  }
0xa1: {  	[tilespmem:s16], [sflag:$0x1] =	stream.indirect.gather [hbm4b:s3+s10], $0x28, s15, s10, $0xb8;
	[tilespmem:$0x5200] =	vst v63  }
0xa2: {  	_ =	swait.ge [sflag:s17], $0x1400  }
0xa3: {  	[sflag:s17] =	ssyncset.done $0x0  }
0xa4: {  	[sflag:s17] =	ssyncadd.s32 $0xFFFFEC00  }
0xa5: {  	_ =	swait.ge [sflag:s17], $0x1400  }
0xa6: {  	[sflag:s17] =	ssyncset.done $0x0  }
0xa7: {  	[sflag:s17] =	ssyncadd.s32 $0xFFFFEC00  }
0xa8: {  	_ =	swait.ge [sflag:s17], $0x1400  }
0xa9: {  	[sflag:s17] =	ssyncset.done $0x0  }
0xaa: {  	[sflag:s17] =	ssyncadd.s32 $0xFFFFEC00  }
0xab: {  	s18 =	sadd.s32 $0x1, s18;
	_ =	swait.ge [sflag:s17], $0x1400  }
0xac: {  	p0 =	sne.s32 s18, s4;
	[sflag:s17] =	ssyncset.done $0x0  }
.Ltmp1:
0xad: {  	[sflag:s17] =	ssyncadd.s32 $0xFFFFEC00;
	(pc) =	sbr.rel @p0 .LBB2_1-.Ltmp1, $4  }
0xae: {  	[hbm4b:s19+s2] =	stream.linear.scatter [tilespmem:s11], [sflag:$0x2], $0x5000, $0x38;
	[tilespmem:$0x5200] =	vst v63  }
0xaf: {  	_ =	swait.ge [sflag:s9], $0x5000  }
0xb0: {  	[sflag:s9] =	ssyncset.done $0x0  }
0xb1: {  	[sflag:s9] =	ssyncadd.s32 $0xFFFFB000  }
0xb2: {  	_ =	sfence.sel $0x180000  }
0xb3: {  	[bflag:$0x0] =	sbarrier.arrive $0xFFFF  }
0xb4: {  	p0 =	sne.s32 s1, $0x0;
	_ =	strace $0x90000050  }
0xb5: {  	s0 =	sadd.s32 @!p0 $0x100000, s0;
	[bflag:$0x2] =	sbarrier.arrive $0xFFFF  }
0xb6: {  	[sflag:s0] =	ssyncadd.tile.s32 @!p0 $0x1;
	_ =	shalt  }
.Lfunc_end2:
_tile_overlayer_lowered:
.L_overlay_start_2:
0xb7: {  	(tag) =	ssettag $0x2  }
0xb8: {  	s0 =	rddreg [dreg:$0x0];
	s2 =	stileid.u32  }
0xb9: {  	s1 =	rddreg [dreg:$0x1];
	p0 =	sne.s32 s2, $0x0  }
0xba: {  	s3 =	rddreg [dreg:$0x2];
	[bflag:$0x3] =	sbarrier.arrive $0xFFFF;
	s2 =	simm.s32 @!p0 $0x1C02  }
0xbb: {  	[timem:s3], [sflag:s2] =	dma.local @!p0 [hbm:s0], s1  }
0xbc: {  	s0 =	simm.s32 @!p0 $0x2  }
0xbd: {  	_ =	swait.ge @!p0 [sflag:s0], s1  }
0xbe: {  	s1 =	ssub.s32 @!p0 $0x0, s1;
	[sflag:s0] =	ssyncset.done @!p0 $0x0  }
0xbf: {  	[sflag:s0] =	ssyncadd.s32 @!p0 s1  }
0xc0: {  	[bflag:$0x3] =	sbarrier.arrive $0xFFFF  }
0xc1: {  	_ =	shalt  }

// kernel: kernel.25.cloned.1.call-start
scs
__scs_entry_jumppad:
0x0: {  	(pc) =	sbr.rel $0x88, $3  }
0x1: {  	(tag) =	ssettag $0x0;
	lr =	simm.s32 $0x1  }
0x2: {  	[smem:$0x3F60] =	sst lr;
	_ =	strace $0xD0000000  }
0x3: {  	_ = 	snop  }
0x4: {  	_ = 	snop  }
0x5: {  	_ = 	snop  }
0x6: {  	_ = 	snop  }
0x7: {  	_ = 	snop  }
__scs_overlays_trampoline_lowered:
0x8: {  	[smem:$0x3F6F] =	sst s0  }
0x9: {  	[smem:$0x3F70] =	sst s1  }
0xa: {  	[smem:$0x3F71] =	sst s2  }
0xb: {  	[smem:$0x3F72] =	sst s3  }
0xc: {  	[smem:$0x3F73] =	sst s4  }
0xd: {  	[smem:$0x3F74] =	sst s5  }
0xe: {  	[smem:$0x3F75] =	sst s6  }
0xf: {  	[smem:$0x3F76] =	sst s7  }
0x10: {  	[smem:$0x3F77] =	sst s8  }
0x11: {  	[smem:$0x3F78] =	sst s9;
	s0 =	simm.s32 @!p0 $0x0  }
0x12: {  	s1 =	sld [smem:$0x3F5E];
	s0 =	simm.s32 @p0 $0x1  }
0x13: {  	[smem:$0x3F79] =	sst s0;
	s0 =	simm.s32 @!p1 $0x0  }
0x14: {  	s2 =	sld [smem:$0x3F5D];
	s0 =	simm.s32 @p1 $0x1  }
0x15: {  	[smem:$0x3F7A] =	sst s0;
	s0 =	simm.s32 @!p2 $0x0  }
0x16: {  	s3 =	sld [smem:$0x3FDB];
	s0 =	simm.s32 @p2 $0x1  }
0x17: {  	s4 =	simm.s32 $0x1BF5;
	[smem:$0x3F7C] =	sst s0  }
0x18: {  	s0 =	sld [smem:$0x3F5F];
	_ =	swait.ge [sflag:s4], $0x0  }
0x19: {  	s7 =	sld [smem:$0x3F60]  }
0x1a: {  	s8 =	sadd.s32 $0xFFFFE003, lr  }
0x1b: {  	s9 =	sadd.s32 $0xFFFFFEF7, lr;
	s5 =	simm.s32 $0xFFFFFFFF;
	p2 =	slt.u32 s8, $0xFFFFF086  }
0x1c: {  	p1 =	slt.u32 s9, $0xF7A;
	s5 =	simm.s32 @!p2 $0x0  }
0x1d: {  	s5 =	simm.s32 @p1 $0x1;
	p0 =	seq.s32 s7, s2  }
0x1e: {  	s7 =	smul.u32 @!p0 $0xF7A, s2;
	p2 =	seq.s32 @!p0 s5, $0x0  }
0x1f: {  	s9 =	smul.u32 $0xF7A, s1;
	s8 =	simm.s32 @!p0 $0x1BF5;
	p2 =	por !p2, p0  }
0x20: {  	[sflag:s8] =	ssyncset.s32 @!p0 $0xFFFFF086;
	s6 =	sadd.s32 @!p0 s3, s7;
	s7 =	simm.s32 @!p0 $0x108  }
0x21: {  	s3 =	sadd.s32 s3, s9;
	s6 =	sadd.s32 @!p0 $0x88, s6;
	s7 =	simm.s32 @p2 $0x1082  }
0x22: {  	[simem:s7], [sflag:s8] =	dma.local @!p0 [hbm:s6], $0xF7A  }
0x23: {  	s9 =	sor.u32 $0xD0000000, s2;
	s6 =	simm.s32 $0x108;
	_ =	swait.ge @!p0 [sflag:s8], $0x0  }
0x24: {  	s3 =	sadd.s32 $0x88, s3;
	s6 =	simm.s32 @!p1 $0x1082;
	[sflag:s4] =	ssyncset.s32 $0xFFFFF086  }
0x25: {  	[simem:s6], [sflag:s4] =	dma.local [hbm:s3], $0xF7A  }
0x26: {  	[smem:$0x3F60] =	sst s1;
	(tag) =	ssettag s2;
	_ =	strace s9  }
0x27: {  	s1 =	sld [smem:$0x3F70]  }
0x28: {  	s2 =	sld [smem:$0x3F71]  }
0x29: {  	s4 =	sld [smem:$0x3F73]  }
0x2a: {  	p0 =	seq.s32 s5, $0x0;
	s5 =	sld [smem:$0x3F74]  }
0x2b: {  	s6 =	sld [smem:$0x3F75]  }
0x2c: {  	s7 =	sld [smem:$0x3F76]  }
0x2d: {  	s3 =	simm.s32 $0x108;
	s8 =	sld [smem:$0x3F77]  }
0x2e: {  	s3 =	simm.s32 @!p0 $0x1082;
	s9 =	sld [smem:$0x3F78]  }
0x2f: {  	lr =	sadd.s32 s0, s3;
	s0 =	sld [smem:$0x3F6F]  }
0x30: {  	s3 =	sld [smem:$0x3F72]  }
0x31: {  	[smem:$0x3F7B] =	sst s10  }
0x32: {  	s10 =	sld [smem:$0x3F79];
	_ =	sdelay $0x3  }
0x33: {  	p0 =	seq.s32 s10, $0x1;
	s10 =	sld [smem:$0x3F7B];
	_ =	sdelay $0x3  }
0x34: {  	[smem:$0x3F7B] =	sst s10  }
0x35: {  	s10 =	sld [smem:$0x3F7A];
	_ =	sdelay $0x3  }
0x36: {  	p1 =	seq.s32 s10, $0x1;
	s10 =	sld [smem:$0x3F7B];
	_ =	sdelay $0x3  }
0x37: {  	[smem:$0x3F7B] =	sst s10  }
0x38: {  	s10 =	sld [smem:$0x3F7C]  }
0x39: {  	_ = 	snop;
	(pc) =	sbr.ind lr, $3  }
0x3a: {  	_ = 	snop  }
0x3b: {  	_ = 	snop  }
0x3c: {  	p2 =	seq.s32 s10, $0x1;
	s10 =	sld [smem:$0x3F7B]  }
0x3d: {  	_ =	shalt  }
0x3e: {  	_ =	shalt  }
0x3f: {  	_ =	shalt  }
0x40: {  	_ =	shalt  }
0x41: {  	_ =	shalt  }
0x42: {  	_ =	shalt  }
0x43: {  	_ =	shalt  }
0x44: {  	_ =	shalt  }
0x45: {  	_ =	shalt  }
0x46: {  	_ =	shalt  }
0x47: {  	_ =	shalt  }
0x48: {  	_ =	shalt  }
0x49: {  	_ =	shalt  }
0x4a: {  	_ =	shalt  }
0x4b: {  	_ =	shalt  }
0x4c: {  	_ =	shalt  }
0x4d: {  	_ =	shalt  }
0x4e: {  	_ =	shalt  }
0x4f: {  	_ =	shalt  }
0x50: {  	_ =	shalt  }
0x51: {  	_ =	shalt  }
0x52: {  	_ =	shalt  }
0x53: {  	_ =	shalt  }
0x54: {  	_ =	shalt  }
0x55: {  	_ =	shalt  }
0x56: {  	_ =	shalt  }
0x57: {  	_ =	shalt  }
0x58: {  	_ =	shalt  }
0x59: {  	_ =	shalt  }
0x5a: {  	_ =	shalt  }
0x5b: {  	_ =	shalt  }
0x5c: {  	_ =	shalt  }
0x5d: {  	_ =	shalt  }
0x5e: {  	_ =	shalt  }
0x5f: {  	_ =	shalt  }
0x60: {  	_ =	shalt  }
0x61: {  	_ =	shalt  }
0x62: {  	_ =	shalt  }
0x63: {  	_ =	shalt  }
0x64: {  	_ =	shalt  }
0x65: {  	_ =	shalt  }
0x66: {  	_ =	shalt  }
0x67: {  	_ =	shalt  }
0x68: {  	_ =	shalt  }
0x69: {  	_ =	shalt  }
0x6a: {  	_ =	shalt  }
0x6b: {  	_ =	shalt  }
0x6c: {  	_ =	shalt  }
0x6d: {  	_ =	shalt  }
0x6e: {  	_ =	shalt  }
0x6f: {  	_ =	shalt  }
0x70: {  	_ =	shalt  }
0x71: {  	_ =	shalt  }
0x72: {  	_ =	shalt  }
0x73: {  	_ =	shalt  }
0x74: {  	_ =	shalt  }
0x75: {  	_ =	shalt  }
0x76: {  	_ =	shalt  }
0x77: {  	_ =	shalt  }
0x78: {  	_ =	shalt  }
0x79: {  	_ =	shalt  }
0x7a: {  	_ =	shalt  }
0x7b: {  	_ =	shalt  }
0x7c: {  	_ =	shalt  }
0x7d: {  	_ =	shalt  }
0x7e: {  	_ =	shalt  }
0x7f: {  	_ =	shalt  }
0x80: {  	_ =	shalt  }
0x81: {  	_ =	shalt  }
0x82: {  	_ =	shalt  }
0x83: {  	_ =	shalt  }
0x84: {  	_ =	shalt  }
0x85: {  	_ =	shalt  }
0x86: {  	_ =	shalt  }
0x87: {  	_ =	shalt  }
.Lfunc_end0:
.L_simem_size_0:
called_computation.4_lowered:
.L_overlay_start_0:
0x88: {  	s2 =	sld [smem:$0x3FD9]  }
0x89: {  	s3 =	sld [smem:$0x3FFE];
	_ =	sdelay $0x1  }
0x8a: {  	s1 =	srdreg.scid  }
0x8b: {  	s0 =	sand.u32 $0x1, s1  }
0x8c: {  	s16 =	sshll.u32 s0, $0xA;
	s2 =	sadd.s32 s3, s2  }
0x8d: {  	s2 =	sadd.s32 s2, s16  }
0x8e: {  	[smem:$0x3F87] =	sst s2  }
0x8f: {  	_ = 	snop  }
0x90: {  	(tm) =	ssettm $0x1  }
0x91: {  	s17 =	sld [smem:$0x3FFB];
	_ =	sdelay $0x3  }
0x92: {  	_ =	strace s17  }
0x93: {  	s2 =	sld [smem:$0x3FFC];
	_ =	sdelay $0x3  }
0x94: {  	_ =	strace s2  }
0x95: {  	s2 =	sld [smem:$0x3FFD];
	_ =	sdelay $0x3  }
0x96: {  	_ =	strace s2  }
0x97: {  	_ =	strace $0x8FFFFFFF  }
0x98: {  	s18 =	sld [smem:$0x3FDB];
	_ =	sdelay $0x1  }
0x99: {  	s19 =	simm.s32 $_scs_section_size  }
0x9a: {  	s4 =	simm.s32 $_size__tile_overlayer_lowered;
	s5 =	simm.s32 $_tile_overlayer_lowered  }
0x9b: {  	s22 =	simm.s32 $0x1BFF;
	s21 =	sshll.u32 s5, $0x1;
	s2 =	sadd.s32 s19, s18  }
0x9c: {  	s6 =	simm.s32 $0x0;
	s20 =	sshll.u32 s4, $0x1;
	s4 =	sadd.s32 s21, s2  }
0x9d: {  	[timem:s6], [sflag:s22] =	dma.local [hbm:s4], s20  }
0x9e: {  	_ =	swait.ge [sflag:s22], s20  }
0x9f: {  	s3 =	ssub.s32 $0x0, s20;
	[sflag:s22] =	ssyncset.done $0x0  }
0xa0: {  	[sflag:s22] =	ssyncadd.s32 s3;
	_ =	sdelay $0x1  }
0xa1: {  	s23 =	simm.s32 $0x1B8B  }
0xa2: {  	_ =	swait.ge [sflag:s23], $0x1  }
0xa3: {  	[sflag:s23] =	ssyncset.done $0x0  }
0xa4: {  	s25 =	simm.s32 $0x1B8E;
	s24 =	sld [smem:$0x3FFE];
	[sflag:s23] =	ssyncadd.s32 $0xFFFFFFFF  }
0xa5: {  	s26 =	simm.s32 $execute0_lowered;
	[smem:$0x3FD2] =	sst s25  }
0xa6: {  	s4 =	sshll.u32 s26, $0x1;
	_ =	strace $0x80000052;
	[dreg:$0x1] =	wrdreg $0xFFFFFFFF  }
0xa7: {  	s28 =	simm.s32 $_size_execute0_lowered;
	s2 =	sadd.s32 s2, s4;
	[dreg:$0x0] =	wrdreg $0x0  }
0xa8: {  	s4 =	sshll.u32 s28, $0x1;
	[dreg:$0x2] =	wrdreg s2  }
0xa9: {  	[dreg:$0x3] =	wrdreg s4  }
0xaa: {  	[dreg:$0x4] =	wrdreg $0xC0  }
0xab: {  	_ =	task [dreg:s6], $0x5FFFF  }
0xac: {  	[dreg:$0x1] =	wrdreg $0xFFFFFFFF  }
0xad: {  	[dreg:$0x0] =	wrdreg $0x60  }
0xae: {  	[dreg:$0x2] =	wrdreg s24  }
0xaf: {  	[dreg:$0x3] =	wrdreg $0x32000  }
0xb0: {  	[dreg:$0x4] =	wrdreg $0x9  }
0xb1: {  	_ =	task.clear_ibuf [dreg:s6], $0x5FFFF;
	_ =	strace $0x90000052  }
0xb2: {  	s29 =	simm.s32 $0x9;
	_ =	strace $0x80000054  }
0xb3: {  	_ =	swait.ge [sflag:s29], $0x1  }
0xb4: {  	[sflag:s29] =	ssyncadd.s32 $0xFFFFFFFF  }
0xb5: {  	_ =	strace $0x90000054  }
0xb6: {  	_ =	sfence  }
0xb7: {  	s30 =	sld [smem:$0x0];
	_ =	sdelay $0x2  }
0xb8: {  	s31 =	sshll.u32 s1, $0xD;
	s1 =	sshrl.u32 s1, $0x2  }
0xb9: {  	s3 =	sand.u32 $0x4000, s31;
	s1 =	sadd.s32 s1, s30  }
0xba: {  	s0 =	sor.u32 s3, s0;
	s1 =	sshll.u32 s1, $0x11  }
0xbb: {  	s0 =	sor.u32 s1, s0  }
0xbc: {  	s0 =	sadd.s32 $0x8F2B, s0  }
0xbd: {  	[sflag:s0] =	ssyncadd.remote.s32 $0x1  }
0xbe: {  	_ =	sfence.sel $0xFFFF  }
0xbf: {  	[dreg:$0x0] =	wrdreg $0xFFFFFFFF;
	(pc) =	sbr.abs _section_cstart, $3  }
0xc0: {  	[dreg:$0x1] =	wrdreg $0xFFFFFFFF  }
0xc1: {  	_ =	task.clear_ibuf [dreg:s6], $0x2FFFF;
	_ =	strace $0x9FFFFFFF  }
0xc2: {  	(tm) =	ssettm $0x7FFFFFFF  }
0xc3: {  	_ =	shalt  }
tec
execute0_lowered:
.L_overlay_start_1:
0x0: {  	(tag) =	ssettag $0x1  }
0x1: {  	s5 =	rddreg [dreg:$0x0]  }
0x2: {  	s2 =	rddreg [dreg:$0x1]  }
0x3: {  	s0 =	rddreg [dreg:$0x2];
	s3 =	simm.s32 $0x0  }
0x4: {  	s1 =	stileid.u32;
	s29 =	srdreg.scid;
	s14 =	simm.s32 $0x18  }
0x5: {  	s15 =	simm.s32 $0x30;
	s16 =	simm.s32 $0x200;
	s17 =	simm.s32 $0x80  }
0x6: {  	s18 =	simm.s32 $0xE00;
	s19 =	simm.s32 $0x100;
	s20 =	simm.s32 $0x1A00  }
0x7: {  	s21 =	simm.s32 $0x180;
	s22 =	simm.s32 $0x2600;
	s4 =	smul.u32 $0x49800, s1  }
0x8: {  	s23 =	simm.s32 $0x6;
	s24 =	simm.s32 $0x3;
	s6 =	smul.u32 $0x1880, s1  }
0x9: {  	s25 =	simm.s32 $0x0;
	[smem:$0x7FF] =	sst s3;
	s7 =	smul.u32 $0x4944, s1  }
0xa: {  	s30 =	sand.u32 $0x1, s29;
	s8 =	smul.u32 $0x49440, s1;
	s12 =	sshll.u32 s1, $0x6  }
0xb: {  	_ =	strace $0x80000053;
	s31 =	ssub.s32 $0x2, s30;
	p0 =	seq.s32 s30, $0x1  }
0xc: {  	s11 =	sadd.s32 s4, s5;
	s10 =	sadd.s32 s6, s5;
	s4 =	sadd.s32 $0x41400, s5  }
.Ltmp0:
0xd: {  	s7 =	sadd.s32 s7, s5;
	s9 =	sshrl.u32 s31, $0x1;
	(pc) =	sbr.rel .LBB2_1-.Ltmp0, $4  }
0xe: {  	s8 =	sshrl.u32 s8, $0x2;
	s5 =	sor.u32 $0x1C01, s12;
	s9 =	ssub.s32 s31, s9  }
0xf: {  	s13 =	sadd.s32 s8, s2;
	s6 =	sadd.s32 $0x43A00, s7;
	s7 =	sadd.s32 $0x43A03, s7  }
0x10: {  	s10 =	sadd.s32 $0x28C00, s10;
	s8 =	smax.u32 s9, $0x1;
	s9 =	sadd.s32 $0x8AA200, s11  }
0x11: {  	s11 =	sadd.s32 $0x8AA203, s11;
	s12 =	sshrl.u32 s13, $0x3;
	s13 =	simm.s32 $0x1  }
.LBB2_7:
0x12: {  	s28 =	sadd.s32 s28, s10;
	[sflag:s13] =	ssyncadd.s32 $0xFFFFF400  }
0x13: {  	[tilespmem:s3], [sflag:$0x1] =	stream.linear.gather [hbm4b:s28+s3], $0x200, $0x38;
	[tilespmem:$0x15710] =	vst v63  }
0x14: {  	_ =	swait.ge [sflag:s13], $0x200  }
0x15: {  	[sflag:s13] =	ssyncset.done $0x0  }
0x16: {  	[sflag:s13] =	ssyncadd.s32 $0xFFFFFE00  }
0x17: {  	[tilespmem:s16], [sflag:$0x1] =	stream.strided.gather [hbm4b:s26+s14], $0x3000, s15, s14, $0x38;
	[tilespmem:$0x15710] =	vst v63  }
0x18: {  	_ =	swait.ge [sflag:s13], $0x3000  }
0x19: {  	[sflag:s13] =	ssyncset.done $0x0  }
0x1a: {  	[sflag:s13] =	ssyncadd.s32 $0xFFFFD000  }
0x1b: {  	[spmem:s2] =	stream.indirect.scatter.add.f32 [tilespmem:s16], [sflag:$0x1], $0x18, s3, s17, $0xb8;
	[tilespmem:$0x15710] =	vst v63  }
0x1c: {  	_ =	swait.ge [sflag:s13], $0xC00  }
0x1d: {  	[sflag:s13] =	ssyncset.done $0x0  }
0x1e: {  	[sflag:s13] =	ssyncadd.s32 $0xFFFFF400  }
0x1f: {  	[spmem:s2] =	stream.indirect.scatter.add.f32 [tilespmem:s18], [sflag:$0x1], $0x18, s17, s17, $0xb8;
	[tilespmem:$0x15710] =	vst v63  }
0x20: {  	_ =	swait.ge [sflag:s13], $0xC00  }
0x21: {  	[sflag:s13] =	ssyncset.done $0x0  }
0x22: {  	[sflag:s13] =	ssyncadd.s32 $0xFFFFF400  }
0x23: {  	[spmem:s2] =	stream.indirect.scatter.add.f32 [tilespmem:s20], [sflag:$0x1], $0x18, s19, s17, $0xb8;
	[tilespmem:$0x15710] =	vst v63  }
0x24: {  	_ =	swait.ge [sflag:s13], $0xC00  }
0x25: {  	[sflag:s13] =	ssyncset.done $0x0  }
0x26: {  	[sflag:s13] =	ssyncadd.s32 $0xFFFFF400  }
0x27: {  	[spmem:s2] =	stream.indirect.scatter.add.f32 [tilespmem:s22], [sflag:$0x1], $0x18, s21, s17, $0xb8;
	[tilespmem:$0x15710] =	vst v63  }
0x28: {  	_ =	swait.ge [sflag:s13], $0xC00  }
0x29: {  	[sflag:s13] =	ssyncset.done $0x0  }
0x2a: {  	s26 =	smov.u32 s7;
	[sflag:s13] =	ssyncadd.s32 $0xFFFFF400  }
.LBB2_8:
0x2b: {  	s25 =	sadd.s32 $0x1, s25  }
0x2c: {  	p1 =	sne.s32 s25, s8  }
.Ltmp1:
0x2d: {  	[bflag:$0x0] =	sbarrier.arrive $0xFFFF;
	(pc) =	sbr.rel @!p1 .LBB2_9-.Ltmp1, $4  }
0x2e: {  	[hbm:s26@s23], [sflag:s5] =	dma.strided [spmem:s12@s24], $0x24A2, s13, $0x3   }
0x2f: {  	_ =	swait.ge [sflag:s13], $0x24A2  }
0x30: {  	[sflag:s13] =	ssyncset.done $0x0  }
0x31: {  	[sflag:s13] =	ssyncadd.s32 $0xFFFFDB5E  }
.LBB2_1:
0x32: {  	[spmem:s12], [sflag:s5] =	dma.local [hbm:s4], $0x24A2  }
.Ltmp2:
0x33: {  	_ =	swait.ge [sflag:s13], $0x24A2;
	(pc) =	sbr.rel @!p0 .LBB2_2-.Ltmp2, $4  }
0x34: {  	[sflag:s13] =	ssyncset.done $0x0  }
0x35: {  	[sflag:s13] =	ssyncadd.s32 $0xFFFFDB5E  }
0x36: {  	[bflag:$0x0] =	sbarrier.arrive $0xFFFF  }
0x37: {  	s26 =	sadd.s32 $0x0, s10  }
0x38: {  	[tilespmem:s3], [sflag:$0x1] =	stream.linear.gather [hbm4b:s26+s3], $0x200, $0x38;
	[tilespmem:$0x15710] =	vst v63  }
0x39: {  	_ =	swait.ge [sflag:s13], $0x200  }
0x3a: {  	[sflag:s13] =	ssyncset.done $0x0  }
0x3b: {  	[sflag:s13] =	ssyncadd.s32 $0xFFFFFE00  }
0x3c: {  	[tilespmem:s16], [sflag:$0x1] =	stream.strided.gather [hbm4b:s11+s14], $0x3000, s15, s14, $0x38;
	[tilespmem:$0x15710] =	vst v63  }
0x3d: {  	_ =	swait.ge [sflag:s13], $0x3000  }
0x3e: {  	[sflag:s13] =	ssyncset.done $0x0  }
0x3f: {  	[sflag:s13] =	ssyncadd.s32 $0xFFFFD000  }
0x40: {  	[spmem:s2] =	stream.indirect.scatter.add.f32 [tilespmem:s16], [sflag:$0x1], $0x18, s3, s17, $0xb8;
	[tilespmem:$0x15710] =	vst v63  }
0x41: {  	_ =	swait.ge [sflag:s13], $0xC00  }
0x42: {  	[sflag:s13] =	ssyncset.done $0x0  }
0x43: {  	[sflag:s13] =	ssyncadd.s32 $0xFFFFF400  }
0x44: {  	[spmem:s2] =	stream.indirect.scatter.add.f32 [tilespmem:s18], [sflag:$0x1], $0x18, s17, s17, $0xb8;
	[tilespmem:$0x15710] =	vst v63  }
0x45: {  	_ =	swait.ge [sflag:s13], $0xC00  }
0x46: {  	[sflag:s13] =	ssyncset.done $0x0  }
0x47: {  	[sflag:s13] =	ssyncadd.s32 $0xFFFFF400  }
0x48: {  	[spmem:s2] =	stream.indirect.scatter.add.f32 [tilespmem:s20], [sflag:$0x1], $0x18, s19, s17, $0xb8;
	[tilespmem:$0x15710] =	vst v63  }
0x49: {  	_ =	swait.ge [sflag:s13], $0xC00  }
0x4a: {  	[sflag:s13] =	ssyncset.done $0x0  }
0x4b: {  	[sflag:s13] =	ssyncadd.s32 $0xFFFFF400  }
0x4c: {  	[spmem:s2] =	stream.indirect.scatter.add.f32 [tilespmem:s22], [sflag:$0x1], $0x18, s21, s17, $0xb8;
	[tilespmem:$0x15710] =	vst v63  }
0x4d: {  	s28 =	simm.s32 $0x40;
	_ =	swait.ge [sflag:s13], $0xC00  }
0x4e: {  	s29 =	simm.s32 $0x80;
	s26 =	sadd.s32 $0xC00, s11;
	[sflag:s13] =	ssyncset.done $0x0  }
.LBB2_6:
0x4f: {  	s30 =	sadd.s32 s28, s10  }
0x50: {  	[sflag:s13] =	ssyncadd.s32 $0xFFFFF400;
	s28 =	smov.u32 s29;
	s31 =	sadd.s32 $0x40, s29  }
0x51: {  	[tilespmem:s3], [sflag:$0x1] =	stream.linear.gather [hbm4b:s30+s3], $0x200, $0x38;
	[tilespmem:$0x15710] =	vst v63  }
0x52: {  	p1 =	sne.s32 s29, $0x1840;
	_ =	swait.ge [sflag:s13], $0x200  }
0x53: {  	[sflag:s13] =	ssyncset.done $0x0  }
0x54: {  	[sflag:s13] =	ssyncadd.s32 $0xFFFFFE00  }
0x55: {  	[tilespmem:s16], [sflag:$0x1] =	stream.strided.gather [hbm4b:s26+s14], $0x3000, s15, s14, $0x38;
	[tilespmem:$0x15710] =	vst v63  }
0x56: {  	_ =	swait.ge [sflag:s13], $0x3000  }
0x57: {  	[sflag:s13] =	ssyncset.done $0x0  }
0x58: {  	[sflag:s13] =	ssyncadd.s32 $0xFFFFD000  }
0x59: {  	[spmem:s2] =	stream.indirect.scatter.add.f32 [tilespmem:s16], [sflag:$0x1], $0x18, s3, s17, $0xb8;
	[tilespmem:$0x15710] =	vst v63  }
0x5a: {  	_ =	swait.ge [sflag:s13], $0xC00  }
0x5b: {  	[sflag:s13] =	ssyncset.done $0x0  }
0x5c: {  	[sflag:s13] =	ssyncadd.s32 $0xFFFFF400  }
0x5d: {  	[spmem:s2] =	stream.indirect.scatter.add.f32 [tilespmem:s18], [sflag:$0x1], $0x18, s17, s17, $0xb8;
	[tilespmem:$0x15710] =	vst v63  }
0x5e: {  	_ =	swait.ge [sflag:s13], $0xC00  }
0x5f: {  	[sflag:s13] =	ssyncset.done $0x0  }
0x60: {  	[sflag:s13] =	ssyncadd.s32 $0xFFFFF400  }
0x61: {  	[spmem:s2] =	stream.indirect.scatter.add.f32 [tilespmem:s20], [sflag:$0x1], $0x18, s19, s17, $0xb8;
	[tilespmem:$0x15710] =	vst v63  }
0x62: {  	_ =	swait.ge [sflag:s13], $0xC00  }
.Ltmp3:
0x63: {  	[sflag:s13] =	ssyncset.done $0x0;
	(pc) =	sbr.rel @p1 .LBB2_6-.Ltmp3, $4  }
0x64: {  	[sflag:s13] =	ssyncadd.s32 $0xFFFFF400  }
0x65: {  	[spmem:s2] =	stream.indirect.scatter.add.f32 [tilespmem:s22], [sflag:$0x1], $0x18, s21, s17, $0xb8;
	[tilespmem:$0x15710] =	vst v63  }
0x66: {  	_ =	swait.ge [sflag:s13], $0xC00  }
0x67: {  	s29 =	smov.u32 s31;
	s26 =	sadd.s32 $0xC00, s26;
	[sflag:s13] =	ssyncset.done $0x0  }
.Ltmp4:
0x68: {  	_ = 	snop;
	(pc) =	sbr.rel .LBB2_7-.Ltmp4, $1  }
0x69: {  	_ =	sdelay $0x3  }
.LBB2_2:
0x6a: {  	[tilespmem:s3], [sflag:$0x1] =	stream.linear.gather [hbm4b:s26+s3], $0x200, $0x38;
	[tilespmem:$0x15710] =	vst v63  }
0x6b: {  	_ =	swait.ge [sflag:s13], $0x200  }
0x6c: {  	[sflag:s13] =	ssyncset.done $0x0  }
0x6d: {  	[sflag:s13] =	ssyncadd.s32 $0xFFFFFE00  }
0x6e: {  	[tilespmem:s16], [sflag:$0x1] =	stream.strided.gather [hbm4b:s9+s14], $0x3000, s15, s14, $0x38;
	[tilespmem:$0x15710] =	vst v63  }
0x6f: {  	_ =	swait.ge [sflag:s13], $0x3000  }
0x70: {  	[sflag:s13] =	ssyncset.done $0x0  }
0x71: {  	[sflag:s13] =	ssyncadd.s32 $0xFFFFD000  }
0x72: {  	[spmem:s2] =	stream.indirect.scatter.add.f32 [tilespmem:s16], [sflag:$0x1], $0x18, s3, s17, $0xb8;
	[tilespmem:$0x15710] =	vst v63  }
0x73: {  	_ =	swait.ge [sflag:s13], $0xC00  }
0x74: {  	[sflag:s13] =	ssyncset.done $0x0  }
0x75: {  	[sflag:s13] =	ssyncadd.s32 $0xFFFFF400  }
0x76: {  	[spmem:s2] =	stream.indirect.scatter.add.f32 [tilespmem:s18], [sflag:$0x1], $0x18, s17, s17, $0xb8;
	[tilespmem:$0x15710] =	vst v63  }
0x77: {  	_ =	swait.ge [sflag:s13], $0xC00  }
0x78: {  	[sflag:s13] =	ssyncset.done $0x0  }
0x79: {  	[sflag:s13] =	ssyncadd.s32 $0xFFFFF400  }
0x7a: {  	[spmem:s2] =	stream.indirect.scatter.add.f32 [tilespmem:s20], [sflag:$0x1], $0x18, s19, s17, $0xb8;
	[tilespmem:$0x15710] =	vst v63  }
0x7b: {  	_ =	swait.ge [sflag:s13], $0xC00  }
0x7c: {  	[sflag:s13] =	ssyncset.done $0x0  }
0x7d: {  	[sflag:s13] =	ssyncadd.s32 $0xFFFFF400  }
0x7e: {  	[spmem:s2] =	stream.indirect.scatter.add.f32 [tilespmem:s22], [sflag:$0x1], $0x18, s21, s17, $0xb8;
	[tilespmem:$0x15710] =	vst v63  }
0x7f: {  	s28 =	simm.s32 $0x40;
	_ =	swait.ge [sflag:s13], $0xC00  }
0x80: {  	s29 =	simm.s32 $0x80;
	s26 =	sadd.s32 $0xC00, s9;
	[sflag:s13] =	ssyncset.done $0x0  }
.LBB2_3:
0x81: {  	s30 =	sadd.s32 s28, s10  }
0x82: {  	[sflag:s13] =	ssyncadd.s32 $0xFFFFF400;
	s28 =	smov.u32 s29;
	s31 =	sadd.s32 $0x40, s29  }
0x83: {  	[tilespmem:s3], [sflag:$0x1] =	stream.linear.gather [hbm4b:s30+s3], $0x200, $0x38;
	[tilespmem:$0x15710] =	vst v63  }
0x84: {  	p1 =	seq.s32 s29, $0x1840;
	_ =	swait.ge [sflag:s13], $0x200  }
0x85: {  	[sflag:s13] =	ssyncset.done $0x0  }
0x86: {  	[sflag:s13] =	ssyncadd.s32 $0xFFFFFE00  }
0x87: {  	[tilespmem:s16], [sflag:$0x1] =	stream.strided.gather [hbm4b:s26+s14], $0x3000, s15, s14, $0x38;
	[tilespmem:$0x15710] =	vst v63  }
0x88: {  	_ =	swait.ge [sflag:s13], $0x3000  }
0x89: {  	[sflag:s13] =	ssyncset.done $0x0  }
0x8a: {  	[sflag:s13] =	ssyncadd.s32 $0xFFFFD000  }
0x8b: {  	[spmem:s2] =	stream.indirect.scatter.add.f32 [tilespmem:s16], [sflag:$0x1], $0x18, s3, s17, $0xb8;
	[tilespmem:$0x15710] =	vst v63  }
0x8c: {  	_ =	swait.ge [sflag:s13], $0xC00  }
0x8d: {  	[sflag:s13] =	ssyncset.done $0x0  }
0x8e: {  	[sflag:s13] =	ssyncadd.s32 $0xFFFFF400  }
0x8f: {  	[spmem:s2] =	stream.indirect.scatter.add.f32 [tilespmem:s18], [sflag:$0x1], $0x18, s17, s17, $0xb8;
	[tilespmem:$0x15710] =	vst v63  }
0x90: {  	_ =	swait.ge [sflag:s13], $0xC00  }
0x91: {  	[sflag:s13] =	ssyncset.done $0x0  }
0x92: {  	[sflag:s13] =	ssyncadd.s32 $0xFFFFF400  }
0x93: {  	[spmem:s2] =	stream.indirect.scatter.add.f32 [tilespmem:s20], [sflag:$0x1], $0x18, s19, s17, $0xb8;
	[tilespmem:$0x15710] =	vst v63  }
0x94: {  	_ =	swait.ge [sflag:s13], $0xC00  }
.Ltmp5:
0x95: {  	[sflag:s13] =	ssyncset.done $0x0;
	(pc) =	sbr.rel @!p1 .LBB2_3-.Ltmp5, $4  }
0x96: {  	[sflag:s13] =	ssyncadd.s32 $0xFFFFF400  }
0x97: {  	[spmem:s2] =	stream.indirect.scatter.add.f32 [tilespmem:s22], [sflag:$0x1], $0x18, s21, s17, $0xb8;
	[tilespmem:$0x15710] =	vst v63  }
0x98: {  	_ =	swait.ge [sflag:s13], $0xC00  }
0x99: {  	s29 =	smov.u32 s31;
	s26 =	sadd.s32 $0xC00, s26;
	[sflag:s13] =	ssyncset.done $0x0  }
0x9a: {  	s28 =	sadd.s32 s28, s10;
	[sflag:s13] =	ssyncadd.s32 $0xFFFFF400  }
0x9b: {  	[tilespmem:s3], [sflag:$0x1] =	stream.linear.gather [hbm4b:s28+s3], $0x200, $0x38;
	[tilespmem:$0x15710] =	vst v63  }
0x9c: {  	_ =	swait.ge [sflag:s13], $0x200  }
0x9d: {  	[sflag:s13] =	ssyncset.done $0x0  }
0x9e: {  	[sflag:s13] =	ssyncadd.s32 $0xFFFFFE00  }
0x9f: {  	[tilespmem:s16], [sflag:$0x1] =	stream.strided.gather [hbm4b:s26+s14], $0x3000, s15, s14, $0x38;
	[tilespmem:$0x15710] =	vst v63  }
0xa0: {  	_ =	swait.ge [sflag:s13], $0x3000  }
0xa1: {  	[sflag:s13] =	ssyncset.done $0x0  }
0xa2: {  	[sflag:s13] =	ssyncadd.s32 $0xFFFFD000  }
0xa3: {  	[spmem:s2] =	stream.indirect.scatter.add.f32 [tilespmem:s16], [sflag:$0x1], $0x18, s3, s17, $0xb8;
	[tilespmem:$0x15710] =	vst v63  }
0xa4: {  	_ =	swait.ge [sflag:s13], $0xC00  }
0xa5: {  	[sflag:s13] =	ssyncset.done $0x0  }
0xa6: {  	[sflag:s13] =	ssyncadd.s32 $0xFFFFF400  }
0xa7: {  	[spmem:s2] =	stream.indirect.scatter.add.f32 [tilespmem:s18], [sflag:$0x1], $0x18, s17, s17, $0xb8;
	[tilespmem:$0x15710] =	vst v63  }
0xa8: {  	_ =	swait.ge [sflag:s13], $0xC00  }
0xa9: {  	[sflag:s13] =	ssyncset.done $0x0  }
0xaa: {  	[sflag:s13] =	ssyncadd.s32 $0xFFFFF400  }
0xab: {  	[spmem:s2] =	stream.indirect.scatter.add.f32 [tilespmem:s20], [sflag:$0x1], $0x18, s19, s17, $0xb8;
	[tilespmem:$0x15710] =	vst v63  }
0xac: {  	_ =	swait.ge [sflag:s13], $0xC00  }
0xad: {  	[sflag:s13] =	ssyncset.done $0x0  }
.Ltmp6:
0xae: {  	[sflag:s13] =	ssyncadd.s32 $0xFFFFF400;
	(pc) =	sbr.rel .LBB2_8-.Ltmp6, $4  }
0xaf: {  	[spmem:s2] =	stream.indirect.scatter.add.f32 [tilespmem:s22], [sflag:$0x1], $0x18, s21, s17, $0xb8;
	[tilespmem:$0x15710] =	vst v63  }
0xb0: {  	_ =	swait.ge [sflag:s13], $0xC00  }
0xb1: {  	[sflag:s13] =	ssyncset.done $0x0  }
0xb2: {  	s26 =	smov.u32 s6;
	[sflag:s13] =	ssyncadd.s32 $0xFFFFF400  }
.LBB2_9:
0xb3: {  	_ =	sfence.sel $0x180000  }
0xb4: {  	[bflag:$0x0] =	sbarrier.arrive $0xFFFF  }
0xb5: {  	p0 =	sne.s32 s1, $0x0;
	_ =	strace $0x90000053  }
0xb6: {  	s0 =	sadd.s32 @!p0 $0x100000, s0;
	[bflag:$0x2] =	sbarrier.arrive $0xFFFF  }
0xb7: {  	[sflag:s0] =	ssyncadd.tile.s32 @!p0 $0x1;
	_ =	shalt  }
.Lfunc_end2:
_tile_overlayer_lowered:
.L_overlay_start_2:
0xb8: {  	(tag) =	ssettag $0x2  }
0xb9: {  	s0 =	rddreg [dreg:$0x0];
	s2 =	stileid.u32  }
0xba: {  	s1 =	rddreg [dreg:$0x1];
	p0 =	sne.s32 s2, $0x0  }
0xbb: {  	s3 =	rddreg [dreg:$0x2];
	[bflag:$0x3] =	sbarrier.arrive $0xFFFF;
	s2 =	simm.s32 @!p0 $0x1C01  }
0xbc: {  	[timem:s3], [sflag:s2] =	dma.local @!p0 [hbm:s0], s1  }
0xbd: {  	s0 =	simm.s32 @!p0 $0x1  }
0xbe: {  	_ =	swait.ge @!p0 [sflag:s0], s1  }
0xbf: {  	s1 =	ssub.s32 @!p0 $0x0, s1;
	[sflag:s0] =	ssyncset.done @!p0 $0x0  }
0xc0: {  	[sflag:s0] =	ssyncadd.s32 @!p0 s1  }
0xc1: {  	[bflag:$0x3] =	sbarrier.arrive $0xFFFF  }
0xc2: {  	_ =	shalt  }

</sc_bundles>
